<compile_context>
chip_gen: v7x
topology: tpu7x:2x2x1
jax: 0.10.2.dev20260603
libtpu: 0.0.44.dev20260713+nightly
codegen_flags: <defaults>
</compile_context>

<pallas_src>
import functools

import jax
import jax.numpy as jnp
from jax import lax
from jax.experimental import pallas as pl
from jax.experimental.pallas import tpu as pltpu
from jax.experimental.pallas import tpu_sc as plsc

B = 8
N = 4096
S = 1024
K = 32
C_IN = 64
C_MID = 64
C_MIDP = 128
C_OUT = 128
EPS = 1e-3

SB = 128
MB = 256



def _fps_body(xx_ref, yy_ref, zz_ref, nxx_ref, nyy_ref, nzz_ref, dist_ref):
    iota = lax.broadcasted_iota(jnp.int32, (B, N), 1)
    iota_s = lax.broadcasted_iota(jnp.int32, (B, S), 1)
    dist_ref[...] = jnp.full((B, N), 1e10, jnp.float32)
    zero_s = jnp.zeros((B, S), jnp.float32)

    m0 = iota == 0
    xx0 = xx_ref[...]
    yy0 = yy_ref[...]
    zz0 = zz_ref[...]
    c0 = (
        jnp.sum(jnp.where(m0, xx0, 0.0), axis=1, keepdims=True),
        jnp.sum(jnp.where(m0, yy0, 0.0), axis=1, keepdims=True),
        jnp.sum(jnp.where(m0, zz0, 0.0), axis=1, keepdims=True),
    )

    def body(i, carry):
        cx, cy, cz, fx, fy, fz = carry
        xx = xx_ref[...]
        yy = yy_ref[...]
        zz = zz_ref[...]
        dx = xx - cx
        dy = yy - cy
        dz = zz - cz
        d2 = (dx * dx + dz * dz) + dy * dy
        dist = jnp.minimum(dist_ref[...], d2)
        dist_ref[...] = dist
        maxv = jnp.max(dist, axis=1, keepdims=True)
        nf = jnp.min(jnp.where(dist == maxv, iota, N), axis=1, keepdims=True)
        m2 = iota == nf
        nx = jnp.sum(jnp.where(m2, xx, 0.0), axis=1, keepdims=True)
        ny = jnp.sum(jnp.where(m2, yy, 0.0), axis=1, keepdims=True)
        nz = jnp.sum(jnp.where(m2, zz, 0.0), axis=1, keepdims=True)
        sel = iota_s == i
        fx = jnp.where(sel, nx, fx)
        fy = jnp.where(sel, ny, fy)
        fz = jnp.where(sel, nz, fz)
        return nx, ny, nz, fx, fy, fz

    _, _, _, fx, fy, fz = lax.fori_loop(
        0, S, body, (*c0, zero_s, zero_s, zero_s)
    )
    nxx_ref[...] = fx
    nyy_ref[...] = fy
    nzz_ref[...] = fz


def _fps(xx, yy, zz):
    out = [jax.ShapeDtypeStruct((B, S), jnp.float32)] * 3
    return pl.pallas_call(
        _fps_body,
        out_shape=out,
        scratch_shapes=[pltpu.VMEM((B, N), jnp.float32)],
    )(xx, yy, zz)



def _prep_body(cp_ref, w_ref, b_ref, g_ref):
    g_ref[...] = (
        jnp.dot(cp_ref[...], w_ref[...], preferred_element_type=jnp.float32)
        + b_ref[...]
    )


def _prep(concat_p, w1p, b1):
    return pl.pallas_call(
        _prep_body,
        grid=(B,),
        in_specs=[
            pl.BlockSpec((N, 128), lambda b: (b, 0)),
            pl.BlockSpec((128, C_MIDP), lambda b: (0, 0)),
            pl.BlockSpec((1, C_MIDP), lambda b: (0, 0)),
        ],
        out_specs=pl.BlockSpec((N, C_MIDP), lambda b: (b, 0)),
        out_shape=jax.ShapeDtypeStruct((B * N, C_MIDP), jnp.float32),
    )(concat_p, w1p, b1)



def _topk_body(xyzp_ref, nz_ref, w1x_ref, idx_ref, q_ref):
    b = pl.program_id(0)
    xyzp = xyzp_ref[0]
    nz = nz_ref[...]
    dot = jnp.dot(nz, xyzp, preferred_element_type=jnp.float32)
    xr = xyzp[0:1, :]
    yr = xyzp[1:2, :]
    zr = xyzp[2:3, :]
    xn = (xr * xr + zr * zr) + yr * yr
    c0 = nz[:, 0:1]
    c1 = nz[:, 1:2]
    c2 = nz[:, 2:3]
    sn = (c0 * c0 + c2 * c2) + c1 * c1
    d = jnp.maximum((sn - 2.0 * dot) + xn, 0.0)
    q_ref[...] = jnp.dot(nz, w1x_ref[...], preferred_element_type=jnp.float32)
    iota = lax.broadcasted_iota(jnp.int32, (SB, N), 1)
    base = b * N
    for k in range(K):
        minv = jnp.min(d, axis=1, keepdims=True)
        ci = jnp.min(jnp.where(d == minv, iota, N), axis=1, keepdims=True)
        idx_ref[:, k:k + 1] = ci + base
        d = jnp.where(iota == ci, jnp.float32(jnp.inf), d)


def _topk(xyzp, nz, w1x):
    nsb = S // SB
    return pl.pallas_call(
        _topk_body,
        grid=(B, nsb),
        in_specs=[
            pl.BlockSpec((1, 8, N), lambda b, s: (b, 0, 0)),
            pl.BlockSpec((SB, 8), lambda b, s: (b * nsb + s, 0)),
            pl.BlockSpec((8, C_MIDP), lambda b, s: (0, 0)),
        ],
        out_specs=[
            pl.BlockSpec((SB, K), lambda b, s: (b * nsb + s, 0)),
            pl.BlockSpec((SB, C_MIDP), lambda b, s: (b * nsb + s, 0)),
        ],
        out_shape=[
            jax.ShapeDtypeStruct((B * S, K), jnp.int32),
            jax.ShapeDtypeStruct((B * S, C_MIDP), jnp.float32),
        ],
    )(xyzp, nz, w1x)



_SC_CHUNK = 128


def _gather(table, idxg):
    info = plsc.get_sparse_core_info()
    nw = info.num_cores * info.num_subcores
    rows = idxg.shape[0]
    b_per_w = rows // nw
    nchunk = b_per_w // _SC_CHUNK
    mesh = plsc.VectorSubcoreMesh(core_axis_name="c", subcore_axis_name="s")

    @functools.partial(
        pl.kernel,
        mesh=mesh,
        out_type=jax.ShapeDtypeStruct((rows, C_MIDP), jnp.float32),
        scratch_types=[
            pltpu.VMEM((_SC_CHUNK,), jnp.int32),
            pltpu.VMEM((_SC_CHUNK, C_MIDP), jnp.float32),
            pltpu.SemaphoreType.DMA,
        ],
    )
    def k(table_hbm, idx_hbm, out_hbm, idx_v, rows_v, sem):
        wid = lax.axis_index("s") * info.num_cores + lax.axis_index("c")
        base = wid * b_per_w
        for c in range(nchunk):
            off = base + c * _SC_CHUNK
            pltpu.sync_copy(idx_hbm.at[pl.ds(off, _SC_CHUNK)], idx_v)
            pltpu.async_copy(table_hbm.at[idx_v], rows_v, sem).wait()
            pltpu.sync_copy(rows_v, out_hbm.at[pl.ds(off, _SC_CHUNK)])

    return k(table, idxg)



def _mlp_body(gg_ref, q_ref, s1_ref, be1_ref, w2_ref, b2_ref, s2_ref,
              be2_ref, o_ref):
    g = gg_ref[...]
    q = q_ref[...]
    qe = jnp.broadcast_to(q[:, None, :], (MB, K, C_MIDP)).reshape(MB * K, C_MIDP)
    h = jnp.maximum(g - qe, 0.0) * s1_ref[...] + be1_ref[...]
    z = jnp.dot(h, w2_ref[...], preferred_element_type=jnp.float32) + b2_ref[...]
    h2 = jnp.maximum(z, 0.0) * s2_ref[...] + be2_ref[...]
    o_ref[...] = jnp.max(h2.reshape(MB, K, C_OUT), axis=1)


def _mlp(gg, q, s1, be1, w2, b2, s2, be2):
    nmb = q.shape[0] // MB
    return pl.pallas_call(
        _mlp_body,
        grid=(nmb,),
        in_specs=[
            pl.BlockSpec((MB * K, C_MIDP), lambda i: (i, 0)),
            pl.BlockSpec((MB, C_MIDP), lambda i: (i, 0)),
            pl.BlockSpec((1, C_MIDP), lambda i: (0, 0)),
            pl.BlockSpec((1, C_MIDP), lambda i: (0, 0)),
            pl.BlockSpec((C_MIDP, C_OUT), lambda i: (0, 0)),
            pl.BlockSpec((1, C_OUT), lambda i: (0, 0)),
            pl.BlockSpec((1, C_OUT), lambda i: (0, 0)),
            pl.BlockSpec((1, C_OUT), lambda i: (0, 0)),
        ],
        out_specs=pl.BlockSpec((MB, C_OUT), lambda i: (i, 0)),
        out_shape=jax.ShapeDtypeStruct((q.shape[0], C_OUT), jnp.float32),
    )(gg, q, s1, be1, w2, b2, s2, be2)



def kernel(xyz, features, W1, b1, g1, be1, W2, b2, g2, be2):
    xx = xyz[:, :, 0]
    yy = xyz[:, :, 1]
    zz = xyz[:, :, 2]

    nxx, nyy, nzz = _fps(xx, yy, zz)
    new_xyz = jnp.stack([nxx, nyy, nzz], axis=-1)

    zpad = jnp.zeros((B, 5, N), jnp.float32)
    xyzp = jnp.concatenate(
        [xx[:, None, :], yy[:, None, :], zz[:, None, :], zpad], axis=1
    )
    nz = jnp.concatenate(
        [new_xyz.reshape(B * S, 3), jnp.zeros((B * S, 5), jnp.float32)],
        axis=1,
    )
    cpad = C_MIDP - C_MID
    w1x = jnp.pad(W1[:3], ((0, 5), (0, cpad)))

    concat_p = jnp.concatenate(
        [xyz, features, jnp.zeros((B, N, 128 - 3 - C_IN), jnp.float32)],
        axis=-1,
    ).reshape(B * N, 128)
    w1p = jnp.pad(W1, ((0, 128 - 3 - C_IN), (0, cpad)))
    b1p = jnp.pad(b1, (0, cpad))[None, :]

    g_table = _prep(concat_p, w1p, b1p)
    idx, q = _topk(xyzp, nz, w1x)

    inv = 1.0 / jnp.sqrt(1.0 + EPS)
    s1 = jnp.pad(inv * g1, (0, cpad))[None, :]
    be1p = jnp.pad(be1, (0, cpad))[None, :]
    w2p = jnp.pad(W2, ((0, cpad), (0, 0)))
    s2 = (inv * g2)[None, :]

    idx_flat = idx.reshape(B * S * K)
    half = (B * S) // 2
    outs = []
    for h in range(2):
        gg = _gather(g_table, idx_flat[h * half * K:(h + 1) * half * K])
        outs.append(
            _mlp(gg, q[h * half:(h + 1) * half], s1, be1p, w2p,
                 b2[None, :], s2, be2[None, :])
        )
    out = jnp.concatenate(outs, axis=0)
    return new_xyz, out.reshape(B, S, C_OUT)

# --- scband reference (transcript-rebuilt; emitter-appended) ---
"""Pipeline reference for scband-set-abstraction-22531398435385 (READ-ONLY COPY).

The authoritative reference and input builder live on the scoring server;
editing this copy changes nothing except your own understanding.
"""

import jax, jax.numpy as jnp
import numpy as np
from jax import lax

NPOINT = 1024
NSAMPLE = 32
EPS = 1e-3


def index_points(points, idx):
    # points: (B,N,C); idx: (B,S) or (B,S,K)
    return jax.vmap(lambda p, i: p[i])(points, idx)


def farthest_point_sample(xyz, npoint):
    B, N, _ = xyz.shape
    distances = jnp.full((B, N), 1e10, dtype=jnp.float32)
    farthest = jnp.zeros((B,), dtype=jnp.int32)
    centroids = jnp.zeros((B, npoint), dtype=jnp.int32)

    def body(i, state):
        distances, farthest, centroids = state
        centroid = jnp.take_along_axis(xyz, farthest[:, None, None], axis=1)  # (B,1,3)
        d2 = jnp.sum(jnp.square(xyz - centroid), axis=-1)
        distances = jnp.minimum(distances, d2)
        farthest = jnp.argmax(distances, axis=-1).astype(jnp.int32)
        centroids = centroids.at[:, i].set(farthest)
        return (distances, farthest, centroids)

    distances, farthest, centroids = lax.fori_loop(0, npoint, body, (distances, farthest, centroids))
    return centroids


def pairwise_dist2(a, b):
    a2 = jnp.sum(jnp.square(a), axis=-1, keepdims=True)
    b2 = jnp.sum(jnp.square(b), axis=-1, keepdims=True)
    ab = jnp.matmul(a, jnp.swapaxes(b, 1, 2))
    d2 = a2 - 2.0 * ab + jnp.swapaxes(b2, 1, 2)
    return jnp.maximum(d2, 0.0)


def setup_inputs(seed: int = 0) -> dict:
    key = jax.random.key(seed)
    ks = jax.random.split(key, 8)
    xyz = jax.random.uniform(ks[0], (8, 4096, 3), dtype=jnp.float32)
    features = jax.random.normal(ks[1], (8, 4096, 64), dtype=jnp.float32)
    cin = 3 + 64
    W1 = jax.random.normal(ks[2], (cin, 64), dtype=jnp.float32) * 0.1
    b1 = jnp.zeros((64,), jnp.float32)
    g1 = jnp.ones((64,), jnp.float32)
    be1 = jnp.zeros((64,), jnp.float32)
    W2 = jax.random.normal(ks[3], (64, 128), dtype=jnp.float32) * 0.1
    b2 = jnp.zeros((128,), jnp.float32)
    g2 = jnp.ones((128,), jnp.float32)
    be2 = jnp.zeros((128,), jnp.float32)
    return {"xyz": xyz, "features": features, "W1": W1, "b1": b1, "g1": g1, "be1": be1,
            "W2": W2, "b2": b2, "g2": g2, "be2": be2}


def reference(xyz, features, W1, b1, g1, be1, W2, b2, g2, be2):
    fps_idx = farthest_point_sample(xyz, NPOINT)            # (B,S)
    new_xyz = index_points(xyz, fps_idx)                    # (B,S,3)
    d2 = pairwise_dist2(new_xyz, xyz)                       # (B,S,N)
    neg_vals, idx = lax.top_k(-d2, NSAMPLE)                 # (B,S,K)
    grouped_xyz = index_points(xyz, idx) - new_xyz[:, :, None, :]  # (B,S,K,3)
    grouped_feat = index_points(features, idx)              # (B,S,K,C)
    x = jnp.concatenate([grouped_xyz, grouped_feat], axis=-1)
    # Conv2D(kernel=1, relu) then BatchNorm (inference: mean=0, var=1)
    inv = 1.0 / jnp.sqrt(1.0 + EPS)
    for (W, b, g, be) in ((W1, b1, g1, be1), (W2, b2, g2, be2)):
        x = jax.nn.relu(jnp.einsum('bskc,cd->bskd', x, W) + b)
        x = x * inv * g + be
    out = jnp.max(x, axis=2)                                # (B,S,128)
    return new_xyz, out

if __name__ == "__main__":
    import jax
    _d = setup_inputs()
    print(jax.jit(kernel)(*tuple(_d.values())))

</pallas_src>

<mosaic_0001>
#map = affine_map<(d0, d1) -> (0, 0)>
#map1 = affine_map<(d0, d1) -> (0)>
module attributes {stable_mosaic.version = 14 : i64} {
  func.func @k(%arg0: i32, %arg1: i32, %arg2: memref<32768x128xf32, #tpu.memory_space<hbm>>, %arg3: memref<131072xi32, #tpu.memory_space<hbm>>, %arg4: memref<131072x128xf32, #tpu.memory_space<hbm>>, %arg5: memref<128xi32, #tpu.memory_space<vmem>>, %arg6: memref<128x128xf32, #tpu.memory_space<vmem>>, %arg7: memref<!tpu.dma_semaphore, #tpu.memory_space<semaphore_mem>>) attributes {dimension_semantics = [#tpu.dimension_semantics<core_parallel>, #tpu.dimension_semantics<subcore_parallel>], iteration_bounds = array<i64: 2, 16>, scalar_prefetch = 0 : i64, scratch_operands = 3 : i64, tpu.core_type = #tpu.core_type<sc_vector_subcore>, window_params = [{transform_indices = #map}, {transform_indices = #map1}, {transform_indices = #map}]} {
    %mul3A = arith.constant 2 : i32
    %mul3A_0 = arith.muli %arg1, %mul3A : i32
    %add3A = arith.addi %mul3A_0, %arg0 : i32
    %mul3A_1 = arith.constant 4096 : i32
    %mul3A_2 = arith.muli %add3A, %mul3A_1 : i32
    %add3A_3 = arith.constant 0 : i32
    %add3A_4 = arith.addi %mul3A_2, %add3A_3 : i32
    "tpu.region"() ({
      %run_scoped3A = tpu.sem_alloc : memref<!tpu.dma_semaphore, #tpu.memory_space<semaphore_mem>>
      %dma_start3A_257 = tpu.memref_slice %arg3[%add3A_4] : memref<131072xi32, #tpu.memory_space<hbm>> -> memref<128xi32, #tpu.memory_space<hbm>>
      %dma_start3A_258 = tpu.memref_slice %arg3[%add3A_4] : memref<131072xi32, #tpu.memory_space<hbm>> -> memref<128xi32, #tpu.memory_space<hbm>>
      tpu.enqueue_dma source(%dma_start3A_258 : memref<128xi32, #tpu.memory_space<hbm>>) target(%arg5 : memref<128xi32, #tpu.memory_space<vmem>>) target_semaphore(%run_scoped3A : memref<!tpu.dma_semaphore, #tpu.memory_space<semaphore_mem>>)
      %dma_wait3A_259 = tpu.memref_slice %arg3[%add3A_4] : memref<131072xi32, #tpu.memory_space<hbm>> -> memref<128xi32, #tpu.memory_space<hbm>>
      %dma_wait3A_260 = tpu.memref_slice %arg3[%add3A_4] : memref<131072xi32, #tpu.memory_space<hbm>> -> memref<128xi32, #tpu.memory_space<hbm>>
      tpu.wait_dma2 semaphore(%run_scoped3A : memref<!tpu.dma_semaphore, #tpu.memory_space<semaphore_mem>>) src(%dma_wait3A_260 : memref<128xi32, #tpu.memory_space<hbm>>) dst(%arg5 : memref<128xi32, #tpu.memory_space<vmem>>)
      tpu.yield
    }) : () -> ()
    %dma_start3A = arith.constant 0 : i32
    %dma_start3A_5 = arith.constant 0 : i32
    %dma_start3A_6 = tpu.memref_slice %arg2[%dma_start3A, %dma_start3A_5] : memref<32768x128xf32, #tpu.memory_space<hbm>> -> memref<32768x128xf32, #tpu.memory_space<hbm>>
    tpu.enqueue_indirect_dma source(%dma_start3A_6 : memref<32768x128xf32, #tpu.memory_space<hbm>>) target(%arg6 : memref<128x128xf32, #tpu.memory_space<vmem>>) offsets(%arg5 : memref<128xi32, #tpu.memory_space<vmem>>) semaphore(%arg7 : memref<!tpu.dma_semaphore, #tpu.memory_space<semaphore_mem>>)
    %dma_wait3A = arith.constant 0 : i32
    %dma_wait3A_7 = arith.constant 0 : i32
    %dma_wait3A_8 = tpu.memref_slice %arg2[%dma_wait3A, %dma_wait3A_7] : memref<32768x128xf32, #tpu.memory_space<hbm>> -> memref<32768x128xf32, #tpu.memory_space<hbm>>
    tpu.wait_indirect_dma semaphore(%arg7 : memref<!tpu.dma_semaphore, #tpu.memory_space<semaphore_mem>>) src(%dma_wait3A_8 : memref<32768x128xf32, #tpu.memory_space<hbm>>) dst(%arg6 : memref<128x128xf32, #tpu.memory_space<vmem>>)
    "tpu.region"() ({
      %run_scoped3A = tpu.sem_alloc : memref<!tpu.dma_semaphore, #tpu.memory_space<semaphore_mem>>
      %dma_start3A_257 = arith.constant 0 : i32
      %dma_start3A_258 = tpu.memref_slice %arg4[%add3A_4, %dma_start3A_257] : memref<131072x128xf32, #tpu.memory_space<hbm>> -> memref<128x128xf32, #tpu.memory_space<hbm>>
      %dma_start3A_259 = arith.constant 0 : i32
      %dma_start3A_260 = tpu.memref_slice %arg4[%add3A_4, %dma_start3A_259] : memref<131072x128xf32, #tpu.memory_space<hbm>> -> memref<128x128xf32, #tpu.memory_space<hbm>>
      tpu.enqueue_dma source(%arg6 : memref<128x128xf32, #tpu.memory_space<vmem>>) target(%dma_start3A_260 : memref<128x128xf32, #tpu.memory_space<hbm>>) target_semaphore(%run_scoped3A : memref<!tpu.dma_semaphore, #tpu.memory_space<semaphore_mem>>)
      %dma_wait3A_261 = arith.constant 0 : i32
      %dma_wait3A_262 = tpu.memref_slice %arg4[%add3A_4, %dma_wait3A_261] : memref<131072x128xf32, #tpu.memory_space<hbm>> -> memref<128x128xf32, #tpu.memory_space<hbm>>
      %dma_wait3A_263 = arith.constant 0 : i32
      %dma_wait3A_264 = tpu.memref_slice %arg4[%add3A_4, %dma_wait3A_263] : memref<131072x128xf32, #tpu.memory_space<hbm>> -> memref<128x128xf32, #tpu.memory_space<hbm>>
      tpu.wait_dma2 semaphore(%run_scoped3A : memref<!tpu.dma_semaphore, #tpu.memory_space<semaphore_mem>>) src(%arg6 : memref<128x128xf32, #tpu.memory_space<vmem>>) dst(%dma_wait3A_264 : memref<128x128xf32, #tpu.memory_space<hbm>>)
      tpu.yield
    }) : () -> ()
    %add3A_9 = arith.constant 128 : i32
    %add3A_10 = arith.addi %mul3A_2, %add3A_9 : i32
    "tpu.region"() ({
      %run_scoped3A = tpu.sem_alloc : memref<!tpu.dma_semaphore, #tpu.memory_space<semaphore_mem>>
      %dma_start3A_257 = tpu.memref_slice %arg3[%add3A_10] : memref<131072xi32, #tpu.memory_space<hbm>> -> memref<128xi32, #tpu.memory_space<hbm>>
      %dma_start3A_258 = tpu.memref_slice %arg3[%add3A_10] : memref<131072xi32, #tpu.memory_space<hbm>> -> memref<128xi32, #tpu.memory_space<hbm>>
      tpu.enqueue_dma source(%dma_start3A_258 : memref<128xi32, #tpu.memory_space<hbm>>) target(%arg5 : memref<128xi32, #tpu.memory_space<vmem>>) target_semaphore(%run_scoped3A : memref<!tpu.dma_semaphore, #tpu.memory_space<semaphore_mem>>)
      %dma_wait3A_259 = tpu.memref_slice %arg3[%add3A_10] : memref<131072xi32, #tpu.memory_space<hbm>> -> memref<128xi32, #tpu.memory_space<hbm>>
      %dma_wait3A_260 = tpu.memref_slice %arg3[%add3A_10] : memref<131072xi32, #tpu.memory_space<hbm>> -> memref<128xi32, #tpu.memory_space<hbm>>
      tpu.wait_dma2 semaphore(%run_scoped3A : memref<!tpu.dma_semaphore, #tpu.memory_space<semaphore_mem>>) src(%dma_wait3A_260 : memref<128xi32, #tpu.memory_space<hbm>>) dst(%arg5 : memref<128xi32, #tpu.memory_space<vmem>>)
      tpu.yield
    }) : () -> ()
    %dma_start3A_11 = arith.constant 0 : i32
    %dma_start3A_12 = arith.constant 0 : i32
    %dma_start3A_13 = tpu.memref_slice %arg2[%dma_start3A_11, %dma_start3A_12] : memref<32768x128xf32, #tpu.memory_space<hbm>> -> memref<32768x128xf32, #tpu.memory_space<hbm>>
    tpu.enqueue_indirect_dma source(%dma_start3A_13 : memref<32768x128xf32, #tpu.memory_space<hbm>>) target(%arg6 : memref<128x128xf32, #tpu.memory_space<vmem>>) offsets(%arg5 : memref<128xi32, #tpu.memory_space<vmem>>) semaphore(%arg7 : memref<!tpu.dma_semaphore, #tpu.memory_space<semaphore_mem>>)
    %dma_wait3A_14 = arith.constant 0 : i32
    %dma_wait3A_15 = arith.constant 0 : i32
    %dma_wait3A_16 = tpu.memref_slice %arg2[%dma_wait3A_14, %dma_wait3A_15] : memref<32768x128xf32, #tpu.memory_space<hbm>> -> memref<32768x128xf32, #tpu.memory_space<hbm>>
    tpu.wait_indirect_dma semaphore(%arg7 : memref<!tpu.dma_semaphore, #tpu.memory_space<semaphore_mem>>) src(%dma_wait3A_16 : memref<32768x128xf32, #tpu.memory_space<hbm>>) dst(%arg6 : memref<128x128xf32, #tpu.memory_space<vmem>>)
    "tpu.region"() ({
      %run_scoped3A = tpu.sem_alloc : memref<!tpu.dma_semaphore, #tpu.memory_space<semaphore_mem>>
      %dma_start3A_257 = arith.constant 0 : i32
      %dma_start3A_258 = tpu.memref_slice %arg4[%add3A_10, %dma_start3A_257] : memref<131072x128xf32, #tpu.memory_space<hbm>> -> memref<128x128xf32, #tpu.memory_space<hbm>>
      %dma_start3A_259 = arith.constant 0 : i32
      %dma_start3A_260 = tpu.memref_slice %arg4[%add3A_10, %dma_start3A_259] : memref<131072x128xf32, #tpu.memory_space<hbm>> -> memref<128x128xf32, #tpu.memory_space<hbm>>
      tpu.enqueue_dma source(%arg6 : memref<128x128xf32, #tpu.memory_space<vmem>>) target(%dma_start3A_260 : memref<128x128xf32, #tpu.memory_space<hbm>>) target_semaphore(%run_scoped3A : memref<!tpu.dma_semaphore, #tpu.memory_space<semaphore_mem>>)
      %dma_wait3A_261 = arith.constant 0 : i32
      %dma_wait3A_262 = tpu.memref_slice %arg4[%add3A_10, %dma_wait3A_261] : memref<131072x128xf32, #tpu.memory_space<hbm>> -> memref<128x128xf32, #tpu.memory_space<hbm>>
      %dma_wait3A_263 = arith.constant 0 : i32
      %dma_wait3A_264 = tpu.memref_slice %arg4[%add3A_10, %dma_wait3A_263] : memref<131072x128xf32, #tpu.memory_space<hbm>> -> memref<128x128xf32, #tpu.memory_space<hbm>>
      tpu.wait_dma2 semaphore(%run_scoped3A : memref<!tpu.dma_semaphore, #tpu.memory_space<semaphore_mem>>) src(%arg6 : memref<128x128xf32, #tpu.memory_space<vmem>>) dst(%dma_wait3A_264 : memref<128x128xf32, #tpu.memory_space<hbm>>)
      tpu.yield
    }) : () -> ()
    %add3A_17 = arith.constant 256 : i32
    %add3A_18 = arith.addi %mul3A_2, %add3A_17 : i32
    "tpu.region"() ({
      %run_scoped3A = tpu.sem_alloc : memref<!tpu.dma_semaphore, #tpu.memory_space<semaphore_mem>>
      %dma_start3A_257 = tpu.memref_slice %arg3[%add3A_18] : memref<131072xi32, #tpu.memory_space<hbm>> -> memref<128xi32, #tpu.memory_space<hbm>>
      %dma_start3A_258 = tpu.memref_slice %arg3[%add3A_18] : memref<131072xi32, #tpu.memory_space<hbm>> -> memref<128xi32, #tpu.memory_space<hbm>>
      tpu.enqueue_dma source(%dma_start3A_258 : memref<128xi32, #tpu.memory_space<hbm>>) target(%arg5 : memref<128xi32, #tpu.memory_space<vmem>>) target_semaphore(%run_scoped3A : memref<!tpu.dma_semaphore, #tpu.memory_space<semaphore_mem>>)
      %dma_wait3A_259 = tpu.memref_slice %arg3[%add3A_18] : memref<131072xi32, #tpu.memory_space<hbm>> -> memref<128xi32, #tpu.memory_space<hbm>>
      %dma_wait3A_260 = tpu.memref_slice %arg3[%add3A_18] : memref<131072xi32, #tpu.memory_space<hbm>> -> memref<128xi32, #tpu.memory_space<hbm>>
      tpu.wait_dma2 semaphore(%run_scoped3A : memref<!tpu.dma_semaphore, #tpu.memory_space<semaphore_mem>>) src(%dma_wait3A_260 : memref<128xi32, #tpu.memory_space<hbm>>) dst(%arg5 : memref<128xi32, #tpu.memory_space<vmem>>)
      tpu.yield
    }) : () -> ()
    %dma_start3A_19 = arith.constant 0 : i32
    %dma_start3A_20 = arith.constant 0 : i32
    %dma_start3A_21 = tpu.memref_slice %arg2[%dma_start3A_19, %dma_start3A_20] : memref<32768x128xf32, #tpu.memory_space<hbm>> -> memref<32768x128xf32, #tpu.memory_space<hbm>>
    tpu.enqueue_indirect_dma source(%dma_start3A_21 : memref<32768x128xf32, #tpu.memory_space<hbm>>) target(%arg6 : memref<128x128xf32, #tpu.memory_space<vmem>>) offsets(%arg5 : memref<128xi32, #tpu.memory_space<vmem>>) semaphore(%arg7 : memref<!tpu.dma_semaphore, #tpu.memory_space<semaphore_mem>>)
    %dma_wait3A_22 = arith.constant 0 : i32
    %dma_wait3A_23 = arith.constant 0 : i32
    %dma_wait3A_24 = tpu.memref_slice %arg2[%dma_wait3A_22, %dma_wait3A_23] : memref<32768x128xf32, #tpu.memory_space<hbm>> -> memref<32768x128xf32, #tpu.memory_space<hbm>>
    tpu.wait_indirect_dma semaphore(%arg7 : memref<!tpu.dma_semaphore, #tpu.memory_space<semaphore_mem>>) src(%dma_wait3A_24 : memref<32768x128xf32, #tpu.memory_space<hbm>>) dst(%arg6 : memref<128x128xf32, #tpu.memory_space<vmem>>)
    "tpu.region"() ({
      %run_scoped3A = tpu.sem_alloc : memref<!tpu.dma_semaphore, #tpu.memory_space<semaphore_mem>>
      %dma_start3A_257 = arith.constant 0 : i32
      %dma_start3A_258 = tpu.memref_slice %arg4[%add3A_18, %dma_start3A_257] : memref<131072x128xf32, #tpu.memory_space<hbm>> -> memref<128x128xf32, #tpu.memory_space<hbm>>
      %dma_start3A_259 = arith.constant 0 : i32
      %dma_start3A_260 = tpu.memref_slice %arg4[%add3A_18, %dma_start3A_259] : memref<131072x128xf32, #tpu.memory_space<hbm>> -> memref<128x128xf32, #tpu.memory_space<hbm>>
      tpu.enqueue_dma source(%arg6 : memref<128x128xf32, #tpu.memory_space<vmem>>) target(%dma_start3A_260 : memref<128x128xf32, #tpu.memory_space<hbm>>) target_semaphore(%run_scoped3A : memref<!tpu.dma_semaphore, #tpu.memory_space<semaphore_mem>>)
      %dma_wait3A_261 = arith.constant 0 : i32
      %dma_wait3A_262 = tpu.memref_slice %arg4[%add3A_18, %dma_wait3A_261] : memref<131072x128xf32, #tpu.memory_space<hbm>> -> memref<128x128xf32, #tpu.memory_space<hbm>>
      %dma_wait3A_263 = arith.constant 0 : i32
      %dma_wait3A_264 = tpu.memref_slice %arg4[%add3A_18, %dma_wait3A_263] : memref<131072x128xf32, #tpu.memory_space<hbm>> -> memref<128x128xf32, #tpu.memory_space<hbm>>
      tpu.wait_dma2 semaphore(%run_scoped3A : memref<!tpu.dma_semaphore, #tpu.memory_space<semaphore_mem>>) src(%arg6 : memref<128x128xf32, #tpu.memory_space<vmem>>) dst(%dma_wait3A_264 : memref<128x128xf32, #tpu.memory_space<hbm>>)
      tpu.yield
    }) : () -> ()
    %add3A_25 = arith.constant 384 : i32
    %add3A_26 = arith.addi %mul3A_2, %add3A_25 : i32
    "tpu.region"() ({
      %run_scoped3A = tpu.sem_alloc : memref<!tpu.dma_semaphore, #tpu.memory_space<semaphore_mem>>
      %dma_start3A_257 = tpu.memref_slice %arg3[%add3A_26] : memref<131072xi32, #tpu.memory_space<hbm>> -> memref<128xi32, #tpu.memory_space<hbm>>
      %dma_start3A_258 = tpu.memref_slice %arg3[%add3A_26] : memref<131072xi32, #tpu.memory_space<hbm>> -> memref<128xi32, #tpu.memory_space<hbm>>
      tpu.enqueue_dma source(%dma_start3A_258 : memref<128xi32, #tpu.memory_space<hbm>>) target(%arg5 : memref<128xi32, #tpu.memory_space<vmem>>) target_semaphore(%run_scoped3A : memref<!tpu.dma_semaphore, #tpu.memory_space<semaphore_mem>>)
      %dma_wait3A_259 = tpu.memref_slice %arg3[%add3A_26] : memref<131072xi32, #tpu.memory_space<hbm>> -> memref<128xi32, #tpu.memory_space<hbm>>
      %dma_wait3A_260 = tpu.memref_slice %arg3[%add3A_26] : memref<131072xi32, #tpu.memory_space<hbm>> -> memref<128xi32, #tpu.memory_space<hbm>>
      tpu.wait_dma2 semaphore(%run_scoped3A : memref<!tpu.dma_semaphore, #tpu.memory_space<semaphore_mem>>) src(%dma_wait3A_260 : memref<128xi32, #tpu.memory_space<hbm>>) dst(%arg5 : memref<128xi32, #tpu.memory_space<vmem>>)
      tpu.yield
    }) : () -> ()
    %dma_start3A_27 = arith.constant 0 : i32
    %dma_start3A_28 = arith.constant 0 : i32
    %dma_start3A_29 = tpu.memref_slice %arg2[%dma_start3A_27, %dma_start3A_28] : memref<32768x128xf32, #tpu.memory_space<hbm>> -> memref<32768x128xf32, #tpu.memory_space<hbm>>
    tpu.enqueue_indirect_dma source(%dma_start3A_29 : memref<32768x128xf32, #tpu.memory_space<hbm>>) target(%arg6 : memref<128x128xf32, #tpu.memory_space<vmem>>) offsets(%arg5 : memref<128xi32, #tpu.memory_space<vmem>>) semaphore(%arg7 : memref<!tpu.dma_semaphore, #tpu.memory_space<semaphore_mem>>)
    %dma_wait3A_30 = arith.constant 0 : i32
    %dma_wait3A_31 = arith.constant 0 : i32
    %dma_wait3A_32 = tpu.memref_slice %arg2[%dma_wait3A_30, %dma_wait3A_31] : memref<32768x128xf32, #tpu.memory_space<hbm>> -> memref<32768x128xf32, #tpu.memory_space<hbm>>
    tpu.wait_indirect_dma semaphore(%arg7 : memref<!tpu.dma_semaphore, #tpu.memory_space<semaphore_mem>>) src(%dma_wait3A_32 : memref<32768x128xf32, #tpu.memory_space<hbm>>) dst(%arg6 : memref<128x128xf32, #tpu.memory_space<vmem>>)
    "tpu.region"() ({
      %run_scoped3A = tpu.sem_alloc : memref<!tpu.dma_semaphore, #tpu.memory_space<semaphore_mem>>
      %dma_start3A_257 = arith.constant 0 : i32
      %dma_start3A_258 = tpu.memref_slice %arg4[%add3A_26, %dma_start3A_257] : memref<131072x128xf32, #tpu.memory_space<hbm>> -> memref<128x128xf32, #tpu.memory_space<hbm>>
      %dma_start3A_259 = arith.constant 0 : i32
      %dma_start3A_260 = tpu.memref_slice %arg4[%add3A_26, %dma_start3A_259] : memref<131072x128xf32, #tpu.memory_space<hbm>> -> memref<128x128xf32, #tpu.memory_space<hbm>>
      tpu.enqueue_dma source(%arg6 : memref<128x128xf32, #tpu.memory_space<vmem>>) target(%dma_start3A_260 : memref<128x128xf32, #tpu.memory_space<hbm>>) target_semaphore(%run_scoped3A : memref<!tpu.dma_semaphore, #tpu.memory_space<semaphore_mem>>)
      %dma_wait3A_261 = arith.constant 0 : i32
      %dma_wait3A_262 = tpu.memref_slice %arg4[%add3A_26, %dma_wait3A_261] : memref<131072x128xf32, #tpu.memory_space<hbm>> -> memref<128x128xf32, #tpu.memory_space<hbm>>
      %dma_wait3A_263 = arith.constant 0 : i32
      %dma_wait3A_264 = tpu.memref_slice %arg4[%add3A_26, %dma_wait3A_263] : memref<131072x128xf32, #tpu.memory_space<hbm>> -> memref<128x128xf32, #tpu.memory_space<hbm>>
      tpu.wait_dma2 semaphore(%run_scoped3A : memref<!tpu.dma_semaphore, #tpu.memory_space<semaphore_mem>>) src(%arg6 : memref<128x128xf32, #tpu.memory_space<vmem>>) dst(%dma_wait3A_264 : memref<128x128xf32, #tpu.memory_space<hbm>>)
      tpu.yield
    }) : () -> ()
    %add3A_33 = arith.constant 512 : i32
    %add3A_34 = arith.addi %mul3A_2, %add3A_33 : i32
    "tpu.region"() ({
      %run_scoped3A = tpu.sem_alloc : memref<!tpu.dma_semaphore, #tpu.memory_space<semaphore_mem>>
      %dma_start3A_257 = tpu.memref_slice %arg3[%add3A_34] : memref<131072xi32, #tpu.memory_space<hbm>> -> memref<128xi32, #tpu.memory_space<hbm>>
      %dma_start3A_258 = tpu.memref_slice %arg3[%add3A_34] : memref<131072xi32, #tpu.memory_space<hbm>> -> memref<128xi32, #tpu.memory_space<hbm>>
      tpu.enqueue_dma source(%dma_start3A_258 : memref<128xi32, #tpu.memory_space<hbm>>) target(%arg5 : memref<128xi32, #tpu.memory_space<vmem>>) target_semaphore(%run_scoped3A : memref<!tpu.dma_semaphore, #tpu.memory_space<semaphore_mem>>)
      %dma_wait3A_259 = tpu.memref_slice %arg3[%add3A_34] : memref<131072xi32, #tpu.memory_space<hbm>> -> memref<128xi32, #tpu.memory_space<hbm>>
      %dma_wait3A_260 = tpu.memref_slice %arg3[%add3A_34] : memref<131072xi32, #tpu.memory_space<hbm>> -> memref<128xi32, #tpu.memory_space<hbm>>
      tpu.wait_dma2 semaphore(%run_scoped3A : memref<!tpu.dma_semaphore, #tpu.memory_space<semaphore_mem>>) src(%dma_wait3A_260 : memref<128xi32, #tpu.memory_space<hbm>>) dst(%arg5 : memref<128xi32, #tpu.memory_space<vmem>>)
      tpu.yield
    }) : () -> ()
    %dma_start3A_35 = arith.constant 0 : i32
    %dma_start3A_36 = arith.constant 0 : i32
    %dma_start3A_37 = tpu.memref_slice %arg2[%dma_start3A_35, %dma_start3A_36] : memref<32768x128xf32, #tpu.memory_space<hbm>> -> memref<32768x128xf32, #tpu.memory_space<hbm>>
    tpu.enqueue_indirect_dma source(%dma_start3A_37 : memref<32768x128xf32, #tpu.memory_space<hbm>>) target(%arg6 : memref<128x128xf32, #tpu.memory_space<vmem>>) offsets(%arg5 : memref<128xi32, #tpu.memory_space<vmem>>) semaphore(%arg7 : memref<!tpu.dma_semaphore, #tpu.memory_space<semaphore_mem>>)
    %dma_wait3A_38 = arith.constant 0 : i32
    %dma_wait3A_39 = arith.constant 0 : i32
    %dma_wait3A_40 = tpu.memref_slice %arg2[%dma_wait3A_38, %dma_wait3A_39] : memref<32768x128xf32, #tpu.memory_space<hbm>> -> memref<32768x128xf32, #tpu.memory_space<hbm>>
    tpu.wait_indirect_dma semaphore(%arg7 : memref<!tpu.dma_semaphore, #tpu.memory_space<semaphore_mem>>) src(%dma_wait3A_40 : memref<32768x128xf32, #tpu.memory_space<hbm>>) dst(%arg6 : memref<128x128xf32, #tpu.memory_space<vmem>>)
    "tpu.region"() ({
      %run_scoped3A = tpu.sem_alloc : memref<!tpu.dma_semaphore, #tpu.memory_space<semaphore_mem>>
      %dma_start3A_257 = arith.constant 0 : i32
      %dma_start3A_258 = tpu.memref_slice %arg4[%add3A_34, %dma_start3A_257] : memref<131072x128xf32, #tpu.memory_space<hbm>> -> memref<128x128xf32, #tpu.memory_space<hbm>>
      %dma_start3A_259 = arith.constant 0 : i32
      %dma_start3A_260 = tpu.memref_slice %arg4[%add3A_34, %dma_start3A_259] : memref<131072x128xf32, #tpu.memory_space<hbm>> -> memref<128x128xf32, #tpu.memory_space<hbm>>
      tpu.enqueue_dma source(%arg6 : memref<128x128xf32, #tpu.memory_space<vmem>>) target(%dma_start3A_260 : memref<128x128xf32, #tpu.memory_space<hbm>>) target_semaphore(%run_scoped3A : memref<!tpu.dma_semaphore, #tpu.memory_space<semaphore_mem>>)
      %dma_wait3A_261 = arith.constant 0 : i32
      %dma_wait3A_262 = tpu.memref_slice %arg4[%add3A_34, %dma_wait3A_261] : memref<131072x128xf32, #tpu.memory_space<hbm>> -> memref<128x128xf32, #tpu.memory_space<hbm>>
      %dma_wait3A_263 = arith.constant 0 : i32
      %dma_wait3A_264 = tpu.memref_slice %arg4[%add3A_34, %dma_wait3A_263] : memref<131072x128xf32, #tpu.memory_space<hbm>> -> memref<128x128xf32, #tpu.memory_space<hbm>>
      tpu.wait_dma2 semaphore(%run_scoped3A : memref<!tpu.dma_semaphore, #tpu.memory_space<semaphore_mem>>) src(%arg6 : memref<128x128xf32, #tpu.memory_space<vmem>>) dst(%dma_wait3A_264 : memref<128x128xf32, #tpu.memory_space<hbm>>)
      tpu.yield
    }) : () -> ()
    %add3A_41 = arith.constant 640 : i32
    %add3A_42 = arith.addi %mul3A_2, %add3A_41 : i32
    "tpu.region"() ({
      %run_scoped3A = tpu.sem_alloc : memref<!tpu.dma_semaphore, #tpu.memory_space<semaphore_mem>>
      %dma_start3A_257 = tpu.memref_slice %arg3[%add3A_42] : memref<131072xi32, #tpu.memory_space<hbm>> -> memref<128xi32, #tpu.memory_space<hbm>>
      %dma_start3A_258 = tpu.memref_slice %arg3[%add3A_42] : memref<131072xi32, #tpu.memory_space<hbm>> -> memref<128xi32, #tpu.memory_space<hbm>>
      tpu.enqueue_dma source(%dma_start3A_258 : memref<128xi32, #tpu.memory_space<hbm>>) target(%arg5 : memref<128xi32, #tpu.memory_space<vmem>>) target_semaphore(%run_scoped3A : memref<!tpu.dma_semaphore, #tpu.memory_space<semaphore_mem>>)
      %dma_wait3A_259 = tpu.memref_slice %arg3[%add3A_42] : memref<131072xi32, #tpu.memory_space<hbm>> -> memref<128xi32, #tpu.memory_space<hbm>>
      %dma_wait3A_260 = tpu.memref_slice %arg3[%add3A_42] : memref<131072xi32, #tpu.memory_space<hbm>> -> memref<128xi32, #tpu.memory_space<hbm>>
      tpu.wait_dma2 semaphore(%run_scoped3A : memref<!tpu.dma_semaphore, #tpu.memory_space<semaphore_mem>>) src(%dma_wait3A_260 : memref<128xi32, #tpu.memory_space<hbm>>) dst(%arg5 : memref<128xi32, #tpu.memory_space<vmem>>)
      tpu.yield
    }) : () -> ()
    %dma_start3A_43 = arith.constant 0 : i32
    %dma_start3A_44 = arith.constant 0 : i32
    %dma_start3A_45 = tpu.memref_slice %arg2[%dma_start3A_43, %dma_start3A_44] : memref<32768x128xf32, #tpu.memory_space<hbm>> -> memref<32768x128xf32, #tpu.memory_space<hbm>>
    tpu.enqueue_indirect_dma source(%dma_start3A_45 : memref<32768x128xf32, #tpu.memory_space<hbm>>) target(%arg6 : memref<128x128xf32, #tpu.memory_space<vmem>>) offsets(%arg5 : memref<128xi32, #tpu.memory_space<vmem>>) semaphore(%arg7 : memref<!tpu.dma_semaphore, #tpu.memory_space<semaphore_mem>>)
    %dma_wait3A_46 = arith.constant 0 : i32
    %dma_wait3A_47 = arith.constant 0 : i32
    %dma_wait3A_48 = tpu.memref_slice %arg2[%dma_wait3A_46, %dma_wait3A_47] : memref<32768x128xf32, #tpu.memory_space<hbm>> -> memref<32768x128xf32, #tpu.memory_space<hbm>>
    tpu.wait_indirect_dma semaphore(%arg7 : memref<!tpu.dma_semaphore, #tpu.memory_space<semaphore_mem>>) src(%dma_wait3A_48 : memref<32768x128xf32, #tpu.memory_space<hbm>>) dst(%arg6 : memref<128x128xf32, #tpu.memory_space<vmem>>)
    "tpu.region"() ({
      %run_scoped3A = tpu.sem_alloc : memref<!tpu.dma_semaphore, #tpu.memory_space<semaphore_mem>>
      %dma_start3A_257 = arith.constant 0 : i32
      %dma_start3A_258 = tpu.memref_slice %arg4[%add3A_42, %dma_start3A_257] : memref<131072x128xf32, #tpu.memory_space<hbm>> -> memref<128x128xf32, #tpu.memory_space<hbm>>
      %dma_start3A_259 = arith.constant 0 : i32
      %dma_start3A_260 = tpu.memref_slice %arg4[%add3A_42, %dma_start3A_259] : memref<131072x128xf32, #tpu.memory_space<hbm>> -> memref<128x128xf32, #tpu.memory_space<hbm>>
      tpu.enqueue_dma source(%arg6 : memref<128x128xf32, #tpu.memory_space<vmem>>) target(%dma_start3A_260 : memref<128x128xf32, #tpu.memory_space<hbm>>) target_semaphore(%run_scoped3A : memref<!tpu.dma_semaphore, #tpu.memory_space<semaphore_mem>>)
      %dma_wait3A_261 = arith.constant 0 : i32
      %dma_wait3A_262 = tpu.memref_slice %arg4[%add3A_42, %dma_wait3A_261] : memref<131072x128xf32, #tpu.memory_space<hbm>> -> memref<128x128xf32, #tpu.memory_space<hbm>>
      %dma_wait3A_263 = arith.constant 0 : i32
      %dma_wait3A_264 = tpu.memref_slice %arg4[%add3A_42, %dma_wait3A_263] : memref<131072x128xf32, #tpu.memory_space<hbm>> -> memref<128x128xf32, #tpu.memory_space<hbm>>
      tpu.wait_dma2 semaphore(%run_scoped3A : memref<!tpu.dma_semaphore, #tpu.memory_space<semaphore_mem>>) src(%arg6 : memref<128x128xf32, #tpu.memory_space<vmem>>) dst(%dma_wait3A_264 : memref<128x128xf32, #tpu.memory_space<hbm>>)
      tpu.yield
    }) : () -> ()
    %add3A_49 = arith.constant 768 : i32
    %add3A_50 = arith.addi %mul3A_2, %add3A_49 : i32
    "tpu.region"() ({
      %run_scoped3A = tpu.sem_alloc : memref<!tpu.dma_semaphore, #tpu.memory_space<semaphore_mem>>
      %dma_start3A_257 = tpu.memref_slice %arg3[%add3A_50] : memref<131072xi32, #tpu.memory_space<hbm>> -> memref<128xi32, #tpu.memory_space<hbm>>
      %dma_start3A_258 = tpu.memref_slice %arg3[%add3A_50] : memref<131072xi32, #tpu.memory_space<hbm>> -> memref<128xi32, #tpu.memory_space<hbm>>
      tpu.enqueue_dma source(%dma_start3A_258 : memref<128xi32, #tpu.memory_space<hbm>>) target(%arg5 : memref<128xi32, #tpu.memory_space<vmem>>) target_semaphore(%run_scoped3A : memref<!tpu.dma_semaphore, #tpu.memory_space<semaphore_mem>>)
      %dma_wait3A_259 = tpu.memref_slice %arg3[%add3A_50] : memref<131072xi32, #tpu.memory_space<hbm>> -> memref<128xi32, #tpu.memory_space<hbm>>
      %dma_wait3A_260 = tpu.memref_slice %arg3[%add3A_50] : memref<131072xi32, #tpu.memory_space<hbm>> -> memref<128xi32, #tpu.memory_space<hbm>>
      tpu.wait_dma2 semaphore(%run_scoped3A : memref<!tpu.dma_semaphore, #tpu.memory_space<semaphore_mem>>) src(%dma_wait3A_260 : memref<128xi32, #tpu.memory_space<hbm>>) dst(%arg5 : memref<128xi32, #tpu.memory_space<vmem>>)
      tpu.yield
    }) : () -> ()
    %dma_start3A_51 = arith.constant 0 : i32
    %dma_start3A_52 = arith.constant 0 : i32
    %dma_start3A_53 = tpu.memref_slice %arg2[%dma_start3A_51, %dma_start3A_52] : memref<32768x128xf32, #tpu.memory_space<hbm>> -> memref<32768x128xf32, #tpu.memory_space<hbm>>
    tpu.enqueue_indirect_dma source(%dma_start3A_53 : memref<32768x128xf32, #tpu.memory_space<hbm>>) target(%arg6 : memref<128x128xf32, #tpu.memory_space<vmem>>) offsets(%arg5 : memref<128xi32, #tpu.memory_space<vmem>>) semaphore(%arg7 : memref<!tpu.dma_semaphore, #tpu.memory_space<semaphore_mem>>)
    %dma_wait3A_54 = arith.constant 0 : i32
    %dma_wait3A_55 = arith.constant 0 : i32
    %dma_wait3A_56 = tpu.memref_slice %arg2[%dma_wait3A_54, %dma_wait3A_55] : memref<32768x128xf32, #tpu.memory_space<hbm>> -> memref<32768x128xf32, #tpu.memory_space<hbm>>
    tpu.wait_indirect_dma semaphore(%arg7 : memref<!tpu.dma_semaphore, #tpu.memory_space<semaphore_mem>>) src(%dma_wait3A_56 : memref<32768x128xf32, #tpu.memory_space<hbm>>) dst(%arg6 : memref<128x128xf32, #tpu.memory_space<vmem>>)
    "tpu.region"() ({
      %run_scoped3A = tpu.sem_alloc : memref<!tpu.dma_semaphore, #tpu.memory_space<semaphore_mem>>
      %dma_start3A_257 = arith.constant 0 : i32
      %dma_start3A_258 = tpu.memref_slice %arg4[%add3A_50, %dma_start3A_257] : memref<131072x128xf32, #tpu.memory_space<hbm>> -> memref<128x128xf32, #tpu.memory_space<hbm>>
      %dma_start3A_259 = arith.constant 0 : i32
      %dma_start3A_260 = tpu.memref_slice %arg4[%add3A_50, %dma_start3A_259] : memref<131072x128xf32, #tpu.memory_space<hbm>> -> memref<128x128xf32, #tpu.memory_space<hbm>>
      tpu.enqueue_dma source(%arg6 : memref<128x128xf32, #tpu.memory_space<vmem>>) target(%dma_start3A_260 : memref<128x128xf32, #tpu.memory_space<hbm>>) target_semaphore(%run_scoped3A : memref<!tpu.dma_semaphore, #tpu.memory_space<semaphore_mem>>)
      %dma_wait3A_261 = arith.constant 0 : i32
      %dma_wait3A_262 = tpu.memref_slice %arg4[%add3A_50, %dma_wait3A_261] : memref<131072x128xf32, #tpu.memory_space<hbm>> -> memref<128x128xf32, #tpu.memory_space<hbm>>
      %dma_wait3A_263 = arith.constant 0 : i32
      %dma_wait3A_264 = tpu.memref_slice %arg4[%add3A_50, %dma_wait3A_263] : memref<131072x128xf32, #tpu.memory_space<hbm>> -> memref<128x128xf32, #tpu.memory_space<hbm>>
      tpu.wait_dma2 semaphore(%run_scoped3A : memref<!tpu.dma_semaphore, #tpu.memory_space<semaphore_mem>>) src(%arg6 : memref<128x128xf32, #tpu.memory_space<vmem>>) dst(%dma_wait3A_264 : memref<128x128xf32, #tpu.memory_space<hbm>>)
      tpu.yield
    }) : () -> ()
    %add3A_57 = arith.constant 896 : i32
    %add3A_58 = arith.addi %mul3A_2, %add3A_57 : i32
    "tpu.region"() ({
      %run_scoped3A = tpu.sem_alloc : memref<!tpu.dma_semaphore, #tpu.memory_space<semaphore_mem>>
      %dma_start3A_257 = tpu.memref_slice %arg3[%add3A_58] : memref<131072xi32, #tpu.memory_space<hbm>> -> memref<128xi32, #tpu.memory_space<hbm>>
      %dma_start3A_258 = tpu.memref_slice %arg3[%add3A_58] : memref<131072xi32, #tpu.memory_space<hbm>> -> memref<128xi32, #tpu.memory_space<hbm>>
      tpu.enqueue_dma source(%dma_start3A_258 : memref<128xi32, #tpu.memory_space<hbm>>) target(%arg5 : memref<128xi32, #tpu.memory_space<vmem>>) target_semaphore(%run_scoped3A : memref<!tpu.dma_semaphore, #tpu.memory_space<semaphore_mem>>)
      %dma_wait3A_259 = tpu.memref_slice %arg3[%add3A_58] : memref<131072xi32, #tpu.memory_space<hbm>> -> memref<128xi32, #tpu.memory_space<hbm>>
      %dma_wait3A_260 = tpu.memref_slice %arg3[%add3A_58] : memref<131072xi32, #tpu.memory_space<hbm>> -> memref<128xi32, #tpu.memory_space<hbm>>
      tpu.wait_dma2 semaphore(%run_scoped3A : memref<!tpu.dma_semaphore, #tpu.memory_space<semaphore_mem>>) src(%dma_wait3A_260 : memref<128xi32, #tpu.memory_space<hbm>>) dst(%arg5 : memref<128xi32, #tpu.memory_space<vmem>>)
      tpu.yield
    }) : () -> ()
    %dma_start3A_59 = arith.constant 0 : i32
    %dma_start3A_60 = arith.constant 0 : i32
    %dma_start3A_61 = tpu.memref_slice %arg2[%dma_start3A_59, %dma_start3A_60] : memref<32768x128xf32, #tpu.memory_space<hbm>> -> memref<32768x128xf32, #tpu.memory_space<hbm>>
    tpu.enqueue_indirect_dma source(%dma_start3A_61 : memref<32768x128xf32, #tpu.memory_space<hbm>>) target(%arg6 : memref<128x128xf32, #tpu.memory_space<vmem>>) offsets(%arg5 : memref<128xi32, #tpu.memory_space<vmem>>) semaphore(%arg7 : memref<!tpu.dma_semaphore, #tpu.memory_space<semaphore_mem>>)
    %dma_wait3A_62 = arith.constant 0 : i32
    %dma_wait3A_63 = arith.constant 0 : i32
    %dma_wait3A_64 = tpu.memref_slice %arg2[%dma_wait3A_62, %dma_wait3A_63] : memref<32768x128xf32, #tpu.memory_space<hbm>> -> memref<32768x128xf32, #tpu.memory_space<hbm>>
    tpu.wait_indirect_dma semaphore(%arg7 : memref<!tpu.dma_semaphore, #tpu.memory_space<semaphore_mem>>) src(%dma_wait3A_64 : memref<32768x128xf32, #tpu.memory_space<hbm>>) dst(%arg6 : memref<128x128xf32, #tpu.memory_space<vmem>>)
    "tpu.region"() ({
      %run_scoped3A = tpu.sem_alloc : memref<!tpu.dma_semaphore, #tpu.memory_space<semaphore_mem>>
      %dma_start3A_257 = arith.constant 0 : i32
      %dma_start3A_258 = tpu.memref_slice %arg4[%add3A_58, %dma_start3A_257] : memref<131072x128xf32, #tpu.memory_space<hbm>> -> memref<128x128xf32, #tpu.memory_space<hbm>>
      %dma_start3A_259 = arith.constant 0 : i32
      %dma_start3A_260 = tpu.memref_slice %arg4[%add3A_58, %dma_start3A_259] : memref<131072x128xf32, #tpu.memory_space<hbm>> -> memref<128x128xf32, #tpu.memory_space<hbm>>
      tpu.enqueue_dma source(%arg6 : memref<128x128xf32, #tpu.memory_space<vmem>>) target(%dma_start3A_260 : memref<128x128xf32, #tpu.memory_space<hbm>>) target_semaphore(%run_scoped3A : memref<!tpu.dma_semaphore, #tpu.memory_space<semaphore_mem>>)
      %dma_wait3A_261 = arith.constant 0 : i32
      %dma_wait3A_262 = tpu.memref_slice %arg4[%add3A_58, %dma_wait3A_261] : memref<131072x128xf32, #tpu.memory_space<hbm>> -> memref<128x128xf32, #tpu.memory_space<hbm>>
      %dma_wait3A_263 = arith.constant 0 : i32
      %dma_wait3A_264 = tpu.memref_slice %arg4[%add3A_58, %dma_wait3A_263] : memref<131072x128xf32, #tpu.memory_space<hbm>> -> memref<128x128xf32, #tpu.memory_space<hbm>>
      tpu.wait_dma2 semaphore(%run_scoped3A : memref<!tpu.dma_semaphore, #tpu.memory_space<semaphore_mem>>) src(%arg6 : memref<128x128xf32, #tpu.memory_space<vmem>>) dst(%dma_wait3A_264 : memref<128x128xf32, #tpu.memory_space<hbm>>)
      tpu.yield
    }) : () -> ()
    %add3A_65 = arith.constant 1024 : i32
    %add3A_66 = arith.addi %mul3A_2, %add3A_65 : i32
    "tpu.region"() ({
      %run_scoped3A = tpu.sem_alloc : memref<!tpu.dma_semaphore, #tpu.memory_space<semaphore_mem>>
      %dma_start3A_257 = tpu.memref_slice %arg3[%add3A_66] : memref<131072xi32, #tpu.memory_space<hbm>> -> memref<128xi32, #tpu.memory_space<hbm>>
      %dma_start3A_258 = tpu.memref_slice %arg3[%add3A_66] : memref<131072xi32, #tpu.memory_space<hbm>> -> memref<128xi32, #tpu.memory_space<hbm>>
      tpu.enqueue_dma source(%dma_start3A_258 : memref<128xi32, #tpu.memory_space<hbm>>) target(%arg5 : memref<128xi32, #tpu.memory_space<vmem>>) target_semaphore(%run_scoped3A : memref<!tpu.dma_semaphore, #tpu.memory_space<semaphore_mem>>)
      %dma_wait3A_259 = tpu.memref_slice %arg3[%add3A_66] : memref<131072xi32, #tpu.memory_space<hbm>> -> memref<128xi32, #tpu.memory_space<hbm>>
      %dma_wait3A_260 = tpu.memref_slice %arg3[%add3A_66] : memref<131072xi32, #tpu.memory_space<hbm>> -> memref<128xi32, #tpu.memory_space<hbm>>
      tpu.wait_dma2 semaphore(%run_scoped3A : memref<!tpu.dma_semaphore, #tpu.memory_space<semaphore_mem>>) src(%dma_wait3A_260 : memref<128xi32, #tpu.memory_space<hbm>>) dst(%arg5 : memref<128xi32, #tpu.memory_space<vmem>>)
      tpu.yield
    }) : () -> ()
    %dma_start3A_67 = arith.constant 0 : i32
    %dma_start3A_68 = arith.constant 0 : i32
    %dma_start3A_69 = tpu.memref_slice %arg2[%dma_start3A_67, %dma_start3A_68] : memref<32768x128xf32, #tpu.memory_space<hbm>> -> memref<32768x128xf32, #tpu.memory_space<hbm>>
    tpu.enqueue_indirect_dma source(%dma_start3A_69 : memref<32768x128xf32, #tpu.memory_space<hbm>>) target(%arg6 : memref<128x128xf32, #tpu.memory_space<vmem>>) offsets(%arg5 : memref<128xi32, #tpu.memory_space<vmem>>) semaphore(%arg7 : memref<!tpu.dma_semaphore, #tpu.memory_space<semaphore_mem>>)
    %dma_wait3A_70 = arith.constant 0 : i32
    %dma_wait3A_71 = arith.constant 0 : i32
    %dma_wait3A_72 = tpu.memref_slice %arg2[%dma_wait3A_70, %dma_wait3A_71] : memref<32768x128xf32, #tpu.memory_space<hbm>> -> memref<32768x128xf32, #tpu.memory_space<hbm>>
    tpu.wait_indirect_dma semaphore(%arg7 : memref<!tpu.dma_semaphore, #tpu.memory_space<semaphore_mem>>) src(%dma_wait3A_72 : memref<32768x128xf32, #tpu.memory_space<hbm>>) dst(%arg6 : memref<128x128xf32, #tpu.memory_space<vmem>>)
    "tpu.region"() ({
      %run_scoped3A = tpu.sem_alloc : memref<!tpu.dma_semaphore, #tpu.memory_space<semaphore_mem>>
      %dma_start3A_257 = arith.constant 0 : i32
      %dma_start3A_258 = tpu.memref_slice %arg4[%add3A_66, %dma_start3A_257] : memref<131072x128xf32, #tpu.memory_space<hbm>> -> memref<128x128xf32, #tpu.memory_space<hbm>>
      %dma_start3A_259 = arith.constant 0 : i32
      %dma_start3A_260 = tpu.memref_slice %arg4[%add3A_66, %dma_start3A_259] : memref<131072x128xf32, #tpu.memory_space<hbm>> -> memref<128x128xf32, #tpu.memory_space<hbm>>
      tpu.enqueue_dma source(%arg6 : memref<128x128xf32, #tpu.memory_space<vmem>>) target(%dma_start3A_260 : memref<128x128xf32, #tpu.memory_space<hbm>>) target_semaphore(%run_scoped3A : memref<!tpu.dma_semaphore, #tpu.memory_space<semaphore_mem>>)
      %dma_wait3A_261 = arith.constant 0 : i32
      %dma_wait3A_262 = tpu.memref_slice %arg4[%add3A_66, %dma_wait3A_261] : memref<131072x128xf32, #tpu.memory_space<hbm>> -> memref<128x128xf32, #tpu.memory_space<hbm>>
      %dma_wait3A_263 = arith.constant 0 : i32
      %dma_wait3A_264 = tpu.memref_slice %arg4[%add3A_66, %dma_wait3A_263] : memref<131072x128xf32, #tpu.memory_space<hbm>> -> memref<128x128xf32, #tpu.memory_space<hbm>>
      tpu.wait_dma2 semaphore(%run_scoped3A : memref<!tpu.dma_semaphore, #tpu.memory_space<semaphore_mem>>) src(%arg6 : memref<128x128xf32, #tpu.memory_space<vmem>>) dst(%dma_wait3A_264 : memref<128x128xf32, #tpu.memory_space<hbm>>)
      tpu.yield
    }) : () -> ()
    %add3A_73 = arith.constant 1152 : i32
    %add3A_74 = arith.addi %mul3A_2, %add3A_73 : i32
    "tpu.region"() ({
      %run_scoped3A = tpu.sem_alloc : memref<!tpu.dma_semaphore, #tpu.memory_space<semaphore_mem>>
      %dma_start3A_257 = tpu.memref_slice %arg3[%add3A_74] : memref<131072xi32, #tpu.memory_space<hbm>> -> memref<128xi32, #tpu.memory_space<hbm>>
      %dma_start3A_258 = tpu.memref_slice %arg3[%add3A_74] : memref<131072xi32, #tpu.memory_space<hbm>> -> memref<128xi32, #tpu.memory_space<hbm>>
      tpu.enqueue_dma source(%dma_start3A_258 : memref<128xi32, #tpu.memory_space<hbm>>) target(%arg5 : memref<128xi32, #tpu.memory_space<vmem>>) target_semaphore(%run_scoped3A : memref<!tpu.dma_semaphore, #tpu.memory_space<semaphore_mem>>)
      %dma_wait3A_259 = tpu.memref_slice %arg3[%add3A_74] : memref<131072xi32, #tpu.memory_space<hbm>> -> memref<128xi32, #tpu.memory_space<hbm>>
      %dma_wait3A_260 = tpu.memref_slice %arg3[%add3A_74] : memref<131072xi32, #tpu.memory_space<hbm>> -> memref<128xi32, #tpu.memory_space<hbm>>
      tpu.wait_dma2 semaphore(%run_scoped3A : memref<!tpu.dma_semaphore, #tpu.memory_space<semaphore_mem>>) src(%dma_wait3A_260 : memref<128xi32, #tpu.memory_space<hbm>>) dst(%arg5 : memref<128xi32, #tpu.memory_space<vmem>>)
      tpu.yield
    }) : () -> ()
    %dma_start3A_75 = arith.constant 0 : i32
    %dma_start3A_76 = arith.constant 0 : i32
    %dma_start3A_77 = tpu.memref_slice %arg2[%dma_start3A_75, %dma_start3A_76] : memref<32768x128xf32, #tpu.memory_space<hbm>> -> memref<32768x128xf32, #tpu.memory_space<hbm>>
    tpu.enqueue_indirect_dma source(%dma_start3A_77 : memref<32768x128xf32, #tpu.memory_space<hbm>>) target(%arg6 : memref<128x128xf32, #tpu.memory_space<vmem>>) offsets(%arg5 : memref<128xi32, #tpu.memory_space<vmem>>) semaphore(%arg7 : memref<!tpu.dma_semaphore, #tpu.memory_space<semaphore_mem>>)
    %dma_wait3A_78 = arith.constant 0 : i32
    %dma_wait3A_79 = arith.constant 0 : i32
    %dma_wait3A_80 = tpu.memref_slice %arg2[%dma_wait3A_78, %dma_wait3A_79] : memref<32768x128xf32, #tpu.memory_space<hbm>> -> memref<32768x128xf32, #tpu.memory_space<hbm>>
    tpu.wait_indirect_dma semaphore(%arg7 : memref<!tpu.dma_semaphore, #tpu.memory_space<semaphore_mem>>) src(%dma_wait3A_80 : memref<32768x128xf32, #tpu.memory_space<hbm>>) dst(%arg6 : memref<128x128xf32, #tpu.memory_space<vmem>>)
    "tpu.region"() ({
      %run_scoped3A = tpu.sem_alloc : memref<!tpu.dma_semaphore, #tpu.memory_space<semaphore_mem>>
      %dma_start3A_257 = arith.constant 0 : i32
      %dma_start3A_258 = tpu.memref_slice %arg4[%add3A_74, %dma_start3A_257] : memref<131072x128xf32, #tpu.memory_space<hbm>> -> memref<128x128xf32, #tpu.memory_space<hbm>>
      %dma_start3A_259 = arith.constant 0 : i32
      %dma_start3A_260 = tpu.memref_slice %arg4[%add3A_74, %dma_start3A_259] : memref<131072x128xf32, #tpu.memory_space<hbm>> -> memref<128x128xf32, #tpu.memory_space<hbm>>
      tpu.enqueue_dma source(%arg6 : memref<128x128xf32, #tpu.memory_space<vmem>>) target(%dma_start3A_260 : memref<128x128xf32, #tpu.memory_space<hbm>>) target_semaphore(%run_scoped3A : memref<!tpu.dma_semaphore, #tpu.memory_space<semaphore_mem>>)
      %dma_wait3A_261 = arith.constant 0 : i32
      %dma_wait3A_262 = tpu.memref_slice %arg4[%add3A_74, %dma_wait3A_261] : memref<131072x128xf32, #tpu.memory_space<hbm>> -> memref<128x128xf32, #tpu.memory_space<hbm>>
      %dma_wait3A_263 = arith.constant 0 : i32
      %dma_wait3A_264 = tpu.memref_slice %arg4[%add3A_74, %dma_wait3A_263] : memref<131072x128xf32, #tpu.memory_space<hbm>> -> memref<128x128xf32, #tpu.memory_space<hbm>>
      tpu.wait_dma2 semaphore(%run_scoped3A : memref<!tpu.dma_semaphore, #tpu.memory_space<semaphore_mem>>) src(%arg6 : memref<128x128xf32, #tpu.memory_space<vmem>>) dst(%dma_wait3A_264 : memref<128x128xf32, #tpu.memory_space<hbm>>)
      tpu.yield
    }) : () -> ()
    %add3A_81 = arith.constant 1280 : i32
    %add3A_82 = arith.addi %mul3A_2, %add3A_81 : i32
    "tpu.region"() ({
      %run_scoped3A = tpu.sem_alloc : memref<!tpu.dma_semaphore, #tpu.memory_space<semaphore_mem>>
      %dma_start3A_257 = tpu.memref_slice %arg3[%add3A_82] : memref<131072xi32, #tpu.memory_space<hbm>> -> memref<128xi32, #tpu.memory_space<hbm>>
      %dma_start3A_258 = tpu.memref_slice %arg3[%add3A_82] : memref<131072xi32, #tpu.memory_space<hbm>> -> memref<128xi32, #tpu.memory_space<hbm>>
      tpu.enqueue_dma source(%dma_start3A_258 : memref<128xi32, #tpu.memory_space<hbm>>) target(%arg5 : memref<128xi32, #tpu.memory_space<vmem>>) target_semaphore(%run_scoped3A : memref<!tpu.dma_semaphore, #tpu.memory_space<semaphore_mem>>)
      %dma_wait3A_259 = tpu.memref_slice %arg3[%add3A_82] : memref<131072xi32, #tpu.memory_space<hbm>> -> memref<128xi32, #tpu.memory_space<hbm>>
      %dma_wait3A_260 = tpu.memref_slice %arg3[%add3A_82] : memref<131072xi32, #tpu.memory_space<hbm>> -> memref<128xi32, #tpu.memory_space<hbm>>
      tpu.wait_dma2 semaphore(%run_scoped3A : memref<!tpu.dma_semaphore, #tpu.memory_space<semaphore_mem>>) src(%dma_wait3A_260 : memref<128xi32, #tpu.memory_space<hbm>>) dst(%arg5 : memref<128xi32, #tpu.memory_space<vmem>>)
      tpu.yield
    }) : () -> ()
    %dma_start3A_83 = arith.constant 0 : i32
    %dma_start3A_84 = arith.constant 0 : i32
    %dma_start3A_85 = tpu.memref_slice %arg2[%dma_start3A_83, %dma_start3A_84] : memref<32768x128xf32, #tpu.memory_space<hbm>> -> memref<32768x128xf32, #tpu.memory_space<hbm>>
    tpu.enqueue_indirect_dma source(%dma_start3A_85 : memref<32768x128xf32, #tpu.memory_space<hbm>>) target(%arg6 : memref<128x128xf32, #tpu.memory_space<vmem>>) offsets(%arg5 : memref<128xi32, #tpu.memory_space<vmem>>) semaphore(%arg7 : memref<!tpu.dma_semaphore, #tpu.memory_space<semaphore_mem>>)
    %dma_wait3A_86 = arith.constant 0 : i32
    %dma_wait3A_87 = arith.constant 0 : i32
    %dma_wait3A_88 = tpu.memref_slice %arg2[%dma_wait3A_86, %dma_wait3A_87] : memref<32768x128xf32, #tpu.memory_space<hbm>> -> memref<32768x128xf32, #tpu.memory_space<hbm>>
    tpu.wait_indirect_dma semaphore(%arg7 : memref<!tpu.dma_semaphore, #tpu.memory_space<semaphore_mem>>) src(%dma_wait3A_88 : memref<32768x128xf32, #tpu.memory_space<hbm>>) dst(%arg6 : memref<128x128xf32, #tpu.memory_space<vmem>>)
    "tpu.region"() ({
      %run_scoped3A = tpu.sem_alloc : memref<!tpu.dma_semaphore, #tpu.memory_space<semaphore_mem>>
      %dma_start3A_257 = arith.constant 0 : i32
      %dma_start3A_258 = tpu.memref_slice %arg4[%add3A_82, %dma_start3A_257] : memref<131072x128xf32, #tpu.memory_space<hbm>> -> memref<128x128xf32, #tpu.memory_space<hbm>>
      %dma_start3A_259 = arith.constant 0 : i32
      %dma_start3A_260 = tpu.memref_slice %arg4[%add3A_82, %dma_start3A_259] : memref<131072x128xf32, #tpu.memory_space<hbm>> -> memref<128x128xf32, #tpu.memory_space<hbm>>
      tpu.enqueue_dma source(%arg6 : memref<128x128xf32, #tpu.memory_space<vmem>>) target(%dma_start3A_260 : memref<128x128xf32, #tpu.memory_space<hbm>>) target_semaphore(%run_scoped3A : memref<!tpu.dma_semaphore, #tpu.memory_space<semaphore_mem>>)
      %dma_wait3A_261 = arith.constant 0 : i32
      %dma_wait3A_262 = tpu.memref_slice %arg4[%add3A_82, %dma_wait3A_261] : memref<131072x128xf32, #tpu.memory_space<hbm>> -> memref<128x128xf32, #tpu.memory_space<hbm>>
      %dma_wait3A_263 = arith.constant 0 : i32
      %dma_wait3A_264 = tpu.memref_slice %arg4[%add3A_82, %dma_wait3A_263] : memref<131072x128xf32, #tpu.memory_space<hbm>> -> memref<128x128xf32, #tpu.memory_space<hbm>>
      tpu.wait_dma2 semaphore(%run_scoped3A : memref<!tpu.dma_semaphore, #tpu.memory_space<semaphore_mem>>) src(%arg6 : memref<128x128xf32, #tpu.memory_space<vmem>>) dst(%dma_wait3A_264 : memref<128x128xf32, #tpu.memory_space<hbm>>)
      tpu.yield
    }) : () -> ()
    %add3A_89 = arith.constant 1408 : i32
    %add3A_90 = arith.addi %mul3A_2, %add3A_89 : i32
    "tpu.region"() ({
      %run_scoped3A = tpu.sem_alloc : memref<!tpu.dma_semaphore, #tpu.memory_space<semaphore_mem>>
      %dma_start3A_257 = tpu.memref_slice %arg3[%add3A_90] : memref<131072xi32, #tpu.memory_space<hbm>> -> memref<128xi32, #tpu.memory_space<hbm>>
      %dma_start3A_258 = tpu.memref_slice %arg3[%add3A_90] : memref<131072xi32, #tpu.memory_space<hbm>> -> memref<128xi32, #tpu.memory_space<hbm>>
      tpu.enqueue_dma source(%dma_start3A_258 : memref<128xi32, #tpu.memory_space<hbm>>) target(%arg5 : memref<128xi32, #tpu.memory_space<vmem>>) target_semaphore(%run_scoped3A : memref<!tpu.dma_semaphore, #tpu.memory_space<semaphore_mem>>)
      %dma_wait3A_259 = tpu.memref_slice %arg3[%add3A_90] : memref<131072xi32, #tpu.memory_space<hbm>> -> memref<128xi32, #tpu.memory_space<hbm>>
      %dma_wait3A_260 = tpu.memref_slice %arg3[%add3A_90] : memref<131072xi32, #tpu.memory_space<hbm>> -> memref<128xi32, #tpu.memory_space<hbm>>
      tpu.wait_dma2 semaphore(%run_scoped3A : memref<!tpu.dma_semaphore, #tpu.memory_space<semaphore_mem>>) src(%dma_wait3A_260 : memref<128xi32, #tpu.memory_space<hbm>>) dst(%arg5 : memref<128xi32, #tpu.memory_space<vmem>>)
      tpu.yield
    }) : () -> ()
    %dma_start3A_91 = arith.constant 0 : i32
    %dma_start3A_92 = arith.constant 0 : i32
    %dma_start3A_93 = tpu.memref_slice %arg2[%dma_start3A_91, %dma_start3A_92] : memref<32768x128xf32, #tpu.memory_space<hbm>> -> memref<32768x128xf32, #tpu.memory_space<hbm>>
    tpu.enqueue_indirect_dma source(%dma_start3A_93 : memref<32768x128xf32, #tpu.memory_space<hbm>>) target(%arg6 : memref<128x128xf32, #tpu.memory_space<vmem>>) offsets(%arg5 : memref<128xi32, #tpu.memory_space<vmem>>) semaphore(%arg7 : memref<!tpu.dma_semaphore, #tpu.memory_space<semaphore_mem>>)
    %dma_wait3A_94 = arith.constant 0 : i32
    %dma_wait3A_95 = arith.constant 0 : i32
    %dma_wait3A_96 = tpu.memref_slice %arg2[%dma_wait3A_94, %dma_wait3A_95] : memref<32768x128xf32, #tpu.memory_space<hbm>> -> memref<32768x128xf32, #tpu.memory_space<hbm>>
    tpu.wait_indirect_dma semaphore(%arg7 : memref<!tpu.dma_semaphore, #tpu.memory_space<semaphore_mem>>) src(%dma_wait3A_96 : memref<32768x128xf32, #tpu.memory_space<hbm>>) dst(%arg6 : memref<128x128xf32, #tpu.memory_space<vmem>>)
    "tpu.region"() ({
      %run_scoped3A = tpu.sem_alloc : memref<!tpu.dma_semaphore, #tpu.memory_space<semaphore_mem>>
      %dma_start3A_257 = arith.constant 0 : i32
      %dma_start3A_258 = tpu.memref_slice %arg4[%add3A_90, %dma_start3A_257] : memref<131072x128xf32, #tpu.memory_space<hbm>> -> memref<128x128xf32, #tpu.memory_space<hbm>>
      %dma_start3A_259 = arith.constant 0 : i32
      %dma_start3A_260 = tpu.memref_slice %arg4[%add3A_90, %dma_start3A_259] : memref<131072x128xf32, #tpu.memory_space<hbm>> -> memref<128x128xf32, #tpu.memory_space<hbm>>
      tpu.enqueue_dma source(%arg6 : memref<128x128xf32, #tpu.memory_space<vmem>>) target(%dma_start3A_260 : memref<128x128xf32, #tpu.memory_space<hbm>>) target_semaphore(%run_scoped3A : memref<!tpu.dma_semaphore, #tpu.memory_space<semaphore_mem>>)
      %dma_wait3A_261 = arith.constant 0 : i32
      %dma_wait3A_262 = tpu.memref_slice %arg4[%add3A_90, %dma_wait3A_261] : memref<131072x128xf32, #tpu.memory_space<hbm>> -> memref<128x128xf32, #tpu.memory_space<hbm>>
      %dma_wait3A_263 = arith.constant 0 : i32
      %dma_wait3A_264 = tpu.memref_slice %arg4[%add3A_90, %dma_wait3A_263] : memref<131072x128xf32, #tpu.memory_space<hbm>> -> memref<128x128xf32, #tpu.memory_space<hbm>>
      tpu.wait_dma2 semaphore(%run_scoped3A : memref<!tpu.dma_semaphore, #tpu.memory_space<semaphore_mem>>) src(%arg6 : memref<128x128xf32, #tpu.memory_space<vmem>>) dst(%dma_wait3A_264 : memref<128x128xf32, #tpu.memory_space<hbm>>)
      tpu.yield
    }) : () -> ()
    %add3A_97 = arith.constant 1536 : i32
    %add3A_98 = arith.addi %mul3A_2, %add3A_97 : i32
    "tpu.region"() ({
      %run_scoped3A = tpu.sem_alloc : memref<!tpu.dma_semaphore, #tpu.memory_space<semaphore_mem>>
      %dma_start3A_257 = tpu.memref_slice %arg3[%add3A_98] : memref<131072xi32, #tpu.memory_space<hbm>> -> memref<128xi32, #tpu.memory_space<hbm>>
      %dma_start3A_258 = tpu.memref_slice %arg3[%add3A_98] : memref<131072xi32, #tpu.memory_space<hbm>> -> memref<128xi32, #tpu.memory_space<hbm>>
      tpu.enqueue_dma source(%dma_start3A_258 : memref<128xi32, #tpu.memory_space<hbm>>) target(%arg5 : memref<128xi32, #tpu.memory_space<vmem>>) target_semaphore(%run_scoped3A : memref<!tpu.dma_semaphore, #tpu.memory_space<semaphore_mem>>)
      %dma_wait3A_259 = tpu.memref_slice %arg3[%add3A_98] : memref<131072xi32, #tpu.memory_space<hbm>> -> memref<128xi32, #tpu.memory_space<hbm>>
      %dma_wait3A_260 = tpu.memref_slice %arg3[%add3A_98] : memref<131072xi32, #tpu.memory_space<hbm>> -> memref<128xi32, #tpu.memory_space<hbm>>
      tpu.wait_dma2 semaphore(%run_scoped3A : memref<!tpu.dma_semaphore, #tpu.memory_space<semaphore_mem>>) src(%dma_wait3A_260 : memref<128xi32, #tpu.memory_space<hbm>>) dst(%arg5 : memref<128xi32, #tpu.memory_space<vmem>>)
      tpu.yield
    }) : () -> ()
    %dma_start3A_99 = arith.constant 0 : i32
    %dma_start3A_100 = arith.constant 0 : i32
    %dma_start3A_101 = tpu.memref_slice %arg2[%dma_start3A_99, %dma_start3A_100] : memref<32768x128xf32, #tpu.memory_space<hbm>> -> memref<32768x128xf32, #tpu.memory_space<hbm>>
    tpu.enqueue_indirect_dma source(%dma_start3A_101 : memref<32768x128xf32, #tpu.memory_space<hbm>>) target(%arg6 : memref<128x128xf32, #tpu.memory_space<vmem>>) offsets(%arg5 : memref<128xi32, #tpu.memory_space<vmem>>) semaphore(%arg7 : memref<!tpu.dma_semaphore, #tpu.memory_space<semaphore_mem>>)
    %dma_wait3A_102 = arith.constant 0 : i32
    %dma_wait3A_103 = arith.constant 0 : i32
    %dma_wait3A_104 = tpu.memref_slice %arg2[%dma_wait3A_102, %dma_wait3A_103] : memref<32768x128xf32, #tpu.memory_space<hbm>> -> memref<32768x128xf32, #tpu.memory_space<hbm>>
    tpu.wait_indirect_dma semaphore(%arg7 : memref<!tpu.dma_semaphore, #tpu.memory_space<semaphore_mem>>) src(%dma_wait3A_104 : memref<32768x128xf32, #tpu.memory_space<hbm>>) dst(%arg6 : memref<128x128xf32, #tpu.memory_space<vmem>>)
    "tpu.region"() ({
      %run_scoped3A = tpu.sem_alloc : memref<!tpu.dma_semaphore, #tpu.memory_space<semaphore_mem>>
      %dma_start3A_257 = arith.constant 0 : i32
      %dma_start3A_258 = tpu.memref_slice %arg4[%add3A_98, %dma_start3A_257] : memref<131072x128xf32, #tpu.memory_space<hbm>> -> memref<128x128xf32, #tpu.memory_space<hbm>>
      %dma_start3A_259 = arith.constant 0 : i32
      %dma_start3A_260 = tpu.memref_slice %arg4[%add3A_98, %dma_start3A_259] : memref<131072x128xf32, #tpu.memory_space<hbm>> -> memref<128x128xf32, #tpu.memory_space<hbm>>
      tpu.enqueue_dma source(%arg6 : memref<128x128xf32, #tpu.memory_space<vmem>>) target(%dma_start3A_260 : memref<128x128xf32, #tpu.memory_space<hbm>>) target_semaphore(%run_scoped3A : memref<!tpu.dma_semaphore, #tpu.memory_space<semaphore_mem>>)
      %dma_wait3A_261 = arith.constant 0 : i32
      %dma_wait3A_262 = tpu.memref_slice %arg4[%add3A_98, %dma_wait3A_261] : memref<131072x128xf32, #tpu.memory_space<hbm>> -> memref<128x128xf32, #tpu.memory_space<hbm>>
      %dma_wait3A_263 = arith.constant 0 : i32
      %dma_wait3A_264 = tpu.memref_slice %arg4[%add3A_98, %dma_wait3A_263] : memref<131072x128xf32, #tpu.memory_space<hbm>> -> memref<128x128xf32, #tpu.memory_space<hbm>>
      tpu.wait_dma2 semaphore(%run_scoped3A : memref<!tpu.dma_semaphore, #tpu.memory_space<semaphore_mem>>) src(%arg6 : memref<128x128xf32, #tpu.memory_space<vmem>>) dst(%dma_wait3A_264 : memref<128x128xf32, #tpu.memory_space<hbm>>)
      tpu.yield
    }) : () -> ()
    %add3A_105 = arith.constant 1664 : i32
    %add3A_106 = arith.addi %mul3A_2, %add3A_105 : i32
    "tpu.region"() ({
      %run_scoped3A = tpu.sem_alloc : memref<!tpu.dma_semaphore, #tpu.memory_space<semaphore_mem>>
      %dma_start3A_257 = tpu.memref_slice %arg3[%add3A_106] : memref<131072xi32, #tpu.memory_space<hbm>> -> memref<128xi32, #tpu.memory_space<hbm>>
      %dma_start3A_258 = tpu.memref_slice %arg3[%add3A_106] : memref<131072xi32, #tpu.memory_space<hbm>> -> memref<128xi32, #tpu.memory_space<hbm>>
      tpu.enqueue_dma source(%dma_start3A_258 : memref<128xi32, #tpu.memory_space<hbm>>) target(%arg5 : memref<128xi32, #tpu.memory_space<vmem>>) target_semaphore(%run_scoped3A : memref<!tpu.dma_semaphore, #tpu.memory_space<semaphore_mem>>)
      %dma_wait3A_259 = tpu.memref_slice %arg3[%add3A_106] : memref<131072xi32, #tpu.memory_space<hbm>> -> memref<128xi32, #tpu.memory_space<hbm>>
      %dma_wait3A_260 = tpu.memref_slice %arg3[%add3A_106] : memref<131072xi32, #tpu.memory_space<hbm>> -> memref<128xi32, #tpu.memory_space<hbm>>
      tpu.wait_dma2 semaphore(%run_scoped3A : memref<!tpu.dma_semaphore, #tpu.memory_space<semaphore_mem>>) src(%dma_wait3A_260 : memref<128xi32, #tpu.memory_space<hbm>>) dst(%arg5 : memref<128xi32, #tpu.memory_space<vmem>>)
      tpu.yield
    }) : () -> ()
    %dma_start3A_107 = arith.constant 0 : i32
    %dma_start3A_108 = arith.constant 0 : i32
    %dma_start3A_109 = tpu.memref_slice %arg2[%dma_start3A_107, %dma_start3A_108] : memref<32768x128xf32, #tpu.memory_space<hbm>> -> memref<32768x128xf32, #tpu.memory_space<hbm>>
    tpu.enqueue_indirect_dma source(%dma_start3A_109 : memref<32768x128xf32, #tpu.memory_space<hbm>>) target(%arg6 : memref<128x128xf32, #tpu.memory_space<vmem>>) offsets(%arg5 : memref<128xi32, #tpu.memory_space<vmem>>) semaphore(%arg7 : memref<!tpu.dma_semaphore, #tpu.memory_space<semaphore_mem>>)
    %dma_wait3A_110 = arith.constant 0 : i32
    %dma_wait3A_111 = arith.constant 0 : i32
    %dma_wait3A_112 = tpu.memref_slice %arg2[%dma_wait3A_110, %dma_wait3A_111] : memref<32768x128xf32, #tpu.memory_space<hbm>> -> memref<32768x128xf32, #tpu.memory_space<hbm>>
    tpu.wait_indirect_dma semaphore(%arg7 : memref<!tpu.dma_semaphore, #tpu.memory_space<semaphore_mem>>) src(%dma_wait3A_112 : memref<32768x128xf32, #tpu.memory_space<hbm>>) dst(%arg6 : memref<128x128xf32, #tpu.memory_space<vmem>>)
    "tpu.region"() ({
      %run_scoped3A = tpu.sem_alloc : memref<!tpu.dma_semaphore, #tpu.memory_space<semaphore_mem>>
      %dma_start3A_257 = arith.constant 0 : i32
      %dma_start3A_258 = tpu.memref_slice %arg4[%add3A_106, %dma_start3A_257] : memref<131072x128xf32, #tpu.memory_space<hbm>> -> memref<128x128xf32, #tpu.memory_space<hbm>>
      %dma_start3A_259 = arith.constant 0 : i32
      %dma_start3A_260 = tpu.memref_slice %arg4[%add3A_106, %dma_start3A_259] : memref<131072x128xf32, #tpu.memory_space<hbm>> -> memref<128x128xf32, #tpu.memory_space<hbm>>
      tpu.enqueue_dma source(%arg6 : memref<128x128xf32, #tpu.memory_space<vmem>>) target(%dma_start3A_260 : memref<128x128xf32, #tpu.memory_space<hbm>>) target_semaphore(%run_scoped3A : memref<!tpu.dma_semaphore, #tpu.memory_space<semaphore_mem>>)
      %dma_wait3A_261 = arith.constant 0 : i32
      %dma_wait3A_262 = tpu.memref_slice %arg4[%add3A_106, %dma_wait3A_261] : memref<131072x128xf32, #tpu.memory_space<hbm>> -> memref<128x128xf32, #tpu.memory_space<hbm>>
      %dma_wait3A_263 = arith.constant 0 : i32
      %dma_wait3A_264 = tpu.memref_slice %arg4[%add3A_106, %dma_wait3A_263] : memref<131072x128xf32, #tpu.memory_space<hbm>> -> memref<128x128xf32, #tpu.memory_space<hbm>>
      tpu.wait_dma2 semaphore(%run_scoped3A : memref<!tpu.dma_semaphore, #tpu.memory_space<semaphore_mem>>) src(%arg6 : memref<128x128xf32, #tpu.memory_space<vmem>>) dst(%dma_wait3A_264 : memref<128x128xf32, #tpu.memory_space<hbm>>)
      tpu.yield
    }) : () -> ()
    %add3A_113 = arith.constant 1792 : i32
    %add3A_114 = arith.addi %mul3A_2, %add3A_113 : i32
    "tpu.region"() ({
      %run_scoped3A = tpu.sem_alloc : memref<!tpu.dma_semaphore, #tpu.memory_space<semaphore_mem>>
      %dma_start3A_257 = tpu.memref_slice %arg3[%add3A_114] : memref<131072xi32, #tpu.memory_space<hbm>> -> memref<128xi32, #tpu.memory_space<hbm>>
      %dma_start3A_258 = tpu.memref_slice %arg3[%add3A_114] : memref<131072xi32, #tpu.memory_space<hbm>> -> memref<128xi32, #tpu.memory_space<hbm>>
      tpu.enqueue_dma source(%dma_start3A_258 : memref<128xi32, #tpu.memory_space<hbm>>) target(%arg5 : memref<128xi32, #tpu.memory_space<vmem>>) target_semaphore(%run_scoped3A : memref<!tpu.dma_semaphore, #tpu.memory_space<semaphore_mem>>)
      %dma_wait3A_259 = tpu.memref_slice %arg3[%add3A_114] : memref<131072xi32, #tpu.memory_space<hbm>> -> memref<128xi32, #tpu.memory_space<hbm>>
      %dma_wait3A_260 = tpu.memref_slice %arg3[%add3A_114] : memref<131072xi32, #tpu.memory_space<hbm>> -> memref<128xi32, #tpu.memory_space<hbm>>
      tpu.wait_dma2 semaphore(%run_scoped3A : memref<!tpu.dma_semaphore, #tpu.memory_space<semaphore_mem>>) src(%dma_wait3A_260 : memref<128xi32, #tpu.memory_space<hbm>>) dst(%arg5 : memref<128xi32, #tpu.memory_space<vmem>>)
      tpu.yield
    }) : () -> ()
    %dma_start3A_115 = arith.constant 0 : i32
    %dma_start3A_116 = arith.constant 0 : i32
    %dma_start3A_117 = tpu.memref_slice %arg2[%dma_start3A_115, %dma_start3A_116] : memref<32768x128xf32, #tpu.memory_space<hbm>> -> memref<32768x128xf32, #tpu.memory_space<hbm>>
    tpu.enqueue_indirect_dma source(%dma_start3A_117 : memref<32768x128xf32, #tpu.memory_space<hbm>>) target(%arg6 : memref<128x128xf32, #tpu.memory_space<vmem>>) offsets(%arg5 : memref<128xi32, #tpu.memory_space<vmem>>) semaphore(%arg7 : memref<!tpu.dma_semaphore, #tpu.memory_space<semaphore_mem>>)
    %dma_wait3A_118 = arith.constant 0 : i32
    %dma_wait3A_119 = arith.constant 0 : i32
    %dma_wait3A_120 = tpu.memref_slice %arg2[%dma_wait3A_118, %dma_wait3A_119] : memref<32768x128xf32, #tpu.memory_space<hbm>> -> memref<32768x128xf32, #tpu.memory_space<hbm>>
    tpu.wait_indirect_dma semaphore(%arg7 : memref<!tpu.dma_semaphore, #tpu.memory_space<semaphore_mem>>) src(%dma_wait3A_120 : memref<32768x128xf32, #tpu.memory_space<hbm>>) dst(%arg6 : memref<128x128xf32, #tpu.memory_space<vmem>>)
    "tpu.region"() ({
      %run_scoped3A = tpu.sem_alloc : memref<!tpu.dma_semaphore, #tpu.memory_space<semaphore_mem>>
      %dma_start3A_257 = arith.constant 0 : i32
      %dma_start3A_258 = tpu.memref_slice %arg4[%add3A_114, %dma_start3A_257] : memref<131072x128xf32, #tpu.memory_space<hbm>> -> memref<128x128xf32, #tpu.memory_space<hbm>>
      %dma_start3A_259 = arith.constant 0 : i32
      %dma_start3A_260 = tpu.memref_slice %arg4[%add3A_114, %dma_start3A_259] : memref<131072x128xf32, #tpu.memory_space<hbm>> -> memref<128x128xf32, #tpu.memory_space<hbm>>
      tpu.enqueue_dma source(%arg6 : memref<128x128xf32, #tpu.memory_space<vmem>>) target(%dma_start3A_260 : memref<128x128xf32, #tpu.memory_space<hbm>>) target_semaphore(%run_scoped3A : memref<!tpu.dma_semaphore, #tpu.memory_space<semaphore_mem>>)
      %dma_wait3A_261 = arith.constant 0 : i32
      %dma_wait3A_262 = tpu.memref_slice %arg4[%add3A_114, %dma_wait3A_261] : memref<131072x128xf32, #tpu.memory_space<hbm>> -> memref<128x128xf32, #tpu.memory_space<hbm>>
      %dma_wait3A_263 = arith.constant 0 : i32
      %dma_wait3A_264 = tpu.memref_slice %arg4[%add3A_114, %dma_wait3A_263] : memref<131072x128xf32, #tpu.memory_space<hbm>> -> memref<128x128xf32, #tpu.memory_space<hbm>>
      tpu.wait_dma2 semaphore(%run_scoped3A : memref<!tpu.dma_semaphore, #tpu.memory_space<semaphore_mem>>) src(%arg6 : memref<128x128xf32, #tpu.memory_space<vmem>>) dst(%dma_wait3A_264 : memref<128x128xf32, #tpu.memory_space<hbm>>)
      tpu.yield
    }) : () -> ()
    %add3A_121 = arith.constant 1920 : i32
    %add3A_122 = arith.addi %mul3A_2, %add3A_121 : i32
    "tpu.region"() ({
      %run_scoped3A = tpu.sem_alloc : memref<!tpu.dma_semaphore, #tpu.memory_space<semaphore_mem>>
      %dma_start3A_257 = tpu.memref_slice %arg3[%add3A_122] : memref<131072xi32, #tpu.memory_space<hbm>> -> memref<128xi32, #tpu.memory_space<hbm>>
      %dma_start3A_258 = tpu.memref_slice %arg3[%add3A_122] : memref<131072xi32, #tpu.memory_space<hbm>> -> memref<128xi32, #tpu.memory_space<hbm>>
      tpu.enqueue_dma source(%dma_start3A_258 : memref<128xi32, #tpu.memory_space<hbm>>) target(%arg5 : memref<128xi32, #tpu.memory_space<vmem>>) target_semaphore(%run_scoped3A : memref<!tpu.dma_semaphore, #tpu.memory_space<semaphore_mem>>)
      %dma_wait3A_259 = tpu.memref_slice %arg3[%add3A_122] : memref<131072xi32, #tpu.memory_space<hbm>> -> memref<128xi32, #tpu.memory_space<hbm>>
      %dma_wait3A_260 = tpu.memref_slice %arg3[%add3A_122] : memref<131072xi32, #tpu.memory_space<hbm>> -> memref<128xi32, #tpu.memory_space<hbm>>
      tpu.wait_dma2 semaphore(%run_scoped3A : memref<!tpu.dma_semaphore, #tpu.memory_space<semaphore_mem>>) src(%dma_wait3A_260 : memref<128xi32, #tpu.memory_space<hbm>>) dst(%arg5 : memref<128xi32, #tpu.memory_space<vmem>>)
      tpu.yield
    }) : () -> ()
    %dma_start3A_123 = arith.constant 0 : i32
    %dma_start3A_124 = arith.constant 0 : i32
    %dma_start3A_125 = tpu.memref_slice %arg2[%dma_start3A_123, %dma_start3A_124] : memref<32768x128xf32, #tpu.memory_space<hbm>> -> memref<32768x128xf32, #tpu.memory_space<hbm>>
    tpu.enqueue_indirect_dma source(%dma_start3A_125 : memref<32768x128xf32, #tpu.memory_space<hbm>>) target(%arg6 : memref<128x128xf32, #tpu.memory_space<vmem>>) offsets(%arg5 : memref<128xi32, #tpu.memory_space<vmem>>) semaphore(%arg7 : memref<!tpu.dma_semaphore, #tpu.memory_space<semaphore_mem>>)
    %dma_wait3A_126 = arith.constant 0 : i32
    %dma_wait3A_127 = arith.constant 0 : i32
    %dma_wait3A_128 = tpu.memref_slice %arg2[%dma_wait3A_126, %dma_wait3A_127] : memref<32768x128xf32, #tpu.memory_space<hbm>> -> memref<32768x128xf32, #tpu.memory_space<hbm>>
    tpu.wait_indirect_dma semaphore(%arg7 : memref<!tpu.dma_semaphore, #tpu.memory_space<semaphore_mem>>) src(%dma_wait3A_128 : memref<32768x128xf32, #tpu.memory_space<hbm>>) dst(%arg6 : memref<128x128xf32, #tpu.memory_space<vmem>>)
    "tpu.region"() ({
      %run_scoped3A = tpu.sem_alloc : memref<!tpu.dma_semaphore, #tpu.memory_space<semaphore_mem>>
      %dma_start3A_257 = arith.constant 0 : i32
      %dma_start3A_258 = tpu.memref_slice %arg4[%add3A_122, %dma_start3A_257] : memref<131072x128xf32, #tpu.memory_space<hbm>> -> memref<128x128xf32, #tpu.memory_space<hbm>>
      %dma_start3A_259 = arith.constant 0 : i32
      %dma_start3A_260 = tpu.memref_slice %arg4[%add3A_122, %dma_start3A_259] : memref<131072x128xf32, #tpu.memory_space<hbm>> -> memref<128x128xf32, #tpu.memory_space<hbm>>
      tpu.enqueue_dma source(%arg6 : memref<128x128xf32, #tpu.memory_space<vmem>>) target(%dma_start3A_260 : memref<128x128xf32, #tpu.memory_space<hbm>>) target_semaphore(%run_scoped3A : memref<!tpu.dma_semaphore, #tpu.memory_space<semaphore_mem>>)
      %dma_wait3A_261 = arith.constant 0 : i32
      %dma_wait3A_262 = tpu.memref_slice %arg4[%add3A_122, %dma_wait3A_261] : memref<131072x128xf32, #tpu.memory_space<hbm>> -> memref<128x128xf32, #tpu.memory_space<hbm>>
      %dma_wait3A_263 = arith.constant 0 : i32
      %dma_wait3A_264 = tpu.memref_slice %arg4[%add3A_122, %dma_wait3A_263] : memref<131072x128xf32, #tpu.memory_space<hbm>> -> memref<128x128xf32, #tpu.memory_space<hbm>>
      tpu.wait_dma2 semaphore(%run_scoped3A : memref<!tpu.dma_semaphore, #tpu.memory_space<semaphore_mem>>) src(%arg6 : memref<128x128xf32, #tpu.memory_space<vmem>>) dst(%dma_wait3A_264 : memref<128x128xf32, #tpu.memory_space<hbm>>)
      tpu.yield
    }) : () -> ()
    %add3A_129 = arith.constant 2048 : i32
    %add3A_130 = arith.addi %mul3A_2, %add3A_129 : i32
    "tpu.region"() ({
      %run_scoped3A = tpu.sem_alloc : memref<!tpu.dma_semaphore, #tpu.memory_space<semaphore_mem>>
      %dma_start3A_257 = tpu.memref_slice %arg3[%add3A_130] : memref<131072xi32, #tpu.memory_space<hbm>> -> memref<128xi32, #tpu.memory_space<hbm>>
      %dma_start3A_258 = tpu.memref_slice %arg3[%add3A_130] : memref<131072xi32, #tpu.memory_space<hbm>> -> memref<128xi32, #tpu.memory_space<hbm>>
      tpu.enqueue_dma source(%dma_start3A_258 : memref<128xi32, #tpu.memory_space<hbm>>) target(%arg5 : memref<128xi32, #tpu.memory_space<vmem>>) target_semaphore(%run_scoped3A : memref<!tpu.dma_semaphore, #tpu.memory_space<semaphore_mem>>)
      %dma_wait3A_259 = tpu.memref_slice %arg3[%add3A_130] : memref<131072xi32, #tpu.memory_space<hbm>> -> memref<128xi32, #tpu.memory_space<hbm>>
      %dma_wait3A_260 = tpu.memref_slice %arg3[%add3A_130] : memref<131072xi32, #tpu.memory_space<hbm>> -> memref<128xi32, #tpu.memory_space<hbm>>
      tpu.wait_dma2 semaphore(%run_scoped3A : memref<!tpu.dma_semaphore, #tpu.memory_space<semaphore_mem>>) src(%dma_wait3A_260 : memref<128xi32, #tpu.memory_space<hbm>>) dst(%arg5 : memref<128xi32, #tpu.memory_space<vmem>>)
      tpu.yield
    }) : () -> ()
    %dma_start3A_131 = arith.constant 0 : i32
    %dma_start3A_132 = arith.constant 0 : i32
    %dma_start3A_133 = tpu.memref_slice %arg2[%dma_start3A_131, %dma_start3A_132] : memref<32768x128xf32, #tpu.memory_space<hbm>> -> memref<32768x128xf32, #tpu.memory_space<hbm>>
    tpu.enqueue_indirect_dma source(%dma_start3A_133 : memref<32768x128xf32, #tpu.memory_space<hbm>>) target(%arg6 : memref<128x128xf32, #tpu.memory_space<vmem>>) offsets(%arg5 : memref<128xi32, #tpu.memory_space<vmem>>) semaphore(%arg7 : memref<!tpu.dma_semaphore, #tpu.memory_space<semaphore_mem>>)
    %dma_wait3A_134 = arith.constant 0 : i32
    %dma_wait3A_135 = arith.constant 0 : i32
    %dma_wait3A_136 = tpu.memref_slice %arg2[%dma_wait3A_134, %dma_wait3A_135] : memref<32768x128xf32, #tpu.memory_space<hbm>> -> memref<32768x128xf32, #tpu.memory_space<hbm>>
    tpu.wait_indirect_dma semaphore(%arg7 : memref<!tpu.dma_semaphore, #tpu.memory_space<semaphore_mem>>) src(%dma_wait3A_136 : memref<32768x128xf32, #tpu.memory_space<hbm>>) dst(%arg6 : memref<128x128xf32, #tpu.memory_space<vmem>>)
    "tpu.region"() ({
      %run_scoped3A = tpu.sem_alloc : memref<!tpu.dma_semaphore, #tpu.memory_space<semaphore_mem>>
      %dma_start3A_257 = arith.constant 0 : i32
      %dma_start3A_258 = tpu.memref_slice %arg4[%add3A_130, %dma_start3A_257] : memref<131072x128xf32, #tpu.memory_space<hbm>> -> memref<128x128xf32, #tpu.memory_space<hbm>>
      %dma_start3A_259 = arith.constant 0 : i32
      %dma_start3A_260 = tpu.memref_slice %arg4[%add3A_130, %dma_start3A_259] : memref<131072x128xf32, #tpu.memory_space<hbm>> -> memref<128x128xf32, #tpu.memory_space<hbm>>
      tpu.enqueue_dma source(%arg6 : memref<128x128xf32, #tpu.memory_space<vmem>>) target(%dma_start3A_260 : memref<128x128xf32, #tpu.memory_space<hbm>>) target_semaphore(%run_scoped3A : memref<!tpu.dma_semaphore, #tpu.memory_space<semaphore_mem>>)
      %dma_wait3A_261 = arith.constant 0 : i32
      %dma_wait3A_262 = tpu.memref_slice %arg4[%add3A_130, %dma_wait3A_261] : memref<131072x128xf32, #tpu.memory_space<hbm>> -> memref<128x128xf32, #tpu.memory_space<hbm>>
      %dma_wait3A_263 = arith.constant 0 : i32
      %dma_wait3A_264 = tpu.memref_slice %arg4[%add3A_130, %dma_wait3A_263] : memref<131072x128xf32, #tpu.memory_space<hbm>> -> memref<128x128xf32, #tpu.memory_space<hbm>>
      tpu.wait_dma2 semaphore(%run_scoped3A : memref<!tpu.dma_semaphore, #tpu.memory_space<semaphore_mem>>) src(%arg6 : memref<128x128xf32, #tpu.memory_space<vmem>>) dst(%dma_wait3A_264 : memref<128x128xf32, #tpu.memory_space<hbm>>)
      tpu.yield
    }) : () -> ()
    %add3A_137 = arith.constant 2176 : i32
    %add3A_138 = arith.addi %mul3A_2, %add3A_137 : i32
    "tpu.region"() ({
      %run_scoped3A = tpu.sem_alloc : memref<!tpu.dma_semaphore, #tpu.memory_space<semaphore_mem>>
      %dma_start3A_257 = tpu.memref_slice %arg3[%add3A_138] : memref<131072xi32, #tpu.memory_space<hbm>> -> memref<128xi32, #tpu.memory_space<hbm>>
      %dma_start3A_258 = tpu.memref_slice %arg3[%add3A_138] : memref<131072xi32, #tpu.memory_space<hbm>> -> memref<128xi32, #tpu.memory_space<hbm>>
      tpu.enqueue_dma source(%dma_start3A_258 : memref<128xi32, #tpu.memory_space<hbm>>) target(%arg5 : memref<128xi32, #tpu.memory_space<vmem>>) target_semaphore(%run_scoped3A : memref<!tpu.dma_semaphore, #tpu.memory_space<semaphore_mem>>)
      %dma_wait3A_259 = tpu.memref_slice %arg3[%add3A_138] : memref<131072xi32, #tpu.memory_space<hbm>> -> memref<128xi32, #tpu.memory_space<hbm>>
      %dma_wait3A_260 = tpu.memref_slice %arg3[%add3A_138] : memref<131072xi32, #tpu.memory_space<hbm>> -> memref<128xi32, #tpu.memory_space<hbm>>
      tpu.wait_dma2 semaphore(%run_scoped3A : memref<!tpu.dma_semaphore, #tpu.memory_space<semaphore_mem>>) src(%dma_wait3A_260 : memref<128xi32, #tpu.memory_space<hbm>>) dst(%arg5 : memref<128xi32, #tpu.memory_space<vmem>>)
      tpu.yield
    }) : () -> ()
    %dma_start3A_139 = arith.constant 0 : i32
    %dma_start3A_140 = arith.constant 0 : i32
    %dma_start3A_141 = tpu.memref_slice %arg2[%dma_start3A_139, %dma_start3A_140] : memref<32768x128xf32, #tpu.memory_space<hbm>> -> memref<32768x128xf32, #tpu.memory_space<hbm>>
    tpu.enqueue_indirect_dma source(%dma_start3A_141 : memref<32768x128xf32, #tpu.memory_space<hbm>>) target(%arg6 : memref<128x128xf32, #tpu.memory_space<vmem>>) offsets(%arg5 : memref<128xi32, #tpu.memory_space<vmem>>) semaphore(%arg7 : memref<!tpu.dma_semaphore, #tpu.memory_space<semaphore_mem>>)
    %dma_wait3A_142 = arith.constant 0 : i32
    %dma_wait3A_143 = arith.constant 0 : i32
    %dma_wait3A_144 = tpu.memref_slice %arg2[%dma_wait3A_142, %dma_wait3A_143] : memref<32768x128xf32, #tpu.memory_space<hbm>> -> memref<32768x128xf32, #tpu.memory_space<hbm>>
    tpu.wait_indirect_dma semaphore(%arg7 : memref<!tpu.dma_semaphore, #tpu.memory_space<semaphore_mem>>) src(%dma_wait3A_144 : memref<32768x128xf32, #tpu.memory_space<hbm>>) dst(%arg6 : memref<128x128xf32, #tpu.memory_space<vmem>>)
    "tpu.region"() ({
      %run_scoped3A = tpu.sem_alloc : memref<!tpu.dma_semaphore, #tpu.memory_space<semaphore_mem>>
      %dma_start3A_257 = arith.constant 0 : i32
      %dma_start3A_258 = tpu.memref_slice %arg4[%add3A_138, %dma_start3A_257] : memref<131072x128xf32, #tpu.memory_space<hbm>> -> memref<128x128xf32, #tpu.memory_space<hbm>>
      %dma_start3A_259 = arith.constant 0 : i32
      %dma_start3A_260 = tpu.memref_slice %arg4[%add3A_138, %dma_start3A_259] : memref<131072x128xf32, #tpu.memory_space<hbm>> -> memref<128x128xf32, #tpu.memory_space<hbm>>
      tpu.enqueue_dma source(%arg6 : memref<128x128xf32, #tpu.memory_space<vmem>>) target(%dma_start3A_260 : memref<128x128xf32, #tpu.memory_space<hbm>>) target_semaphore(%run_scoped3A : memref<!tpu.dma_semaphore, #tpu.memory_space<semaphore_mem>>)
      %dma_wait3A_261 = arith.constant 0 : i32
      %dma_wait3A_262 = tpu.memref_slice %arg4[%add3A_138, %dma_wait3A_261] : memref<131072x128xf32, #tpu.memory_space<hbm>> -> memref<128x128xf32, #tpu.memory_space<hbm>>
      %dma_wait3A_263 = arith.constant 0 : i32
      %dma_wait3A_264 = tpu.memref_slice %arg4[%add3A_138, %dma_wait3A_263] : memref<131072x128xf32, #tpu.memory_space<hbm>> -> memref<128x128xf32, #tpu.memory_space<hbm>>
      tpu.wait_dma2 semaphore(%run_scoped3A : memref<!tpu.dma_semaphore, #tpu.memory_space<semaphore_mem>>) src(%arg6 : memref<128x128xf32, #tpu.memory_space<vmem>>) dst(%dma_wait3A_264 : memref<128x128xf32, #tpu.memory_space<hbm>>)
      tpu.yield
    }) : () -> ()
    %add3A_145 = arith.constant 2304 : i32
    %add3A_146 = arith.addi %mul3A_2, %add3A_145 : i32
    "tpu.region"() ({
      %run_scoped3A = tpu.sem_alloc : memref<!tpu.dma_semaphore, #tpu.memory_space<semaphore_mem>>
      %dma_start3A_257 = tpu.memref_slice %arg3[%add3A_146] : memref<131072xi32, #tpu.memory_space<hbm>> -> memref<128xi32, #tpu.memory_space<hbm>>
      %dma_start3A_258 = tpu.memref_slice %arg3[%add3A_146] : memref<131072xi32, #tpu.memory_space<hbm>> -> memref<128xi32, #tpu.memory_space<hbm>>
      tpu.enqueue_dma source(%dma_start3A_258 : memref<128xi32, #tpu.memory_space<hbm>>) target(%arg5 : memref<128xi32, #tpu.memory_space<vmem>>) target_semaphore(%run_scoped3A : memref<!tpu.dma_semaphore, #tpu.memory_space<semaphore_mem>>)
      %dma_wait3A_259 = tpu.memref_slice %arg3[%add3A_146] : memref<131072xi32, #tpu.memory_space<hbm>> -> memref<128xi32, #tpu.memory_space<hbm>>
      %dma_wait3A_260 = tpu.memref_slice %arg3[%add3A_146] : memref<131072xi32, #tpu.memory_space<hbm>> -> memref<128xi32, #tpu.memory_space<hbm>>
      tpu.wait_dma2 semaphore(%run_scoped3A : memref<!tpu.dma_semaphore, #tpu.memory_space<semaphore_mem>>) src(%dma_wait3A_260 : memref<128xi32, #tpu.memory_space<hbm>>) dst(%arg5 : memref<128xi32, #tpu.memory_space<vmem>>)
      tpu.yield
    }) : () -> ()
    %dma_start3A_147 = arith.constant 0 : i32
    %dma_start3A_148 = arith.constant 0 : i32
    %dma_start3A_149 = tpu.memref_slice %arg2[%dma_start3A_147, %dma_start3A_148] : memref<32768x128xf32, #tpu.memory_space<hbm>> -> memref<32768x128xf32, #tpu.memory_space<hbm>>
    tpu.enqueue_indirect_dma source(%dma_start3A_149 : memref<32768x128xf32, #tpu.memory_space<hbm>>) target(%arg6 : memref<128x128xf32, #tpu.memory_space<vmem>>) offsets(%arg5 : memref<128xi32, #tpu.memory_space<vmem>>) semaphore(%arg7 : memref<!tpu.dma_semaphore, #tpu.memory_space<semaphore_mem>>)
    %dma_wait3A_150 = arith.constant 0 : i32
    %dma_wait3A_151 = arith.constant 0 : i32
    %dma_wait3A_152 = tpu.memref_slice %arg2[%dma_wait3A_150, %dma_wait3A_151] : memref<32768x128xf32, #tpu.memory_space<hbm>> -> memref<32768x128xf32, #tpu.memory_space<hbm>>
    tpu.wait_indirect_dma semaphore(%arg7 : memref<!tpu.dma_semaphore, #tpu.memory_space<semaphore_mem>>) src(%dma_wait3A_152 : memref<32768x128xf32, #tpu.memory_space<hbm>>) dst(%arg6 : memref<128x128xf32, #tpu.memory_space<vmem>>)
    "tpu.region"() ({
      %run_scoped3A = tpu.sem_alloc : memref<!tpu.dma_semaphore, #tpu.memory_space<semaphore_mem>>
      %dma_start3A_257 = arith.constant 0 : i32
      %dma_start3A_258 = tpu.memref_slice %arg4[%add3A_146, %dma_start3A_257] : memref<131072x128xf32, #tpu.memory_space<hbm>> -> memref<128x128xf32, #tpu.memory_space<hbm>>
      %dma_start3A_259 = arith.constant 0 : i32
      %dma_start3A_260 = tpu.memref_slice %arg4[%add3A_146, %dma_start3A_259] : memref<131072x128xf32, #tpu.memory_space<hbm>> -> memref<128x128xf32, #tpu.memory_space<hbm>>
      tpu.enqueue_dma source(%arg6 : memref<128x128xf32, #tpu.memory_space<vmem>>) target(%dma_start3A_260 : memref<128x128xf32, #tpu.memory_space<hbm>>) target_semaphore(%run_scoped3A : memref<!tpu.dma_semaphore, #tpu.memory_space<semaphore_mem>>)
      %dma_wait3A_261 = arith.constant 0 : i32
      %dma_wait3A_262 = tpu.memref_slice %arg4[%add3A_146, %dma_wait3A_261] : memref<131072x128xf32, #tpu.memory_space<hbm>> -> memref<128x128xf32, #tpu.memory_space<hbm>>
      %dma_wait3A_263 = arith.constant 0 : i32
      %dma_wait3A_264 = tpu.memref_slice %arg4[%add3A_146, %dma_wait3A_263] : memref<131072x128xf32, #tpu.memory_space<hbm>> -> memref<128x128xf32, #tpu.memory_space<hbm>>
      tpu.wait_dma2 semaphore(%run_scoped3A : memref<!tpu.dma_semaphore, #tpu.memory_space<semaphore_mem>>) src(%arg6 : memref<128x128xf32, #tpu.memory_space<vmem>>) dst(%dma_wait3A_264 : memref<128x128xf32, #tpu.memory_space<hbm>>)
      tpu.yield
    }) : () -> ()
    %add3A_153 = arith.constant 2432 : i32
    %add3A_154 = arith.addi %mul3A_2, %add3A_153 : i32
    "tpu.region"() ({
      %run_scoped3A = tpu.sem_alloc : memref<!tpu.dma_semaphore, #tpu.memory_space<semaphore_mem>>
      %dma_start3A_257 = tpu.memref_slice %arg3[%add3A_154] : memref<131072xi32, #tpu.memory_space<hbm>> -> memref<128xi32, #tpu.memory_space<hbm>>
      %dma_start3A_258 = tpu.memref_slice %arg3[%add3A_154] : memref<131072xi32, #tpu.memory_space<hbm>> -> memref<128xi32, #tpu.memory_space<hbm>>
      tpu.enqueue_dma source(%dma_start3A_258 : memref<128xi32, #tpu.memory_space<hbm>>) target(%arg5 : memref<128xi32, #tpu.memory_space<vmem>>) target_semaphore(%run_scoped3A : memref<!tpu.dma_semaphore, #tpu.memory_space<semaphore_mem>>)
      %dma_wait3A_259 = tpu.memref_slice %arg3[%add3A_154] : memref<131072xi32, #tpu.memory_space<hbm>> -> memref<128xi32, #tpu.memory_space<hbm>>
      %dma_wait3A_260 = tpu.memref_slice %arg3[%add3A_154] : memref<131072xi32, #tpu.memory_space<hbm>> -> memref<128xi32, #tpu.memory_space<hbm>>
      tpu.wait_dma2 semaphore(%run_scoped3A : memref<!tpu.dma_semaphore, #tpu.memory_space<semaphore_mem>>) src(%dma_wait3A_260 : memref<128xi32, #tpu.memory_space<hbm>>) dst(%arg5 : memref<128xi32, #tpu.memory_space<vmem>>)
      tpu.yield
    }) : () -> ()
    %dma_start3A_155 = arith.constant 0 : i32
    %dma_start3A_156 = arith.constant 0 : i32
    %dma_start3A_157 = tpu.memref_slice %arg2[%dma_start3A_155, %dma_start3A_156] : memref<32768x128xf32, #tpu.memory_space<hbm>> -> memref<32768x128xf32, #tpu.memory_space<hbm>>
    tpu.enqueue_indirect_dma source(%dma_start3A_157 : memref<32768x128xf32, #tpu.memory_space<hbm>>) target(%arg6 : memref<128x128xf32, #tpu.memory_space<vmem>>) offsets(%arg5 : memref<128xi32, #tpu.memory_space<vmem>>) semaphore(%arg7 : memref<!tpu.dma_semaphore, #tpu.memory_space<semaphore_mem>>)
    %dma_wait3A_158 = arith.constant 0 : i32
    %dma_wait3A_159 = arith.constant 0 : i32
    %dma_wait3A_160 = tpu.memref_slice %arg2[%dma_wait3A_158, %dma_wait3A_159] : memref<32768x128xf32, #tpu.memory_space<hbm>> -> memref<32768x128xf32, #tpu.memory_space<hbm>>
    tpu.wait_indirect_dma semaphore(%arg7 : memref<!tpu.dma_semaphore, #tpu.memory_space<semaphore_mem>>) src(%dma_wait3A_160 : memref<32768x128xf32, #tpu.memory_space<hbm>>) dst(%arg6 : memref<128x128xf32, #tpu.memory_space<vmem>>)
    "tpu.region"() ({
      %run_scoped3A = tpu.sem_alloc : memref<!tpu.dma_semaphore, #tpu.memory_space<semaphore_mem>>
      %dma_start3A_257 = arith.constant 0 : i32
      %dma_start3A_258 = tpu.memref_slice %arg4[%add3A_154, %dma_start3A_257] : memref<131072x128xf32, #tpu.memory_space<hbm>> -> memref<128x128xf32, #tpu.memory_space<hbm>>
      %dma_start3A_259 = arith.constant 0 : i32
      %dma_start3A_260 = tpu.memref_slice %arg4[%add3A_154, %dma_start3A_259] : memref<131072x128xf32, #tpu.memory_space<hbm>> -> memref<128x128xf32, #tpu.memory_space<hbm>>
      tpu.enqueue_dma source(%arg6 : memref<128x128xf32, #tpu.memory_space<vmem>>) target(%dma_start3A_260 : memref<128x128xf32, #tpu.memory_space<hbm>>) target_semaphore(%run_scoped3A : memref<!tpu.dma_semaphore, #tpu.memory_space<semaphore_mem>>)
      %dma_wait3A_261 = arith.constant 0 : i32
      %dma_wait3A_262 = tpu.memref_slice %arg4[%add3A_154, %dma_wait3A_261] : memref<131072x128xf32, #tpu.memory_space<hbm>> -> memref<128x128xf32, #tpu.memory_space<hbm>>
      %dma_wait3A_263 = arith.constant 0 : i32
      %dma_wait3A_264 = tpu.memref_slice %arg4[%add3A_154, %dma_wait3A_263] : memref<131072x128xf32, #tpu.memory_space<hbm>> -> memref<128x128xf32, #tpu.memory_space<hbm>>
      tpu.wait_dma2 semaphore(%run_scoped3A : memref<!tpu.dma_semaphore, #tpu.memory_space<semaphore_mem>>) src(%arg6 : memref<128x128xf32, #tpu.memory_space<vmem>>) dst(%dma_wait3A_264 : memref<128x128xf32, #tpu.memory_space<hbm>>)
      tpu.yield
    }) : () -> ()
    %add3A_161 = arith.constant 2560 : i32
    %add3A_162 = arith.addi %mul3A_2, %add3A_161 : i32
    "tpu.region"() ({
      %run_scoped3A = tpu.sem_alloc : memref<!tpu.dma_semaphore, #tpu.memory_space<semaphore_mem>>
      %dma_start3A_257 = tpu.memref_slice %arg3[%add3A_162] : memref<131072xi32, #tpu.memory_space<hbm>> -> memref<128xi32, #tpu.memory_space<hbm>>
      %dma_start3A_258 = tpu.memref_slice %arg3[%add3A_162] : memref<131072xi32, #tpu.memory_space<hbm>> -> memref<128xi32, #tpu.memory_space<hbm>>
      tpu.enqueue_dma source(%dma_start3A_258 : memref<128xi32, #tpu.memory_space<hbm>>) target(%arg5 : memref<128xi32, #tpu.memory_space<vmem>>) target_semaphore(%run_scoped3A : memref<!tpu.dma_semaphore, #tpu.memory_space<semaphore_mem>>)
      %dma_wait3A_259 = tpu.memref_slice %arg3[%add3A_162] : memref<131072xi32, #tpu.memory_space<hbm>> -> memref<128xi32, #tpu.memory_space<hbm>>
      %dma_wait3A_260 = tpu.memref_slice %arg3[%add3A_162] : memref<131072xi32, #tpu.memory_space<hbm>> -> memref<128xi32, #tpu.memory_space<hbm>>
      tpu.wait_dma2 semaphore(%run_scoped3A : memref<!tpu.dma_semaphore, #tpu.memory_space<semaphore_mem>>) src(%dma_wait3A_260 : memref<128xi32, #tpu.memory_space<hbm>>) dst(%arg5 : memref<128xi32, #tpu.memory_space<vmem>>)
      tpu.yield
    }) : () -> ()
    %dma_start3A_163 = arith.constant 0 : i32
    %dma_start3A_164 = arith.constant 0 : i32
    %dma_start3A_165 = tpu.memref_slice %arg2[%dma_start3A_163, %dma_start3A_164] : memref<32768x128xf32, #tpu.memory_space<hbm>> -> memref<32768x128xf32, #tpu.memory_space<hbm>>
    tpu.enqueue_indirect_dma source(%dma_start3A_165 : memref<32768x128xf32, #tpu.memory_space<hbm>>) target(%arg6 : memref<128x128xf32, #tpu.memory_space<vmem>>) offsets(%arg5 : memref<128xi32, #tpu.memory_space<vmem>>) semaphore(%arg7 : memref<!tpu.dma_semaphore, #tpu.memory_space<semaphore_mem>>)
    %dma_wait3A_166 = arith.constant 0 : i32
    %dma_wait3A_167 = arith.constant 0 : i32
    %dma_wait3A_168 = tpu.memref_slice %arg2[%dma_wait3A_166, %dma_wait3A_167] : memref<32768x128xf32, #tpu.memory_space<hbm>> -> memref<32768x128xf32, #tpu.memory_space<hbm>>
    tpu.wait_indirect_dma semaphore(%arg7 : memref<!tpu.dma_semaphore, #tpu.memory_space<semaphore_mem>>) src(%dma_wait3A_168 : memref<32768x128xf32, #tpu.memory_space<hbm>>) dst(%arg6 : memref<128x128xf32, #tpu.memory_space<vmem>>)
    "tpu.region"() ({
      %run_scoped3A = tpu.sem_alloc : memref<!tpu.dma_semaphore, #tpu.memory_space<semaphore_mem>>
      %dma_start3A_257 = arith.constant 0 : i32
      %dma_start3A_258 = tpu.memref_slice %arg4[%add3A_162, %dma_start3A_257] : memref<131072x128xf32, #tpu.memory_space<hbm>> -> memref<128x128xf32, #tpu.memory_space<hbm>>
      %dma_start3A_259 = arith.constant 0 : i32
      %dma_start3A_260 = tpu.memref_slice %arg4[%add3A_162, %dma_start3A_259] : memref<131072x128xf32, #tpu.memory_space<hbm>> -> memref<128x128xf32, #tpu.memory_space<hbm>>
      tpu.enqueue_dma source(%arg6 : memref<128x128xf32, #tpu.memory_space<vmem>>) target(%dma_start3A_260 : memref<128x128xf32, #tpu.memory_space<hbm>>) target_semaphore(%run_scoped3A : memref<!tpu.dma_semaphore, #tpu.memory_space<semaphore_mem>>)
      %dma_wait3A_261 = arith.constant 0 : i32
      %dma_wait3A_262 = tpu.memref_slice %arg4[%add3A_162, %dma_wait3A_261] : memref<131072x128xf32, #tpu.memory_space<hbm>> -> memref<128x128xf32, #tpu.memory_space<hbm>>
      %dma_wait3A_263 = arith.constant 0 : i32
      %dma_wait3A_264 = tpu.memref_slice %arg4[%add3A_162, %dma_wait3A_263] : memref<131072x128xf32, #tpu.memory_space<hbm>> -> memref<128x128xf32, #tpu.memory_space<hbm>>
      tpu.wait_dma2 semaphore(%run_scoped3A : memref<!tpu.dma_semaphore, #tpu.memory_space<semaphore_mem>>) src(%arg6 : memref<128x128xf32, #tpu.memory_space<vmem>>) dst(%dma_wait3A_264 : memref<128x128xf32, #tpu.memory_space<hbm>>)
      tpu.yield
    }) : () -> ()
    %add3A_169 = arith.constant 2688 : i32
    %add3A_170 = arith.addi %mul3A_2, %add3A_169 : i32
    "tpu.region"() ({
      %run_scoped3A = tpu.sem_alloc : memref<!tpu.dma_semaphore, #tpu.memory_space<semaphore_mem>>
      %dma_start3A_257 = tpu.memref_slice %arg3[%add3A_170] : memref<131072xi32, #tpu.memory_space<hbm>> -> memref<128xi32, #tpu.memory_space<hbm>>
      %dma_start3A_258 = tpu.memref_slice %arg3[%add3A_170] : memref<131072xi32, #tpu.memory_space<hbm>> -> memref<128xi32, #tpu.memory_space<hbm>>
      tpu.enqueue_dma source(%dma_start3A_258 : memref<128xi32, #tpu.memory_space<hbm>>) target(%arg5 : memref<128xi32, #tpu.memory_space<vmem>>) target_semaphore(%run_scoped3A : memref<!tpu.dma_semaphore, #tpu.memory_space<semaphore_mem>>)
      %dma_wait3A_259 = tpu.memref_slice %arg3[%add3A_170] : memref<131072xi32, #tpu.memory_space<hbm>> -> memref<128xi32, #tpu.memory_space<hbm>>
      %dma_wait3A_260 = tpu.memref_slice %arg3[%add3A_170] : memref<131072xi32, #tpu.memory_space<hbm>> -> memref<128xi32, #tpu.memory_space<hbm>>
      tpu.wait_dma2 semaphore(%run_scoped3A : memref<!tpu.dma_semaphore, #tpu.memory_space<semaphore_mem>>) src(%dma_wait3A_260 : memref<128xi32, #tpu.memory_space<hbm>>) dst(%arg5 : memref<128xi32, #tpu.memory_space<vmem>>)
      tpu.yield
    }) : () -> ()
    %dma_start3A_171 = arith.constant 0 : i32
    %dma_start3A_172 = arith.constant 0 : i32
    %dma_start3A_173 = tpu.memref_slice %arg2[%dma_start3A_171, %dma_start3A_172] : memref<32768x128xf32, #tpu.memory_space<hbm>> -> memref<32768x128xf32, #tpu.memory_space<hbm>>
    tpu.enqueue_indirect_dma source(%dma_start3A_173 : memref<32768x128xf32, #tpu.memory_space<hbm>>) target(%arg6 : memref<128x128xf32, #tpu.memory_space<vmem>>) offsets(%arg5 : memref<128xi32, #tpu.memory_space<vmem>>) semaphore(%arg7 : memref<!tpu.dma_semaphore, #tpu.memory_space<semaphore_mem>>)
    %dma_wait3A_174 = arith.constant 0 : i32
    %dma_wait3A_175 = arith.constant 0 : i32
    %dma_wait3A_176 = tpu.memref_slice %arg2[%dma_wait3A_174, %dma_wait3A_175] : memref<32768x128xf32, #tpu.memory_space<hbm>> -> memref<32768x128xf32, #tpu.memory_space<hbm>>
    tpu.wait_indirect_dma semaphore(%arg7 : memref<!tpu.dma_semaphore, #tpu.memory_space<semaphore_mem>>) src(%dma_wait3A_176 : memref<32768x128xf32, #tpu.memory_space<hbm>>) dst(%arg6 : memref<128x128xf32, #tpu.memory_space<vmem>>)
    "tpu.region"() ({
      %run_scoped3A = tpu.sem_alloc : memref<!tpu.dma_semaphore, #tpu.memory_space<semaphore_mem>>
      %dma_start3A_257 = arith.constant 0 : i32
      %dma_start3A_258 = tpu.memref_slice %arg4[%add3A_170, %dma_start3A_257] : memref<131072x128xf32, #tpu.memory_space<hbm>> -> memref<128x128xf32, #tpu.memory_space<hbm>>
      %dma_start3A_259 = arith.constant 0 : i32
      %dma_start3A_260 = tpu.memref_slice %arg4[%add3A_170, %dma_start3A_259] : memref<131072x128xf32, #tpu.memory_space<hbm>> -> memref<128x128xf32, #tpu.memory_space<hbm>>
      tpu.enqueue_dma source(%arg6 : memref<128x128xf32, #tpu.memory_space<vmem>>) target(%dma_start3A_260 : memref<128x128xf32, #tpu.memory_space<hbm>>) target_semaphore(%run_scoped3A : memref<!tpu.dma_semaphore, #tpu.memory_space<semaphore_mem>>)
      %dma_wait3A_261 = arith.constant 0 : i32
      %dma_wait3A_262 = tpu.memref_slice %arg4[%add3A_170, %dma_wait3A_261] : memref<131072x128xf32, #tpu.memory_space<hbm>> -> memref<128x128xf32, #tpu.memory_space<hbm>>
      %dma_wait3A_263 = arith.constant 0 : i32
      %dma_wait3A_264 = tpu.memref_slice %arg4[%add3A_170, %dma_wait3A_263] : memref<131072x128xf32, #tpu.memory_space<hbm>> -> memref<128x128xf32, #tpu.memory_space<hbm>>
      tpu.wait_dma2 semaphore(%run_scoped3A : memref<!tpu.dma_semaphore, #tpu.memory_space<semaphore_mem>>) src(%arg6 : memref<128x128xf32, #tpu.memory_space<vmem>>) dst(%dma_wait3A_264 : memref<128x128xf32, #tpu.memory_space<hbm>>)
      tpu.yield
    }) : () -> ()
    %add3A_177 = arith.constant 2816 : i32
    %add3A_178 = arith.addi %mul3A_2, %add3A_177 : i32
    "tpu.region"() ({
      %run_scoped3A = tpu.sem_alloc : memref<!tpu.dma_semaphore, #tpu.memory_space<semaphore_mem>>
      %dma_start3A_257 = tpu.memref_slice %arg3[%add3A_178] : memref<131072xi32, #tpu.memory_space<hbm>> -> memref<128xi32, #tpu.memory_space<hbm>>
      %dma_start3A_258 = tpu.memref_slice %arg3[%add3A_178] : memref<131072xi32, #tpu.memory_space<hbm>> -> memref<128xi32, #tpu.memory_space<hbm>>
      tpu.enqueue_dma source(%dma_start3A_258 : memref<128xi32, #tpu.memory_space<hbm>>) target(%arg5 : memref<128xi32, #tpu.memory_space<vmem>>) target_semaphore(%run_scoped3A : memref<!tpu.dma_semaphore, #tpu.memory_space<semaphore_mem>>)
      %dma_wait3A_259 = tpu.memref_slice %arg3[%add3A_178] : memref<131072xi32, #tpu.memory_space<hbm>> -> memref<128xi32, #tpu.memory_space<hbm>>
      %dma_wait3A_260 = tpu.memref_slice %arg3[%add3A_178] : memref<131072xi32, #tpu.memory_space<hbm>> -> memref<128xi32, #tpu.memory_space<hbm>>
      tpu.wait_dma2 semaphore(%run_scoped3A : memref<!tpu.dma_semaphore, #tpu.memory_space<semaphore_mem>>) src(%dma_wait3A_260 : memref<128xi32, #tpu.memory_space<hbm>>) dst(%arg5 : memref<128xi32, #tpu.memory_space<vmem>>)
      tpu.yield
    }) : () -> ()
    %dma_start3A_179 = arith.constant 0 : i32
    %dma_start3A_180 = arith.constant 0 : i32
    %dma_start3A_181 = tpu.memref_slice %arg2[%dma_start3A_179, %dma_start3A_180] : memref<32768x128xf32, #tpu.memory_space<hbm>> -> memref<32768x128xf32, #tpu.memory_space<hbm>>
    tpu.enqueue_indirect_dma source(%dma_start3A_181 : memref<32768x128xf32, #tpu.memory_space<hbm>>) target(%arg6 : memref<128x128xf32, #tpu.memory_space<vmem>>) offsets(%arg5 : memref<128xi32, #tpu.memory_space<vmem>>) semaphore(%arg7 : memref<!tpu.dma_semaphore, #tpu.memory_space<semaphore_mem>>)
    %dma_wait3A_182 = arith.constant 0 : i32
    %dma_wait3A_183 = arith.constant 0 : i32
    %dma_wait3A_184 = tpu.memref_slice %arg2[%dma_wait3A_182, %dma_wait3A_183] : memref<32768x128xf32, #tpu.memory_space<hbm>> -> memref<32768x128xf32, #tpu.memory_space<hbm>>
    tpu.wait_indirect_dma semaphore(%arg7 : memref<!tpu.dma_semaphore, #tpu.memory_space<semaphore_mem>>) src(%dma_wait3A_184 : memref<32768x128xf32, #tpu.memory_space<hbm>>) dst(%arg6 : memref<128x128xf32, #tpu.memory_space<vmem>>)
    "tpu.region"() ({
      %run_scoped3A = tpu.sem_alloc : memref<!tpu.dma_semaphore, #tpu.memory_space<semaphore_mem>>
      %dma_start3A_257 = arith.constant 0 : i32
      %dma_start3A_258 = tpu.memref_slice %arg4[%add3A_178, %dma_start3A_257] : memref<131072x128xf32, #tpu.memory_space<hbm>> -> memref<128x128xf32, #tpu.memory_space<hbm>>
      %dma_start3A_259 = arith.constant 0 : i32
      %dma_start3A_260 = tpu.memref_slice %arg4[%add3A_178, %dma_start3A_259] : memref<131072x128xf32, #tpu.memory_space<hbm>> -> memref<128x128xf32, #tpu.memory_space<hbm>>
      tpu.enqueue_dma source(%arg6 : memref<128x128xf32, #tpu.memory_space<vmem>>) target(%dma_start3A_260 : memref<128x128xf32, #tpu.memory_space<hbm>>) target_semaphore(%run_scoped3A : memref<!tpu.dma_semaphore, #tpu.memory_space<semaphore_mem>>)
      %dma_wait3A_261 = arith.constant 0 : i32
      %dma_wait3A_262 = tpu.memref_slice %arg4[%add3A_178, %dma_wait3A_261] : memref<131072x128xf32, #tpu.memory_space<hbm>> -> memref<128x128xf32, #tpu.memory_space<hbm>>
      %dma_wait3A_263 = arith.constant 0 : i32
      %dma_wait3A_264 = tpu.memref_slice %arg4[%add3A_178, %dma_wait3A_263] : memref<131072x128xf32, #tpu.memory_space<hbm>> -> memref<128x128xf32, #tpu.memory_space<hbm>>
      tpu.wait_dma2 semaphore(%run_scoped3A : memref<!tpu.dma_semaphore, #tpu.memory_space<semaphore_mem>>) src(%arg6 : memref<128x128xf32, #tpu.memory_space<vmem>>) dst(%dma_wait3A_264 : memref<128x128xf32, #tpu.memory_space<hbm>>)
      tpu.yield
    }) : () -> ()
    %add3A_185 = arith.constant 2944 : i32
    %add3A_186 = arith.addi %mul3A_2, %add3A_185 : i32
    "tpu.region"() ({
      %run_scoped3A = tpu.sem_alloc : memref<!tpu.dma_semaphore, #tpu.memory_space<semaphore_mem>>
      %dma_start3A_257 = tpu.memref_slice %arg3[%add3A_186] : memref<131072xi32, #tpu.memory_space<hbm>> -> memref<128xi32, #tpu.memory_space<hbm>>
      %dma_start3A_258 = tpu.memref_slice %arg3[%add3A_186] : memref<131072xi32, #tpu.memory_space<hbm>> -> memref<128xi32, #tpu.memory_space<hbm>>
      tpu.enqueue_dma source(%dma_start3A_258 : memref<128xi32, #tpu.memory_space<hbm>>) target(%arg5 : memref<128xi32, #tpu.memory_space<vmem>>) target_semaphore(%run_scoped3A : memref<!tpu.dma_semaphore, #tpu.memory_space<semaphore_mem>>)
      %dma_wait3A_259 = tpu.memref_slice %arg3[%add3A_186] : memref<131072xi32, #tpu.memory_space<hbm>> -> memref<128xi32, #tpu.memory_space<hbm>>
      %dma_wait3A_260 = tpu.memref_slice %arg3[%add3A_186] : memref<131072xi32, #tpu.memory_space<hbm>> -> memref<128xi32, #tpu.memory_space<hbm>>
      tpu.wait_dma2 semaphore(%run_scoped3A : memref<!tpu.dma_semaphore, #tpu.memory_space<semaphore_mem>>) src(%dma_wait3A_260 : memref<128xi32, #tpu.memory_space<hbm>>) dst(%arg5 : memref<128xi32, #tpu.memory_space<vmem>>)
      tpu.yield
    }) : () -> ()
    %dma_start3A_187 = arith.constant 0 : i32
    %dma_start3A_188 = arith.constant 0 : i32
    %dma_start3A_189 = tpu.memref_slice %arg2[%dma_start3A_187, %dma_start3A_188] : memref<32768x128xf32, #tpu.memory_space<hbm>> -> memref<32768x128xf32, #tpu.memory_space<hbm>>
    tpu.enqueue_indirect_dma source(%dma_start3A_189 : memref<32768x128xf32, #tpu.memory_space<hbm>>) target(%arg6 : memref<128x128xf32, #tpu.memory_space<vmem>>) offsets(%arg5 : memref<128xi32, #tpu.memory_space<vmem>>) semaphore(%arg7 : memref<!tpu.dma_semaphore, #tpu.memory_space<semaphore_mem>>)
    %dma_wait3A_190 = arith.constant 0 : i32
    %dma_wait3A_191 = arith.constant 0 : i32
    %dma_wait3A_192 = tpu.memref_slice %arg2[%dma_wait3A_190, %dma_wait3A_191] : memref<32768x128xf32, #tpu.memory_space<hbm>> -> memref<32768x128xf32, #tpu.memory_space<hbm>>
    tpu.wait_indirect_dma semaphore(%arg7 : memref<!tpu.dma_semaphore, #tpu.memory_space<semaphore_mem>>) src(%dma_wait3A_192 : memref<32768x128xf32, #tpu.memory_space<hbm>>) dst(%arg6 : memref<128x128xf32, #tpu.memory_space<vmem>>)
    "tpu.region"() ({
      %run_scoped3A = tpu.sem_alloc : memref<!tpu.dma_semaphore, #tpu.memory_space<semaphore_mem>>
      %dma_start3A_257 = arith.constant 0 : i32
      %dma_start3A_258 = tpu.memref_slice %arg4[%add3A_186, %dma_start3A_257] : memref<131072x128xf32, #tpu.memory_space<hbm>> -> memref<128x128xf32, #tpu.memory_space<hbm>>
      %dma_start3A_259 = arith.constant 0 : i32
      %dma_start3A_260 = tpu.memref_slice %arg4[%add3A_186, %dma_start3A_259] : memref<131072x128xf32, #tpu.memory_space<hbm>> -> memref<128x128xf32, #tpu.memory_space<hbm>>
      tpu.enqueue_dma source(%arg6 : memref<128x128xf32, #tpu.memory_space<vmem>>) target(%dma_start3A_260 : memref<128x128xf32, #tpu.memory_space<hbm>>) target_semaphore(%run_scoped3A : memref<!tpu.dma_semaphore, #tpu.memory_space<semaphore_mem>>)
      %dma_wait3A_261 = arith.constant 0 : i32
      %dma_wait3A_262 = tpu.memref_slice %arg4[%add3A_186, %dma_wait3A_261] : memref<131072x128xf32, #tpu.memory_space<hbm>> -> memref<128x128xf32, #tpu.memory_space<hbm>>
      %dma_wait3A_263 = arith.constant 0 : i32
      %dma_wait3A_264 = tpu.memref_slice %arg4[%add3A_186, %dma_wait3A_263] : memref<131072x128xf32, #tpu.memory_space<hbm>> -> memref<128x128xf32, #tpu.memory_space<hbm>>
      tpu.wait_dma2 semaphore(%run_scoped3A : memref<!tpu.dma_semaphore, #tpu.memory_space<semaphore_mem>>) src(%arg6 : memref<128x128xf32, #tpu.memory_space<vmem>>) dst(%dma_wait3A_264 : memref<128x128xf32, #tpu.memory_space<hbm>>)
      tpu.yield
    }) : () -> ()
    %add3A_193 = arith.constant 3072 : i32
    %add3A_194 = arith.addi %mul3A_2, %add3A_193 : i32
    "tpu.region"() ({
      %run_scoped3A = tpu.sem_alloc : memref<!tpu.dma_semaphore, #tpu.memory_space<semaphore_mem>>
      %dma_start3A_257 = tpu.memref_slice %arg3[%add3A_194] : memref<131072xi32, #tpu.memory_space<hbm>> -> memref<128xi32, #tpu.memory_space<hbm>>
      %dma_start3A_258 = tpu.memref_slice %arg3[%add3A_194] : memref<131072xi32, #tpu.memory_space<hbm>> -> memref<128xi32, #tpu.memory_space<hbm>>
      tpu.enqueue_dma source(%dma_start3A_258 : memref<128xi32, #tpu.memory_space<hbm>>) target(%arg5 : memref<128xi32, #tpu.memory_space<vmem>>) target_semaphore(%run_scoped3A : memref<!tpu.dma_semaphore, #tpu.memory_space<semaphore_mem>>)
      %dma_wait3A_259 = tpu.memref_slice %arg3[%add3A_194] : memref<131072xi32, #tpu.memory_space<hbm>> -> memref<128xi32, #tpu.memory_space<hbm>>
      %dma_wait3A_260 = tpu.memref_slice %arg3[%add3A_194] : memref<131072xi32, #tpu.memory_space<hbm>> -> memref<128xi32, #tpu.memory_space<hbm>>
      tpu.wait_dma2 semaphore(%run_scoped3A : memref<!tpu.dma_semaphore, #tpu.memory_space<semaphore_mem>>) src(%dma_wait3A_260 : memref<128xi32, #tpu.memory_space<hbm>>) dst(%arg5 : memref<128xi32, #tpu.memory_space<vmem>>)
      tpu.yield
    }) : () -> ()
    %dma_start3A_195 = arith.constant 0 : i32
    %dma_start3A_196 = arith.constant 0 : i32
    %dma_start3A_197 = tpu.memref_slice %arg2[%dma_start3A_195, %dma_start3A_196] : memref<32768x128xf32, #tpu.memory_space<hbm>> -> memref<32768x128xf32, #tpu.memory_space<hbm>>
    tpu.enqueue_indirect_dma source(%dma_start3A_197 : memref<32768x128xf32, #tpu.memory_space<hbm>>) target(%arg6 : memref<128x128xf32, #tpu.memory_space<vmem>>) offsets(%arg5 : memref<128xi32, #tpu.memory_space<vmem>>) semaphore(%arg7 : memref<!tpu.dma_semaphore, #tpu.memory_space<semaphore_mem>>)
    %dma_wait3A_198 = arith.constant 0 : i32
    %dma_wait3A_199 = arith.constant 0 : i32
    %dma_wait3A_200 = tpu.memref_slice %arg2[%dma_wait3A_198, %dma_wait3A_199] : memref<32768x128xf32, #tpu.memory_space<hbm>> -> memref<32768x128xf32, #tpu.memory_space<hbm>>
    tpu.wait_indirect_dma semaphore(%arg7 : memref<!tpu.dma_semaphore, #tpu.memory_space<semaphore_mem>>) src(%dma_wait3A_200 : memref<32768x128xf32, #tpu.memory_space<hbm>>) dst(%arg6 : memref<128x128xf32, #tpu.memory_space<vmem>>)
    "tpu.region"() ({
      %run_scoped3A = tpu.sem_alloc : memref<!tpu.dma_semaphore, #tpu.memory_space<semaphore_mem>>
      %dma_start3A_257 = arith.constant 0 : i32
      %dma_start3A_258 = tpu.memref_slice %arg4[%add3A_194, %dma_start3A_257] : memref<131072x128xf32, #tpu.memory_space<hbm>> -> memref<128x128xf32, #tpu.memory_space<hbm>>
      %dma_start3A_259 = arith.constant 0 : i32
      %dma_start3A_260 = tpu.memref_slice %arg4[%add3A_194, %dma_start3A_259] : memref<131072x128xf32, #tpu.memory_space<hbm>> -> memref<128x128xf32, #tpu.memory_space<hbm>>
      tpu.enqueue_dma source(%arg6 : memref<128x128xf32, #tpu.memory_space<vmem>>) target(%dma_start3A_260 : memref<128x128xf32, #tpu.memory_space<hbm>>) target_semaphore(%run_scoped3A : memref<!tpu.dma_semaphore, #tpu.memory_space<semaphore_mem>>)
      %dma_wait3A_261 = arith.constant 0 : i32
      %dma_wait3A_262 = tpu.memref_slice %arg4[%add3A_194, %dma_wait3A_261] : memref<131072x128xf32, #tpu.memory_space<hbm>> -> memref<128x128xf32, #tpu.memory_space<hbm>>
      %dma_wait3A_263 = arith.constant 0 : i32
      %dma_wait3A_264 = tpu.memref_slice %arg4[%add3A_194, %dma_wait3A_263] : memref<131072x128xf32, #tpu.memory_space<hbm>> -> memref<128x128xf32, #tpu.memory_space<hbm>>
      tpu.wait_dma2 semaphore(%run_scoped3A : memref<!tpu.dma_semaphore, #tpu.memory_space<semaphore_mem>>) src(%arg6 : memref<128x128xf32, #tpu.memory_space<vmem>>) dst(%dma_wait3A_264 : memref<128x128xf32, #tpu.memory_space<hbm>>)
      tpu.yield
    }) : () -> ()
    %add3A_201 = arith.constant 3200 : i32
    %add3A_202 = arith.addi %mul3A_2, %add3A_201 : i32
    "tpu.region"() ({
      %run_scoped3A = tpu.sem_alloc : memref<!tpu.dma_semaphore, #tpu.memory_space<semaphore_mem>>
      %dma_start3A_257 = tpu.memref_slice %arg3[%add3A_202] : memref<131072xi32, #tpu.memory_space<hbm>> -> memref<128xi32, #tpu.memory_space<hbm>>
      %dma_start3A_258 = tpu.memref_slice %arg3[%add3A_202] : memref<131072xi32, #tpu.memory_space<hbm>> -> memref<128xi32, #tpu.memory_space<hbm>>
      tpu.enqueue_dma source(%dma_start3A_258 : memref<128xi32, #tpu.memory_space<hbm>>) target(%arg5 : memref<128xi32, #tpu.memory_space<vmem>>) target_semaphore(%run_scoped3A : memref<!tpu.dma_semaphore, #tpu.memory_space<semaphore_mem>>)
      %dma_wait3A_259 = tpu.memref_slice %arg3[%add3A_202] : memref<131072xi32, #tpu.memory_space<hbm>> -> memref<128xi32, #tpu.memory_space<hbm>>
      %dma_wait3A_260 = tpu.memref_slice %arg3[%add3A_202] : memref<131072xi32, #tpu.memory_space<hbm>> -> memref<128xi32, #tpu.memory_space<hbm>>
      tpu.wait_dma2 semaphore(%run_scoped3A : memref<!tpu.dma_semaphore, #tpu.memory_space<semaphore_mem>>) src(%dma_wait3A_260 : memref<128xi32, #tpu.memory_space<hbm>>) dst(%arg5 : memref<128xi32, #tpu.memory_space<vmem>>)
      tpu.yield
    }) : () -> ()
    %dma_start3A_203 = arith.constant 0 : i32
    %dma_start3A_204 = arith.constant 0 : i32
    %dma_start3A_205 = tpu.memref_slice %arg2[%dma_start3A_203, %dma_start3A_204] : memref<32768x128xf32, #tpu.memory_space<hbm>> -> memref<32768x128xf32, #tpu.memory_space<hbm>>
    tpu.enqueue_indirect_dma source(%dma_start3A_205 : memref<32768x128xf32, #tpu.memory_space<hbm>>) target(%arg6 : memref<128x128xf32, #tpu.memory_space<vmem>>) offsets(%arg5 : memref<128xi32, #tpu.memory_space<vmem>>) semaphore(%arg7 : memref<!tpu.dma_semaphore, #tpu.memory_space<semaphore_mem>>)
    %dma_wait3A_206 = arith.constant 0 : i32
    %dma_wait3A_207 = arith.constant 0 : i32
    %dma_wait3A_208 = tpu.memref_slice %arg2[%dma_wait3A_206, %dma_wait3A_207] : memref<32768x128xf32, #tpu.memory_space<hbm>> -> memref<32768x128xf32, #tpu.memory_space<hbm>>
    tpu.wait_indirect_dma semaphore(%arg7 : memref<!tpu.dma_semaphore, #tpu.memory_space<semaphore_mem>>) src(%dma_wait3A_208 : memref<32768x128xf32, #tpu.memory_space<hbm>>) dst(%arg6 : memref<128x128xf32, #tpu.memory_space<vmem>>)
    "tpu.region"() ({
      %run_scoped3A = tpu.sem_alloc : memref<!tpu.dma_semaphore, #tpu.memory_space<semaphore_mem>>
      %dma_start3A_257 = arith.constant 0 : i32
      %dma_start3A_258 = tpu.memref_slice %arg4[%add3A_202, %dma_start3A_257] : memref<131072x128xf32, #tpu.memory_space<hbm>> -> memref<128x128xf32, #tpu.memory_space<hbm>>
      %dma_start3A_259 = arith.constant 0 : i32
      %dma_start3A_260 = tpu.memref_slice %arg4[%add3A_202, %dma_start3A_259] : memref<131072x128xf32, #tpu.memory_space<hbm>> -> memref<128x128xf32, #tpu.memory_space<hbm>>
      tpu.enqueue_dma source(%arg6 : memref<128x128xf32, #tpu.memory_space<vmem>>) target(%dma_start3A_260 : memref<128x128xf32, #tpu.memory_space<hbm>>) target_semaphore(%run_scoped3A : memref<!tpu.dma_semaphore, #tpu.memory_space<semaphore_mem>>)
      %dma_wait3A_261 = arith.constant 0 : i32
      %dma_wait3A_262 = tpu.memref_slice %arg4[%add3A_202, %dma_wait3A_261] : memref<131072x128xf32, #tpu.memory_space<hbm>> -> memref<128x128xf32, #tpu.memory_space<hbm>>
      %dma_wait3A_263 = arith.constant 0 : i32
      %dma_wait3A_264 = tpu.memref_slice %arg4[%add3A_202, %dma_wait3A_263] : memref<131072x128xf32, #tpu.memory_space<hbm>> -> memref<128x128xf32, #tpu.memory_space<hbm>>
      tpu.wait_dma2 semaphore(%run_scoped3A : memref<!tpu.dma_semaphore, #tpu.memory_space<semaphore_mem>>) src(%arg6 : memref<128x128xf32, #tpu.memory_space<vmem>>) dst(%dma_wait3A_264 : memref<128x128xf32, #tpu.memory_space<hbm>>)
      tpu.yield
    }) : () -> ()
    %add3A_209 = arith.constant 3328 : i32
    %add3A_210 = arith.addi %mul3A_2, %add3A_209 : i32
    "tpu.region"() ({
      %run_scoped3A = tpu.sem_alloc : memref<!tpu.dma_semaphore, #tpu.memory_space<semaphore_mem>>
      %dma_start3A_257 = tpu.memref_slice %arg3[%add3A_210] : memref<131072xi32, #tpu.memory_space<hbm>> -> memref<128xi32, #tpu.memory_space<hbm>>
      %dma_start3A_258 = tpu.memref_slice %arg3[%add3A_210] : memref<131072xi32, #tpu.memory_space<hbm>> -> memref<128xi32, #tpu.memory_space<hbm>>
      tpu.enqueue_dma source(%dma_start3A_258 : memref<128xi32, #tpu.memory_space<hbm>>) target(%arg5 : memref<128xi32, #tpu.memory_space<vmem>>) target_semaphore(%run_scoped3A : memref<!tpu.dma_semaphore, #tpu.memory_space<semaphore_mem>>)
      %dma_wait3A_259 = tpu.memref_slice %arg3[%add3A_210] : memref<131072xi32, #tpu.memory_space<hbm>> -> memref<128xi32, #tpu.memory_space<hbm>>
      %dma_wait3A_260 = tpu.memref_slice %arg3[%add3A_210] : memref<131072xi32, #tpu.memory_space<hbm>> -> memref<128xi32, #tpu.memory_space<hbm>>
      tpu.wait_dma2 semaphore(%run_scoped3A : memref<!tpu.dma_semaphore, #tpu.memory_space<semaphore_mem>>) src(%dma_wait3A_260 : memref<128xi32, #tpu.memory_space<hbm>>) dst(%arg5 : memref<128xi32, #tpu.memory_space<vmem>>)
      tpu.yield
    }) : () -> ()
    %dma_start3A_211 = arith.constant 0 : i32
    %dma_start3A_212 = arith.constant 0 : i32
    %dma_start3A_213 = tpu.memref_slice %arg2[%dma_start3A_211, %dma_start3A_212] : memref<32768x128xf32, #tpu.memory_space<hbm>> -> memref<32768x128xf32, #tpu.memory_space<hbm>>
    tpu.enqueue_indirect_dma source(%dma_start3A_213 : memref<32768x128xf32, #tpu.memory_space<hbm>>) target(%arg6 : memref<128x128xf32, #tpu.memory_space<vmem>>) offsets(%arg5 : memref<128xi32, #tpu.memory_space<vmem>>) semaphore(%arg7 : memref<!tpu.dma_semaphore, #tpu.memory_space<semaphore_mem>>)
    %dma_wait3A_214 = arith.constant 0 : i32
    %dma_wait3A_215 = arith.constant 0 : i32
    %dma_wait3A_216 = tpu.memref_slice %arg2[%dma_wait3A_214, %dma_wait3A_215] : memref<32768x128xf32, #tpu.memory_space<hbm>> -> memref<32768x128xf32, #tpu.memory_space<hbm>>
    tpu.wait_indirect_dma semaphore(%arg7 : memref<!tpu.dma_semaphore, #tpu.memory_space<semaphore_mem>>) src(%dma_wait3A_216 : memref<32768x128xf32, #tpu.memory_space<hbm>>) dst(%arg6 : memref<128x128xf32, #tpu.memory_space<vmem>>)
    "tpu.region"() ({
      %run_scoped3A = tpu.sem_alloc : memref<!tpu.dma_semaphore, #tpu.memory_space<semaphore_mem>>
      %dma_start3A_257 = arith.constant 0 : i32
      %dma_start3A_258 = tpu.memref_slice %arg4[%add3A_210, %dma_start3A_257] : memref<131072x128xf32, #tpu.memory_space<hbm>> -> memref<128x128xf32, #tpu.memory_space<hbm>>
      %dma_start3A_259 = arith.constant 0 : i32
      %dma_start3A_260 = tpu.memref_slice %arg4[%add3A_210, %dma_start3A_259] : memref<131072x128xf32, #tpu.memory_space<hbm>> -> memref<128x128xf32, #tpu.memory_space<hbm>>
      tpu.enqueue_dma source(%arg6 : memref<128x128xf32, #tpu.memory_space<vmem>>) target(%dma_start3A_260 : memref<128x128xf32, #tpu.memory_space<hbm>>) target_semaphore(%run_scoped3A : memref<!tpu.dma_semaphore, #tpu.memory_space<semaphore_mem>>)
      %dma_wait3A_261 = arith.constant 0 : i32
      %dma_wait3A_262 = tpu.memref_slice %arg4[%add3A_210, %dma_wait3A_261] : memref<131072x128xf32, #tpu.memory_space<hbm>> -> memref<128x128xf32, #tpu.memory_space<hbm>>
      %dma_wait3A_263 = arith.constant 0 : i32
      %dma_wait3A_264 = tpu.memref_slice %arg4[%add3A_210, %dma_wait3A_263] : memref<131072x128xf32, #tpu.memory_space<hbm>> -> memref<128x128xf32, #tpu.memory_space<hbm>>
      tpu.wait_dma2 semaphore(%run_scoped3A : memref<!tpu.dma_semaphore, #tpu.memory_space<semaphore_mem>>) src(%arg6 : memref<128x128xf32, #tpu.memory_space<vmem>>) dst(%dma_wait3A_264 : memref<128x128xf32, #tpu.memory_space<hbm>>)
      tpu.yield
    }) : () -> ()
    %add3A_217 = arith.constant 3456 : i32
    %add3A_218 = arith.addi %mul3A_2, %add3A_217 : i32
    "tpu.region"() ({
      %run_scoped3A = tpu.sem_alloc : memref<!tpu.dma_semaphore, #tpu.memory_space<semaphore_mem>>
      %dma_start3A_257 = tpu.memref_slice %arg3[%add3A_218] : memref<131072xi32, #tpu.memory_space<hbm>> -> memref<128xi32, #tpu.memory_space<hbm>>
      %dma_start3A_258 = tpu.memref_slice %arg3[%add3A_218] : memref<131072xi32, #tpu.memory_space<hbm>> -> memref<128xi32, #tpu.memory_space<hbm>>
      tpu.enqueue_dma source(%dma_start3A_258 : memref<128xi32, #tpu.memory_space<hbm>>) target(%arg5 : memref<128xi32, #tpu.memory_space<vmem>>) target_semaphore(%run_scoped3A : memref<!tpu.dma_semaphore, #tpu.memory_space<semaphore_mem>>)
      %dma_wait3A_259 = tpu.memref_slice %arg3[%add3A_218] : memref<131072xi32, #tpu.memory_space<hbm>> -> memref<128xi32, #tpu.memory_space<hbm>>
      %dma_wait3A_260 = tpu.memref_slice %arg3[%add3A_218] : memref<131072xi32, #tpu.memory_space<hbm>> -> memref<128xi32, #tpu.memory_space<hbm>>
      tpu.wait_dma2 semaphore(%run_scoped3A : memref<!tpu.dma_semaphore, #tpu.memory_space<semaphore_mem>>) src(%dma_wait3A_260 : memref<128xi32, #tpu.memory_space<hbm>>) dst(%arg5 : memref<128xi32, #tpu.memory_space<vmem>>)
      tpu.yield
    }) : () -> ()
    %dma_start3A_219 = arith.constant 0 : i32
    %dma_start3A_220 = arith.constant 0 : i32
    %dma_start3A_221 = tpu.memref_slice %arg2[%dma_start3A_219, %dma_start3A_220] : memref<32768x128xf32, #tpu.memory_space<hbm>> -> memref<32768x128xf32, #tpu.memory_space<hbm>>
    tpu.enqueue_indirect_dma source(%dma_start3A_221 : memref<32768x128xf32, #tpu.memory_space<hbm>>) target(%arg6 : memref<128x128xf32, #tpu.memory_space<vmem>>) offsets(%arg5 : memref<128xi32, #tpu.memory_space<vmem>>) semaphore(%arg7 : memref<!tpu.dma_semaphore, #tpu.memory_space<semaphore_mem>>)
    %dma_wait3A_222 = arith.constant 0 : i32
    %dma_wait3A_223 = arith.constant 0 : i32
    %dma_wait3A_224 = tpu.memref_slice %arg2[%dma_wait3A_222, %dma_wait3A_223] : memref<32768x128xf32, #tpu.memory_space<hbm>> -> memref<32768x128xf32, #tpu.memory_space<hbm>>
    tpu.wait_indirect_dma semaphore(%arg7 : memref<!tpu.dma_semaphore, #tpu.memory_space<semaphore_mem>>) src(%dma_wait3A_224 : memref<32768x128xf32, #tpu.memory_space<hbm>>) dst(%arg6 : memref<128x128xf32, #tpu.memory_space<vmem>>)
    "tpu.region"() ({
      %run_scoped3A = tpu.sem_alloc : memref<!tpu.dma_semaphore, #tpu.memory_space<semaphore_mem>>
      %dma_start3A_257 = arith.constant 0 : i32
      %dma_start3A_258 = tpu.memref_slice %arg4[%add3A_218, %dma_start3A_257] : memref<131072x128xf32, #tpu.memory_space<hbm>> -> memref<128x128xf32, #tpu.memory_space<hbm>>
      %dma_start3A_259 = arith.constant 0 : i32
      %dma_start3A_260 = tpu.memref_slice %arg4[%add3A_218, %dma_start3A_259] : memref<131072x128xf32, #tpu.memory_space<hbm>> -> memref<128x128xf32, #tpu.memory_space<hbm>>
      tpu.enqueue_dma source(%arg6 : memref<128x128xf32, #tpu.memory_space<vmem>>) target(%dma_start3A_260 : memref<128x128xf32, #tpu.memory_space<hbm>>) target_semaphore(%run_scoped3A : memref<!tpu.dma_semaphore, #tpu.memory_space<semaphore_mem>>)
      %dma_wait3A_261 = arith.constant 0 : i32
      %dma_wait3A_262 = tpu.memref_slice %arg4[%add3A_218, %dma_wait3A_261] : memref<131072x128xf32, #tpu.memory_space<hbm>> -> memref<128x128xf32, #tpu.memory_space<hbm>>
      %dma_wait3A_263 = arith.constant 0 : i32
      %dma_wait3A_264 = tpu.memref_slice %arg4[%add3A_218, %dma_wait3A_263] : memref<131072x128xf32, #tpu.memory_space<hbm>> -> memref<128x128xf32, #tpu.memory_space<hbm>>
      tpu.wait_dma2 semaphore(%run_scoped3A : memref<!tpu.dma_semaphore, #tpu.memory_space<semaphore_mem>>) src(%arg6 : memref<128x128xf32, #tpu.memory_space<vmem>>) dst(%dma_wait3A_264 : memref<128x128xf32, #tpu.memory_space<hbm>>)
      tpu.yield
    }) : () -> ()
    %add3A_225 = arith.constant 3584 : i32
    %add3A_226 = arith.addi %mul3A_2, %add3A_225 : i32
    "tpu.region"() ({
      %run_scoped3A = tpu.sem_alloc : memref<!tpu.dma_semaphore, #tpu.memory_space<semaphore_mem>>
      %dma_start3A_257 = tpu.memref_slice %arg3[%add3A_226] : memref<131072xi32, #tpu.memory_space<hbm>> -> memref<128xi32, #tpu.memory_space<hbm>>
      %dma_start3A_258 = tpu.memref_slice %arg3[%add3A_226] : memref<131072xi32, #tpu.memory_space<hbm>> -> memref<128xi32, #tpu.memory_space<hbm>>
      tpu.enqueue_dma source(%dma_start3A_258 : memref<128xi32, #tpu.memory_space<hbm>>) target(%arg5 : memref<128xi32, #tpu.memory_space<vmem>>) target_semaphore(%run_scoped3A : memref<!tpu.dma_semaphore, #tpu.memory_space<semaphore_mem>>)
      %dma_wait3A_259 = tpu.memref_slice %arg3[%add3A_226] : memref<131072xi32, #tpu.memory_space<hbm>> -> memref<128xi32, #tpu.memory_space<hbm>>
      %dma_wait3A_260 = tpu.memref_slice %arg3[%add3A_226] : memref<131072xi32, #tpu.memory_space<hbm>> -> memref<128xi32, #tpu.memory_space<hbm>>
      tpu.wait_dma2 semaphore(%run_scoped3A : memref<!tpu.dma_semaphore, #tpu.memory_space<semaphore_mem>>) src(%dma_wait3A_260 : memref<128xi32, #tpu.memory_space<hbm>>) dst(%arg5 : memref<128xi32, #tpu.memory_space<vmem>>)
      tpu.yield
    }) : () -> ()
    %dma_start3A_227 = arith.constant 0 : i32
    %dma_start3A_228 = arith.constant 0 : i32
    %dma_start3A_229 = tpu.memref_slice %arg2[%dma_start3A_227, %dma_start3A_228] : memref<32768x128xf32, #tpu.memory_space<hbm>> -> memref<32768x128xf32, #tpu.memory_space<hbm>>
    tpu.enqueue_indirect_dma source(%dma_start3A_229 : memref<32768x128xf32, #tpu.memory_space<hbm>>) target(%arg6 : memref<128x128xf32, #tpu.memory_space<vmem>>) offsets(%arg5 : memref<128xi32, #tpu.memory_space<vmem>>) semaphore(%arg7 : memref<!tpu.dma_semaphore, #tpu.memory_space<semaphore_mem>>)
    %dma_wait3A_230 = arith.constant 0 : i32
    %dma_wait3A_231 = arith.constant 0 : i32
    %dma_wait3A_232 = tpu.memref_slice %arg2[%dma_wait3A_230, %dma_wait3A_231] : memref<32768x128xf32, #tpu.memory_space<hbm>> -> memref<32768x128xf32, #tpu.memory_space<hbm>>
    tpu.wait_indirect_dma semaphore(%arg7 : memref<!tpu.dma_semaphore, #tpu.memory_space<semaphore_mem>>) src(%dma_wait3A_232 : memref<32768x128xf32, #tpu.memory_space<hbm>>) dst(%arg6 : memref<128x128xf32, #tpu.memory_space<vmem>>)
    "tpu.region"() ({
      %run_scoped3A = tpu.sem_alloc : memref<!tpu.dma_semaphore, #tpu.memory_space<semaphore_mem>>
      %dma_start3A_257 = arith.constant 0 : i32
      %dma_start3A_258 = tpu.memref_slice %arg4[%add3A_226, %dma_start3A_257] : memref<131072x128xf32, #tpu.memory_space<hbm>> -> memref<128x128xf32, #tpu.memory_space<hbm>>
      %dma_start3A_259 = arith.constant 0 : i32
      %dma_start3A_260 = tpu.memref_slice %arg4[%add3A_226, %dma_start3A_259] : memref<131072x128xf32, #tpu.memory_space<hbm>> -> memref<128x128xf32, #tpu.memory_space<hbm>>
      tpu.enqueue_dma source(%arg6 : memref<128x128xf32, #tpu.memory_space<vmem>>) target(%dma_start3A_260 : memref<128x128xf32, #tpu.memory_space<hbm>>) target_semaphore(%run_scoped3A : memref<!tpu.dma_semaphore, #tpu.memory_space<semaphore_mem>>)
      %dma_wait3A_261 = arith.constant 0 : i32
      %dma_wait3A_262 = tpu.memref_slice %arg4[%add3A_226, %dma_wait3A_261] : memref<131072x128xf32, #tpu.memory_space<hbm>> -> memref<128x128xf32, #tpu.memory_space<hbm>>
      %dma_wait3A_263 = arith.constant 0 : i32
      %dma_wait3A_264 = tpu.memref_slice %arg4[%add3A_226, %dma_wait3A_263] : memref<131072x128xf32, #tpu.memory_space<hbm>> -> memref<128x128xf32, #tpu.memory_space<hbm>>
      tpu.wait_dma2 semaphore(%run_scoped3A : memref<!tpu.dma_semaphore, #tpu.memory_space<semaphore_mem>>) src(%arg6 : memref<128x128xf32, #tpu.memory_space<vmem>>) dst(%dma_wait3A_264 : memref<128x128xf32, #tpu.memory_space<hbm>>)
      tpu.yield
    }) : () -> ()
    %add3A_233 = arith.constant 3712 : i32
    %add3A_234 = arith.addi %mul3A_2, %add3A_233 : i32
    "tpu.region"() ({
      %run_scoped3A = tpu.sem_alloc : memref<!tpu.dma_semaphore, #tpu.memory_space<semaphore_mem>>
      %dma_start3A_257 = tpu.memref_slice %arg3[%add3A_234] : memref<131072xi32, #tpu.memory_space<hbm>> -> memref<128xi32, #tpu.memory_space<hbm>>
      %dma_start3A_258 = tpu.memref_slice %arg3[%add3A_234] : memref<131072xi32, #tpu.memory_space<hbm>> -> memref<128xi32, #tpu.memory_space<hbm>>
      tpu.enqueue_dma source(%dma_start3A_258 : memref<128xi32, #tpu.memory_space<hbm>>) target(%arg5 : memref<128xi32, #tpu.memory_space<vmem>>) target_semaphore(%run_scoped3A : memref<!tpu.dma_semaphore, #tpu.memory_space<semaphore_mem>>)
      %dma_wait3A_259 = tpu.memref_slice %arg3[%add3A_234] : memref<131072xi32, #tpu.memory_space<hbm>> -> memref<128xi32, #tpu.memory_space<hbm>>
      %dma_wait3A_260 = tpu.memref_slice %arg3[%add3A_234] : memref<131072xi32, #tpu.memory_space<hbm>> -> memref<128xi32, #tpu.memory_space<hbm>>
      tpu.wait_dma2 semaphore(%run_scoped3A : memref<!tpu.dma_semaphore, #tpu.memory_space<semaphore_mem>>) src(%dma_wait3A_260 : memref<128xi32, #tpu.memory_space<hbm>>) dst(%arg5 : memref<128xi32, #tpu.memory_space<vmem>>)
      tpu.yield
    }) : () -> ()
    %dma_start3A_235 = arith.constant 0 : i32
    %dma_start3A_236 = arith.constant 0 : i32
    %dma_start3A_237 = tpu.memref_slice %arg2[%dma_start3A_235, %dma_start3A_236] : memref<32768x128xf32, #tpu.memory_space<hbm>> -> memref<32768x128xf32, #tpu.memory_space<hbm>>
    tpu.enqueue_indirect_dma source(%dma_start3A_237 : memref<32768x128xf32, #tpu.memory_space<hbm>>) target(%arg6 : memref<128x128xf32, #tpu.memory_space<vmem>>) offsets(%arg5 : memref<128xi32, #tpu.memory_space<vmem>>) semaphore(%arg7 : memref<!tpu.dma_semaphore, #tpu.memory_space<semaphore_mem>>)
    %dma_wait3A_238 = arith.constant 0 : i32
    %dma_wait3A_239 = arith.constant 0 : i32
    %dma_wait3A_240 = tpu.memref_slice %arg2[%dma_wait3A_238, %dma_wait3A_239] : memref<32768x128xf32, #tpu.memory_space<hbm>> -> memref<32768x128xf32, #tpu.memory_space<hbm>>
    tpu.wait_indirect_dma semaphore(%arg7 : memref<!tpu.dma_semaphore, #tpu.memory_space<semaphore_mem>>) src(%dma_wait3A_240 : memref<32768x128xf32, #tpu.memory_space<hbm>>) dst(%arg6 : memref<128x128xf32, #tpu.memory_space<vmem>>)
    "tpu.region"() ({
      %run_scoped3A = tpu.sem_alloc : memref<!tpu.dma_semaphore, #tpu.memory_space<semaphore_mem>>
      %dma_start3A_257 = arith.constant 0 : i32
      %dma_start3A_258 = tpu.memref_slice %arg4[%add3A_234, %dma_start3A_257] : memref<131072x128xf32, #tpu.memory_space<hbm>> -> memref<128x128xf32, #tpu.memory_space<hbm>>
      %dma_start3A_259 = arith.constant 0 : i32
      %dma_start3A_260 = tpu.memref_slice %arg4[%add3A_234, %dma_start3A_259] : memref<131072x128xf32, #tpu.memory_space<hbm>> -> memref<128x128xf32, #tpu.memory_space<hbm>>
      tpu.enqueue_dma source(%arg6 : memref<128x128xf32, #tpu.memory_space<vmem>>) target(%dma_start3A_260 : memref<128x128xf32, #tpu.memory_space<hbm>>) target_semaphore(%run_scoped3A : memref<!tpu.dma_semaphore, #tpu.memory_space<semaphore_mem>>)
      %dma_wait3A_261 = arith.constant 0 : i32
      %dma_wait3A_262 = tpu.memref_slice %arg4[%add3A_234, %dma_wait3A_261] : memref<131072x128xf32, #tpu.memory_space<hbm>> -> memref<128x128xf32, #tpu.memory_space<hbm>>
      %dma_wait3A_263 = arith.constant 0 : i32
      %dma_wait3A_264 = tpu.memref_slice %arg4[%add3A_234, %dma_wait3A_263] : memref<131072x128xf32, #tpu.memory_space<hbm>> -> memref<128x128xf32, #tpu.memory_space<hbm>>
      tpu.wait_dma2 semaphore(%run_scoped3A : memref<!tpu.dma_semaphore, #tpu.memory_space<semaphore_mem>>) src(%arg6 : memref<128x128xf32, #tpu.memory_space<vmem>>) dst(%dma_wait3A_264 : memref<128x128xf32, #tpu.memory_space<hbm>>)
      tpu.yield
    }) : () -> ()
    %add3A_241 = arith.constant 3840 : i32
    %add3A_242 = arith.addi %mul3A_2, %add3A_241 : i32
    "tpu.region"() ({
      %run_scoped3A = tpu.sem_alloc : memref<!tpu.dma_semaphore, #tpu.memory_space<semaphore_mem>>
      %dma_start3A_257 = tpu.memref_slice %arg3[%add3A_242] : memref<131072xi32, #tpu.memory_space<hbm>> -> memref<128xi32, #tpu.memory_space<hbm>>
      %dma_start3A_258 = tpu.memref_slice %arg3[%add3A_242] : memref<131072xi32, #tpu.memory_space<hbm>> -> memref<128xi32, #tpu.memory_space<hbm>>
      tpu.enqueue_dma source(%dma_start3A_258 : memref<128xi32, #tpu.memory_space<hbm>>) target(%arg5 : memref<128xi32, #tpu.memory_space<vmem>>) target_semaphore(%run_scoped3A : memref<!tpu.dma_semaphore, #tpu.memory_space<semaphore_mem>>)
      %dma_wait3A_259 = tpu.memref_slice %arg3[%add3A_242] : memref<131072xi32, #tpu.memory_space<hbm>> -> memref<128xi32, #tpu.memory_space<hbm>>
      %dma_wait3A_260 = tpu.memref_slice %arg3[%add3A_242] : memref<131072xi32, #tpu.memory_space<hbm>> -> memref<128xi32, #tpu.memory_space<hbm>>
      tpu.wait_dma2 semaphore(%run_scoped3A : memref<!tpu.dma_semaphore, #tpu.memory_space<semaphore_mem>>) src(%dma_wait3A_260 : memref<128xi32, #tpu.memory_space<hbm>>) dst(%arg5 : memref<128xi32, #tpu.memory_space<vmem>>)
      tpu.yield
    }) : () -> ()
    %dma_start3A_243 = arith.constant 0 : i32
    %dma_start3A_244 = arith.constant 0 : i32
    %dma_start3A_245 = tpu.memref_slice %arg2[%dma_start3A_243, %dma_start3A_244] : memref<32768x128xf32, #tpu.memory_space<hbm>> -> memref<32768x128xf32, #tpu.memory_space<hbm>>
    tpu.enqueue_indirect_dma source(%dma_start3A_245 : memref<32768x128xf32, #tpu.memory_space<hbm>>) target(%arg6 : memref<128x128xf32, #tpu.memory_space<vmem>>) offsets(%arg5 : memref<128xi32, #tpu.memory_space<vmem>>) semaphore(%arg7 : memref<!tpu.dma_semaphore, #tpu.memory_space<semaphore_mem>>)
    %dma_wait3A_246 = arith.constant 0 : i32
    %dma_wait3A_247 = arith.constant 0 : i32
    %dma_wait3A_248 = tpu.memref_slice %arg2[%dma_wait3A_246, %dma_wait3A_247] : memref<32768x128xf32, #tpu.memory_space<hbm>> -> memref<32768x128xf32, #tpu.memory_space<hbm>>
    tpu.wait_indirect_dma semaphore(%arg7 : memref<!tpu.dma_semaphore, #tpu.memory_space<semaphore_mem>>) src(%dma_wait3A_248 : memref<32768x128xf32, #tpu.memory_space<hbm>>) dst(%arg6 : memref<128x128xf32, #tpu.memory_space<vmem>>)
    "tpu.region"() ({
      %run_scoped3A = tpu.sem_alloc : memref<!tpu.dma_semaphore, #tpu.memory_space<semaphore_mem>>
      %dma_start3A_257 = arith.constant 0 : i32
      %dma_start3A_258 = tpu.memref_slice %arg4[%add3A_242, %dma_start3A_257] : memref<131072x128xf32, #tpu.memory_space<hbm>> -> memref<128x128xf32, #tpu.memory_space<hbm>>
      %dma_start3A_259 = arith.constant 0 : i32
      %dma_start3A_260 = tpu.memref_slice %arg4[%add3A_242, %dma_start3A_259] : memref<131072x128xf32, #tpu.memory_space<hbm>> -> memref<128x128xf32, #tpu.memory_space<hbm>>
      tpu.enqueue_dma source(%arg6 : memref<128x128xf32, #tpu.memory_space<vmem>>) target(%dma_start3A_260 : memref<128x128xf32, #tpu.memory_space<hbm>>) target_semaphore(%run_scoped3A : memref<!tpu.dma_semaphore, #tpu.memory_space<semaphore_mem>>)
      %dma_wait3A_261 = arith.constant 0 : i32
      %dma_wait3A_262 = tpu.memref_slice %arg4[%add3A_242, %dma_wait3A_261] : memref<131072x128xf32, #tpu.memory_space<hbm>> -> memref<128x128xf32, #tpu.memory_space<hbm>>
      %dma_wait3A_263 = arith.constant 0 : i32
      %dma_wait3A_264 = tpu.memref_slice %arg4[%add3A_242, %dma_wait3A_263] : memref<131072x128xf32, #tpu.memory_space<hbm>> -> memref<128x128xf32, #tpu.memory_space<hbm>>
      tpu.wait_dma2 semaphore(%run_scoped3A : memref<!tpu.dma_semaphore, #tpu.memory_space<semaphore_mem>>) src(%arg6 : memref<128x128xf32, #tpu.memory_space<vmem>>) dst(%dma_wait3A_264 : memref<128x128xf32, #tpu.memory_space<hbm>>)
      tpu.yield
    }) : () -> ()
    %add3A_249 = arith.constant 3968 : i32
    %add3A_250 = arith.addi %mul3A_2, %add3A_249 : i32
    "tpu.region"() ({
      %run_scoped3A = tpu.sem_alloc : memref<!tpu.dma_semaphore, #tpu.memory_space<semaphore_mem>>
      %dma_start3A_257 = tpu.memref_slice %arg3[%add3A_250] : memref<131072xi32, #tpu.memory_space<hbm>> -> memref<128xi32, #tpu.memory_space<hbm>>
      %dma_start3A_258 = tpu.memref_slice %arg3[%add3A_250] : memref<131072xi32, #tpu.memory_space<hbm>> -> memref<128xi32, #tpu.memory_space<hbm>>
      tpu.enqueue_dma source(%dma_start3A_258 : memref<128xi32, #tpu.memory_space<hbm>>) target(%arg5 : memref<128xi32, #tpu.memory_space<vmem>>) target_semaphore(%run_scoped3A : memref<!tpu.dma_semaphore, #tpu.memory_space<semaphore_mem>>)
      %dma_wait3A_259 = tpu.memref_slice %arg3[%add3A_250] : memref<131072xi32, #tpu.memory_space<hbm>> -> memref<128xi32, #tpu.memory_space<hbm>>
      %dma_wait3A_260 = tpu.memref_slice %arg3[%add3A_250] : memref<131072xi32, #tpu.memory_space<hbm>> -> memref<128xi32, #tpu.memory_space<hbm>>
      tpu.wait_dma2 semaphore(%run_scoped3A : memref<!tpu.dma_semaphore, #tpu.memory_space<semaphore_mem>>) src(%dma_wait3A_260 : memref<128xi32, #tpu.memory_space<hbm>>) dst(%arg5 : memref<128xi32, #tpu.memory_space<vmem>>)
      tpu.yield
    }) : () -> ()
    %dma_start3A_251 = arith.constant 0 : i32
    %dma_start3A_252 = arith.constant 0 : i32
    %dma_start3A_253 = tpu.memref_slice %arg2[%dma_start3A_251, %dma_start3A_252] : memref<32768x128xf32, #tpu.memory_space<hbm>> -> memref<32768x128xf32, #tpu.memory_space<hbm>>
    tpu.enqueue_indirect_dma source(%dma_start3A_253 : memref<32768x128xf32, #tpu.memory_space<hbm>>) target(%arg6 : memref<128x128xf32, #tpu.memory_space<vmem>>) offsets(%arg5 : memref<128xi32, #tpu.memory_space<vmem>>) semaphore(%arg7 : memref<!tpu.dma_semaphore, #tpu.memory_space<semaphore_mem>>)
    %dma_wait3A_254 = arith.constant 0 : i32
    %dma_wait3A_255 = arith.constant 0 : i32
    %dma_wait3A_256 = tpu.memref_slice %arg2[%dma_wait3A_254, %dma_wait3A_255] : memref<32768x128xf32, #tpu.memory_space<hbm>> -> memref<32768x128xf32, #tpu.memory_space<hbm>>
    tpu.wait_indirect_dma semaphore(%arg7 : memref<!tpu.dma_semaphore, #tpu.memory_space<semaphore_mem>>) src(%dma_wait3A_256 : memref<32768x128xf32, #tpu.memory_space<hbm>>) dst(%arg6 : memref<128x128xf32, #tpu.memory_space<vmem>>)
    "tpu.region"() ({
      %run_scoped3A = tpu.sem_alloc : memref<!tpu.dma_semaphore, #tpu.memory_space<semaphore_mem>>
      %dma_start3A_257 = arith.constant 0 : i32
      %dma_start3A_258 = tpu.memref_slice %arg4[%add3A_250, %dma_start3A_257] : memref<131072x128xf32, #tpu.memory_space<hbm>> -> memref<128x128xf32, #tpu.memory_space<hbm>>
      %dma_start3A_259 = arith.constant 0 : i32
      %dma_start3A_260 = tpu.memref_slice %arg4[%add3A_250, %dma_start3A_259] : memref<131072x128xf32, #tpu.memory_space<hbm>> -> memref<128x128xf32, #tpu.memory_space<hbm>>
      tpu.enqueue_dma source(%arg6 : memref<128x128xf32, #tpu.memory_space<vmem>>) target(%dma_start3A_260 : memref<128x128xf32, #tpu.memory_space<hbm>>) target_semaphore(%run_scoped3A : memref<!tpu.dma_semaphore, #tpu.memory_space<semaphore_mem>>)
      %dma_wait3A_261 = arith.constant 0 : i32
      %dma_wait3A_262 = tpu.memref_slice %arg4[%add3A_250, %dma_wait3A_261] : memref<131072x128xf32, #tpu.memory_space<hbm>> -> memref<128x128xf32, #tpu.memory_space<hbm>>
      %dma_wait3A_263 = arith.constant 0 : i32
      %dma_wait3A_264 = tpu.memref_slice %arg4[%add3A_250, %dma_wait3A_263] : memref<131072x128xf32, #tpu.memory_space<hbm>> -> memref<128x128xf32, #tpu.memory_space<hbm>>
      tpu.wait_dma2 semaphore(%run_scoped3A : memref<!tpu.dma_semaphore, #tpu.memory_space<semaphore_mem>>) src(%arg6 : memref<128x128xf32, #tpu.memory_space<vmem>>) dst(%dma_wait3A_264 : memref<128x128xf32, #tpu.memory_space<hbm>>)
      tpu.yield
    }) : () -> ()
    return
  }
}

#map = affine_map<(d0, d1) -> (0, 0)>
#map1 = affine_map<(d0, d1) -> (0)>
module attributes {stable_mosaic.version = 14 : i64} {
  func.func @k(%arg0: i32, %arg1: i32, %arg2: memref<32768x128xf32, #tpu.memory_space<hbm>>, %arg3: memref<131072xi32, #tpu.memory_space<hbm>>, %arg4: memref<131072x128xf32, #tpu.memory_space<hbm>>, %arg5: memref<128xi32, #tpu.memory_space<vmem>>, %arg6: memref<128x128xf32, #tpu.memory_space<vmem>>, %arg7: memref<!tpu.dma_semaphore, #tpu.memory_space<semaphore_mem>>) attributes {dimension_semantics = [#tpu.dimension_semantics<core_parallel>, #tpu.dimension_semantics<subcore_parallel>], iteration_bounds = array<i64: 2, 16>, scalar_prefetch = 0 : i64, scratch_operands = 3 : i64, tpu.core_type = #tpu.core_type<sc_vector_subcore>, window_params = [{transform_indices = #map}, {transform_indices = #map1}, {transform_indices = #map}]} {
    %mul3A = arith.constant 2 : i32
    %mul3A_0 = arith.muli %arg1, %mul3A : i32
    %add3A = arith.addi %mul3A_0, %arg0 : i32
    %mul3A_1 = arith.constant 4096 : i32
    %mul3A_2 = arith.muli %add3A, %mul3A_1 : i32
    %add3A_3 = arith.constant 0 : i32
    %add3A_4 = arith.addi %mul3A_2, %add3A_3 : i32
    "tpu.region"() ({
      %run_scoped3A = tpu.sem_alloc : memref<!tpu.dma_semaphore, #tpu.memory_space<semaphore_mem>>
      %dma_start3A_257 = tpu.memref_slice %arg3[%add3A_4] : memref<131072xi32, #tpu.memory_space<hbm>> -> memref<128xi32, #tpu.memory_space<hbm>>
      %dma_start3A_258 = tpu.memref_slice %arg3[%add3A_4] : memref<131072xi32, #tpu.memory_space<hbm>> -> memref<128xi32, #tpu.memory_space<hbm>>
      tpu.enqueue_dma source(%dma_start3A_258 : memref<128xi32, #tpu.memory_space<hbm>>) target(%arg5 : memref<128xi32, #tpu.memory_space<vmem>>) target_semaphore(%run_scoped3A : memref<!tpu.dma_semaphore, #tpu.memory_space<semaphore_mem>>)
      %dma_wait3A_259 = tpu.memref_slice %arg3[%add3A_4] : memref<131072xi32, #tpu.memory_space<hbm>> -> memref<128xi32, #tpu.memory_space<hbm>>
      %dma_wait3A_260 = tpu.memref_slice %arg3[%add3A_4] : memref<131072xi32, #tpu.memory_space<hbm>> -> memref<128xi32, #tpu.memory_space<hbm>>
      tpu.wait_dma2 semaphore(%run_scoped3A : memref<!tpu.dma_semaphore, #tpu.memory_space<semaphore_mem>>) src(%dma_wait3A_260 : memref<128xi32, #tpu.memory_space<hbm>>) dst(%arg5 : memref<128xi32, #tpu.memory_space<vmem>>)
      tpu.yield
    }) : () -> ()
    %dma_start3A = arith.constant 0 : i32
    %dma_start3A_5 = arith.constant 0 : i32
    %dma_start3A_6 = tpu.memref_slice %arg2[%dma_start3A, %dma_start3A_5] : memref<32768x128xf32, #tpu.memory_space<hbm>> -> memref<32768x128xf32, #tpu.memory_space<hbm>>
    tpu.enqueue_indirect_dma source(%dma_start3A_6 : memref<32768x128xf32, #tpu.memory_space<hbm>>) target(%arg6 : memref<128x128xf32, #tpu.memory_space<vmem>>) offsets(%arg5 : memref<128xi32, #tpu.memory_space<vmem>>) semaphore(%arg7 : memref<!tpu.dma_semaphore, #tpu.memory_space<semaphore_mem>>)
    %dma_wait3A = arith.constant 0 : i32
    %dma_wait3A_7 = arith.constant 0 : i32
    %dma_wait3A_8 = tpu.memref_slice %arg2[%dma_wait3A, %dma_wait3A_7] : memref<32768x128xf32, #tpu.memory_space<hbm>> -> memref<32768x128xf32, #tpu.memory_space<hbm>>
    tpu.wait_indirect_dma semaphore(%arg7 : memref<!tpu.dma_semaphore, #tpu.memory_space<semaphore_mem>>) src(%dma_wait3A_8 : memref<32768x128xf32, #tpu.memory_space<hbm>>) dst(%arg6 : memref<128x128xf32, #tpu.memory_space<vmem>>)
    "tpu.region"() ({
      %run_scoped3A = tpu.sem_alloc : memref<!tpu.dma_semaphore, #tpu.memory_space<semaphore_mem>>
      %dma_start3A_257 = arith.constant 0 : i32
      %dma_start3A_258 = tpu.memref_slice %arg4[%add3A_4, %dma_start3A_257] : memref<131072x128xf32, #tpu.memory_space<hbm>> -> memref<128x128xf32, #tpu.memory_space<hbm>>
      %dma_start3A_259 = arith.constant 0 : i32
      %dma_start3A_260 = tpu.memref_slice %arg4[%add3A_4, %dma_start3A_259] : memref<131072x128xf32, #tpu.memory_space<hbm>> -> memref<128x128xf32, #tpu.memory_space<hbm>>
      tpu.enqueue_dma source(%arg6 : memref<128x128xf32, #tpu.memory_space<vmem>>) target(%dma_start3A_260 : memref<128x128xf32, #tpu.memory_space<hbm>>) target_semaphore(%run_scoped3A : memref<!tpu.dma_semaphore, #tpu.memory_space<semaphore_mem>>)
      %dma_wait3A_261 = arith.constant 0 : i32
      %dma_wait3A_262 = tpu.memref_slice %arg4[%add3A_4, %dma_wait3A_261] : memref<131072x128xf32, #tpu.memory_space<hbm>> -> memref<128x128xf32, #tpu.memory_space<hbm>>
      %dma_wait3A_263 = arith.constant 0 : i32
      %dma_wait3A_264 = tpu.memref_slice %arg4[%add3A_4, %dma_wait3A_263] : memref<131072x128xf32, #tpu.memory_space<hbm>> -> memref<128x128xf32, #tpu.memory_space<hbm>>
      tpu.wait_dma2 semaphore(%run_scoped3A : memref<!tpu.dma_semaphore, #tpu.memory_space<semaphore_mem>>) src(%arg6 : memref<128x128xf32, #tpu.memory_space<vmem>>) dst(%dma_wait3A_264 : memref<128x128xf32, #tpu.memory_space<hbm>>)
      tpu.yield
    }) : () -> ()
    %add3A_9 = arith.constant 128 : i32
    %add3A_10 = arith.addi %mul3A_2, %add3A_9 : i32
    "tpu.region"() ({
      %run_scoped3A = tpu.sem_alloc : memref<!tpu.dma_semaphore, #tpu.memory_space<semaphore_mem>>
      %dma_start3A_257 = tpu.memref_slice %arg3[%add3A_10] : memref<131072xi32, #tpu.memory_space<hbm>> -> memref<128xi32, #tpu.memory_space<hbm>>
      %dma_start3A_258 = tpu.memref_slice %arg3[%add3A_10] : memref<131072xi32, #tpu.memory_space<hbm>> -> memref<128xi32, #tpu.memory_space<hbm>>
      tpu.enqueue_dma source(%dma_start3A_258 : memref<128xi32, #tpu.memory_space<hbm>>) target(%arg5 : memref<128xi32, #tpu.memory_space<vmem>>) target_semaphore(%run_scoped3A : memref<!tpu.dma_semaphore, #tpu.memory_space<semaphore_mem>>)
      %dma_wait3A_259 = tpu.memref_slice %arg3[%add3A_10] : memref<131072xi32, #tpu.memory_space<hbm>> -> memref<128xi32, #tpu.memory_space<hbm>>
      %dma_wait3A_260 = tpu.memref_slice %arg3[%add3A_10] : memref<131072xi32, #tpu.memory_space<hbm>> -> memref<128xi32, #tpu.memory_space<hbm>>
      tpu.wait_dma2 semaphore(%run_scoped3A : memref<!tpu.dma_semaphore, #tpu.memory_space<semaphore_mem>>) src(%dma_wait3A_260 : memref<128xi32, #tpu.memory_space<hbm>>) dst(%arg5 : memref<128xi32, #tpu.memory_space<vmem>>)
      tpu.yield
    }) : () -> ()
    %dma_start3A_11 = arith.constant 0 : i32
    %dma_start3A_12 = arith.constant 0 : i32
    %dma_start3A_13 = tpu.memref_slice %arg2[%dma_start3A_11, %dma_start3A_12] : memref<32768x128xf32, #tpu.memory_space<hbm>> -> memref<32768x128xf32, #tpu.memory_space<hbm>>
    tpu.enqueue_indirect_dma source(%dma_start3A_13 : memref<32768x128xf32, #tpu.memory_space<hbm>>) target(%arg6 : memref<128x128xf32, #tpu.memory_space<vmem>>) offsets(%arg5 : memref<128xi32, #tpu.memory_space<vmem>>) semaphore(%arg7 : memref<!tpu.dma_semaphore, #tpu.memory_space<semaphore_mem>>)
    %dma_wait3A_14 = arith.constant 0 : i32
    %dma_wait3A_15 = arith.constant 0 : i32
    %dma_wait3A_16 = tpu.memref_slice %arg2[%dma_wait3A_14, %dma_wait3A_15] : memref<32768x128xf32, #tpu.memory_space<hbm>> -> memref<32768x128xf32, #tpu.memory_space<hbm>>
    tpu.wait_indirect_dma semaphore(%arg7 : memref<!tpu.dma_semaphore, #tpu.memory_space<semaphore_mem>>) src(%dma_wait3A_16 : memref<32768x128xf32, #tpu.memory_space<hbm>>) dst(%arg6 : memref<128x128xf32, #tpu.memory_space<vmem>>)
    "tpu.region"() ({
      %run_scoped3A = tpu.sem_alloc : memref<!tpu.dma_semaphore, #tpu.memory_space<semaphore_mem>>
      %dma_start3A_257 = arith.constant 0 : i32
      %dma_start3A_258 = tpu.memref_slice %arg4[%add3A_10, %dma_start3A_257] : memref<131072x128xf32, #tpu.memory_space<hbm>> -> memref<128x128xf32, #tpu.memory_space<hbm>>
      %dma_start3A_259 = arith.constant 0 : i32
      %dma_start3A_260 = tpu.memref_slice %arg4[%add3A_10, %dma_start3A_259] : memref<131072x128xf32, #tpu.memory_space<hbm>> -> memref<128x128xf32, #tpu.memory_space<hbm>>
      tpu.enqueue_dma source(%arg6 : memref<128x128xf32, #tpu.memory_space<vmem>>) target(%dma_start3A_260 : memref<128x128xf32, #tpu.memory_space<hbm>>) target_semaphore(%run_scoped3A : memref<!tpu.dma_semaphore, #tpu.memory_space<semaphore_mem>>)
      %dma_wait3A_261 = arith.constant 0 : i32
      %dma_wait3A_262 = tpu.memref_slice %arg4[%add3A_10, %dma_wait3A_261] : memref<131072x128xf32, #tpu.memory_space<hbm>> -> memref<128x128xf32, #tpu.memory_space<hbm>>
      %dma_wait3A_263 = arith.constant 0 : i32
      %dma_wait3A_264 = tpu.memref_slice %arg4[%add3A_10, %dma_wait3A_263] : memref<131072x128xf32, #tpu.memory_space<hbm>> -> memref<128x128xf32, #tpu.memory_space<hbm>>
      tpu.wait_dma2 semaphore(%run_scoped3A : memref<!tpu.dma_semaphore, #tpu.memory_space<semaphore_mem>>) src(%arg6 : memref<128x128xf32, #tpu.memory_space<vmem>>) dst(%dma_wait3A_264 : memref<128x128xf32, #tpu.memory_space<hbm>>)
      tpu.yield
    }) : () -> ()
    %add3A_17 = arith.constant 256 : i32
    %add3A_18 = arith.addi %mul3A_2, %add3A_17 : i32
    "tpu.region"() ({
      %run_scoped3A = tpu.sem_alloc : memref<!tpu.dma_semaphore, #tpu.memory_space<semaphore_mem>>
      %dma_start3A_257 = tpu.memref_slice %arg3[%add3A_18] : memref<131072xi32, #tpu.memory_space<hbm>> -> memref<128xi32, #tpu.memory_space<hbm>>
      %dma_start3A_258 = tpu.memref_slice %arg3[%add3A_18] : memref<131072xi32, #tpu.memory_space<hbm>> -> memref<128xi32, #tpu.memory_space<hbm>>
      tpu.enqueue_dma source(%dma_start3A_258 : memref<128xi32, #tpu.memory_space<hbm>>) target(%arg5 : memref<128xi32, #tpu.memory_space<vmem>>) target_semaphore(%run_scoped3A : memref<!tpu.dma_semaphore, #tpu.memory_space<semaphore_mem>>)
      %dma_wait3A_259 = tpu.memref_slice %arg3[%add3A_18] : memref<131072xi32, #tpu.memory_space<hbm>> -> memref<128xi32, #tpu.memory_space<hbm>>
      %dma_wait3A_260 = tpu.memref_slice %arg3[%add3A_18] : memref<131072xi32, #tpu.memory_space<hbm>> -> memref<128xi32, #tpu.memory_space<hbm>>
      tpu.wait_dma2 semaphore(%run_scoped3A : memref<!tpu.dma_semaphore, #tpu.memory_space<semaphore_mem>>) src(%dma_wait3A_260 : memref<128xi32, #tpu.memory_space<hbm>>) dst(%arg5 : memref<128xi32, #tpu.memory_space<vmem>>)
      tpu.yield
    }) : () -> ()
    %dma_start3A_19 = arith.constant 0 : i32
    %dma_start3A_20 = arith.constant 0 : i32
    %dma_start3A_21 = tpu.memref_slice %arg2[%dma_start3A_19, %dma_start3A_20] : memref<32768x128xf32, #tpu.memory_space<hbm>> -> memref<32768x128xf32, #tpu.memory_space<hbm>>
    tpu.enqueue_indirect_dma source(%dma_start3A_21 : memref<32768x128xf32, #tpu.memory_space<hbm>>) target(%arg6 : memref<128x128xf32, #tpu.memory_space<vmem>>) offsets(%arg5 : memref<128xi32, #tpu.memory_space<vmem>>) semaphore(%arg7 : memref<!tpu.dma_semaphore, #tpu.memory_space<semaphore_mem>>)
    %dma_wait3A_22 = arith.constant 0 : i32
    %dma_wait3A_23 = arith.constant 0 : i32
    %dma_wait3A_24 = tpu.memref_slice %arg2[%dma_wait3A_22, %dma_wait3A_23] : memref<32768x128xf32, #tpu.memory_space<hbm>> -> memref<32768x128xf32, #tpu.memory_space<hbm>>
    tpu.wait_indirect_dma semaphore(%arg7 : memref<!tpu.dma_semaphore, #tpu.memory_space<semaphore_mem>>) src(%dma_wait3A_24 : memref<32768x128xf32, #tpu.memory_space<hbm>>) dst(%arg6 : memref<128x128xf32, #tpu.memory_space<vmem>>)
    "tpu.region"() ({
      %run_scoped3A = tpu.sem_alloc : memref<!tpu.dma_semaphore, #tpu.memory_space<semaphore_mem>>
      %dma_start3A_257 = arith.constant 0 : i32
      %dma_start3A_258 = tpu.memref_slice %arg4[%add3A_18, %dma_start3A_257] : memref<131072x128xf32, #tpu.memory_space<hbm>> -> memref<128x128xf32, #tpu.memory_space<hbm>>
      %dma_start3A_259 = arith.constant 0 : i32
      %dma_start3A_260 = tpu.memref_slice %arg4[%add3A_18, %dma_start3A_259] : memref<131072x128xf32, #tpu.memory_space<hbm>> -> memref<128x128xf32, #tpu.memory_space<hbm>>
      tpu.enqueue_dma source(%arg6 : memref<128x128xf32, #tpu.memory_space<vmem>>) target(%dma_start3A_260 : memref<128x128xf32, #tpu.memory_space<hbm>>) target_semaphore(%run_scoped3A : memref<!tpu.dma_semaphore, #tpu.memory_space<semaphore_mem>>)
      %dma_wait3A_261 = arith.constant 0 : i32
      %dma_wait3A_262 = tpu.memref_slice %arg4[%add3A_18, %dma_wait3A_261] : memref<131072x128xf32, #tpu.memory_space<hbm>> -> memref<128x128xf32, #tpu.memory_space<hbm>>
      %dma_wait3A_263 = arith.constant 0 : i32
      %dma_wait3A_264 = tpu.memref_slice %arg4[%add3A_18, %dma_wait3A_263] : memref<131072x128xf32, #tpu.memory_space<hbm>> -> memref<128x128xf32, #tpu.memory_space<hbm>>
      tpu.wait_dma2 semaphore(%run_scoped3A : memref<!tpu.dma_semaphore, #tpu.memory_space<semaphore_mem>>) src(%arg6 : memref<128x128xf32, #tpu.memory_space<vmem>>) dst(%dma_wait3A_264 : memref<128x128xf32, #tpu.memory_space<hbm>>)
      tpu.yield
    }) : () -> ()
    %add3A_25 = arith.constant 384 : i32
    %add3A_26 = arith.addi %mul3A_2, %add3A_25 : i32
    "tpu.region"() ({
      %run_scoped3A = tpu.sem_alloc : memref<!tpu.dma_semaphore, #tpu.memory_space<semaphore_mem>>
      %dma_start3A_257 = tpu.memref_slice %arg3[%add3A_26] : memref<131072xi32, #tpu.memory_space<hbm>> -> memref<128xi32, #tpu.memory_space<hbm>>
      %dma_start3A_258 = tpu.memref_slice %arg3[%add3A_26] : memref<131072xi32, #tpu.memory_space<hbm>> -> memref<128xi32, #tpu.memory_space<hbm>>
      tpu.enqueue_dma source(%dma_start3A_258 : memref<128xi32, #tpu.memory_space<hbm>>) target(%arg5 : memref<128xi32, #tpu.memory_space<vmem>>) target_semaphore(%run_scoped3A : memref<!tpu.dma_semaphore, #tpu.memory_space<semaphore_mem>>)
      %dma_wait3A_259 = tpu.memref_slice %arg3[%add3A_26] : memref<131072xi32, #tpu.memory_space<hbm>> -> memref<128xi32, #tpu.memory_space<hbm>>
      %dma_wait3A_260 = tpu.memref_slice %arg3[%add3A_26] : memref<131072xi32, #tpu.memory_space<hbm>> -> memref<128xi32, #tpu.memory_space<hbm>>
      tpu.wait_dma2 semaphore(%run_scoped3A : memref<!tpu.dma_semaphore, #tpu.memory_space<semaphore_mem>>) src(%dma_wait3A_260 : memref<128xi32, #tpu.memory_space<hbm>>) dst(%arg5 : memref<128xi32, #tpu.memory_space<vmem>>)
      tpu.yield
    }) : () -> ()
    %dma_start3A_27 = arith.constant 0 : i32
    %dma_start3A_28 = arith.constant 0 : i32
    %dma_start3A_29 = tpu.memref_slice %arg2[%dma_start3A_27, %dma_start3A_28] : memref<32768x128xf32, #tpu.memory_space<hbm>> -> memref<32768x128xf32, #tpu.memory_space<hbm>>
    tpu.enqueue_indirect_dma source(%dma_start3A_29 : memref<32768x128xf32, #tpu.memory_space<hbm>>) target(%arg6 : memref<128x128xf32, #tpu.memory_space<vmem>>) offsets(%arg5 : memref<128xi32, #tpu.memory_space<vmem>>) semaphore(%arg7 : memref<!tpu.dma_semaphore, #tpu.memory_space<semaphore_mem>>)
    %dma_wait3A_30 = arith.constant 0 : i32
    %dma_wait3A_31 = arith.constant 0 : i32
    %dma_wait3A_32 = tpu.memref_slice %arg2[%dma_wait3A_30, %dma_wait3A_31] : memref<32768x128xf32, #tpu.memory_space<hbm>> -> memref<32768x128xf32, #tpu.memory_space<hbm>>
    tpu.wait_indirect_dma semaphore(%arg7 : memref<!tpu.dma_semaphore, #tpu.memory_space<semaphore_mem>>) src(%dma_wait3A_32 : memref<32768x128xf32, #tpu.memory_space<hbm>>) dst(%arg6 : memref<128x128xf32, #tpu.memory_space<vmem>>)
    "tpu.region"() ({
      %run_scoped3A = tpu.sem_alloc : memref<!tpu.dma_semaphore, #tpu.memory_space<semaphore_mem>>
      %dma_start3A_257 = arith.constant 0 : i32
      %dma_start3A_258 = tpu.memref_slice %arg4[%add3A_26, %dma_start3A_257] : memref<131072x128xf32, #tpu.memory_space<hbm>> -> memref<128x128xf32, #tpu.memory_space<hbm>>
      %dma_start3A_259 = arith.constant 0 : i32
      %dma_start3A_260 = tpu.memref_slice %arg4[%add3A_26, %dma_start3A_259] : memref<131072x128xf32, #tpu.memory_space<hbm>> -> memref<128x128xf32, #tpu.memory_space<hbm>>
      tpu.enqueue_dma source(%arg6 : memref<128x128xf32, #tpu.memory_space<vmem>>) target(%dma_start3A_260 : memref<128x128xf32, #tpu.memory_space<hbm>>) target_semaphore(%run_scoped3A : memref<!tpu.dma_semaphore, #tpu.memory_space<semaphore_mem>>)
      %dma_wait3A_261 = arith.constant 0 : i32
      %dma_wait3A_262 = tpu.memref_slice %arg4[%add3A_26, %dma_wait3A_261] : memref<131072x128xf32, #tpu.memory_space<hbm>> -> memref<128x128xf32, #tpu.memory_space<hbm>>
      %dma_wait3A_263 = arith.constant 0 : i32
      %dma_wait3A_264 = tpu.memref_slice %arg4[%add3A_26, %dma_wait3A_263] : memref<131072x128xf32, #tpu.memory_space<hbm>> -> memref<128x128xf32, #tpu.memory_space<hbm>>
      tpu.wait_dma2 semaphore(%run_scoped3A : memref<!tpu.dma_semaphore, #tpu.memory_space<semaphore_mem>>) src(%arg6 : memref<128x128xf32, #tpu.memory_space<vmem>>) dst(%dma_wait3A_264 : memref<128x128xf32, #tpu.memory_space<hbm>>)
      tpu.yield
    }) : () -> ()
    %add3A_33 = arith.constant 512 : i32
    %add3A_34 = arith.addi %mul3A_2, %add3A_33 : i32
    "tpu.region"() ({
      %run_scoped3A = tpu.sem_alloc : memref<!tpu.dma_semaphore, #tpu.memory_space<semaphore_mem>>
      %dma_start3A_257 = tpu.memref_slice %arg3[%add3A_34] : memref<131072xi32, #tpu.memory_space<hbm>> -> memref<128xi32, #tpu.memory_space<hbm>>
      %dma_start3A_258 = tpu.memref_slice %arg3[%add3A_34] : memref<131072xi32, #tpu.memory_space<hbm>> -> memref<128xi32, #tpu.memory_space<hbm>>
      tpu.enqueue_dma source(%dma_start3A_258 : memref<128xi32, #tpu.memory_space<hbm>>) target(%arg5 : memref<128xi32, #tpu.memory_space<vmem>>) target_semaphore(%run_scoped3A : memref<!tpu.dma_semaphore, #tpu.memory_space<semaphore_mem>>)
      %dma_wait3A_259 = tpu.memref_slice %arg3[%add3A_34] : memref<131072xi32, #tpu.memory_space<hbm>> -> memref<128xi32, #tpu.memory_space<hbm>>
      %dma_wait3A_260 = tpu.memref_slice %arg3[%add3A_34] : memref<131072xi32, #tpu.memory_space<hbm>> -> memref<128xi32, #tpu.memory_space<hbm>>
      tpu.wait_dma2 semaphore(%run_scoped3A : memref<!tpu.dma_semaphore, #tpu.memory_space<semaphore_mem>>) src(%dma_wait3A_260 : memref<128xi32, #tpu.memory_space<hbm>>) dst(%arg5 : memref<128xi32, #tpu.memory_space<vmem>>)
      tpu.yield
    }) : () -> ()
    %dma_start3A_35 = arith.constant 0 : i32
    %dma_start3A_36 = arith.constant 0 : i32
    %dma_start3A_37 = tpu.memref_slice %arg2[%dma_start3A_35, %dma_start3A_36] : memref<32768x128xf32, #tpu.memory_space<hbm>> -> memref<32768x128xf32, #tpu.memory_space<hbm>>
    tpu.enqueue_indirect_dma source(%dma_start3A_37 : memref<32768x128xf32, #tpu.memory_space<hbm>>) target(%arg6 : memref<128x128xf32, #tpu.memory_space<vmem>>) offsets(%arg5 : memref<128xi32, #tpu.memory_space<vmem>>) semaphore(%arg7 : memref<!tpu.dma_semaphore, #tpu.memory_space<semaphore_mem>>)
    %dma_wait3A_38 = arith.constant 0 : i32
    %dma_wait3A_39 = arith.constant 0 : i32
    %dma_wait3A_40 = tpu.memref_slice %arg2[%dma_wait3A_38, %dma_wait3A_39] : memref<32768x128xf32, #tpu.memory_space<hbm>> -> memref<32768x128xf32, #tpu.memory_space<hbm>>
    tpu.wait_indirect_dma semaphore(%arg7 : memref<!tpu.dma_semaphore, #tpu.memory_space<semaphore_mem>>) src(%dma_wait3A_40 : memref<32768x128xf32, #tpu.memory_space<hbm>>) dst(%arg6 : memref<128x128xf32, #tpu.memory_space<vmem>>)
    "tpu.region"() ({
      %run_scoped3A = tpu.sem_alloc : memref<!tpu.dma_semaphore, #tpu.memory_space<semaphore_mem>>
      %dma_start3A_257 = arith.constant 0 : i32
      %dma_start3A_258 = tpu.memref_slice %arg4[%add3A_34, %dma_start3A_257] : memref<131072x128xf32, #tpu.memory_space<hbm>> -> memref<128x128xf32, #tpu.memory_space<hbm>>
      %dma_start3A_259 = arith.constant 0 : i32
      %dma_start3A_260 = tpu.memref_slice %arg4[%add3A_34, %dma_start3A_259] : memref<131072x128xf32, #tpu.memory_space<hbm>> -> memref<128x128xf32, #tpu.memory_space<hbm>>
      tpu.enqueue_dma source(%arg6 : memref<128x128xf32, #tpu.memory_space<vmem>>) target(%dma_start3A_260 : memref<128x128xf32, #tpu.memory_space<hbm>>) target_semaphore(%run_scoped3A : memref<!tpu.dma_semaphore, #tpu.memory_space<semaphore_mem>>)
      %dma_wait3A_261 = arith.constant 0 : i32
      %dma_wait3A_262 = tpu.memref_slice %arg4[%add3A_34, %dma_wait3A_261] : memref<131072x128xf32, #tpu.memory_space<hbm>> -> memref<128x128xf32, #tpu.memory_space<hbm>>
      %dma_wait3A_263 = arith.constant 0 : i32
      %dma_wait3A_264 = tpu.memref_slice %arg4[%add3A_34, %dma_wait3A_263] : memref<131072x128xf32, #tpu.memory_space<hbm>> -> memref<128x128xf32, #tpu.memory_space<hbm>>
      tpu.wait_dma2 semaphore(%run_scoped3A : memref<!tpu.dma_semaphore, #tpu.memory_space<semaphore_mem>>) src(%arg6 : memref<128x128xf32, #tpu.memory_space<vmem>>) dst(%dma_wait3A_264 : memref<128x128xf32, #tpu.memory_space<hbm>>)
      tpu.yield
    }) : () -> ()
    %add3A_41 = arith.constant 640 : i32
    %add3A_42 = arith.addi %mul3A_2, %add3A_41 : i32
    "tpu.region"() ({
      %run_scoped3A = tpu.sem_alloc : memref<!tpu.dma_semaphore, #tpu.memory_space<semaphore_mem>>
      %dma_start3A_257 = tpu.memref_slice %arg3[%add3A_42] : memref<131072xi32, #tpu.memory_space<hbm>> -> memref<128xi32, #tpu.memory_space<hbm>>
      %dma_start3A_258 = tpu.memref_slice %arg3[%add3A_42] : memref<131072xi32, #tpu.memory_space<hbm>> -> memref<128xi32, #tpu.memory_space<hbm>>
      tpu.enqueue_dma source(%dma_start3A_258 : memref<128xi32, #tpu.memory_space<hbm>>) target(%arg5 : memref<128xi32, #tpu.memory_space<vmem>>) target_semaphore(%run_scoped3A : memref<!tpu.dma_semaphore, #tpu.memory_space<semaphore_mem>>)
      %dma_wait3A_259 = tpu.memref_slice %arg3[%add3A_42] : memref<131072xi32, #tpu.memory_space<hbm>> -> memref<128xi32, #tpu.memory_space<hbm>>
      %dma_wait3A_260 = tpu.memref_slice %arg3[%add3A_42] : memref<131072xi32, #tpu.memory_space<hbm>> -> memref<128xi32, #tpu.memory_space<hbm>>
      tpu.wait_dma2 semaphore(%run_scoped3A : memref<!tpu.dma_semaphore, #tpu.memory_space<semaphore_mem>>) src(%dma_wait3A_260 : memref<128xi32, #tpu.memory_space<hbm>>) dst(%arg5 : memref<128xi32, #tpu.memory_space<vmem>>)
      tpu.yield
    }) : () -> ()
    %dma_start3A_43 = arith.constant 0 : i32
    %dma_start3A_44 = arith.constant 0 : i32
    %dma_start3A_45 = tpu.memref_slice %arg2[%dma_start3A_43, %dma_start3A_44] : memref<32768x128xf32, #tpu.memory_space<hbm>> -> memref<32768x128xf32, #tpu.memory_space<hbm>>
    tpu.enqueue_indirect_dma source(%dma_start3A_45 : memref<32768x128xf32, #tpu.memory_space<hbm>>) target(%arg6 : memref<128x128xf32, #tpu.memory_space<vmem>>) offsets(%arg5 : memref<128xi32, #tpu.memory_space<vmem>>) semaphore(%arg7 : memref<!tpu.dma_semaphore, #tpu.memory_space<semaphore_mem>>)
    %dma_wait3A_46 = arith.constant 0 : i32
    %dma_wait3A_47 = arith.constant 0 : i32
    %dma_wait3A_48 = tpu.memref_slice %arg2[%dma_wait3A_46, %dma_wait3A_47] : memref<32768x128xf32, #tpu.memory_space<hbm>> -> memref<32768x128xf32, #tpu.memory_space<hbm>>
    tpu.wait_indirect_dma semaphore(%arg7 : memref<!tpu.dma_semaphore, #tpu.memory_space<semaphore_mem>>) src(%dma_wait3A_48 : memref<32768x128xf32, #tpu.memory_space<hbm>>) dst(%arg6 : memref<128x128xf32, #tpu.memory_space<vmem>>)
    "tpu.region"() ({
      %run_scoped3A = tpu.sem_alloc : memref<!tpu.dma_semaphore, #tpu.memory_space<semaphore_mem>>
      %dma_start3A_257 = arith.constant 0 : i32
      %dma_start3A_258 = tpu.memref_slice %arg4[%add3A_42, %dma_start3A_257] : memref<131072x128xf32, #tpu.memory_space<hbm>> -> memref<128x128xf32, #tpu.memory_space<hbm>>
      %dma_start3A_259 = arith.constant 0 : i32
      %dma_start3A_260 = tpu.memref_slice %arg4[%add3A_42, %dma_start3A_259] : memref<131072x128xf32, #tpu.memory_space<hbm>> -> memref<128x128xf32, #tpu.memory_space<hbm>>
      tpu.enqueue_dma source(%arg6 : memref<128x128xf32, #tpu.memory_space<vmem>>) target(%dma_start3A_260 : memref<128x128xf32, #tpu.memory_space<hbm>>) target_semaphore(%run_scoped3A : memref<!tpu.dma_semaphore, #tpu.memory_space<semaphore_mem>>)
      %dma_wait3A_261 = arith.constant 0 : i32
      %dma_wait3A_262 = tpu.memref_slice %arg4[%add3A_42, %dma_wait3A_261] : memref<131072x128xf32, #tpu.memory_space<hbm>> -> memref<128x128xf32, #tpu.memory_space<hbm>>
      %dma_wait3A_263 = arith.constant 0 : i32
      %dma_wait3A_264 = tpu.memref_slice %arg4[%add3A_42, %dma_wait3A_263] : memref<131072x128xf32, #tpu.memory_space<hbm>> -> memref<128x128xf32, #tpu.memory_space<hbm>>
      tpu.wait_dma2 semaphore(%run_scoped3A : memref<!tpu.dma_semaphore, #tpu.memory_space<semaphore_mem>>) src(%arg6 : memref<128x128xf32, #tpu.memory_space<vmem>>) dst(%dma_wait3A_264 : memref<128x128xf32, #tpu.memory_space<hbm>>)
      tpu.yield
    }) : () -> ()
    %add3A_49 = arith.constant 768 : i32
    %add3A_50 = arith.addi %mul3A_2, %add3A_49 : i32
    "tpu.region"() ({
      %run_scoped3A = tpu.sem_alloc : memref<!tpu.dma_semaphore, #tpu.memory_space<semaphore_mem>>
      %dma_start3A_257 = tpu.memref_slice %arg3[%add3A_50] : memref<131072xi32, #tpu.memory_space<hbm>> -> memref<128xi32, #tpu.memory_space<hbm>>
      %dma_start3A_258 = tpu.memref_slice %arg3[%add3A_50] : memref<131072xi32, #tpu.memory_space<hbm>> -> memref<128xi32, #tpu.memory_space<hbm>>
      tpu.enqueue_dma source(%dma_start3A_258 : memref<128xi32, #tpu.memory_space<hbm>>) target(%arg5 : memref<128xi32, #tpu.memory_space<vmem>>) target_semaphore(%run_scoped3A : memref<!tpu.dma_semaphore, #tpu.memory_space<semaphore_mem>>)
      %dma_wait3A_259 = tpu.memref_slice %arg3[%add3A_50] : memref<131072xi32, #tpu.memory_space<hbm>> -> memref<128xi32, #tpu.memory_space<hbm>>
      %dma_wait3A_260 = tpu.memref_slice %arg3[%add3A_50] : memref<131072xi32, #tpu.memory_space<hbm>> -> memref<128xi32, #tpu.memory_space<hbm>>
      tpu.wait_dma2 semaphore(%run_scoped3A : memref<!tpu.dma_semaphore, #tpu.memory_space<semaphore_mem>>) src(%dma_wait3A_260 : memref<128xi32, #tpu.memory_space<hbm>>) dst(%arg5 : memref<128xi32, #tpu.memory_space<vmem>>)
      tpu.yield
    }) : () -> ()
    %dma_start3A_51 = arith.constant 0 : i32
    %dma_start3A_52 = arith.constant 0 : i32
    %dma_start3A_53 = tpu.memref_slice %arg2[%dma_start3A_51, %dma_start3A_52] : memref<32768x128xf32, #tpu.memory_space<hbm>> -> memref<32768x128xf32, #tpu.memory_space<hbm>>
    tpu.enqueue_indirect_dma source(%dma_start3A_53 : memref<32768x128xf32, #tpu.memory_space<hbm>>) target(%arg6 : memref<128x128xf32, #tpu.memory_space<vmem>>) offsets(%arg5 : memref<128xi32, #tpu.memory_space<vmem>>) semaphore(%arg7 : memref<!tpu.dma_semaphore, #tpu.memory_space<semaphore_mem>>)
    %dma_wait3A_54 = arith.constant 0 : i32
    %dma_wait3A_55 = arith.constant 0 : i32
    %dma_wait3A_56 = tpu.memref_slice %arg2[%dma_wait3A_54, %dma_wait3A_55] : memref<32768x128xf32, #tpu.memory_space<hbm>> -> memref<32768x128xf32, #tpu.memory_space<hbm>>
    tpu.wait_indirect_dma semaphore(%arg7 : memref<!tpu.dma_semaphore, #tpu.memory_space<semaphore_mem>>) src(%dma_wait3A_56 : memref<32768x128xf32, #tpu.memory_space<hbm>>) dst(%arg6 : memref<128x128xf32, #tpu.memory_space<vmem>>)
    "tpu.region"() ({
      %run_scoped3A = tpu.sem_alloc : memref<!tpu.dma_semaphore, #tpu.memory_space<semaphore_mem>>
      %dma_start3A_257 = arith.constant 0 : i32
      %dma_start3A_258 = tpu.memref_slice %arg4[%add3A_50, %dma_start3A_257] : memref<131072x128xf32, #tpu.memory_space<hbm>> -> memref<128x128xf32, #tpu.memory_space<hbm>>
      %dma_start3A_259 = arith.constant 0 : i32
      %dma_start3A_260 = tpu.memref_slice %arg4[%add3A_50, %dma_start3A_259] : memref<131072x128xf32, #tpu.memory_space<hbm>> -> memref<128x128xf32, #tpu.memory_space<hbm>>
      tpu.enqueue_dma source(%arg6 : memref<128x128xf32, #tpu.memory_space<vmem>>) target(%dma_start3A_260 : memref<128x128xf32, #tpu.memory_space<hbm>>) target_semaphore(%run_scoped3A : memref<!tpu.dma_semaphore, #tpu.memory_space<semaphore_mem>>)
      %dma_wait3A_261 = arith.constant 0 : i32
      %dma_wait3A_262 = tpu.memref_slice %arg4[%add3A_50, %dma_wait3A_261] : memref<131072x128xf32, #tpu.memory_space<hbm>> -> memref<128x128xf32, #tpu.memory_space<hbm>>
      %dma_wait3A_263 = arith.constant 0 : i32
      %dma_wait3A_264 = tpu.memref_slice %arg4[%add3A_50, %dma_wait3A_263] : memref<131072x128xf32, #tpu.memory_space<hbm>> -> memref<128x128xf32, #tpu.memory_space<hbm>>
      tpu.wait_dma2 semaphore(%run_scoped3A : memref<!tpu.dma_semaphore, #tpu.memory_space<semaphore_mem>>) src(%arg6 : memref<128x128xf32, #tpu.memory_space<vmem>>) dst(%dma_wait3A_264 : memref<128x128xf32, #tpu.memory_space<hbm>>)
      tpu.yield
    }) : () -> ()
    %add3A_57 = arith.constant 896 : i32
    %add3A_58 = arith.addi %mul3A_2, %add3A_57 : i32
    "tpu.region"() ({
      %run_scoped3A = tpu.sem_alloc : memref<!tpu.dma_semaphore, #tpu.memory_space<semaphore_mem>>
      %dma_start3A_257 = tpu.memref_slice %arg3[%add3A_58] : memref<131072xi32, #tpu.memory_space<hbm>> -> memref<128xi32, #tpu.memory_space<hbm>>
      %dma_start3A_258 = tpu.memref_slice %arg3[%add3A_58] : memref<131072xi32, #tpu.memory_space<hbm>> -> memref<128xi32, #tpu.memory_space<hbm>>
      tpu.enqueue_dma source(%dma_start3A_258 : memref<128xi32, #tpu.memory_space<hbm>>) target(%arg5 : memref<128xi32, #tpu.memory_space<vmem>>) target_semaphore(%run_scoped3A : memref<!tpu.dma_semaphore, #tpu.memory_space<semaphore_mem>>)
      %dma_wait3A_259 = tpu.memref_slice %arg3[%add3A_58] : memref<131072xi32, #tpu.memory_space<hbm>> -> memref<128xi32, #tpu.memory_space<hbm>>
      %dma_wait3A_260 = tpu.memref_slice %arg3[%add3A_58] : memref<131072xi32, #tpu.memory_space<hbm>> -> memref<128xi32, #tpu.memory_space<hbm>>
      tpu.wait_dma2 semaphore(%run_scoped3A : memref<!tpu.dma_semaphore, #tpu.memory_space<semaphore_mem>>) src(%dma_wait3A_260 : memref<128xi32, #tpu.memory_space<hbm>>) dst(%arg5 : memref<128xi32, #tpu.memory_space<vmem>>)
      tpu.yield
    }) : () -> ()
    %dma_start3A_59 = arith.constant 0 : i32
    %dma_start3A_60 = arith.constant 0 : i32
    %dma_start3A_61 = tpu.memref_slice %arg2[%dma_start3A_59, %dma_start3A_60] : memref<32768x128xf32, #tpu.memory_space<hbm>> -> memref<32768x128xf32, #tpu.memory_space<hbm>>
    tpu.enqueue_indirect_dma source(%dma_start3A_61 : memref<32768x128xf32, #tpu.memory_space<hbm>>) target(%arg6 : memref<128x128xf32, #tpu.memory_space<vmem>>) offsets(%arg5 : memref<128xi32, #tpu.memory_space<vmem>>) semaphore(%arg7 : memref<!tpu.dma_semaphore, #tpu.memory_space<semaphore_mem>>)
    %dma_wait3A_62 = arith.constant 0 : i32
    %dma_wait3A_63 = arith.constant 0 : i32
    %dma_wait3A_64 = tpu.memref_slice %arg2[%dma_wait3A_62, %dma_wait3A_63] : memref<32768x128xf32, #tpu.memory_space<hbm>> -> memref<32768x128xf32, #tpu.memory_space<hbm>>
    tpu.wait_indirect_dma semaphore(%arg7 : memref<!tpu.dma_semaphore, #tpu.memory_space<semaphore_mem>>) src(%dma_wait3A_64 : memref<32768x128xf32, #tpu.memory_space<hbm>>) dst(%arg6 : memref<128x128xf32, #tpu.memory_space<vmem>>)
    "tpu.region"() ({
      %run_scoped3A = tpu.sem_alloc : memref<!tpu.dma_semaphore, #tpu.memory_space<semaphore_mem>>
      %dma_start3A_257 = arith.constant 0 : i32
      %dma_start3A_258 = tpu.memref_slice %arg4[%add3A_58, %dma_start3A_257] : memref<131072x128xf32, #tpu.memory_space<hbm>> -> memref<128x128xf32, #tpu.memory_space<hbm>>
      %dma_start3A_259 = arith.constant 0 : i32
      %dma_start3A_260 = tpu.memref_slice %arg4[%add3A_58, %dma_start3A_259] : memref<131072x128xf32, #tpu.memory_space<hbm>> -> memref<128x128xf32, #tpu.memory_space<hbm>>
      tpu.enqueue_dma source(%arg6 : memref<128x128xf32, #tpu.memory_space<vmem>>) target(%dma_start3A_260 : memref<128x128xf32, #tpu.memory_space<hbm>>) target_semaphore(%run_scoped3A : memref<!tpu.dma_semaphore, #tpu.memory_space<semaphore_mem>>)
      %dma_wait3A_261 = arith.constant 0 : i32
      %dma_wait3A_262 = tpu.memref_slice %arg4[%add3A_58, %dma_wait3A_261] : memref<131072x128xf32, #tpu.memory_space<hbm>> -> memref<128x128xf32, #tpu.memory_space<hbm>>
      %dma_wait3A_263 = arith.constant 0 : i32
      %dma_wait3A_264 = tpu.memref_slice %arg4[%add3A_58, %dma_wait3A_263] : memref<131072x128xf32, #tpu.memory_space<hbm>> -> memref<128x128xf32, #tpu.memory_space<hbm>>
      tpu.wait_dma2 semaphore(%run_scoped3A : memref<!tpu.dma_semaphore, #tpu.memory_space<semaphore_mem>>) src(%arg6 : memref<128x128xf32, #tpu.memory_space<vmem>>) dst(%dma_wait3A_264 : memref<128x128xf32, #tpu.memory_space<hbm>>)
      tpu.yield
    }) : () -> ()
    %add3A_65 = arith.constant 1024 : i32
    %add3A_66 = arith.addi %mul3A_2, %add3A_65 : i32
    "tpu.region"() ({
      %run_scoped3A = tpu.sem_alloc : memref<!tpu.dma_semaphore, #tpu.memory_space<semaphore_mem>>
      %dma_start3A_257 = tpu.memref_slice %arg3[%add3A_66] : memref<131072xi32, #tpu.memory_space<hbm>> -> memref<128xi32, #tpu.memory_space<hbm>>
      %dma_start3A_258 = tpu.memref_slice %arg3[%add3A_66] : memref<131072xi32, #tpu.memory_space<hbm>> -> memref<128xi32, #tpu.memory_space<hbm>>
      tpu.enqueue_dma source(%dma_start3A_258 : memref<128xi32, #tpu.memory_space<hbm>>) target(%arg5 : memref<128xi32, #tpu.memory_space<vmem>>) target_semaphore(%run_scoped3A : memref<!tpu.dma_semaphore, #tpu.memory_space<semaphore_mem>>)
      %dma_wait3A_259 = tpu.memref_slice %arg3[%add3A_66] : memref<131072xi32, #tpu.memory_space<hbm>> -> memref<128xi32, #tpu.memory_space<hbm>>
      %dma_wait3A_260 = tpu.memref_slice %arg3[%add3A_66] : memref<131072xi32, #tpu.memory_space<hbm>> -> memref<128xi32, #tpu.memory_space<hbm>>
      tpu.wait_dma2 semaphore(%run_scoped3A : memref<!tpu.dma_semaphore, #tpu.memory_space<semaphore_mem>>) src(%dma_wait3A_260 : memref<128xi32, #tpu.memory_space<hbm>>) dst(%arg5 : memref<128xi32, #tpu.memory_space<vmem>>)
      tpu.yield
    }) : () -> ()
    %dma_start3A_67 = arith.constant 0 : i32
    %dma_start3A_68 = arith.constant 0 : i32
    %dma_start3A_69 = tpu.memref_slice %arg2[%dma_start3A_67, %dma_start3A_68] : memref<32768x128xf32, #tpu.memory_space<hbm>> -> memref<32768x128xf32, #tpu.memory_space<hbm>>
    tpu.enqueue_indirect_dma source(%dma_start3A_69 : memref<32768x128xf32, #tpu.memory_space<hbm>>) target(%arg6 : memref<128x128xf32, #tpu.memory_space<vmem>>) offsets(%arg5 : memref<128xi32, #tpu.memory_space<vmem>>) semaphore(%arg7 : memref<!tpu.dma_semaphore, #tpu.memory_space<semaphore_mem>>)
    %dma_wait3A_70 = arith.constant 0 : i32
    %dma_wait3A_71 = arith.constant 0 : i32
    %dma_wait3A_72 = tpu.memref_slice %arg2[%dma_wait3A_70, %dma_wait3A_71] : memref<32768x128xf32, #tpu.memory_space<hbm>> -> memref<32768x128xf32, #tpu.memory_space<hbm>>
    tpu.wait_indirect_dma semaphore(%arg7 : memref<!tpu.dma_semaphore, #tpu.memory_space<semaphore_mem>>) src(%dma_wait3A_72 : memref<32768x128xf32, #tpu.memory_space<hbm>>) dst(%arg6 : memref<128x128xf32, #tpu.memory_space<vmem>>)
    "tpu.region"() ({
      %run_scoped3A = tpu.sem_alloc : memref<!tpu.dma_semaphore, #tpu.memory_space<semaphore_mem>>
      %dma_start3A_257 = arith.constant 0 : i32
      %dma_start3A_258 = tpu.memref_slice %arg4[%add3A_66, %dma_start3A_257] : memref<131072x128xf32, #tpu.memory_space<hbm>> -> memref<128x128xf32, #tpu.memory_space<hbm>>
      %dma_start3A_259 = arith.constant 0 : i32
      %dma_start3A_260 = tpu.memref_slice %arg4[%add3A_66, %dma_start3A_259] : memref<131072x128xf32, #tpu.memory_space<hbm>> -> memref<128x128xf32, #tpu.memory_space<hbm>>
      tpu.enqueue_dma source(%arg6 : memref<128x128xf32, #tpu.memory_space<vmem>>) target(%dma_start3A_260 : memref<128x128xf32, #tpu.memory_space<hbm>>) target_semaphore(%run_scoped3A : memref<!tpu.dma_semaphore, #tpu.memory_space<semaphore_mem>>)
      %dma_wait3A_261 = arith.constant 0 : i32
      %dma_wait3A_262 = tpu.memref_slice %arg4[%add3A_66, %dma_wait3A_261] : memref<131072x128xf32, #tpu.memory_space<hbm>> -> memref<128x128xf32, #tpu.memory_space<hbm>>
      %dma_wait3A_263 = arith.constant 0 : i32
      %dma_wait3A_264 = tpu.memref_slice %arg4[%add3A_66, %dma_wait3A_263] : memref<131072x128xf32, #tpu.memory_space<hbm>> -> memref<128x128xf32, #tpu.memory_space<hbm>>
      tpu.wait_dma2 semaphore(%run_scoped3A : memref<!tpu.dma_semaphore, #tpu.memory_space<semaphore_mem>>) src(%arg6 : memref<128x128xf32, #tpu.memory_space<vmem>>) dst(%dma_wait3A_264 : memref<128x128xf32, #tpu.memory_space<hbm>>)
      tpu.yield
    }) : () -> ()
    %add3A_73 = arith.constant 1152 : i32
    %add3A_74 = arith.addi %mul3A_2, %add3A_73 : i32
    "tpu.region"() ({
      %run_scoped3A = tpu.sem_alloc : memref<!tpu.dma_semaphore, #tpu.memory_space<semaphore_mem>>
      %dma_start3A_257 = tpu.memref_slice %arg3[%add3A_74] : memref<131072xi32, #tpu.memory_space<hbm>> -> memref<128xi32, #tpu.memory_space<hbm>>
      %dma_start3A_258 = tpu.memref_slice %arg3[%add3A_74] : memref<131072xi32, #tpu.memory_space<hbm>> -> memref<128xi32, #tpu.memory_space<hbm>>
      tpu.enqueue_dma source(%dma_start3A_258 : memref<128xi32, #tpu.memory_space<hbm>>) target(%arg5 : memref<128xi32, #tpu.memory_space<vmem>>) target_semaphore(%run_scoped3A : memref<!tpu.dma_semaphore, #tpu.memory_space<semaphore_mem>>)
      %dma_wait3A_259 = tpu.memref_slice %arg3[%add3A_74] : memref<131072xi32, #tpu.memory_space<hbm>> -> memref<128xi32, #tpu.memory_space<hbm>>
      %dma_wait3A_260 = tpu.memref_slice %arg3[%add3A_74] : memref<131072xi32, #tpu.memory_space<hbm>> -> memref<128xi32, #tpu.memory_space<hbm>>
      tpu.wait_dma2 semaphore(%run_scoped3A : memref<!tpu.dma_semaphore, #tpu.memory_space<semaphore_mem>>) src(%dma_wait3A_260 : memref<128xi32, #tpu.memory_space<hbm>>) dst(%arg5 : memref<128xi32, #tpu.memory_space<vmem>>)
      tpu.yield
    }) : () -> ()
    %dma_start3A_75 = arith.constant 0 : i32
    %dma_start3A_76 = arith.constant 0 : i32
    %dma_start3A_77 = tpu.memref_slice %arg2[%dma_start3A_75, %dma_start3A_76] : memref<32768x128xf32, #tpu.memory_space<hbm>> -> memref<32768x128xf32, #tpu.memory_space<hbm>>
    tpu.enqueue_indirect_dma source(%dma_start3A_77 : memref<32768x128xf32, #tpu.memory_space<hbm>>) target(%arg6 : memref<128x128xf32, #tpu.memory_space<vmem>>) offsets(%arg5 : memref<128xi32, #tpu.memory_space<vmem>>) semaphore(%arg7 : memref<!tpu.dma_semaphore, #tpu.memory_space<semaphore_mem>>)
    %dma_wait3A_78 = arith.constant 0 : i32
    %dma_wait3A_79 = arith.constant 0 : i32
    %dma_wait3A_80 = tpu.memref_slice %arg2[%dma_wait3A_78, %dma_wait3A_79] : memref<32768x128xf32, #tpu.memory_space<hbm>> -> memref<32768x128xf32, #tpu.memory_space<hbm>>
    tpu.wait_indirect_dma semaphore(%arg7 : memref<!tpu.dma_semaphore, #tpu.memory_space<semaphore_mem>>) src(%dma_wait3A_80 : memref<32768x128xf32, #tpu.memory_space<hbm>>) dst(%arg6 : memref<128x128xf32, #tpu.memory_space<vmem>>)
    "tpu.region"() ({
      %run_scoped3A = tpu.sem_alloc : memref<!tpu.dma_semaphore, #tpu.memory_space<semaphore_mem>>
      %dma_start3A_257 = arith.constant 0 : i32
      %dma_start3A_258 = tpu.memref_slice %arg4[%add3A_74, %dma_start3A_257] : memref<131072x128xf32, #tpu.memory_space<hbm>> -> memref<128x128xf32, #tpu.memory_space<hbm>>
      %dma_start3A_259 = arith.constant 0 : i32
      %dma_start3A_260 = tpu.memref_slice %arg4[%add3A_74, %dma_start3A_259] : memref<131072x128xf32, #tpu.memory_space<hbm>> -> memref<128x128xf32, #tpu.memory_space<hbm>>
      tpu.enqueue_dma source(%arg6 : memref<128x128xf32, #tpu.memory_space<vmem>>) target(%dma_start3A_260 : memref<128x128xf32, #tpu.memory_space<hbm>>) target_semaphore(%run_scoped3A : memref<!tpu.dma_semaphore, #tpu.memory_space<semaphore_mem>>)
      %dma_wait3A_261 = arith.constant 0 : i32
      %dma_wait3A_262 = tpu.memref_slice %arg4[%add3A_74, %dma_wait3A_261] : memref<131072x128xf32, #tpu.memory_space<hbm>> -> memref<128x128xf32, #tpu.memory_space<hbm>>
      %dma_wait3A_263 = arith.constant 0 : i32
      %dma_wait3A_264 = tpu.memref_slice %arg4[%add3A_74, %dma_wait3A_263] : memref<131072x128xf32, #tpu.memory_space<hbm>> -> memref<128x128xf32, #tpu.memory_space<hbm>>
      tpu.wait_dma2 semaphore(%run_scoped3A : memref<!tpu.dma_semaphore, #tpu.memory_space<semaphore_mem>>) src(%arg6 : memref<128x128xf32, #tpu.memory_space<vmem>>) dst(%dma_wait3A_264 : memref<128x128xf32, #tpu.memory_space<hbm>>)
      tpu.yield
    }) : () -> ()
    %add3A_81 = arith.constant 1280 : i32
    %add3A_82 = arith.addi %mul3A_2, %add3A_81 : i32
    "tpu.region"() ({
      %run_scoped3A = tpu.sem_alloc : memref<!tpu.dma_semaphore, #tpu.memory_space<semaphore_mem>>
      %dma_start3A_257 = tpu.memref_slice %arg3[%add3A_82] : memref<131072xi32, #tpu.memory_space<hbm>> -> memref<128xi32, #tpu.memory_space<hbm>>
      %dma_start3A_258 = tpu.memref_slice %arg3[%add3A_82] : memref<131072xi32, #tpu.memory_space<hbm>> -> memref<128xi32, #tpu.memory_space<hbm>>
      tpu.enqueue_dma source(%dma_start3A_258 : memref<128xi32, #tpu.memory_space<hbm>>) target(%arg5 : memref<128xi32, #tpu.memory_space<vmem>>) target_semaphore(%run_scoped3A : memref<!tpu.dma_semaphore, #tpu.memory_space<semaphore_mem>>)
      %dma_wait3A_259 = tpu.memref_slice %arg3[%add3A_82] : memref<131072xi32, #tpu.memory_space<hbm>> -> memref<128xi32, #tpu.memory_space<hbm>>
      %dma_wait3A_260 = tpu.memref_slice %arg3[%add3A_82] : memref<131072xi32, #tpu.memory_space<hbm>> -> memref<128xi32, #tpu.memory_space<hbm>>
      tpu.wait_dma2 semaphore(%run_scoped3A : memref<!tpu.dma_semaphore, #tpu.memory_space<semaphore_mem>>) src(%dma_wait3A_260 : memref<128xi32, #tpu.memory_space<hbm>>) dst(%arg5 : memref<128xi32, #tpu.memory_space<vmem>>)
      tpu.yield
    }) : () -> ()
    %dma_start3A_83 = arith.constant 0 : i32
    %dma_start3A_84 = arith.constant 0 : i32
    %dma_start3A_85 = tpu.memref_slice %arg2[%dma_start3A_83, %dma_start3A_84] : memref<32768x128xf32, #tpu.memory_space<hbm>> -> memref<32768x128xf32, #tpu.memory_space<hbm>>
    tpu.enqueue_indirect_dma source(%dma_start3A_85 : memref<32768x128xf32, #tpu.memory_space<hbm>>) target(%arg6 : memref<128x128xf32, #tpu.memory_space<vmem>>) offsets(%arg5 : memref<128xi32, #tpu.memory_space<vmem>>) semaphore(%arg7 : memref<!tpu.dma_semaphore, #tpu.memory_space<semaphore_mem>>)
    %dma_wait3A_86 = arith.constant 0 : i32
    %dma_wait3A_87 = arith.constant 0 : i32
    %dma_wait3A_88 = tpu.memref_slice %arg2[%dma_wait3A_86, %dma_wait3A_87] : memref<32768x128xf32, #tpu.memory_space<hbm>> -> memref<32768x128xf32, #tpu.memory_space<hbm>>
    tpu.wait_indirect_dma semaphore(%arg7 : memref<!tpu.dma_semaphore, #tpu.memory_space<semaphore_mem>>) src(%dma_wait3A_88 : memref<32768x128xf32, #tpu.memory_space<hbm>>) dst(%arg6 : memref<128x128xf32, #tpu.memory_space<vmem>>)
    "tpu.region"() ({
      %run_scoped3A = tpu.sem_alloc : memref<!tpu.dma_semaphore, #tpu.memory_space<semaphore_mem>>
      %dma_start3A_257 = arith.constant 0 : i32
      %dma_start3A_258 = tpu.memref_slice %arg4[%add3A_82, %dma_start3A_257] : memref<131072x128xf32, #tpu.memory_space<hbm>> -> memref<128x128xf32, #tpu.memory_space<hbm>>
      %dma_start3A_259 = arith.constant 0 : i32
      %dma_start3A_260 = tpu.memref_slice %arg4[%add3A_82, %dma_start3A_259] : memref<131072x128xf32, #tpu.memory_space<hbm>> -> memref<128x128xf32, #tpu.memory_space<hbm>>
      tpu.enqueue_dma source(%arg6 : memref<128x128xf32, #tpu.memory_space<vmem>>) target(%dma_start3A_260 : memref<128x128xf32, #tpu.memory_space<hbm>>) target_semaphore(%run_scoped3A : memref<!tpu.dma_semaphore, #tpu.memory_space<semaphore_mem>>)
      %dma_wait3A_261 = arith.constant 0 : i32
      %dma_wait3A_262 = tpu.memref_slice %arg4[%add3A_82, %dma_wait3A_261] : memref<131072x128xf32, #tpu.memory_space<hbm>> -> memref<128x128xf32, #tpu.memory_space<hbm>>
      %dma_wait3A_263 = arith.constant 0 : i32
      %dma_wait3A_264 = tpu.memref_slice %arg4[%add3A_82, %dma_wait3A_263] : memref<131072x128xf32, #tpu.memory_space<hbm>> -> memref<128x128xf32, #tpu.memory_space<hbm>>
      tpu.wait_dma2 semaphore(%run_scoped3A : memref<!tpu.dma_semaphore, #tpu.memory_space<semaphore_mem>>) src(%arg6 : memref<128x128xf32, #tpu.memory_space<vmem>>) dst(%dma_wait3A_264 : memref<128x128xf32, #tpu.memory_space<hbm>>)
      tpu.yield
    }) : () -> ()
    %add3A_89 = arith.constant 1408 : i32
    %add3A_90 = arith.addi %mul3A_2, %add3A_89 : i32
    "tpu.region"() ({
      %run_scoped3A = tpu.sem_alloc : memref<!tpu.dma_semaphore, #tpu.memory_space<semaphore_mem>>
      %dma_start3A_257 = tpu.memref_slice %arg3[%add3A_90] : memref<131072xi32, #tpu.memory_space<hbm>> -> memref<128xi32, #tpu.memory_space<hbm>>
      %dma_start3A_258 = tpu.memref_slice %arg3[%add3A_90] : memref<131072xi32, #tpu.memory_space<hbm>> -> memref<128xi32, #tpu.memory_space<hbm>>
      tpu.enqueue_dma source(%dma_start3A_258 : memref<128xi32, #tpu.memory_space<hbm>>) target(%arg5 : memref<128xi32, #tpu.memory_space<vmem>>) target_semaphore(%run_scoped3A : memref<!tpu.dma_semaphore, #tpu.memory_space<semaphore_mem>>)
      %dma_wait3A_259 = tpu.memref_slice %arg3[%add3A_90] : memref<131072xi32, #tpu.memory_space<hbm>> -> memref<128xi32, #tpu.memory_space<hbm>>
      %dma_wait3A_260 = tpu.memref_slice %arg3[%add3A_90] : memref<131072xi32, #tpu.memory_space<hbm>> -> memref<128xi32, #tpu.memory_space<hbm>>
      tpu.wait_dma2 semaphore(%run_scoped3A : memref<!tpu.dma_semaphore, #tpu.memory_space<semaphore_mem>>) src(%dma_wait3A_260 : memref<128xi32, #tpu.memory_space<hbm>>) dst(%arg5 : memref<128xi32, #tpu.memory_space<vmem>>)
      tpu.yield
    }) : () -> ()
    %dma_start3A_91 = arith.constant 0 : i32
    %dma_start3A_92 = arith.constant 0 : i32
    %dma_start3A_93 = tpu.memref_slice %arg2[%dma_start3A_91, %dma_start3A_92] : memref<32768x128xf32, #tpu.memory_space<hbm>> -> memref<32768x128xf32, #tpu.memory_space<hbm>>
    tpu.enqueue_indirect_dma source(%dma_start3A_93 : memref<32768x128xf32, #tpu.memory_space<hbm>>) target(%arg6 : memref<128x128xf32, #tpu.memory_space<vmem>>) offsets(%arg5 : memref<128xi32, #tpu.memory_space<vmem>>) semaphore(%arg7 : memref<!tpu.dma_semaphore, #tpu.memory_space<semaphore_mem>>)
    %dma_wait3A_94 = arith.constant 0 : i32
    %dma_wait3A_95 = arith.constant 0 : i32
    %dma_wait3A_96 = tpu.memref_slice %arg2[%dma_wait3A_94, %dma_wait3A_95] : memref<32768x128xf32, #tpu.memory_space<hbm>> -> memref<32768x128xf32, #tpu.memory_space<hbm>>
    tpu.wait_indirect_dma semaphore(%arg7 : memref<!tpu.dma_semaphore, #tpu.memory_space<semaphore_mem>>) src(%dma_wait3A_96 : memref<32768x128xf32, #tpu.memory_space<hbm>>) dst(%arg6 : memref<128x128xf32, #tpu.memory_space<vmem>>)
    "tpu.region"() ({
      %run_scoped3A = tpu.sem_alloc : memref<!tpu.dma_semaphore, #tpu.memory_space<semaphore_mem>>
      %dma_start3A_257 = arith.constant 0 : i32
      %dma_start3A_258 = tpu.memref_slice %arg4[%add3A_90, %dma_start3A_257] : memref<131072x128xf32, #tpu.memory_space<hbm>> -> memref<128x128xf32, #tpu.memory_space<hbm>>
      %dma_start3A_259 = arith.constant 0 : i32
      %dma_start3A_260 = tpu.memref_slice %arg4[%add3A_90, %dma_start3A_259] : memref<131072x128xf32, #tpu.memory_space<hbm>> -> memref<128x128xf32, #tpu.memory_space<hbm>>
      tpu.enqueue_dma source(%arg6 : memref<128x128xf32, #tpu.memory_space<vmem>>) target(%dma_start3A_260 : memref<128x128xf32, #tpu.memory_space<hbm>>) target_semaphore(%run_scoped3A : memref<!tpu.dma_semaphore, #tpu.memory_space<semaphore_mem>>)
      %dma_wait3A_261 = arith.constant 0 : i32
      %dma_wait3A_262 = tpu.memref_slice %arg4[%add3A_90, %dma_wait3A_261] : memref<131072x128xf32, #tpu.memory_space<hbm>> -> memref<128x128xf32, #tpu.memory_space<hbm>>
      %dma_wait3A_263 = arith.constant 0 : i32
      %dma_wait3A_264 = tpu.memref_slice %arg4[%add3A_90, %dma_wait3A_263] : memref<131072x128xf32, #tpu.memory_space<hbm>> -> memref<128x128xf32, #tpu.memory_space<hbm>>
      tpu.wait_dma2 semaphore(%run_scoped3A : memref<!tpu.dma_semaphore, #tpu.memory_space<semaphore_mem>>) src(%arg6 : memref<128x128xf32, #tpu.memory_space<vmem>>) dst(%dma_wait3A_264 : memref<128x128xf32, #tpu.memory_space<hbm>>)
      tpu.yield
    }) : () -> ()
    %add3A_97 = arith.constant 1536 : i32
    %add3A_98 = arith.addi %mul3A_2, %add3A_97 : i32
    "tpu.region"() ({
      %run_scoped3A = tpu.sem_alloc : memref<!tpu.dma_semaphore, #tpu.memory_space<semaphore_mem>>
      %dma_start3A_257 = tpu.memref_slice %arg3[%add3A_98] : memref<131072xi32, #tpu.memory_space<hbm>> -> memref<128xi32, #tpu.memory_space<hbm>>
      %dma_start3A_258 = tpu.memref_slice %arg3[%add3A_98] : memref<131072xi32, #tpu.memory_space<hbm>> -> memref<128xi32, #tpu.memory_space<hbm>>
      tpu.enqueue_dma source(%dma_start3A_258 : memref<128xi32, #tpu.memory_space<hbm>>) target(%arg5 : memref<128xi32, #tpu.memory_space<vmem>>) target_semaphore(%run_scoped3A : memref<!tpu.dma_semaphore, #tpu.memory_space<semaphore_mem>>)
      %dma_wait3A_259 = tpu.memref_slice %arg3[%add3A_98] : memref<131072xi32, #tpu.memory_space<hbm>> -> memref<128xi32, #tpu.memory_space<hbm>>
      %dma_wait3A_260 = tpu.memref_slice %arg3[%add3A_98] : memref<131072xi32, #tpu.memory_space<hbm>> -> memref<128xi32, #tpu.memory_space<hbm>>
      tpu.wait_dma2 semaphore(%run_scoped3A : memref<!tpu.dma_semaphore, #tpu.memory_space<semaphore_mem>>) src(%dma_wait3A_260 : memref<128xi32, #tpu.memory_space<hbm>>) dst(%arg5 : memref<128xi32, #tpu.memory_space<vmem>>)
      tpu.yield
    }) : () -> ()
    %dma_start3A_99 = arith.constant 0 : i32
    %dma_start3A_100 = arith.constant 0 : i32
    %dma_start3A_101 = tpu.memref_slice %arg2[%dma_start3A_99, %dma_start3A_100] : memref<32768x128xf32, #tpu.memory_space<hbm>> -> memref<32768x128xf32, #tpu.memory_space<hbm>>
    tpu.enqueue_indirect_dma source(%dma_start3A_101 : memref<32768x128xf32, #tpu.memory_space<hbm>>) target(%arg6 : memref<128x128xf32, #tpu.memory_space<vmem>>) offsets(%arg5 : memref<128xi32, #tpu.memory_space<vmem>>) semaphore(%arg7 : memref<!tpu.dma_semaphore, #tpu.memory_space<semaphore_mem>>)
    %dma_wait3A_102 = arith.constant 0 : i32
    %dma_wait3A_103 = arith.constant 0 : i32
    %dma_wait3A_104 = tpu.memref_slice %arg2[%dma_wait3A_102, %dma_wait3A_103] : memref<32768x128xf32, #tpu.memory_space<hbm>> -> memref<32768x128xf32, #tpu.memory_space<hbm>>
    tpu.wait_indirect_dma semaphore(%arg7 : memref<!tpu.dma_semaphore, #tpu.memory_space<semaphore_mem>>) src(%dma_wait3A_104 : memref<32768x128xf32, #tpu.memory_space<hbm>>) dst(%arg6 : memref<128x128xf32, #tpu.memory_space<vmem>>)
    "tpu.region"() ({
      %run_scoped3A = tpu.sem_alloc : memref<!tpu.dma_semaphore, #tpu.memory_space<semaphore_mem>>
      %dma_start3A_257 = arith.constant 0 : i32
      %dma_start3A_258 = tpu.memref_slice %arg4[%add3A_98, %dma_start3A_257] : memref<131072x128xf32, #tpu.memory_space<hbm>> -> memref<128x128xf32, #tpu.memory_space<hbm>>
      %dma_start3A_259 = arith.constant 0 : i32
      %dma_start3A_260 = tpu.memref_slice %arg4[%add3A_98, %dma_start3A_259] : memref<131072x128xf32, #tpu.memory_space<hbm>> -> memref<128x128xf32, #tpu.memory_space<hbm>>
      tpu.enqueue_dma source(%arg6 : memref<128x128xf32, #tpu.memory_space<vmem>>) target(%dma_start3A_260 : memref<128x128xf32, #tpu.memory_space<hbm>>) target_semaphore(%run_scoped3A : memref<!tpu.dma_semaphore, #tpu.memory_space<semaphore_mem>>)
      %dma_wait3A_261 = arith.constant 0 : i32
      %dma_wait3A_262 = tpu.memref_slice %arg4[%add3A_98, %dma_wait3A_261] : memref<131072x128xf32, #tpu.memory_space<hbm>> -> memref<128x128xf32, #tpu.memory_space<hbm>>
      %dma_wait3A_263 = arith.constant 0 : i32
      %dma_wait3A_264 = tpu.memref_slice %arg4[%add3A_98, %dma_wait3A_263] : memref<131072x128xf32, #tpu.memory_space<hbm>> -> memref<128x128xf32, #tpu.memory_space<hbm>>
      tpu.wait_dma2 semaphore(%run_scoped3A : memref<!tpu.dma_semaphore, #tpu.memory_space<semaphore_mem>>) src(%arg6 : memref<128x128xf32, #tpu.memory_space<vmem>>) dst(%dma_wait3A_264 : memref<128x128xf32, #tpu.memory_space<hbm>>)
      tpu.yield
    }) : () -> ()
    %add3A_105 = arith.constant 1664 : i32
    %add3A_106 = arith.addi %mul3A_2, %add3A_105 : i32
    "tpu.region"() ({
      %run_scoped3A = tpu.sem_alloc : memref<!tpu.dma_semaphore, #tpu.memory_space<semaphore_mem>>
      %dma_start3A_257 = tpu.memref_slice %arg3[%add3A_106] : memref<131072xi32, #tpu.memory_space<hbm>> -> memref<128xi32, #tpu.memory_space<hbm>>
      %dma_start3A_258 = tpu.memref_slice %arg3[%add3A_106] : memref<131072xi32, #tpu.memory_space<hbm>> -> memref<128xi32, #tpu.memory_space<hbm>>
      tpu.enqueue_dma source(%dma_start3A_258 : memref<128xi32, #tpu.memory_space<hbm>>) target(%arg5 : memref<128xi32, #tpu.memory_space<vmem>>) target_semaphore(%run_scoped3A : memref<!tpu.dma_semaphore, #tpu.memory_space<semaphore_mem>>)
      %dma_wait3A_259 = tpu.memref_slice %arg3[%add3A_106] : memref<131072xi32, #tpu.memory_space<hbm>> -> memref<128xi32, #tpu.memory_space<hbm>>
      %dma_wait3A_260 = tpu.memref_slice %arg3[%add3A_106] : memref<131072xi32, #tpu.memory_space<hbm>> -> memref<128xi32, #tpu.memory_space<hbm>>
      tpu.wait_dma2 semaphore(%run_scoped3A : memref<!tpu.dma_semaphore, #tpu.memory_space<semaphore_mem>>) src(%dma_wait3A_260 : memref<128xi32, #tpu.memory_space<hbm>>) dst(%arg5 : memref<128xi32, #tpu.memory_space<vmem>>)
      tpu.yield
    }) : () -> ()
    %dma_start3A_107 = arith.constant 0 : i32
    %dma_start3A_108 = arith.constant 0 : i32
    %dma_start3A_109 = tpu.memref_slice %arg2[%dma_start3A_107, %dma_start3A_108] : memref<32768x128xf32, #tpu.memory_space<hbm>> -> memref<32768x128xf32, #tpu.memory_space<hbm>>
    tpu.enqueue_indirect_dma source(%dma_start3A_109 : memref<32768x128xf32, #tpu.memory_space<hbm>>) target(%arg6 : memref<128x128xf32, #tpu.memory_space<vmem>>) offsets(%arg5 : memref<128xi32, #tpu.memory_space<vmem>>) semaphore(%arg7 : memref<!tpu.dma_semaphore, #tpu.memory_space<semaphore_mem>>)
    %dma_wait3A_110 = arith.constant 0 : i32
    %dma_wait3A_111 = arith.constant 0 : i32
    %dma_wait3A_112 = tpu.memref_slice %arg2[%dma_wait3A_110, %dma_wait3A_111] : memref<32768x128xf32, #tpu.memory_space<hbm>> -> memref<32768x128xf32, #tpu.memory_space<hbm>>
    tpu.wait_indirect_dma semaphore(%arg7 : memref<!tpu.dma_semaphore, #tpu.memory_space<semaphore_mem>>) src(%dma_wait3A_112 : memref<32768x128xf32, #tpu.memory_space<hbm>>) dst(%arg6 : memref<128x128xf32, #tpu.memory_space<vmem>>)
    "tpu.region"() ({
      %run_scoped3A = tpu.sem_alloc : memref<!tpu.dma_semaphore, #tpu.memory_space<semaphore_mem>>
      %dma_start3A_257 = arith.constant 0 : i32
      %dma_start3A_258 = tpu.memref_slice %arg4[%add3A_106, %dma_start3A_257] : memref<131072x128xf32, #tpu.memory_space<hbm>> -> memref<128x128xf32, #tpu.memory_space<hbm>>
      %dma_start3A_259 = arith.constant 0 : i32
      %dma_start3A_260 = tpu.memref_slice %arg4[%add3A_106, %dma_start3A_259] : memref<131072x128xf32, #tpu.memory_space<hbm>> -> memref<128x128xf32, #tpu.memory_space<hbm>>
      tpu.enqueue_dma source(%arg6 : memref<128x128xf32, #tpu.memory_space<vmem>>) target(%dma_start3A_260 : memref<128x128xf32, #tpu.memory_space<hbm>>) target_semaphore(%run_scoped3A : memref<!tpu.dma_semaphore, #tpu.memory_space<semaphore_mem>>)
      %dma_wait3A_261 = arith.constant 0 : i32
      %dma_wait3A_262 = tpu.memref_slice %arg4[%add3A_106, %dma_wait3A_261] : memref<131072x128xf32, #tpu.memory_space<hbm>> -> memref<128x128xf32, #tpu.memory_space<hbm>>
      %dma_wait3A_263 = arith.constant 0 : i32
      %dma_wait3A_264 = tpu.memref_slice %arg4[%add3A_106, %dma_wait3A_263] : memref<131072x128xf32, #tpu.memory_space<hbm>> -> memref<128x128xf32, #tpu.memory_space<hbm>>
      tpu.wait_dma2 semaphore(%run_scoped3A : memref<!tpu.dma_semaphore, #tpu.memory_space<semaphore_mem>>) src(%arg6 : memref<128x128xf32, #tpu.memory_space<vmem>>) dst(%dma_wait3A_264 : memref<128x128xf32, #tpu.memory_space<hbm>>)
      tpu.yield
    }) : () -> ()
    %add3A_113 = arith.constant 1792 : i32
    %add3A_114 = arith.addi %mul3A_2, %add3A_113 : i32
    "tpu.region"() ({
      %run_scoped3A = tpu.sem_alloc : memref<!tpu.dma_semaphore, #tpu.memory_space<semaphore_mem>>
      %dma_start3A_257 = tpu.memref_slice %arg3[%add3A_114] : memref<131072xi32, #tpu.memory_space<hbm>> -> memref<128xi32, #tpu.memory_space<hbm>>
      %dma_start3A_258 = tpu.memref_slice %arg3[%add3A_114] : memref<131072xi32, #tpu.memory_space<hbm>> -> memref<128xi32, #tpu.memory_space<hbm>>
      tpu.enqueue_dma source(%dma_start3A_258 : memref<128xi32, #tpu.memory_space<hbm>>) target(%arg5 : memref<128xi32, #tpu.memory_space<vmem>>) target_semaphore(%run_scoped3A : memref<!tpu.dma_semaphore, #tpu.memory_space<semaphore_mem>>)
      %dma_wait3A_259 = tpu.memref_slice %arg3[%add3A_114] : memref<131072xi32, #tpu.memory_space<hbm>> -> memref<128xi32, #tpu.memory_space<hbm>>
      %dma_wait3A_260 = tpu.memref_slice %arg3[%add3A_114] : memref<131072xi32, #tpu.memory_space<hbm>> -> memref<128xi32, #tpu.memory_space<hbm>>
      tpu.wait_dma2 semaphore(%run_scoped3A : memref<!tpu.dma_semaphore, #tpu.memory_space<semaphore_mem>>) src(%dma_wait3A_260 : memref<128xi32, #tpu.memory_space<hbm>>) dst(%arg5 : memref<128xi32, #tpu.memory_space<vmem>>)
      tpu.yield
    }) : () -> ()
    %dma_start3A_115 = arith.constant 0 : i32
    %dma_start3A_116 = arith.constant 0 : i32
    %dma_start3A_117 = tpu.memref_slice %arg2[%dma_start3A_115, %dma_start3A_116] : memref<32768x128xf32, #tpu.memory_space<hbm>> -> memref<32768x128xf32, #tpu.memory_space<hbm>>
    tpu.enqueue_indirect_dma source(%dma_start3A_117 : memref<32768x128xf32, #tpu.memory_space<hbm>>) target(%arg6 : memref<128x128xf32, #tpu.memory_space<vmem>>) offsets(%arg5 : memref<128xi32, #tpu.memory_space<vmem>>) semaphore(%arg7 : memref<!tpu.dma_semaphore, #tpu.memory_space<semaphore_mem>>)
    %dma_wait3A_118 = arith.constant 0 : i32
    %dma_wait3A_119 = arith.constant 0 : i32
    %dma_wait3A_120 = tpu.memref_slice %arg2[%dma_wait3A_118, %dma_wait3A_119] : memref<32768x128xf32, #tpu.memory_space<hbm>> -> memref<32768x128xf32, #tpu.memory_space<hbm>>
    tpu.wait_indirect_dma semaphore(%arg7 : memref<!tpu.dma_semaphore, #tpu.memory_space<semaphore_mem>>) src(%dma_wait3A_120 : memref<32768x128xf32, #tpu.memory_space<hbm>>) dst(%arg6 : memref<128x128xf32, #tpu.memory_space<vmem>>)
    "tpu.region"() ({
      %run_scoped3A = tpu.sem_alloc : memref<!tpu.dma_semaphore, #tpu.memory_space<semaphore_mem>>
      %dma_start3A_257 = arith.constant 0 : i32
      %dma_start3A_258 = tpu.memref_slice %arg4[%add3A_114, %dma_start3A_257] : memref<131072x128xf32, #tpu.memory_space<hbm>> -> memref<128x128xf32, #tpu.memory_space<hbm>>
      %dma_start3A_259 = arith.constant 0 : i32
      %dma_start3A_260 = tpu.memref_slice %arg4[%add3A_114, %dma_start3A_259] : memref<131072x128xf32, #tpu.memory_space<hbm>> -> memref<128x128xf32, #tpu.memory_space<hbm>>
      tpu.enqueue_dma source(%arg6 : memref<128x128xf32, #tpu.memory_space<vmem>>) target(%dma_start3A_260 : memref<128x128xf32, #tpu.memory_space<hbm>>) target_semaphore(%run_scoped3A : memref<!tpu.dma_semaphore, #tpu.memory_space<semaphore_mem>>)
      %dma_wait3A_261 = arith.constant 0 : i32
      %dma_wait3A_262 = tpu.memref_slice %arg4[%add3A_114, %dma_wait3A_261] : memref<131072x128xf32, #tpu.memory_space<hbm>> -> memref<128x128xf32, #tpu.memory_space<hbm>>
      %dma_wait3A_263 = arith.constant 0 : i32
      %dma_wait3A_264 = tpu.memref_slice %arg4[%add3A_114, %dma_wait3A_263] : memref<131072x128xf32, #tpu.memory_space<hbm>> -> memref<128x128xf32, #tpu.memory_space<hbm>>
      tpu.wait_dma2 semaphore(%run_scoped3A : memref<!tpu.dma_semaphore, #tpu.memory_space<semaphore_mem>>) src(%arg6 : memref<128x128xf32, #tpu.memory_space<vmem>>) dst(%dma_wait3A_264 : memref<128x128xf32, #tpu.memory_space<hbm>>)
      tpu.yield
    }) : () -> ()
    %add3A_121 = arith.constant 1920 : i32
    %add3A_122 = arith.addi %mul3A_2, %add3A_121 : i32
    "tpu.region"() ({
      %run_scoped3A = tpu.sem_alloc : memref<!tpu.dma_semaphore, #tpu.memory_space<semaphore_mem>>
      %dma_start3A_257 = tpu.memref_slice %arg3[%add3A_122] : memref<131072xi32, #tpu.memory_space<hbm>> -> memref<128xi32, #tpu.memory_space<hbm>>
      %dma_start3A_258 = tpu.memref_slice %arg3[%add3A_122] : memref<131072xi32, #tpu.memory_space<hbm>> -> memref<128xi32, #tpu.memory_space<hbm>>
      tpu.enqueue_dma source(%dma_start3A_258 : memref<128xi32, #tpu.memory_space<hbm>>) target(%arg5 : memref<128xi32, #tpu.memory_space<vmem>>) target_semaphore(%run_scoped3A : memref<!tpu.dma_semaphore, #tpu.memory_space<semaphore_mem>>)
      %dma_wait3A_259 = tpu.memref_slice %arg3[%add3A_122] : memref<131072xi32, #tpu.memory_space<hbm>> -> memref<128xi32, #tpu.memory_space<hbm>>
      %dma_wait3A_260 = tpu.memref_slice %arg3[%add3A_122] : memref<131072xi32, #tpu.memory_space<hbm>> -> memref<128xi32, #tpu.memory_space<hbm>>
      tpu.wait_dma2 semaphore(%run_scoped3A : memref<!tpu.dma_semaphore, #tpu.memory_space<semaphore_mem>>) src(%dma_wait3A_260 : memref<128xi32, #tpu.memory_space<hbm>>) dst(%arg5 : memref<128xi32, #tpu.memory_space<vmem>>)
      tpu.yield
    }) : () -> ()
    %dma_start3A_123 = arith.constant 0 : i32
    %dma_start3A_124 = arith.constant 0 : i32
    %dma_start3A_125 = tpu.memref_slice %arg2[%dma_start3A_123, %dma_start3A_124] : memref<32768x128xf32, #tpu.memory_space<hbm>> -> memref<32768x128xf32, #tpu.memory_space<hbm>>
    tpu.enqueue_indirect_dma source(%dma_start3A_125 : memref<32768x128xf32, #tpu.memory_space<hbm>>) target(%arg6 : memref<128x128xf32, #tpu.memory_space<vmem>>) offsets(%arg5 : memref<128xi32, #tpu.memory_space<vmem>>) semaphore(%arg7 : memref<!tpu.dma_semaphore, #tpu.memory_space<semaphore_mem>>)
    %dma_wait3A_126 = arith.constant 0 : i32
    %dma_wait3A_127 = arith.constant 0 : i32
    %dma_wait3A_128 = tpu.memref_slice %arg2[%dma_wait3A_126, %dma_wait3A_127] : memref<32768x128xf32, #tpu.memory_space<hbm>> -> memref<32768x128xf32, #tpu.memory_space<hbm>>
    tpu.wait_indirect_dma semaphore(%arg7 : memref<!tpu.dma_semaphore, #tpu.memory_space<semaphore_mem>>) src(%dma_wait3A_128 : memref<32768x128xf32, #tpu.memory_space<hbm>>) dst(%arg6 : memref<128x128xf32, #tpu.memory_space<vmem>>)
    "tpu.region"() ({
      %run_scoped3A = tpu.sem_alloc : memref<!tpu.dma_semaphore, #tpu.memory_space<semaphore_mem>>
      %dma_start3A_257 = arith.constant 0 : i32
      %dma_start3A_258 = tpu.memref_slice %arg4[%add3A_122, %dma_start3A_257] : memref<131072x128xf32, #tpu.memory_space<hbm>> -> memref<128x128xf32, #tpu.memory_space<hbm>>
      %dma_start3A_259 = arith.constant 0 : i32
      %dma_start3A_260 = tpu.memref_slice %arg4[%add3A_122, %dma_start3A_259] : memref<131072x128xf32, #tpu.memory_space<hbm>> -> memref<128x128xf32, #tpu.memory_space<hbm>>
      tpu.enqueue_dma source(%arg6 : memref<128x128xf32, #tpu.memory_space<vmem>>) target(%dma_start3A_260 : memref<128x128xf32, #tpu.memory_space<hbm>>) target_semaphore(%run_scoped3A : memref<!tpu.dma_semaphore, #tpu.memory_space<semaphore_mem>>)
      %dma_wait3A_261 = arith.constant 0 : i32
      %dma_wait3A_262 = tpu.memref_slice %arg4[%add3A_122, %dma_wait3A_261] : memref<131072x128xf32, #tpu.memory_space<hbm>> -> memref<128x128xf32, #tpu.memory_space<hbm>>
      %dma_wait3A_263 = arith.constant 0 : i32
      %dma_wait3A_264 = tpu.memref_slice %arg4[%add3A_122, %dma_wait3A_263] : memref<131072x128xf32, #tpu.memory_space<hbm>> -> memref<128x128xf32, #tpu.memory_space<hbm>>
      tpu.wait_dma2 semaphore(%run_scoped3A : memref<!tpu.dma_semaphore, #tpu.memory_space<semaphore_mem>>) src(%arg6 : memref<128x128xf32, #tpu.memory_space<vmem>>) dst(%dma_wait3A_264 : memref<128x128xf32, #tpu.memory_space<hbm>>)
      tpu.yield
    }) : () -> ()
    %add3A_129 = arith.constant 2048 : i32
    %add3A_130 = arith.addi %mul3A_2, %add3A_129 : i32
    "tpu.region"() ({
      %run_scoped3A = tpu.sem_alloc : memref<!tpu.dma_semaphore, #tpu.memory_space<semaphore_mem>>
      %dma_start3A_257 = tpu.memref_slice %arg3[%add3A_130] : memref<131072xi32, #tpu.memory_space<hbm>> -> memref<128xi32, #tpu.memory_space<hbm>>
      %dma_start3A_258 = tpu.memref_slice %arg3[%add3A_130] : memref<131072xi32, #tpu.memory_space<hbm>> -> memref<128xi32, #tpu.memory_space<hbm>>
      tpu.enqueue_dma source(%dma_start3A_258 : memref<128xi32, #tpu.memory_space<hbm>>) target(%arg5 : memref<128xi32, #tpu.memory_space<vmem>>) target_semaphore(%run_scoped3A : memref<!tpu.dma_semaphore, #tpu.memory_space<semaphore_mem>>)
      %dma_wait3A_259 = tpu.memref_slice %arg3[%add3A_130] : memref<131072xi32, #tpu.memory_space<hbm>> -> memref<128xi32, #tpu.memory_space<hbm>>
      %dma_wait3A_260 = tpu.memref_slice %arg3[%add3A_130] : memref<131072xi32, #tpu.memory_space<hbm>> -> memref<128xi32, #tpu.memory_space<hbm>>
      tpu.wait_dma2 semaphore(%run_scoped3A : memref<!tpu.dma_semaphore, #tpu.memory_space<semaphore_mem>>) src(%dma_wait3A_260 : memref<128xi32, #tpu.memory_space<hbm>>) dst(%arg5 : memref<128xi32, #tpu.memory_space<vmem>>)
      tpu.yield
    }) : () -> ()
    %dma_start3A_131 = arith.constant 0 : i32
    %dma_start3A_132 = arith.constant 0 : i32
    %dma_start3A_133 = tpu.memref_slice %arg2[%dma_start3A_131, %dma_start3A_132] : memref<32768x128xf32, #tpu.memory_space<hbm>> -> memref<32768x128xf32, #tpu.memory_space<hbm>>
    tpu.enqueue_indirect_dma source(%dma_start3A_133 : memref<32768x128xf32, #tpu.memory_space<hbm>>) target(%arg6 : memref<128x128xf32, #tpu.memory_space<vmem>>) offsets(%arg5 : memref<128xi32, #tpu.memory_space<vmem>>) semaphore(%arg7 : memref<!tpu.dma_semaphore, #tpu.memory_space<semaphore_mem>>)
    %dma_wait3A_134 = arith.constant 0 : i32
    %dma_wait3A_135 = arith.constant 0 : i32
    %dma_wait3A_136 = tpu.memref_slice %arg2[%dma_wait3A_134, %dma_wait3A_135] : memref<32768x128xf32, #tpu.memory_space<hbm>> -> memref<32768x128xf32, #tpu.memory_space<hbm>>
    tpu.wait_indirect_dma semaphore(%arg7 : memref<!tpu.dma_semaphore, #tpu.memory_space<semaphore_mem>>) src(%dma_wait3A_136 : memref<32768x128xf32, #tpu.memory_space<hbm>>) dst(%arg6 : memref<128x128xf32, #tpu.memory_space<vmem>>)
    "tpu.region"() ({
      %run_scoped3A = tpu.sem_alloc : memref<!tpu.dma_semaphore, #tpu.memory_space<semaphore_mem>>
      %dma_start3A_257 = arith.constant 0 : i32
      %dma_start3A_258 = tpu.memref_slice %arg4[%add3A_130, %dma_start3A_257] : memref<131072x128xf32, #tpu.memory_space<hbm>> -> memref<128x128xf32, #tpu.memory_space<hbm>>
      %dma_start3A_259 = arith.constant 0 : i32
      %dma_start3A_260 = tpu.memref_slice %arg4[%add3A_130, %dma_start3A_259] : memref<131072x128xf32, #tpu.memory_space<hbm>> -> memref<128x128xf32, #tpu.memory_space<hbm>>
      tpu.enqueue_dma source(%arg6 : memref<128x128xf32, #tpu.memory_space<vmem>>) target(%dma_start3A_260 : memref<128x128xf32, #tpu.memory_space<hbm>>) target_semaphore(%run_scoped3A : memref<!tpu.dma_semaphore, #tpu.memory_space<semaphore_mem>>)
      %dma_wait3A_261 = arith.constant 0 : i32
      %dma_wait3A_262 = tpu.memref_slice %arg4[%add3A_130, %dma_wait3A_261] : memref<131072x128xf32, #tpu.memory_space<hbm>> -> memref<128x128xf32, #tpu.memory_space<hbm>>
      %dma_wait3A_263 = arith.constant 0 : i32
      %dma_wait3A_264 = tpu.memref_slice %arg4[%add3A_130, %dma_wait3A_263] : memref<131072x128xf32, #tpu.memory_space<hbm>> -> memref<128x128xf32, #tpu.memory_space<hbm>>
      tpu.wait_dma2 semaphore(%run_scoped3A : memref<!tpu.dma_semaphore, #tpu.memory_space<semaphore_mem>>) src(%arg6 : memref<128x128xf32, #tpu.memory_space<vmem>>) dst(%dma_wait3A_264 : memref<128x128xf32, #tpu.memory_space<hbm>>)
      tpu.yield
    }) : () -> ()
    %add3A_137 = arith.constant 2176 : i32
    %add3A_138 = arith.addi %mul3A_2, %add3A_137 : i32
    "tpu.region"() ({
      %run_scoped3A = tpu.sem_alloc : memref<!tpu.dma_semaphore, #tpu.memory_space<semaphore_mem>>
      %dma_start3A_257 = tpu.memref_slice %arg3[%add3A_138] : memref<131072xi32, #tpu.memory_space<hbm>> -> memref<128xi32, #tpu.memory_space<hbm>>
      %dma_start3A_258 = tpu.memref_slice %arg3[%add3A_138] : memref<131072xi32, #tpu.memory_space<hbm>> -> memref<128xi32, #tpu.memory_space<hbm>>
      tpu.enqueue_dma source(%dma_start3A_258 : memref<128xi32, #tpu.memory_space<hbm>>) target(%arg5 : memref<128xi32, #tpu.memory_space<vmem>>) target_semaphore(%run_scoped3A : memref<!tpu.dma_semaphore, #tpu.memory_space<semaphore_mem>>)
      %dma_wait3A_259 = tpu.memref_slice %arg3[%add3A_138] : memref<131072xi32, #tpu.memory_space<hbm>> -> memref<128xi32, #tpu.memory_space<hbm>>
      %dma_wait3A_260 = tpu.memref_slice %arg3[%add3A_138] : memref<131072xi32, #tpu.memory_space<hbm>> -> memref<128xi32, #tpu.memory_space<hbm>>
      tpu.wait_dma2 semaphore(%run_scoped3A : memref<!tpu.dma_semaphore, #tpu.memory_space<semaphore_mem>>) src(%dma_wait3A_260 : memref<128xi32, #tpu.memory_space<hbm>>) dst(%arg5 : memref<128xi32, #tpu.memory_space<vmem>>)
      tpu.yield
    }) : () -> ()
    %dma_start3A_139 = arith.constant 0 : i32
    %dma_start3A_140 = arith.constant 0 : i32
    %dma_start3A_141 = tpu.memref_slice %arg2[%dma_start3A_139, %dma_start3A_140] : memref<32768x128xf32, #tpu.memory_space<hbm>> -> memref<32768x128xf32, #tpu.memory_space<hbm>>
    tpu.enqueue_indirect_dma source(%dma_start3A_141 : memref<32768x128xf32, #tpu.memory_space<hbm>>) target(%arg6 : memref<128x128xf32, #tpu.memory_space<vmem>>) offsets(%arg5 : memref<128xi32, #tpu.memory_space<vmem>>) semaphore(%arg7 : memref<!tpu.dma_semaphore, #tpu.memory_space<semaphore_mem>>)
    %dma_wait3A_142 = arith.constant 0 : i32
    %dma_wait3A_143 = arith.constant 0 : i32
    %dma_wait3A_144 = tpu.memref_slice %arg2[%dma_wait3A_142, %dma_wait3A_143] : memref<32768x128xf32, #tpu.memory_space<hbm>> -> memref<32768x128xf32, #tpu.memory_space<hbm>>
    tpu.wait_indirect_dma semaphore(%arg7 : memref<!tpu.dma_semaphore, #tpu.memory_space<semaphore_mem>>) src(%dma_wait3A_144 : memref<32768x128xf32, #tpu.memory_space<hbm>>) dst(%arg6 : memref<128x128xf32, #tpu.memory_space<vmem>>)
    "tpu.region"() ({
      %run_scoped3A = tpu.sem_alloc : memref<!tpu.dma_semaphore, #tpu.memory_space<semaphore_mem>>
      %dma_start3A_257 = arith.constant 0 : i32
      %dma_start3A_258 = tpu.memref_slice %arg4[%add3A_138, %dma_start3A_257] : memref<131072x128xf32, #tpu.memory_space<hbm>> -> memref<128x128xf32, #tpu.memory_space<hbm>>
      %dma_start3A_259 = arith.constant 0 : i32
      %dma_start3A_260 = tpu.memref_slice %arg4[%add3A_138, %dma_start3A_259] : memref<131072x128xf32, #tpu.memory_space<hbm>> -> memref<128x128xf32, #tpu.memory_space<hbm>>
      tpu.enqueue_dma source(%arg6 : memref<128x128xf32, #tpu.memory_space<vmem>>) target(%dma_start3A_260 : memref<128x128xf32, #tpu.memory_space<hbm>>) target_semaphore(%run_scoped3A : memref<!tpu.dma_semaphore, #tpu.memory_space<semaphore_mem>>)
      %dma_wait3A_261 = arith.constant 0 : i32
      %dma_wait3A_262 = tpu.memref_slice %arg4[%add3A_138, %dma_wait3A_261] : memref<131072x128xf32, #tpu.memory_space<hbm>> -> memref<128x128xf32, #tpu.memory_space<hbm>>
      %dma_wait3A_263 = arith.constant 0 : i32
      %dma_wait3A_264 = tpu.memref_slice %arg4[%add3A_138, %dma_wait3A_263] : memref<131072x128xf32, #tpu.memory_space<hbm>> -> memref<128x128xf32, #tpu.memory_space<hbm>>
      tpu.wait_dma2 semaphore(%run_scoped3A : memref<!tpu.dma_semaphore, #tpu.memory_space<semaphore_mem>>) src(%arg6 : memref<128x128xf32, #tpu.memory_space<vmem>>) dst(%dma_wait3A_264 : memref<128x128xf32, #tpu.memory_space<hbm>>)
      tpu.yield
    }) : () -> ()
    %add3A_145 = arith.constant 2304 : i32
    %add3A_146 = arith.addi %mul3A_2, %add3A_145 : i32
    "tpu.region"() ({
      %run_scoped3A = tpu.sem_alloc : memref<!tpu.dma_semaphore, #tpu.memory_space<semaphore_mem>>
      %dma_start3A_257 = tpu.memref_slice %arg3[%add3A_146] : memref<131072xi32, #tpu.memory_space<hbm>> -> memref<128xi32, #tpu.memory_space<hbm>>
      %dma_start3A_258 = tpu.memref_slice %arg3[%add3A_146] : memref<131072xi32, #tpu.memory_space<hbm>> -> memref<128xi32, #tpu.memory_space<hbm>>
      tpu.enqueue_dma source(%dma_start3A_258 : memref<128xi32, #tpu.memory_space<hbm>>) target(%arg5 : memref<128xi32, #tpu.memory_space<vmem>>) target_semaphore(%run_scoped3A : memref<!tpu.dma_semaphore, #tpu.memory_space<semaphore_mem>>)
      %dma_wait3A_259 = tpu.memref_slice %arg3[%add3A_146] : memref<131072xi32, #tpu.memory_space<hbm>> -> memref<128xi32, #tpu.memory_space<hbm>>
      %dma_wait3A_260 = tpu.memref_slice %arg3[%add3A_146] : memref<131072xi32, #tpu.memory_space<hbm>> -> memref<128xi32, #tpu.memory_space<hbm>>
      tpu.wait_dma2 semaphore(%run_scoped3A : memref<!tpu.dma_semaphore, #tpu.memory_space<semaphore_mem>>) src(%dma_wait3A_260 : memref<128xi32, #tpu.memory_space<hbm>>) dst(%arg5 : memref<128xi32, #tpu.memory_space<vmem>>)
      tpu.yield
    }) : () -> ()
    %dma_start3A_147 = arith.constant 0 : i32
    %dma_start3A_148 = arith.constant 0 : i32
    %dma_start3A_149 = tpu.memref_slice %arg2[%dma_start3A_147, %dma_start3A_148] : memref<32768x128xf32, #tpu.memory_space<hbm>> -> memref<32768x128xf32, #tpu.memory_space<hbm>>
    tpu.enqueue_indirect_dma source(%dma_start3A_149 : memref<32768x128xf32, #tpu.memory_space<hbm>>) target(%arg6 : memref<128x128xf32, #tpu.memory_space<vmem>>) offsets(%arg5 : memref<128xi32, #tpu.memory_space<vmem>>) semaphore(%arg7 : memref<!tpu.dma_semaphore, #tpu.memory_space<semaphore_mem>>)
    %dma_wait3A_150 = arith.constant 0 : i32
    %dma_wait3A_151 = arith.constant 0 : i32
    %dma_wait3A_152 = tpu.memref_slice %arg2[%dma_wait3A_150, %dma_wait3A_151] : memref<32768x128xf32, #tpu.memory_space<hbm>> -> memref<32768x128xf32, #tpu.memory_space<hbm>>
    tpu.wait_indirect_dma semaphore(%arg7 : memref<!tpu.dma_semaphore, #tpu.memory_space<semaphore_mem>>) src(%dma_wait3A_152 : memref<32768x128xf32, #tpu.memory_space<hbm>>) dst(%arg6 : memref<128x128xf32, #tpu.memory_space<vmem>>)
    "tpu.region"() ({
      %run_scoped3A = tpu.sem_alloc : memref<!tpu.dma_semaphore, #tpu.memory_space<semaphore_mem>>
      %dma_start3A_257 = arith.constant 0 : i32
      %dma_start3A_258 = tpu.memref_slice %arg4[%add3A_146, %dma_start3A_257] : memref<131072x128xf32, #tpu.memory_space<hbm>> -> memref<128x128xf32, #tpu.memory_space<hbm>>
      %dma_start3A_259 = arith.constant 0 : i32
      %dma_start3A_260 = tpu.memref_slice %arg4[%add3A_146, %dma_start3A_259] : memref<131072x128xf32, #tpu.memory_space<hbm>> -> memref<128x128xf32, #tpu.memory_space<hbm>>
      tpu.enqueue_dma source(%arg6 : memref<128x128xf32, #tpu.memory_space<vmem>>) target(%dma_start3A_260 : memref<128x128xf32, #tpu.memory_space<hbm>>) target_semaphore(%run_scoped3A : memref<!tpu.dma_semaphore, #tpu.memory_space<semaphore_mem>>)
      %dma_wait3A_261 = arith.constant 0 : i32
      %dma_wait3A_262 = tpu.memref_slice %arg4[%add3A_146, %dma_wait3A_261] : memref<131072x128xf32, #tpu.memory_space<hbm>> -> memref<128x128xf32, #tpu.memory_space<hbm>>
      %dma_wait3A_263 = arith.constant 0 : i32
      %dma_wait3A_264 = tpu.memref_slice %arg4[%add3A_146, %dma_wait3A_263] : memref<131072x128xf32, #tpu.memory_space<hbm>> -> memref<128x128xf32, #tpu.memory_space<hbm>>
      tpu.wait_dma2 semaphore(%run_scoped3A : memref<!tpu.dma_semaphore, #tpu.memory_space<semaphore_mem>>) src(%arg6 : memref<128x128xf32, #tpu.memory_space<vmem>>) dst(%dma_wait3A_264 : memref<128x128xf32, #tpu.memory_space<hbm>>)
      tpu.yield
    }) : () -> ()
    %add3A_153 = arith.constant 2432 : i32
    %add3A_154 = arith.addi %mul3A_2, %add3A_153 : i32
    "tpu.region"() ({
      %run_scoped3A = tpu.sem_alloc : memref<!tpu.dma_semaphore, #tpu.memory_space<semaphore_mem>>
      %dma_start3A_257 = tpu.memref_slice %arg3[%add3A_154] : memref<131072xi32, #tpu.memory_space<hbm>> -> memref<128xi32, #tpu.memory_space<hbm>>
      %dma_start3A_258 = tpu.memref_slice %arg3[%add3A_154] : memref<131072xi32, #tpu.memory_space<hbm>> -> memref<128xi32, #tpu.memory_space<hbm>>
      tpu.enqueue_dma source(%dma_start3A_258 : memref<128xi32, #tpu.memory_space<hbm>>) target(%arg5 : memref<128xi32, #tpu.memory_space<vmem>>) target_semaphore(%run_scoped3A : memref<!tpu.dma_semaphore, #tpu.memory_space<semaphore_mem>>)
      %dma_wait3A_259 = tpu.memref_slice %arg3[%add3A_154] : memref<131072xi32, #tpu.memory_space<hbm>> -> memref<128xi32, #tpu.memory_space<hbm>>
      %dma_wait3A_260 = tpu.memref_slice %arg3[%add3A_154] : memref<131072xi32, #tpu.memory_space<hbm>> -> memref<128xi32, #tpu.memory_space<hbm>>
      tpu.wait_dma2 semaphore(%run_scoped3A : memref<!tpu.dma_semaphore, #tpu.memory_space<semaphore_mem>>) src(%dma_wait3A_260 : memref<128xi32, #tpu.memory_space<hbm>>) dst(%arg5 : memref<128xi32, #tpu.memory_space<vmem>>)
      tpu.yield
    }) : () -> ()
    %dma_start3A_155 = arith.constant 0 : i32
    %dma_start3A_156 = arith.constant 0 : i32
    %dma_start3A_157 = tpu.memref_slice %arg2[%dma_start3A_155, %dma_start3A_156] : memref<32768x128xf32, #tpu.memory_space<hbm>> -> memref<32768x128xf32, #tpu.memory_space<hbm>>
    tpu.enqueue_indirect_dma source(%dma_start3A_157 : memref<32768x128xf32, #tpu.memory_space<hbm>>) target(%arg6 : memref<128x128xf32, #tpu.memory_space<vmem>>) offsets(%arg5 : memref<128xi32, #tpu.memory_space<vmem>>) semaphore(%arg7 : memref<!tpu.dma_semaphore, #tpu.memory_space<semaphore_mem>>)
    %dma_wait3A_158 = arith.constant 0 : i32
    %dma_wait3A_159 = arith.constant 0 : i32
    %dma_wait3A_160 = tpu.memref_slice %arg2[%dma_wait3A_158, %dma_wait3A_159] : memref<32768x128xf32, #tpu.memory_space<hbm>> -> memref<32768x128xf32, #tpu.memory_space<hbm>>
    tpu.wait_indirect_dma semaphore(%arg7 : memref<!tpu.dma_semaphore, #tpu.memory_space<semaphore_mem>>) src(%dma_wait3A_160 : memref<32768x128xf32, #tpu.memory_space<hbm>>) dst(%arg6 : memref<128x128xf32, #tpu.memory_space<vmem>>)
    "tpu.region"() ({
      %run_scoped3A = tpu.sem_alloc : memref<!tpu.dma_semaphore, #tpu.memory_space<semaphore_mem>>
      %dma_start3A_257 = arith.constant 0 : i32
      %dma_start3A_258 = tpu.memref_slice %arg4[%add3A_154, %dma_start3A_257] : memref<131072x128xf32, #tpu.memory_space<hbm>> -> memref<128x128xf32, #tpu.memory_space<hbm>>
      %dma_start3A_259 = arith.constant 0 : i32
      %dma_start3A_260 = tpu.memref_slice %arg4[%add3A_154, %dma_start3A_259] : memref<131072x128xf32, #tpu.memory_space<hbm>> -> memref<128x128xf32, #tpu.memory_space<hbm>>
      tpu.enqueue_dma source(%arg6 : memref<128x128xf32, #tpu.memory_space<vmem>>) target(%dma_start3A_260 : memref<128x128xf32, #tpu.memory_space<hbm>>) target_semaphore(%run_scoped3A : memref<!tpu.dma_semaphore, #tpu.memory_space<semaphore_mem>>)
      %dma_wait3A_261 = arith.constant 0 : i32
      %dma_wait3A_262 = tpu.memref_slice %arg4[%add3A_154, %dma_wait3A_261] : memref<131072x128xf32, #tpu.memory_space<hbm>> -> memref<128x128xf32, #tpu.memory_space<hbm>>
      %dma_wait3A_263 = arith.constant 0 : i32
      %dma_wait3A_264 = tpu.memref_slice %arg4[%add3A_154, %dma_wait3A_263] : memref<131072x128xf32, #tpu.memory_space<hbm>> -> memref<128x128xf32, #tpu.memory_space<hbm>>
      tpu.wait_dma2 semaphore(%run_scoped3A : memref<!tpu.dma_semaphore, #tpu.memory_space<semaphore_mem>>) src(%arg6 : memref<128x128xf32, #tpu.memory_space<vmem>>) dst(%dma_wait3A_264 : memref<128x128xf32, #tpu.memory_space<hbm>>)
      tpu.yield
    }) : () -> ()
    %add3A_161 = arith.constant 2560 : i32
    %add3A_162 = arith.addi %mul3A_2, %add3A_161 : i32
    "tpu.region"() ({
      %run_scoped3A = tpu.sem_alloc : memref<!tpu.dma_semaphore, #tpu.memory_space<semaphore_mem>>
      %dma_start3A_257 = tpu.memref_slice %arg3[%add3A_162] : memref<131072xi32, #tpu.memory_space<hbm>> -> memref<128xi32, #tpu.memory_space<hbm>>
      %dma_start3A_258 = tpu.memref_slice %arg3[%add3A_162] : memref<131072xi32, #tpu.memory_space<hbm>> -> memref<128xi32, #tpu.memory_space<hbm>>
      tpu.enqueue_dma source(%dma_start3A_258 : memref<128xi32, #tpu.memory_space<hbm>>) target(%arg5 : memref<128xi32, #tpu.memory_space<vmem>>) target_semaphore(%run_scoped3A : memref<!tpu.dma_semaphore, #tpu.memory_space<semaphore_mem>>)
      %dma_wait3A_259 = tpu.memref_slice %arg3[%add3A_162] : memref<131072xi32, #tpu.memory_space<hbm>> -> memref<128xi32, #tpu.memory_space<hbm>>
      %dma_wait3A_260 = tpu.memref_slice %arg3[%add3A_162] : memref<131072xi32, #tpu.memory_space<hbm>> -> memref<128xi32, #tpu.memory_space<hbm>>
      tpu.wait_dma2 semaphore(%run_scoped3A : memref<!tpu.dma_semaphore, #tpu.memory_space<semaphore_mem>>) src(%dma_wait3A_260 : memref<128xi32, #tpu.memory_space<hbm>>) dst(%arg5 : memref<128xi32, #tpu.memory_space<vmem>>)
      tpu.yield
    }) : () -> ()
    %dma_start3A_163 = arith.constant 0 : i32
    %dma_start3A_164 = arith.constant 0 : i32
    %dma_start3A_165 = tpu.memref_slice %arg2[%dma_start3A_163, %dma_start3A_164] : memref<32768x128xf32, #tpu.memory_space<hbm>> -> memref<32768x128xf32, #tpu.memory_space<hbm>>
    tpu.enqueue_indirect_dma source(%dma_start3A_165 : memref<32768x128xf32, #tpu.memory_space<hbm>>) target(%arg6 : memref<128x128xf32, #tpu.memory_space<vmem>>) offsets(%arg5 : memref<128xi32, #tpu.memory_space<vmem>>) semaphore(%arg7 : memref<!tpu.dma_semaphore, #tpu.memory_space<semaphore_mem>>)
    %dma_wait3A_166 = arith.constant 0 : i32
    %dma_wait3A_167 = arith.constant 0 : i32
    %dma_wait3A_168 = tpu.memref_slice %arg2[%dma_wait3A_166, %dma_wait3A_167] : memref<32768x128xf32, #tpu.memory_space<hbm>> -> memref<32768x128xf32, #tpu.memory_space<hbm>>
    tpu.wait_indirect_dma semaphore(%arg7 : memref<!tpu.dma_semaphore, #tpu.memory_space<semaphore_mem>>) src(%dma_wait3A_168 : memref<32768x128xf32, #tpu.memory_space<hbm>>) dst(%arg6 : memref<128x128xf32, #tpu.memory_space<vmem>>)
    "tpu.region"() ({
      %run_scoped3A = tpu.sem_alloc : memref<!tpu.dma_semaphore, #tpu.memory_space<semaphore_mem>>
      %dma_start3A_257 = arith.constant 0 : i32
      %dma_start3A_258 = tpu.memref_slice %arg4[%add3A_162, %dma_start3A_257] : memref<131072x128xf32, #tpu.memory_space<hbm>> -> memref<128x128xf32, #tpu.memory_space<hbm>>
      %dma_start3A_259 = arith.constant 0 : i32
      %dma_start3A_260 = tpu.memref_slice %arg4[%add3A_162, %dma_start3A_259] : memref<131072x128xf32, #tpu.memory_space<hbm>> -> memref<128x128xf32, #tpu.memory_space<hbm>>
      tpu.enqueue_dma source(%arg6 : memref<128x128xf32, #tpu.memory_space<vmem>>) target(%dma_start3A_260 : memref<128x128xf32, #tpu.memory_space<hbm>>) target_semaphore(%run_scoped3A : memref<!tpu.dma_semaphore, #tpu.memory_space<semaphore_mem>>)
      %dma_wait3A_261 = arith.constant 0 : i32
      %dma_wait3A_262 = tpu.memref_slice %arg4[%add3A_162, %dma_wait3A_261] : memref<131072x128xf32, #tpu.memory_space<hbm>> -> memref<128x128xf32, #tpu.memory_space<hbm>>
      %dma_wait3A_263 = arith.constant 0 : i32
      %dma_wait3A_264 = tpu.memref_slice %arg4[%add3A_162, %dma_wait3A_263] : memref<131072x128xf32, #tpu.memory_space<hbm>> -> memref<128x128xf32, #tpu.memory_space<hbm>>
      tpu.wait_dma2 semaphore(%run_scoped3A : memref<!tpu.dma_semaphore, #tpu.memory_space<semaphore_mem>>) src(%arg6 : memref<128x128xf32, #tpu.memory_space<vmem>>) dst(%dma_wait3A_264 : memref<128x128xf32, #tpu.memory_space<hbm>>)
      tpu.yield
    }) : () -> ()
    %add3A_169 = arith.constant 2688 : i32
    %add3A_170 = arith.addi %mul3A_2, %add3A_169 : i32
    "tpu.region"() ({
      %run_scoped3A = tpu.sem_alloc : memref<!tpu.dma_semaphore, #tpu.memory_space<semaphore_mem>>
      %dma_start3A_257 = tpu.memref_slice %arg3[%add3A_170] : memref<131072xi32, #tpu.memory_space<hbm>> -> memref<128xi32, #tpu.memory_space<hbm>>
      %dma_start3A_258 = tpu.memref_slice %arg3[%add3A_170] : memref<131072xi32, #tpu.memory_space<hbm>> -> memref<128xi32, #tpu.memory_space<hbm>>
      tpu.enqueue_dma source(%dma_start3A_258 : memref<128xi32, #tpu.memory_space<hbm>>) target(%arg5 : memref<128xi32, #tpu.memory_space<vmem>>) target_semaphore(%run_scoped3A : memref<!tpu.dma_semaphore, #tpu.memory_space<semaphore_mem>>)
      %dma_wait3A_259 = tpu.memref_slice %arg3[%add3A_170] : memref<131072xi32, #tpu.memory_space<hbm>> -> memref<128xi32, #tpu.memory_space<hbm>>
      %dma_wait3A_260 = tpu.memref_slice %arg3[%add3A_170] : memref<131072xi32, #tpu.memory_space<hbm>> -> memref<128xi32, #tpu.memory_space<hbm>>
      tpu.wait_dma2 semaphore(%run_scoped3A : memref<!tpu.dma_semaphore, #tpu.memory_space<semaphore_mem>>) src(%dma_wait3A_260 : memref<128xi32, #tpu.memory_space<hbm>>) dst(%arg5 : memref<128xi32, #tpu.memory_space<vmem>>)
      tpu.yield
    }) : () -> ()
    %dma_start3A_171 = arith.constant 0 : i32
    %dma_start3A_172 = arith.constant 0 : i32
    %dma_start3A_173 = tpu.memref_slice %arg2[%dma_start3A_171, %dma_start3A_172] : memref<32768x128xf32, #tpu.memory_space<hbm>> -> memref<32768x128xf32, #tpu.memory_space<hbm>>
    tpu.enqueue_indirect_dma source(%dma_start3A_173 : memref<32768x128xf32, #tpu.memory_space<hbm>>) target(%arg6 : memref<128x128xf32, #tpu.memory_space<vmem>>) offsets(%arg5 : memref<128xi32, #tpu.memory_space<vmem>>) semaphore(%arg7 : memref<!tpu.dma_semaphore, #tpu.memory_space<semaphore_mem>>)
    %dma_wait3A_174 = arith.constant 0 : i32
    %dma_wait3A_175 = arith.constant 0 : i32
    %dma_wait3A_176 = tpu.memref_slice %arg2[%dma_wait3A_174, %dma_wait3A_175] : memref<32768x128xf32, #tpu.memory_space<hbm>> -> memref<32768x128xf32, #tpu.memory_space<hbm>>
    tpu.wait_indirect_dma semaphore(%arg7 : memref<!tpu.dma_semaphore, #tpu.memory_space<semaphore_mem>>) src(%dma_wait3A_176 : memref<32768x128xf32, #tpu.memory_space<hbm>>) dst(%arg6 : memref<128x128xf32, #tpu.memory_space<vmem>>)
    "tpu.region"() ({
      %run_scoped3A = tpu.sem_alloc : memref<!tpu.dma_semaphore, #tpu.memory_space<semaphore_mem>>
      %dma_start3A_257 = arith.constant 0 : i32
      %dma_start3A_258 = tpu.memref_slice %arg4[%add3A_170, %dma_start3A_257] : memref<131072x128xf32, #tpu.memory_space<hbm>> -> memref<128x128xf32, #tpu.memory_space<hbm>>
      %dma_start3A_259 = arith.constant 0 : i32
      %dma_start3A_260 = tpu.memref_slice %arg4[%add3A_170, %dma_start3A_259] : memref<131072x128xf32, #tpu.memory_space<hbm>> -> memref<128x128xf32, #tpu.memory_space<hbm>>
      tpu.enqueue_dma source(%arg6 : memref<128x128xf32, #tpu.memory_space<vmem>>) target(%dma_start3A_260 : memref<128x128xf32, #tpu.memory_space<hbm>>) target_semaphore(%run_scoped3A : memref<!tpu.dma_semaphore, #tpu.memory_space<semaphore_mem>>)
      %dma_wait3A_261 = arith.constant 0 : i32
      %dma_wait3A_262 = tpu.memref_slice %arg4[%add3A_170, %dma_wait3A_261] : memref<131072x128xf32, #tpu.memory_space<hbm>> -> memref<128x128xf32, #tpu.memory_space<hbm>>
      %dma_wait3A_263 = arith.constant 0 : i32
      %dma_wait3A_264 = tpu.memref_slice %arg4[%add3A_170, %dma_wait3A_263] : memref<131072x128xf32, #tpu.memory_space<hbm>> -> memref<128x128xf32, #tpu.memory_space<hbm>>
      tpu.wait_dma2 semaphore(%run_scoped3A : memref<!tpu.dma_semaphore, #tpu.memory_space<semaphore_mem>>) src(%arg6 : memref<128x128xf32, #tpu.memory_space<vmem>>) dst(%dma_wait3A_264 : memref<128x128xf32, #tpu.memory_space<hbm>>)
      tpu.yield
    }) : () -> ()
    %add3A_177 = arith.constant 2816 : i32
    %add3A_178 = arith.addi %mul3A_2, %add3A_177 : i32
    "tpu.region"() ({
      %run_scoped3A = tpu.sem_alloc : memref<!tpu.dma_semaphore, #tpu.memory_space<semaphore_mem>>
      %dma_start3A_257 = tpu.memref_slice %arg3[%add3A_178] : memref<131072xi32, #tpu.memory_space<hbm>> -> memref<128xi32, #tpu.memory_space<hbm>>
      %dma_start3A_258 = tpu.memref_slice %arg3[%add3A_178] : memref<131072xi32, #tpu.memory_space<hbm>> -> memref<128xi32, #tpu.memory_space<hbm>>
      tpu.enqueue_dma source(%dma_start3A_258 : memref<128xi32, #tpu.memory_space<hbm>>) target(%arg5 : memref<128xi32, #tpu.memory_space<vmem>>) target_semaphore(%run_scoped3A : memref<!tpu.dma_semaphore, #tpu.memory_space<semaphore_mem>>)
      %dma_wait3A_259 = tpu.memref_slice %arg3[%add3A_178] : memref<131072xi32, #tpu.memory_space<hbm>> -> memref<128xi32, #tpu.memory_space<hbm>>
      %dma_wait3A_260 = tpu.memref_slice %arg3[%add3A_178] : memref<131072xi32, #tpu.memory_space<hbm>> -> memref<128xi32, #tpu.memory_space<hbm>>
      tpu.wait_dma2 semaphore(%run_scoped3A : memref<!tpu.dma_semaphore, #tpu.memory_space<semaphore_mem>>) src(%dma_wait3A_260 : memref<128xi32, #tpu.memory_space<hbm>>) dst(%arg5 : memref<128xi32, #tpu.memory_space<vmem>>)
      tpu.yield
    }) : () -> ()
    %dma_start3A_179 = arith.constant 0 : i32
    %dma_start3A_180 = arith.constant 0 : i32
    %dma_start3A_181 = tpu.memref_slice %arg2[%dma_start3A_179, %dma_start3A_180] : memref<32768x128xf32, #tpu.memory_space<hbm>> -> memref<32768x128xf32, #tpu.memory_space<hbm>>
    tpu.enqueue_indirect_dma source(%dma_start3A_181 : memref<32768x128xf32, #tpu.memory_space<hbm>>) target(%arg6 : memref<128x128xf32, #tpu.memory_space<vmem>>) offsets(%arg5 : memref<128xi32, #tpu.memory_space<vmem>>) semaphore(%arg7 : memref<!tpu.dma_semaphore, #tpu.memory_space<semaphore_mem>>)
    %dma_wait3A_182 = arith.constant 0 : i32
    %dma_wait3A_183 = arith.constant 0 : i32
    %dma_wait3A_184 = tpu.memref_slice %arg2[%dma_wait3A_182, %dma_wait3A_183] : memref<32768x128xf32, #tpu.memory_space<hbm>> -> memref<32768x128xf32, #tpu.memory_space<hbm>>
    tpu.wait_indirect_dma semaphore(%arg7 : memref<!tpu.dma_semaphore, #tpu.memory_space<semaphore_mem>>) src(%dma_wait3A_184 : memref<32768x128xf32, #tpu.memory_space<hbm>>) dst(%arg6 : memref<128x128xf32, #tpu.memory_space<vmem>>)
    "tpu.region"() ({
      %run_scoped3A = tpu.sem_alloc : memref<!tpu.dma_semaphore, #tpu.memory_space<semaphore_mem>>
      %dma_start3A_257 = arith.constant 0 : i32
      %dma_start3A_258 = tpu.memref_slice %arg4[%add3A_178, %dma_start3A_257] : memref<131072x128xf32, #tpu.memory_space<hbm>> -> memref<128x128xf32, #tpu.memory_space<hbm>>
      %dma_start3A_259 = arith.constant 0 : i32
      %dma_start3A_260 = tpu.memref_slice %arg4[%add3A_178, %dma_start3A_259] : memref<131072x128xf32, #tpu.memory_space<hbm>> -> memref<128x128xf32, #tpu.memory_space<hbm>>
      tpu.enqueue_dma source(%arg6 : memref<128x128xf32, #tpu.memory_space<vmem>>) target(%dma_start3A_260 : memref<128x128xf32, #tpu.memory_space<hbm>>) target_semaphore(%run_scoped3A : memref<!tpu.dma_semaphore, #tpu.memory_space<semaphore_mem>>)
      %dma_wait3A_261 = arith.constant 0 : i32
      %dma_wait3A_262 = tpu.memref_slice %arg4[%add3A_178, %dma_wait3A_261] : memref<131072x128xf32, #tpu.memory_space<hbm>> -> memref<128x128xf32, #tpu.memory_space<hbm>>
      %dma_wait3A_263 = arith.constant 0 : i32
      %dma_wait3A_264 = tpu.memref_slice %arg4[%add3A_178, %dma_wait3A_263] : memref<131072x128xf32, #tpu.memory_space<hbm>> -> memref<128x128xf32, #tpu.memory_space<hbm>>
      tpu.wait_dma2 semaphore(%run_scoped3A : memref<!tpu.dma_semaphore, #tpu.memory_space<semaphore_mem>>) src(%arg6 : memref<128x128xf32, #tpu.memory_space<vmem>>) dst(%dma_wait3A_264 : memref<128x128xf32, #tpu.memory_space<hbm>>)
      tpu.yield
    }) : () -> ()
    %add3A_185 = arith.constant 2944 : i32
    %add3A_186 = arith.addi %mul3A_2, %add3A_185 : i32
    "tpu.region"() ({
      %run_scoped3A = tpu.sem_alloc : memref<!tpu.dma_semaphore, #tpu.memory_space<semaphore_mem>>
      %dma_start3A_257 = tpu.memref_slice %arg3[%add3A_186] : memref<131072xi32, #tpu.memory_space<hbm>> -> memref<128xi32, #tpu.memory_space<hbm>>
      %dma_start3A_258 = tpu.memref_slice %arg3[%add3A_186] : memref<131072xi32, #tpu.memory_space<hbm>> -> memref<128xi32, #tpu.memory_space<hbm>>
      tpu.enqueue_dma source(%dma_start3A_258 : memref<128xi32, #tpu.memory_space<hbm>>) target(%arg5 : memref<128xi32, #tpu.memory_space<vmem>>) target_semaphore(%run_scoped3A : memref<!tpu.dma_semaphore, #tpu.memory_space<semaphore_mem>>)
      %dma_wait3A_259 = tpu.memref_slice %arg3[%add3A_186] : memref<131072xi32, #tpu.memory_space<hbm>> -> memref<128xi32, #tpu.memory_space<hbm>>
      %dma_wait3A_260 = tpu.memref_slice %arg3[%add3A_186] : memref<131072xi32, #tpu.memory_space<hbm>> -> memref<128xi32, #tpu.memory_space<hbm>>
      tpu.wait_dma2 semaphore(%run_scoped3A : memref<!tpu.dma_semaphore, #tpu.memory_space<semaphore_mem>>) src(%dma_wait3A_260 : memref<128xi32, #tpu.memory_space<hbm>>) dst(%arg5 : memref<128xi32, #tpu.memory_space<vmem>>)
      tpu.yield
    }) : () -> ()
    %dma_start3A_187 = arith.constant 0 : i32
    %dma_start3A_188 = arith.constant 0 : i32
    %dma_start3A_189 = tpu.memref_slice %arg2[%dma_start3A_187, %dma_start3A_188] : memref<32768x128xf32, #tpu.memory_space<hbm>> -> memref<32768x128xf32, #tpu.memory_space<hbm>>
    tpu.enqueue_indirect_dma source(%dma_start3A_189 : memref<32768x128xf32, #tpu.memory_space<hbm>>) target(%arg6 : memref<128x128xf32, #tpu.memory_space<vmem>>) offsets(%arg5 : memref<128xi32, #tpu.memory_space<vmem>>) semaphore(%arg7 : memref<!tpu.dma_semaphore, #tpu.memory_space<semaphore_mem>>)
    %dma_wait3A_190 = arith.constant 0 : i32
    %dma_wait3A_191 = arith.constant 0 : i32
    %dma_wait3A_192 = tpu.memref_slice %arg2[%dma_wait3A_190, %dma_wait3A_191] : memref<32768x128xf32, #tpu.memory_space<hbm>> -> memref<32768x128xf32, #tpu.memory_space<hbm>>
    tpu.wait_indirect_dma semaphore(%arg7 : memref<!tpu.dma_semaphore, #tpu.memory_space<semaphore_mem>>) src(%dma_wait3A_192 : memref<32768x128xf32, #tpu.memory_space<hbm>>) dst(%arg6 : memref<128x128xf32, #tpu.memory_space<vmem>>)
    "tpu.region"() ({
      %run_scoped3A = tpu.sem_alloc : memref<!tpu.dma_semaphore, #tpu.memory_space<semaphore_mem>>
      %dma_start3A_257 = arith.constant 0 : i32
      %dma_start3A_258 = tpu.memref_slice %arg4[%add3A_186, %dma_start3A_257] : memref<131072x128xf32, #tpu.memory_space<hbm>> -> memref<128x128xf32, #tpu.memory_space<hbm>>
      %dma_start3A_259 = arith.constant 0 : i32
      %dma_start3A_260 = tpu.memref_slice %arg4[%add3A_186, %dma_start3A_259] : memref<131072x128xf32, #tpu.memory_space<hbm>> -> memref<128x128xf32, #tpu.memory_space<hbm>>
      tpu.enqueue_dma source(%arg6 : memref<128x128xf32, #tpu.memory_space<vmem>>) target(%dma_start3A_260 : memref<128x128xf32, #tpu.memory_space<hbm>>) target_semaphore(%run_scoped3A : memref<!tpu.dma_semaphore, #tpu.memory_space<semaphore_mem>>)
      %dma_wait3A_261 = arith.constant 0 : i32
      %dma_wait3A_262 = tpu.memref_slice %arg4[%add3A_186, %dma_wait3A_261] : memref<131072x128xf32, #tpu.memory_space<hbm>> -> memref<128x128xf32, #tpu.memory_space<hbm>>
      %dma_wait3A_263 = arith.constant 0 : i32
      %dma_wait3A_264 = tpu.memref_slice %arg4[%add3A_186, %dma_wait3A_263] : memref<131072x128xf32, #tpu.memory_space<hbm>> -> memref<128x128xf32, #tpu.memory_space<hbm>>
      tpu.wait_dma2 semaphore(%run_scoped3A : memref<!tpu.dma_semaphore, #tpu.memory_space<semaphore_mem>>) src(%arg6 : memref<128x128xf32, #tpu.memory_space<vmem>>) dst(%dma_wait3A_264 : memref<128x128xf32, #tpu.memory_space<hbm>>)
      tpu.yield
    }) : () -> ()
    %add3A_193 = arith.constant 3072 : i32
    %add3A_194 = arith.addi %mul3A_2, %add3A_193 : i32
    "tpu.region"() ({
      %run_scoped3A = tpu.sem_alloc : memref<!tpu.dma_semaphore, #tpu.memory_space<semaphore_mem>>
      %dma_start3A_257 = tpu.memref_slice %arg3[%add3A_194] : memref<131072xi32, #tpu.memory_space<hbm>> -> memref<128xi32, #tpu.memory_space<hbm>>
      %dma_start3A_258 = tpu.memref_slice %arg3[%add3A_194] : memref<131072xi32, #tpu.memory_space<hbm>> -> memref<128xi32, #tpu.memory_space<hbm>>
      tpu.enqueue_dma source(%dma_start3A_258 : memref<128xi32, #tpu.memory_space<hbm>>) target(%arg5 : memref<128xi32, #tpu.memory_space<vmem>>) target_semaphore(%run_scoped3A : memref<!tpu.dma_semaphore, #tpu.memory_space<semaphore_mem>>)
      %dma_wait3A_259 = tpu.memref_slice %arg3[%add3A_194] : memref<131072xi32, #tpu.memory_space<hbm>> -> memref<128xi32, #tpu.memory_space<hbm>>
      %dma_wait3A_260 = tpu.memref_slice %arg3[%add3A_194] : memref<131072xi32, #tpu.memory_space<hbm>> -> memref<128xi32, #tpu.memory_space<hbm>>
      tpu.wait_dma2 semaphore(%run_scoped3A : memref<!tpu.dma_semaphore, #tpu.memory_space<semaphore_mem>>) src(%dma_wait3A_260 : memref<128xi32, #tpu.memory_space<hbm>>) dst(%arg5 : memref<128xi32, #tpu.memory_space<vmem>>)
      tpu.yield
    }) : () -> ()
    %dma_start3A_195 = arith.constant 0 : i32
    %dma_start3A_196 = arith.constant 0 : i32
    %dma_start3A_197 = tpu.memref_slice %arg2[%dma_start3A_195, %dma_start3A_196] : memref<32768x128xf32, #tpu.memory_space<hbm>> -> memref<32768x128xf32, #tpu.memory_space<hbm>>
    tpu.enqueue_indirect_dma source(%dma_start3A_197 : memref<32768x128xf32, #tpu.memory_space<hbm>>) target(%arg6 : memref<128x128xf32, #tpu.memory_space<vmem>>) offsets(%arg5 : memref<128xi32, #tpu.memory_space<vmem>>) semaphore(%arg7 : memref<!tpu.dma_semaphore, #tpu.memory_space<semaphore_mem>>)
    %dma_wait3A_198 = arith.constant 0 : i32
    %dma_wait3A_199 = arith.constant 0 : i32
    %dma_wait3A_200 = tpu.memref_slice %arg2[%dma_wait3A_198, %dma_wait3A_199] : memref<32768x128xf32, #tpu.memory_space<hbm>> -> memref<32768x128xf32, #tpu.memory_space<hbm>>
    tpu.wait_indirect_dma semaphore(%arg7 : memref<!tpu.dma_semaphore, #tpu.memory_space<semaphore_mem>>) src(%dma_wait3A_200 : memref<32768x128xf32, #tpu.memory_space<hbm>>) dst(%arg6 : memref<128x128xf32, #tpu.memory_space<vmem>>)
    "tpu.region"() ({
      %run_scoped3A = tpu.sem_alloc : memref<!tpu.dma_semaphore, #tpu.memory_space<semaphore_mem>>
      %dma_start3A_257 = arith.constant 0 : i32
      %dma_start3A_258 = tpu.memref_slice %arg4[%add3A_194, %dma_start3A_257] : memref<131072x128xf32, #tpu.memory_space<hbm>> -> memref<128x128xf32, #tpu.memory_space<hbm>>
      %dma_start3A_259 = arith.constant 0 : i32
      %dma_start3A_260 = tpu.memref_slice %arg4[%add3A_194, %dma_start3A_259] : memref<131072x128xf32, #tpu.memory_space<hbm>> -> memref<128x128xf32, #tpu.memory_space<hbm>>
      tpu.enqueue_dma source(%arg6 : memref<128x128xf32, #tpu.memory_space<vmem>>) target(%dma_start3A_260 : memref<128x128xf32, #tpu.memory_space<hbm>>) target_semaphore(%run_scoped3A : memref<!tpu.dma_semaphore, #tpu.memory_space<semaphore_mem>>)
      %dma_wait3A_261 = arith.constant 0 : i32
      %dma_wait3A_262 = tpu.memref_slice %arg4[%add3A_194, %dma_wait3A_261] : memref<131072x128xf32, #tpu.memory_space<hbm>> -> memref<128x128xf32, #tpu.memory_space<hbm>>
      %dma_wait3A_263 = arith.constant 0 : i32
      %dma_wait3A_264 = tpu.memref_slice %arg4[%add3A_194, %dma_wait3A_263] : memref<131072x128xf32, #tpu.memory_space<hbm>> -> memref<128x128xf32, #tpu.memory_space<hbm>>
      tpu.wait_dma2 semaphore(%run_scoped3A : memref<!tpu.dma_semaphore, #tpu.memory_space<semaphore_mem>>) src(%arg6 : memref<128x128xf32, #tpu.memory_space<vmem>>) dst(%dma_wait3A_264 : memref<128x128xf32, #tpu.memory_space<hbm>>)
      tpu.yield
    }) : () -> ()
    %add3A_201 = arith.constant 3200 : i32
    %add3A_202 = arith.addi %mul3A_2, %add3A_201 : i32
    "tpu.region"() ({
      %run_scoped3A = tpu.sem_alloc : memref<!tpu.dma_semaphore, #tpu.memory_space<semaphore_mem>>
      %dma_start3A_257 = tpu.memref_slice %arg3[%add3A_202] : memref<131072xi32, #tpu.memory_space<hbm>> -> memref<128xi32, #tpu.memory_space<hbm>>
      %dma_start3A_258 = tpu.memref_slice %arg3[%add3A_202] : memref<131072xi32, #tpu.memory_space<hbm>> -> memref<128xi32, #tpu.memory_space<hbm>>
      tpu.enqueue_dma source(%dma_start3A_258 : memref<128xi32, #tpu.memory_space<hbm>>) target(%arg5 : memref<128xi32, #tpu.memory_space<vmem>>) target_semaphore(%run_scoped3A : memref<!tpu.dma_semaphore, #tpu.memory_space<semaphore_mem>>)
      %dma_wait3A_259 = tpu.memref_slice %arg3[%add3A_202] : memref<131072xi32, #tpu.memory_space<hbm>> -> memref<128xi32, #tpu.memory_space<hbm>>
      %dma_wait3A_260 = tpu.memref_slice %arg3[%add3A_202] : memref<131072xi32, #tpu.memory_space<hbm>> -> memref<128xi32, #tpu.memory_space<hbm>>
      tpu.wait_dma2 semaphore(%run_scoped3A : memref<!tpu.dma_semaphore, #tpu.memory_space<semaphore_mem>>) src(%dma_wait3A_260 : memref<128xi32, #tpu.memory_space<hbm>>) dst(%arg5 : memref<128xi32, #tpu.memory_space<vmem>>)
      tpu.yield
    }) : () -> ()
    %dma_start3A_203 = arith.constant 0 : i32
    %dma_start3A_204 = arith.constant 0 : i32
    %dma_start3A_205 = tpu.memref_slice %arg2[%dma_start3A_203, %dma_start3A_204] : memref<32768x128xf32, #tpu.memory_space<hbm>> -> memref<32768x128xf32, #tpu.memory_space<hbm>>
    tpu.enqueue_indirect_dma source(%dma_start3A_205 : memref<32768x128xf32, #tpu.memory_space<hbm>>) target(%arg6 : memref<128x128xf32, #tpu.memory_space<vmem>>) offsets(%arg5 : memref<128xi32, #tpu.memory_space<vmem>>) semaphore(%arg7 : memref<!tpu.dma_semaphore, #tpu.memory_space<semaphore_mem>>)
    %dma_wait3A_206 = arith.constant 0 : i32
    %dma_wait3A_207 = arith.constant 0 : i32
    %dma_wait3A_208 = tpu.memref_slice %arg2[%dma_wait3A_206, %dma_wait3A_207] : memref<32768x128xf32, #tpu.memory_space<hbm>> -> memref<32768x128xf32, #tpu.memory_space<hbm>>
    tpu.wait_indirect_dma semaphore(%arg7 : memref<!tpu.dma_semaphore, #tpu.memory_space<semaphore_mem>>) src(%dma_wait3A_208 : memref<32768x128xf32, #tpu.memory_space<hbm>>) dst(%arg6 : memref<128x128xf32, #tpu.memory_space<vmem>>)
    "tpu.region"() ({
      %run_scoped3A = tpu.sem_alloc : memref<!tpu.dma_semaphore, #tpu.memory_space<semaphore_mem>>
      %dma_start3A_257 = arith.constant 0 : i32
      %dma_start3A_258 = tpu.memref_slice %arg4[%add3A_202, %dma_start3A_257] : memref<131072x128xf32, #tpu.memory_space<hbm>> -> memref<128x128xf32, #tpu.memory_space<hbm>>
      %dma_start3A_259 = arith.constant 0 : i32
      %dma_start3A_260 = tpu.memref_slice %arg4[%add3A_202, %dma_start3A_259] : memref<131072x128xf32, #tpu.memory_space<hbm>> -> memref<128x128xf32, #tpu.memory_space<hbm>>
      tpu.enqueue_dma source(%arg6 : memref<128x128xf32, #tpu.memory_space<vmem>>) target(%dma_start3A_260 : memref<128x128xf32, #tpu.memory_space<hbm>>) target_semaphore(%run_scoped3A : memref<!tpu.dma_semaphore, #tpu.memory_space<semaphore_mem>>)
      %dma_wait3A_261 = arith.constant 0 : i32
      %dma_wait3A_262 = tpu.memref_slice %arg4[%add3A_202, %dma_wait3A_261] : memref<131072x128xf32, #tpu.memory_space<hbm>> -> memref<128x128xf32, #tpu.memory_space<hbm>>
      %dma_wait3A_263 = arith.constant 0 : i32
      %dma_wait3A_264 = tpu.memref_slice %arg4[%add3A_202, %dma_wait3A_263] : memref<131072x128xf32, #tpu.memory_space<hbm>> -> memref<128x128xf32, #tpu.memory_space<hbm>>
      tpu.wait_dma2 semaphore(%run_scoped3A : memref<!tpu.dma_semaphore, #tpu.memory_space<semaphore_mem>>) src(%arg6 : memref<128x128xf32, #tpu.memory_space<vmem>>) dst(%dma_wait3A_264 : memref<128x128xf32, #tpu.memory_space<hbm>>)
      tpu.yield
    }) : () -> ()
    %add3A_209 = arith.constant 3328 : i32
    %add3A_210 = arith.addi %mul3A_2, %add3A_209 : i32
    "tpu.region"() ({
      %run_scoped3A = tpu.sem_alloc : memref<!tpu.dma_semaphore, #tpu.memory_space<semaphore_mem>>
      %dma_start3A_257 = tpu.memref_slice %arg3[%add3A_210] : memref<131072xi32, #tpu.memory_space<hbm>> -> memref<128xi32, #tpu.memory_space<hbm>>
      %dma_start3A_258 = tpu.memref_slice %arg3[%add3A_210] : memref<131072xi32, #tpu.memory_space<hbm>> -> memref<128xi32, #tpu.memory_space<hbm>>
      tpu.enqueue_dma source(%dma_start3A_258 : memref<128xi32, #tpu.memory_space<hbm>>) target(%arg5 : memref<128xi32, #tpu.memory_space<vmem>>) target_semaphore(%run_scoped3A : memref<!tpu.dma_semaphore, #tpu.memory_space<semaphore_mem>>)
      %dma_wait3A_259 = tpu.memref_slice %arg3[%add3A_210] : memref<131072xi32, #tpu.memory_space<hbm>> -> memref<128xi32, #tpu.memory_space<hbm>>
      %dma_wait3A_260 = tpu.memref_slice %arg3[%add3A_210] : memref<131072xi32, #tpu.memory_space<hbm>> -> memref<128xi32, #tpu.memory_space<hbm>>
      tpu.wait_dma2 semaphore(%run_scoped3A : memref<!tpu.dma_semaphore, #tpu.memory_space<semaphore_mem>>) src(%dma_wait3A_260 : memref<128xi32, #tpu.memory_space<hbm>>) dst(%arg5 : memref<128xi32, #tpu.memory_space<vmem>>)
      tpu.yield
    }) : () -> ()
    %dma_start3A_211 = arith.constant 0 : i32
    %dma_start3A_212 = arith.constant 0 : i32
    %dma_start3A_213 = tpu.memref_slice %arg2[%dma_start3A_211, %dma_start3A_212] : memref<32768x128xf32, #tpu.memory_space<hbm>> -> memref<32768x128xf32, #tpu.memory_space<hbm>>
    tpu.enqueue_indirect_dma source(%dma_start3A_213 : memref<32768x128xf32, #tpu.memory_space<hbm>>) target(%arg6 : memref<128x128xf32, #tpu.memory_space<vmem>>) offsets(%arg5 : memref<128xi32, #tpu.memory_space<vmem>>) semaphore(%arg7 : memref<!tpu.dma_semaphore, #tpu.memory_space<semaphore_mem>>)
    %dma_wait3A_214 = arith.constant 0 : i32
    %dma_wait3A_215 = arith.constant 0 : i32
    %dma_wait3A_216 = tpu.memref_slice %arg2[%dma_wait3A_214, %dma_wait3A_215] : memref<32768x128xf32, #tpu.memory_space<hbm>> -> memref<32768x128xf32, #tpu.memory_space<hbm>>
    tpu.wait_indirect_dma semaphore(%arg7 : memref<!tpu.dma_semaphore, #tpu.memory_space<semaphore_mem>>) src(%dma_wait3A_216 : memref<32768x128xf32, #tpu.memory_space<hbm>>) dst(%arg6 : memref<128x128xf32, #tpu.memory_space<vmem>>)
    "tpu.region"() ({
      %run_scoped3A = tpu.sem_alloc : memref<!tpu.dma_semaphore, #tpu.memory_space<semaphore_mem>>
      %dma_start3A_257 = arith.constant 0 : i32
      %dma_start3A_258 = tpu.memref_slice %arg4[%add3A_210, %dma_start3A_257] : memref<131072x128xf32, #tpu.memory_space<hbm>> -> memref<128x128xf32, #tpu.memory_space<hbm>>
      %dma_start3A_259 = arith.constant 0 : i32
      %dma_start3A_260 = tpu.memref_slice %arg4[%add3A_210, %dma_start3A_259] : memref<131072x128xf32, #tpu.memory_space<hbm>> -> memref<128x128xf32, #tpu.memory_space<hbm>>
      tpu.enqueue_dma source(%arg6 : memref<128x128xf32, #tpu.memory_space<vmem>>) target(%dma_start3A_260 : memref<128x128xf32, #tpu.memory_space<hbm>>) target_semaphore(%run_scoped3A : memref<!tpu.dma_semaphore, #tpu.memory_space<semaphore_mem>>)
      %dma_wait3A_261 = arith.constant 0 : i32
      %dma_wait3A_262 = tpu.memref_slice %arg4[%add3A_210, %dma_wait3A_261] : memref<131072x128xf32, #tpu.memory_space<hbm>> -> memref<128x128xf32, #tpu.memory_space<hbm>>
      %dma_wait3A_263 = arith.constant 0 : i32
      %dma_wait3A_264 = tpu.memref_slice %arg4[%add3A_210, %dma_wait3A_263] : memref<131072x128xf32, #tpu.memory_space<hbm>> -> memref<128x128xf32, #tpu.memory_space<hbm>>
      tpu.wait_dma2 semaphore(%run_scoped3A : memref<!tpu.dma_semaphore, #tpu.memory_space<semaphore_mem>>) src(%arg6 : memref<128x128xf32, #tpu.memory_space<vmem>>) dst(%dma_wait3A_264 : memref<128x128xf32, #tpu.memory_space<hbm>>)
      tpu.yield
    }) : () -> ()
    %add3A_217 = arith.constant 3456 : i32
    %add3A_218 = arith.addi %mul3A_2, %add3A_217 : i32
    "tpu.region"() ({
      %run_scoped3A = tpu.sem_alloc : memref<!tpu.dma_semaphore, #tpu.memory_space<semaphore_mem>>
      %dma_start3A_257 = tpu.memref_slice %arg3[%add3A_218] : memref<131072xi32, #tpu.memory_space<hbm>> -> memref<128xi32, #tpu.memory_space<hbm>>
      %dma_start3A_258 = tpu.memref_slice %arg3[%add3A_218] : memref<131072xi32, #tpu.memory_space<hbm>> -> memref<128xi32, #tpu.memory_space<hbm>>
      tpu.enqueue_dma source(%dma_start3A_258 : memref<128xi32, #tpu.memory_space<hbm>>) target(%arg5 : memref<128xi32, #tpu.memory_space<vmem>>) target_semaphore(%run_scoped3A : memref<!tpu.dma_semaphore, #tpu.memory_space<semaphore_mem>>)
      %dma_wait3A_259 = tpu.memref_slice %arg3[%add3A_218] : memref<131072xi32, #tpu.memory_space<hbm>> -> memref<128xi32, #tpu.memory_space<hbm>>
      %dma_wait3A_260 = tpu.memref_slice %arg3[%add3A_218] : memref<131072xi32, #tpu.memory_space<hbm>> -> memref<128xi32, #tpu.memory_space<hbm>>
      tpu.wait_dma2 semaphore(%run_scoped3A : memref<!tpu.dma_semaphore, #tpu.memory_space<semaphore_mem>>) src(%dma_wait3A_260 : memref<128xi32, #tpu.memory_space<hbm>>) dst(%arg5 : memref<128xi32, #tpu.memory_space<vmem>>)
      tpu.yield
    }) : () -> ()
    %dma_start3A_219 = arith.constant 0 : i32
    %dma_start3A_220 = arith.constant 0 : i32
    %dma_start3A_221 = tpu.memref_slice %arg2[%dma_start3A_219, %dma_start3A_220] : memref<32768x128xf32, #tpu.memory_space<hbm>> -> memref<32768x128xf32, #tpu.memory_space<hbm>>
    tpu.enqueue_indirect_dma source(%dma_start3A_221 : memref<32768x128xf32, #tpu.memory_space<hbm>>) target(%arg6 : memref<128x128xf32, #tpu.memory_space<vmem>>) offsets(%arg5 : memref<128xi32, #tpu.memory_space<vmem>>) semaphore(%arg7 : memref<!tpu.dma_semaphore, #tpu.memory_space<semaphore_mem>>)
    %dma_wait3A_222 = arith.constant 0 : i32
    %dma_wait3A_223 = arith.constant 0 : i32
    %dma_wait3A_224 = tpu.memref_slice %arg2[%dma_wait3A_222, %dma_wait3A_223] : memref<32768x128xf32, #tpu.memory_space<hbm>> -> memref<32768x128xf32, #tpu.memory_space<hbm>>
    tpu.wait_indirect_dma semaphore(%arg7 : memref<!tpu.dma_semaphore, #tpu.memory_space<semaphore_mem>>) src(%dma_wait3A_224 : memref<32768x128xf32, #tpu.memory_space<hbm>>) dst(%arg6 : memref<128x128xf32, #tpu.memory_space<vmem>>)
    "tpu.region"() ({
      %run_scoped3A = tpu.sem_alloc : memref<!tpu.dma_semaphore, #tpu.memory_space<semaphore_mem>>
      %dma_start3A_257 = arith.constant 0 : i32
      %dma_start3A_258 = tpu.memref_slice %arg4[%add3A_218, %dma_start3A_257] : memref<131072x128xf32, #tpu.memory_space<hbm>> -> memref<128x128xf32, #tpu.memory_space<hbm>>
      %dma_start3A_259 = arith.constant 0 : i32
      %dma_start3A_260 = tpu.memref_slice %arg4[%add3A_218, %dma_start3A_259] : memref<131072x128xf32, #tpu.memory_space<hbm>> -> memref<128x128xf32, #tpu.memory_space<hbm>>
      tpu.enqueue_dma source(%arg6 : memref<128x128xf32, #tpu.memory_space<vmem>>) target(%dma_start3A_260 : memref<128x128xf32, #tpu.memory_space<hbm>>) target_semaphore(%run_scoped3A : memref<!tpu.dma_semaphore, #tpu.memory_space<semaphore_mem>>)
      %dma_wait3A_261 = arith.constant 0 : i32
      %dma_wait3A_262 = tpu.memref_slice %arg4[%add3A_218, %dma_wait3A_261] : memref<131072x128xf32, #tpu.memory_space<hbm>> -> memref<128x128xf32, #tpu.memory_space<hbm>>
      %dma_wait3A_263 = arith.constant 0 : i32
      %dma_wait3A_264 = tpu.memref_slice %arg4[%add3A_218, %dma_wait3A_263] : memref<131072x128xf32, #tpu.memory_space<hbm>> -> memref<128x128xf32, #tpu.memory_space<hbm>>
      tpu.wait_dma2 semaphore(%run_scoped3A : memref<!tpu.dma_semaphore, #tpu.memory_space<semaphore_mem>>) src(%arg6 : memref<128x128xf32, #tpu.memory_space<vmem>>) dst(%dma_wait3A_264 : memref<128x128xf32, #tpu.memory_space<hbm>>)
      tpu.yield
    }) : () -> ()
    %add3A_225 = arith.constant 3584 : i32
    %add3A_226 = arith.addi %mul3A_2, %add3A_225 : i32
    "tpu.region"() ({
      %run_scoped3A = tpu.sem_alloc : memref<!tpu.dma_semaphore, #tpu.memory_space<semaphore_mem>>
      %dma_start3A_257 = tpu.memref_slice %arg3[%add3A_226] : memref<131072xi32, #tpu.memory_space<hbm>> -> memref<128xi32, #tpu.memory_space<hbm>>
      %dma_start3A_258 = tpu.memref_slice %arg3[%add3A_226] : memref<131072xi32, #tpu.memory_space<hbm>> -> memref<128xi32, #tpu.memory_space<hbm>>
      tpu.enqueue_dma source(%dma_start3A_258 : memref<128xi32, #tpu.memory_space<hbm>>) target(%arg5 : memref<128xi32, #tpu.memory_space<vmem>>) target_semaphore(%run_scoped3A : memref<!tpu.dma_semaphore, #tpu.memory_space<semaphore_mem>>)
      %dma_wait3A_259 = tpu.memref_slice %arg3[%add3A_226] : memref<131072xi32, #tpu.memory_space<hbm>> -> memref<128xi32, #tpu.memory_space<hbm>>
      %dma_wait3A_260 = tpu.memref_slice %arg3[%add3A_226] : memref<131072xi32, #tpu.memory_space<hbm>> -> memref<128xi32, #tpu.memory_space<hbm>>
      tpu.wait_dma2 semaphore(%run_scoped3A : memref<!tpu.dma_semaphore, #tpu.memory_space<semaphore_mem>>) src(%dma_wait3A_260 : memref<128xi32, #tpu.memory_space<hbm>>) dst(%arg5 : memref<128xi32, #tpu.memory_space<vmem>>)
      tpu.yield
    }) : () -> ()
    %dma_start3A_227 = arith.constant 0 : i32
    %dma_start3A_228 = arith.constant 0 : i32
    %dma_start3A_229 = tpu.memref_slice %arg2[%dma_start3A_227, %dma_start3A_228] : memref<32768x128xf32, #tpu.memory_space<hbm>> -> memref<32768x128xf32, #tpu.memory_space<hbm>>
    tpu.enqueue_indirect_dma source(%dma_start3A_229 : memref<32768x128xf32, #tpu.memory_space<hbm>>) target(%arg6 : memref<128x128xf32, #tpu.memory_space<vmem>>) offsets(%arg5 : memref<128xi32, #tpu.memory_space<vmem>>) semaphore(%arg7 : memref<!tpu.dma_semaphore, #tpu.memory_space<semaphore_mem>>)
    %dma_wait3A_230 = arith.constant 0 : i32
    %dma_wait3A_231 = arith.constant 0 : i32
    %dma_wait3A_232 = tpu.memref_slice %arg2[%dma_wait3A_230, %dma_wait3A_231] : memref<32768x128xf32, #tpu.memory_space<hbm>> -> memref<32768x128xf32, #tpu.memory_space<hbm>>
    tpu.wait_indirect_dma semaphore(%arg7 : memref<!tpu.dma_semaphore, #tpu.memory_space<semaphore_mem>>) src(%dma_wait3A_232 : memref<32768x128xf32, #tpu.memory_space<hbm>>) dst(%arg6 : memref<128x128xf32, #tpu.memory_space<vmem>>)
    "tpu.region"() ({
      %run_scoped3A = tpu.sem_alloc : memref<!tpu.dma_semaphore, #tpu.memory_space<semaphore_mem>>
      %dma_start3A_257 = arith.constant 0 : i32
      %dma_start3A_258 = tpu.memref_slice %arg4[%add3A_226, %dma_start3A_257] : memref<131072x128xf32, #tpu.memory_space<hbm>> -> memref<128x128xf32, #tpu.memory_space<hbm>>
      %dma_start3A_259 = arith.constant 0 : i32
      %dma_start3A_260 = tpu.memref_slice %arg4[%add3A_226, %dma_start3A_259] : memref<131072x128xf32, #tpu.memory_space<hbm>> -> memref<128x128xf32, #tpu.memory_space<hbm>>
      tpu.enqueue_dma source(%arg6 : memref<128x128xf32, #tpu.memory_space<vmem>>) target(%dma_start3A_260 : memref<128x128xf32, #tpu.memory_space<hbm>>) target_semaphore(%run_scoped3A : memref<!tpu.dma_semaphore, #tpu.memory_space<semaphore_mem>>)
      %dma_wait3A_261 = arith.constant 0 : i32
      %dma_wait3A_262 = tpu.memref_slice %arg4[%add3A_226, %dma_wait3A_261] : memref<131072x128xf32, #tpu.memory_space<hbm>> -> memref<128x128xf32, #tpu.memory_space<hbm>>
      %dma_wait3A_263 = arith.constant 0 : i32
      %dma_wait3A_264 = tpu.memref_slice %arg4[%add3A_226, %dma_wait3A_263] : memref<131072x128xf32, #tpu.memory_space<hbm>> -> memref<128x128xf32, #tpu.memory_space<hbm>>
      tpu.wait_dma2 semaphore(%run_scoped3A : memref<!tpu.dma_semaphore, #tpu.memory_space<semaphore_mem>>) src(%arg6 : memref<128x128xf32, #tpu.memory_space<vmem>>) dst(%dma_wait3A_264 : memref<128x128xf32, #tpu.memory_space<hbm>>)
      tpu.yield
    }) : () -> ()
    %add3A_233 = arith.constant 3712 : i32
    %add3A_234 = arith.addi %mul3A_2, %add3A_233 : i32
    "tpu.region"() ({
      %run_scoped3A = tpu.sem_alloc : memref<!tpu.dma_semaphore, #tpu.memory_space<semaphore_mem>>
      %dma_start3A_257 = tpu.memref_slice %arg3[%add3A_234] : memref<131072xi32, #tpu.memory_space<hbm>> -> memref<128xi32, #tpu.memory_space<hbm>>
      %dma_start3A_258 = tpu.memref_slice %arg3[%add3A_234] : memref<131072xi32, #tpu.memory_space<hbm>> -> memref<128xi32, #tpu.memory_space<hbm>>
      tpu.enqueue_dma source(%dma_start3A_258 : memref<128xi32, #tpu.memory_space<hbm>>) target(%arg5 : memref<128xi32, #tpu.memory_space<vmem>>) target_semaphore(%run_scoped3A : memref<!tpu.dma_semaphore, #tpu.memory_space<semaphore_mem>>)
      %dma_wait3A_259 = tpu.memref_slice %arg3[%add3A_234] : memref<131072xi32, #tpu.memory_space<hbm>> -> memref<128xi32, #tpu.memory_space<hbm>>
      %dma_wait3A_260 = tpu.memref_slice %arg3[%add3A_234] : memref<131072xi32, #tpu.memory_space<hbm>> -> memref<128xi32, #tpu.memory_space<hbm>>
      tpu.wait_dma2 semaphore(%run_scoped3A : memref<!tpu.dma_semaphore, #tpu.memory_space<semaphore_mem>>) src(%dma_wait3A_260 : memref<128xi32, #tpu.memory_space<hbm>>) dst(%arg5 : memref<128xi32, #tpu.memory_space<vmem>>)
      tpu.yield
    }) : () -> ()
    %dma_start3A_235 = arith.constant 0 : i32
    %dma_start3A_236 = arith.constant 0 : i32
    %dma_start3A_237 = tpu.memref_slice %arg2[%dma_start3A_235, %dma_start3A_236] : memref<32768x128xf32, #tpu.memory_space<hbm>> -> memref<32768x128xf32, #tpu.memory_space<hbm>>
    tpu.enqueue_indirect_dma source(%dma_start3A_237 : memref<32768x128xf32, #tpu.memory_space<hbm>>) target(%arg6 : memref<128x128xf32, #tpu.memory_space<vmem>>) offsets(%arg5 : memref<128xi32, #tpu.memory_space<vmem>>) semaphore(%arg7 : memref<!tpu.dma_semaphore, #tpu.memory_space<semaphore_mem>>)
    %dma_wait3A_238 = arith.constant 0 : i32
    %dma_wait3A_239 = arith.constant 0 : i32
    %dma_wait3A_240 = tpu.memref_slice %arg2[%dma_wait3A_238, %dma_wait3A_239] : memref<32768x128xf32, #tpu.memory_space<hbm>> -> memref<32768x128xf32, #tpu.memory_space<hbm>>
    tpu.wait_indirect_dma semaphore(%arg7 : memref<!tpu.dma_semaphore, #tpu.memory_space<semaphore_mem>>) src(%dma_wait3A_240 : memref<32768x128xf32, #tpu.memory_space<hbm>>) dst(%arg6 : memref<128x128xf32, #tpu.memory_space<vmem>>)
    "tpu.region"() ({
      %run_scoped3A = tpu.sem_alloc : memref<!tpu.dma_semaphore, #tpu.memory_space<semaphore_mem>>
      %dma_start3A_257 = arith.constant 0 : i32
      %dma_start3A_258 = tpu.memref_slice %arg4[%add3A_234, %dma_start3A_257] : memref<131072x128xf32, #tpu.memory_space<hbm>> -> memref<128x128xf32, #tpu.memory_space<hbm>>
      %dma_start3A_259 = arith.constant 0 : i32
      %dma_start3A_260 = tpu.memref_slice %arg4[%add3A_234, %dma_start3A_259] : memref<131072x128xf32, #tpu.memory_space<hbm>> -> memref<128x128xf32, #tpu.memory_space<hbm>>
      tpu.enqueue_dma source(%arg6 : memref<128x128xf32, #tpu.memory_space<vmem>>) target(%dma_start3A_260 : memref<128x128xf32, #tpu.memory_space<hbm>>) target_semaphore(%run_scoped3A : memref<!tpu.dma_semaphore, #tpu.memory_space<semaphore_mem>>)
      %dma_wait3A_261 = arith.constant 0 : i32
      %dma_wait3A_262 = tpu.memref_slice %arg4[%add3A_234, %dma_wait3A_261] : memref<131072x128xf32, #tpu.memory_space<hbm>> -> memref<128x128xf32, #tpu.memory_space<hbm>>
      %dma_wait3A_263 = arith.constant 0 : i32
      %dma_wait3A_264 = tpu.memref_slice %arg4[%add3A_234, %dma_wait3A_263] : memref<131072x128xf32, #tpu.memory_space<hbm>> -> memref<128x128xf32, #tpu.memory_space<hbm>>
      tpu.wait_dma2 semaphore(%run_scoped3A : memref<!tpu.dma_semaphore, #tpu.memory_space<semaphore_mem>>) src(%arg6 : memref<128x128xf32, #tpu.memory_space<vmem>>) dst(%dma_wait3A_264 : memref<128x128xf32, #tpu.memory_space<hbm>>)
      tpu.yield
    }) : () -> ()
    %add3A_241 = arith.constant 3840 : i32
    %add3A_242 = arith.addi %mul3A_2, %add3A_241 : i32
    "tpu.region"() ({
      %run_scoped3A = tpu.sem_alloc : memref<!tpu.dma_semaphore, #tpu.memory_space<semaphore_mem>>
      %dma_start3A_257 = tpu.memref_slice %arg3[%add3A_242] : memref<131072xi32, #tpu.memory_space<hbm>> -> memref<128xi32, #tpu.memory_space<hbm>>
      %dma_start3A_258 = tpu.memref_slice %arg3[%add3A_242] : memref<131072xi32, #tpu.memory_space<hbm>> -> memref<128xi32, #tpu.memory_space<hbm>>
      tpu.enqueue_dma source(%dma_start3A_258 : memref<128xi32, #tpu.memory_space<hbm>>) target(%arg5 : memref<128xi32, #tpu.memory_space<vmem>>) target_semaphore(%run_scoped3A : memref<!tpu.dma_semaphore, #tpu.memory_space<semaphore_mem>>)
      %dma_wait3A_259 = tpu.memref_slice %arg3[%add3A_242] : memref<131072xi32, #tpu.memory_space<hbm>> -> memref<128xi32, #tpu.memory_space<hbm>>
      %dma_wait3A_260 = tpu.memref_slice %arg3[%add3A_242] : memref<131072xi32, #tpu.memory_space<hbm>> -> memref<128xi32, #tpu.memory_space<hbm>>
      tpu.wait_dma2 semaphore(%run_scoped3A : memref<!tpu.dma_semaphore, #tpu.memory_space<semaphore_mem>>) src(%dma_wait3A_260 : memref<128xi32, #tpu.memory_space<hbm>>) dst(%arg5 : memref<128xi32, #tpu.memory_space<vmem>>)
      tpu.yield
    }) : () -> ()
    %dma_start3A_243 = arith.constant 0 : i32
    %dma_start3A_244 = arith.constant 0 : i32
    %dma_start3A_245 = tpu.memref_slice %arg2[%dma_start3A_243, %dma_start3A_244] : memref<32768x128xf32, #tpu.memory_space<hbm>> -> memref<32768x128xf32, #tpu.memory_space<hbm>>
    tpu.enqueue_indirect_dma source(%dma_start3A_245 : memref<32768x128xf32, #tpu.memory_space<hbm>>) target(%arg6 : memref<128x128xf32, #tpu.memory_space<vmem>>) offsets(%arg5 : memref<128xi32, #tpu.memory_space<vmem>>) semaphore(%arg7 : memref<!tpu.dma_semaphore, #tpu.memory_space<semaphore_mem>>)
    %dma_wait3A_246 = arith.constant 0 : i32
    %dma_wait3A_247 = arith.constant 0 : i32
    %dma_wait3A_248 = tpu.memref_slice %arg2[%dma_wait3A_246, %dma_wait3A_247] : memref<32768x128xf32, #tpu.memory_space<hbm>> -> memref<32768x128xf32, #tpu.memory_space<hbm>>
    tpu.wait_indirect_dma semaphore(%arg7 : memref<!tpu.dma_semaphore, #tpu.memory_space<semaphore_mem>>) src(%dma_wait3A_248 : memref<32768x128xf32, #tpu.memory_space<hbm>>) dst(%arg6 : memref<128x128xf32, #tpu.memory_space<vmem>>)
    "tpu.region"() ({
      %run_scoped3A = tpu.sem_alloc : memref<!tpu.dma_semaphore, #tpu.memory_space<semaphore_mem>>
      %dma_start3A_257 = arith.constant 0 : i32
      %dma_start3A_258 = tpu.memref_slice %arg4[%add3A_242, %dma_start3A_257] : memref<131072x128xf32, #tpu.memory_space<hbm>> -> memref<128x128xf32, #tpu.memory_space<hbm>>
      %dma_start3A_259 = arith.constant 0 : i32
      %dma_start3A_260 = tpu.memref_slice %arg4[%add3A_242, %dma_start3A_259] : memref<131072x128xf32, #tpu.memory_space<hbm>> -> memref<128x128xf32, #tpu.memory_space<hbm>>
      tpu.enqueue_dma source(%arg6 : memref<128x128xf32, #tpu.memory_space<vmem>>) target(%dma_start3A_260 : memref<128x128xf32, #tpu.memory_space<hbm>>) target_semaphore(%run_scoped3A : memref<!tpu.dma_semaphore, #tpu.memory_space<semaphore_mem>>)
      %dma_wait3A_261 = arith.constant 0 : i32
      %dma_wait3A_262 = tpu.memref_slice %arg4[%add3A_242, %dma_wait3A_261] : memref<131072x128xf32, #tpu.memory_space<hbm>> -> memref<128x128xf32, #tpu.memory_space<hbm>>
      %dma_wait3A_263 = arith.constant 0 : i32
      %dma_wait3A_264 = tpu.memref_slice %arg4[%add3A_242, %dma_wait3A_263] : memref<131072x128xf32, #tpu.memory_space<hbm>> -> memref<128x128xf32, #tpu.memory_space<hbm>>
      tpu.wait_dma2 semaphore(%run_scoped3A : memref<!tpu.dma_semaphore, #tpu.memory_space<semaphore_mem>>) src(%arg6 : memref<128x128xf32, #tpu.memory_space<vmem>>) dst(%dma_wait3A_264 : memref<128x128xf32, #tpu.memory_space<hbm>>)
      tpu.yield
    }) : () -> ()
    %add3A_249 = arith.constant 3968 : i32
    %add3A_250 = arith.addi %mul3A_2, %add3A_249 : i32
    "tpu.region"() ({
      %run_scoped3A = tpu.sem_alloc : memref<!tpu.dma_semaphore, #tpu.memory_space<semaphore_mem>>
      %dma_start3A_257 = tpu.memref_slice %arg3[%add3A_250] : memref<131072xi32, #tpu.memory_space<hbm>> -> memref<128xi32, #tpu.memory_space<hbm>>
      %dma_start3A_258 = tpu.memref_slice %arg3[%add3A_250] : memref<131072xi32, #tpu.memory_space<hbm>> -> memref<128xi32, #tpu.memory_space<hbm>>
      tpu.enqueue_dma source(%dma_start3A_258 : memref<128xi32, #tpu.memory_space<hbm>>) target(%arg5 : memref<128xi32, #tpu.memory_space<vmem>>) target_semaphore(%run_scoped3A : memref<!tpu.dma_semaphore, #tpu.memory_space<semaphore_mem>>)
      %dma_wait3A_259 = tpu.memref_slice %arg3[%add3A_250] : memref<131072xi32, #tpu.memory_space<hbm>> -> memref<128xi32, #tpu.memory_space<hbm>>
      %dma_wait3A_260 = tpu.memref_slice %arg3[%add3A_250] : memref<131072xi32, #tpu.memory_space<hbm>> -> memref<128xi32, #tpu.memory_space<hbm>>
      tpu.wait_dma2 semaphore(%run_scoped3A : memref<!tpu.dma_semaphore, #tpu.memory_space<semaphore_mem>>) src(%dma_wait3A_260 : memref<128xi32, #tpu.memory_space<hbm>>) dst(%arg5 : memref<128xi32, #tpu.memory_space<vmem>>)
      tpu.yield
    }) : () -> ()
    %dma_start3A_251 = arith.constant 0 : i32
    %dma_start3A_252 = arith.constant 0 : i32
    %dma_start3A_253 = tpu.memref_slice %arg2[%dma_start3A_251, %dma_start3A_252] : memref<32768x128xf32, #tpu.memory_space<hbm>> -> memref<32768x128xf32, #tpu.memory_space<hbm>>
    tpu.enqueue_indirect_dma source(%dma_start3A_253 : memref<32768x128xf32, #tpu.memory_space<hbm>>) target(%arg6 : memref<128x128xf32, #tpu.memory_space<vmem>>) offsets(%arg5 : memref<128xi32, #tpu.memory_space<vmem>>) semaphore(%arg7 : memref<!tpu.dma_semaphore, #tpu.memory_space<semaphore_mem>>)
    %dma_wait3A_254 = arith.constant 0 : i32
    %dma_wait3A_255 = arith.constant 0 : i32
    %dma_wait3A_256 = tpu.memref_slice %arg2[%dma_wait3A_254, %dma_wait3A_255] : memref<32768x128xf32, #tpu.memory_space<hbm>> -> memref<32768x128xf32, #tpu.memory_space<hbm>>
    tpu.wait_indirect_dma semaphore(%arg7 : memref<!tpu.dma_semaphore, #tpu.memory_space<semaphore_mem>>) src(%dma_wait3A_256 : memref<32768x128xf32, #tpu.memory_space<hbm>>) dst(%arg6 : memref<128x128xf32, #tpu.memory_space<vmem>>)
    "tpu.region"() ({
      %run_scoped3A = tpu.sem_alloc : memref<!tpu.dma_semaphore, #tpu.memory_space<semaphore_mem>>
      %dma_start3A_257 = arith.constant 0 : i32
      %dma_start3A_258 = tpu.memref_slice %arg4[%add3A_250, %dma_start3A_257] : memref<131072x128xf32, #tpu.memory_space<hbm>> -> memref<128x128xf32, #tpu.memory_space<hbm>>
      %dma_start3A_259 = arith.constant 0 : i32
      %dma_start3A_260 = tpu.memref_slice %arg4[%add3A_250, %dma_start3A_259] : memref<131072x128xf32, #tpu.memory_space<hbm>> -> memref<128x128xf32, #tpu.memory_space<hbm>>
      tpu.enqueue_dma source(%arg6 : memref<128x128xf32, #tpu.memory_space<vmem>>) target(%dma_start3A_260 : memref<128x128xf32, #tpu.memory_space<hbm>>) target_semaphore(%run_scoped3A : memref<!tpu.dma_semaphore, #tpu.memory_space<semaphore_mem>>)
      %dma_wait3A_261 = arith.constant 0 : i32
      %dma_wait3A_262 = tpu.memref_slice %arg4[%add3A_250, %dma_wait3A_261] : memref<131072x128xf32, #tpu.memory_space<hbm>> -> memref<128x128xf32, #tpu.memory_space<hbm>>
      %dma_wait3A_263 = arith.constant 0 : i32
      %dma_wait3A_264 = tpu.memref_slice %arg4[%add3A_250, %dma_wait3A_263] : memref<131072x128xf32, #tpu.memory_space<hbm>> -> memref<128x128xf32, #tpu.memory_space<hbm>>
      tpu.wait_dma2 semaphore(%run_scoped3A : memref<!tpu.dma_semaphore, #tpu.memory_space<semaphore_mem>>) src(%arg6 : memref<128x128xf32, #tpu.memory_space<vmem>>) dst(%dma_wait3A_264 : memref<128x128xf32, #tpu.memory_space<hbm>>)
      tpu.yield
    }) : () -> ()
    return
  }
}

module attributes {stable_mosaic.version = 14 : i64} {
  func.func @_fps_body(%arg0: memref<8x4096xf32, #tpu.memory_space<vmem>>, %arg1: memref<8x4096xf32, #tpu.memory_space<vmem>>, %arg2: memref<8x4096xf32, #tpu.memory_space<vmem>>, %arg3: memref<8x1024xf32, #tpu.memory_space<vmem>>, %arg4: memref<8x1024xf32, #tpu.memory_space<vmem>>, %arg5: memref<8x1024xf32, #tpu.memory_space<vmem>>, %arg6: memref<8x4096xf32, #tpu.memory_space<vmem>>) attributes {dimension_semantics = [], scalar_prefetch = 0 : i64, scratch_operands = 1 : i64, tpu.core_type = #tpu.core_type<tc>} {
    %iota3A = tpu.iota {dimensions = array<i32: 1>} : vector<8x4096xi32>
    %iota3A_0 = tpu.iota {dimensions = array<i32: 1>} : vector<8x1024xi32>
    %broadcast_in_dim3A = arith.constant 1.000000e+10 : f32
    %broadcast_in_dim3A_1 = vector.broadcast %broadcast_in_dim3A : f32 to vector<8x4096xf32>
    %swap3A = arith.constant 0 : index
    %swap3A_2 = arith.constant 0 : index
    %swap3A_3 = vector.load %arg6[%swap3A, %swap3A_2] : memref<8x4096xf32, #tpu.memory_space<vmem>>, vector<8x4096xf32>
    tpu.vector_store %arg6[%swap3A, %swap3A_2], %broadcast_in_dim3A_1 {strides = array<i32>} : memref<8x4096xf32, #tpu.memory_space<vmem>>, vector<8x4096xf32>,
    %broadcast_in_dim3A_4 = arith.constant 0.000000e+00 : f32
    %broadcast_in_dim3A_5 = vector.broadcast %broadcast_in_dim3A_4 : f32 to vector<8x1024xf32>
    %eq3A = arith.constant 0 : i32
    %eq3A_6 = vector.broadcast %eq3A : i32 to vector<8x4096xi32>
    %eq3A_7 = arith.cmpi eq, %iota3A, %eq3A_6 : vector<8x4096xi32>
    %get3A = arith.constant 0 : index
    %get3A_8 = arith.constant 0 : index
    %get3A_9 = vector.load %arg0[%get3A, %get3A_8] : memref<8x4096xf32, #tpu.memory_space<vmem>>, vector<8x4096xf32>
    %get3A_10 = arith.constant 0 : index
    %get3A_11 = arith.constant 0 : index
    %get3A_12 = vector.load %arg1[%get3A_10, %get3A_11] : memref<8x4096xf32, #tpu.memory_space<vmem>>, vector<8x4096xf32>
    %get3A_13 = arith.constant 0 : index
    %get3A_14 = arith.constant 0 : index
    %get3A_15 = vector.load %arg2[%get3A_13, %get3A_14] : memref<8x4096xf32, #tpu.memory_space<vmem>>, vector<8x4096xf32>
    %jit3A = arith.constant 0.000000e+00 : f32
    %broadcast_in_dim3A_16 = vector.broadcast %jit3A : f32 to vector<8x4096xf32>
    %select_n3A = arith.select %eq3A_7, %get3A_9, %broadcast_in_dim3A_16 : vector<8x4096xi1>, vector<8x4096xf32>
    %reduce_sum3A = arith.constant dense<0.000000e+00> : vector<8xf32>
    %reduce_sum3A_17 = vector.multi_reduction <add>, %select_n3A, %reduce_sum3A [1] : vector<8x4096xf32> to vector<8xf32>
    %broadcast_in_dim3A_18 = vector.shape_cast %reduce_sum3A_17 : vector<8xf32> to vector<8x1xf32>
    %jit3A_19 = arith.constant 0.000000e+00 : f32
    %broadcast_in_dim3A_20 = vector.broadcast %jit3A_19 : f32 to vector<8x4096xf32>
    %select_n3A_21 = arith.select %eq3A_7, %get3A_12, %broadcast_in_dim3A_20 : vector<8x4096xi1>, vector<8x4096xf32>
    %reduce_sum3A_22 = arith.constant dense<0.000000e+00> : vector<8xf32>
    %reduce_sum3A_23 = vector.multi_reduction <add>, %select_n3A_21, %reduce_sum3A_22 [1] : vector<8x4096xf32> to vector<8xf32>
    %broadcast_in_dim3A_24 = vector.shape_cast %reduce_sum3A_23 : vector<8xf32> to vector<8x1xf32>
    %jit3A_25 = arith.constant 0.000000e+00 : f32
    %broadcast_in_dim3A_26 = vector.broadcast %jit3A_25 : f32 to vector<8x4096xf32>
    %select_n3A_27 = arith.select %eq3A_7, %get3A_15, %broadcast_in_dim3A_26 : vector<8x4096xi1>, vector<8x4096xf32>
    %reduce_sum3A_28 = arith.constant dense<0.000000e+00> : vector<8xf32>
    %reduce_sum3A_29 = vector.multi_reduction <add>, %select_n3A_27, %reduce_sum3A_28 [1] : vector<8x4096xf32> to vector<8xf32>
    %broadcast_in_dim3A_30 = vector.shape_cast %reduce_sum3A_29 : vector<8xf32> to vector<8x1xf32>
    %scan3A = arith.constant 0 : i32
    %scan3A_31 = arith.constant 1024 : i32
    %scan3A_32 = arith.addi %scan3A, %scan3A_31 : i32
    %scan3A_33 = arith.constant 1 : i32
    %scan3A_34:6 = scf.for %scan3A_45 = %scan3A to %scan3A_32 step %scan3A_33 iter_args(%scan3A_46 = %broadcast_in_dim3A_18, %scan3A_47 = %broadcast_in_dim3A_24, %scan3A_48 = %broadcast_in_dim3A_30, %scan3A_49 = %broadcast_in_dim3A_5, %scan3A_50 = %broadcast_in_dim3A_5, %scan3A_51 = %broadcast_in_dim3A_5) -> (vector<8x1xf32>, vector<8x1xf32>, vector<8x1xf32>, vector<8x1024xf32>, vector<8x1024xf32>, vector<8x1024xf32>)  : i32 {
      %get3A_52 = arith.constant 0 : index
      %get3A_53 = arith.constant 0 : index
      %get3A_54 = vector.load %arg0[%get3A_52, %get3A_53] : memref<8x4096xf32, #tpu.memory_space<vmem>>, vector<8x4096xf32>
      %get3A_55 = arith.constant 0 : index
      %get3A_56 = arith.constant 0 : index
      %get3A_57 = vector.load %arg1[%get3A_55, %get3A_56] : memref<8x4096xf32, #tpu.memory_space<vmem>>, vector<8x4096xf32>
      %get3A_58 = arith.constant 0 : index
      %get3A_59 = arith.constant 0 : index
      %get3A_60 = vector.load %arg2[%get3A_58, %get3A_59] : memref<8x4096xf32, #tpu.memory_space<vmem>>, vector<8x4096xf32>
      %sub3A = vector.broadcast %scan3A_46 : vector<8x1xf32> to vector<8x4096xf32>
      %sub3A_61 = arith.subf %get3A_54, %sub3A : vector<8x4096xf32>
      %sub3A_62 = vector.broadcast %scan3A_47 : vector<8x1xf32> to vector<8x4096xf32>
      %sub3A_63 = arith.subf %get3A_57, %sub3A_62 : vector<8x4096xf32>
      %sub3A_64 = vector.broadcast %scan3A_48 : vector<8x1xf32> to vector<8x4096xf32>
      %sub3A_65 = arith.subf %get3A_60, %sub3A_64 : vector<8x4096xf32>
      %mul3A = arith.mulf %sub3A_61, %sub3A_61 : vector<8x4096xf32>
      %mul3A_66 = arith.mulf %sub3A_65, %sub3A_65 : vector<8x4096xf32>
      %add3A = arith.addf %mul3A, %mul3A_66 : vector<8x4096xf32>
      %mul3A_67 = arith.mulf %sub3A_63, %sub3A_63 : vector<8x4096xf32>
      %add3A_68 = arith.addf %add3A, %mul3A_67 : vector<8x4096xf32>
      %get3A_69 = arith.constant 0 : index
      %get3A_70 = arith.constant 0 : index
      %get3A_71 = vector.load %arg6[%get3A_69, %get3A_70] : memref<8x4096xf32, #tpu.memory_space<vmem>>, vector<8x4096xf32>
      %min3A = arith.minimumf %get3A_71, %add3A_68 : vector<8x4096xf32>
      %swap3A_72 = arith.constant 0 : index
      %swap3A_73 = arith.constant 0 : index
      %swap3A_74 = vector.load %arg6[%swap3A_72, %swap3A_73] : memref<8x4096xf32, #tpu.memory_space<vmem>>, vector<8x4096xf32>
      tpu.vector_store %arg6[%swap3A_72, %swap3A_73], %min3A {strides = array<i32>} : memref<8x4096xf32, #tpu.memory_space<vmem>>, vector<8x4096xf32>,
      %reduce_max3A = arith.constant dense<0xFF800000> : vector<8xf32>
      %reduce_max3A_75 = vector.multi_reduction <maximumf>, %min3A, %reduce_max3A [1] : vector<8x4096xf32> to vector<8xf32>
      %broadcast_in_dim3A_76 = vector.shape_cast %reduce_max3A_75 : vector<8xf32> to vector<8x1xf32>
      %eq3A_77 = vector.broadcast %broadcast_in_dim3A_76 : vector<8x1xf32> to vector<8x4096xf32>
      %eq3A_78 = arith.cmpf oeq, %min3A, %eq3A_77 : vector<8x4096xf32>
      %jit3A_79 = arith.constant 4096 : i32
      %broadcast_in_dim3A_80 = vector.broadcast %jit3A_79 : i32 to vector<8x4096xi32>
      %select_n3A_81 = arith.select %eq3A_78, %iota3A, %broadcast_in_dim3A_80 : vector<8x4096xi1>, vector<8x4096xi32>
      %reduce_min3A = arith.constant dense<2147483647> : vector<8xi32>
      %reduce_min3A_82 = vector.multi_reduction <minsi>, %select_n3A_81, %reduce_min3A [1] : vector<8x4096xi32> to vector<8xi32>
      %broadcast_in_dim3A_83 = vector.shape_cast %reduce_min3A_82 : vector<8xi32> to vector<8x1xi32>
      %eq3A_84 = vector.broadcast %broadcast_in_dim3A_83 : vector<8x1xi32> to vector<8x4096xi32>
      %eq3A_85 = arith.cmpi eq, %iota3A, %eq3A_84 : vector<8x4096xi32>
      %jit3A_86 = arith.constant 0.000000e+00 : f32
      %broadcast_in_dim3A_87 = vector.broadcast %jit3A_86 : f32 to vector<8x4096xf32>
      %select_n3A_88 = arith.select %eq3A_85, %get3A_54, %broadcast_in_dim3A_87 : vector<8x4096xi1>, vector<8x4096xf32>
      %reduce_sum3A_89 = arith.constant dense<0.000000e+00> : vector<8xf32>
      %reduce_sum3A_90 = vector.multi_reduction <add>, %select_n3A_88, %reduce_sum3A_89 [1] : vector<8x4096xf32> to vector<8xf32>
      %broadcast_in_dim3A_91 = vector.shape_cast %reduce_sum3A_90 : vector<8xf32> to vector<8x1xf32>
      %jit3A_92 = arith.constant 0.000000e+00 : f32
      %broadcast_in_dim3A_93 = vector.broadcast %jit3A_92 : f32 to vector<8x4096xf32>
      %select_n3A_94 = arith.select %eq3A_85, %get3A_57, %broadcast_in_dim3A_93 : vector<8x4096xi1>, vector<8x4096xf32>
      %reduce_sum3A_95 = arith.constant dense<0.000000e+00> : vector<8xf32>
      %reduce_sum3A_96 = vector.multi_reduction <add>, %select_n3A_94, %reduce_sum3A_95 [1] : vector<8x4096xf32> to vector<8xf32>
      %broadcast_in_dim3A_97 = vector.shape_cast %reduce_sum3A_96 : vector<8xf32> to vector<8x1xf32>
      %jit3A_98 = arith.constant 0.000000e+00 : f32
      %broadcast_in_dim3A_99 = vector.broadcast %jit3A_98 : f32 to vector<8x4096xf32>
      %select_n3A_100 = arith.select %eq3A_85, %get3A_60, %broadcast_in_dim3A_99 : vector<8x4096xi1>, vector<8x4096xf32>
      %reduce_sum3A_101 = arith.constant dense<0.000000e+00> : vector<8xf32>
      %reduce_sum3A_102 = vector.multi_reduction <add>, %select_n3A_100, %reduce_sum3A_101 [1] : vector<8x4096xf32> to vector<8xf32>
      %broadcast_in_dim3A_103 = vector.shape_cast %reduce_sum3A_102 : vector<8xf32> to vector<8x1xf32>
      %eq3A_104 = vector.broadcast %scan3A_45 : i32 to vector<8x1024xi32>
      %eq3A_105 = arith.cmpi eq, %iota3A_0, %eq3A_104 : vector<8x1024xi32>
      %broadcast_in_dim3A_106 = vector.shape_cast %broadcast_in_dim3A_91 : vector<8x1xf32> to vector<8x1xf32>
      %broadcast_in_dim3A_107 = vector.broadcast %broadcast_in_dim3A_106 : vector<8x1xf32> to vector<8x1024xf32>
      %select_n3A_108 = arith.select %eq3A_105, %broadcast_in_dim3A_107, %scan3A_49 : vector<8x1024xi1>, vector<8x1024xf32>
      %broadcast_in_dim3A_109 = vector.shape_cast %broadcast_in_dim3A_97 : vector<8x1xf32> to vector<8x1xf32>
      %broadcast_in_dim3A_110 = vector.broadcast %broadcast_in_dim3A_109 : vector<8x1xf32> to vector<8x1024xf32>
      %select_n3A_111 = arith.select %eq3A_105, %broadcast_in_dim3A_110, %scan3A_50 : vector<8x1024xi1>, vector<8x1024xf32>
      %broadcast_in_dim3A_112 = vector.shape_cast %broadcast_in_dim3A_103 : vector<8x1xf32> to vector<8x1xf32>
      %broadcast_in_dim3A_113 = vector.broadcast %broadcast_in_dim3A_112 : vector<8x1xf32> to vector<8x1024xf32>
      %select_n3A_114 = arith.select %eq3A_105, %broadcast_in_dim3A_113, %scan3A_51 : vector<8x1024xi1>, vector<8x1024xf32>
      scf.yield %broadcast_in_dim3A_91, %broadcast_in_dim3A_97, %broadcast_in_dim3A_103, %select_n3A_108, %select_n3A_111, %select_n3A_114 : vector<8x1xf32>, vector<8x1xf32>, vector<8x1xf32>, vector<8x1024xf32>, vector<8x1024xf32>, vector<8x1024xf32>
    }
    %scan3A_35 = arith.constant 1024 : i32
    %swap3A_36 = arith.constant 0 : index
    %swap3A_37 = arith.constant 0 : index
    %swap3A_38 = vector.load %arg3[%swap3A_36, %swap3A_37] : memref<8x1024xf32, #tpu.memory_space<vmem>>, vector<8x1024xf32>
    tpu.vector_store %arg3[%swap3A_36, %swap3A_37], %scan3A_34#3 {strides = array<i32>} : memref<8x1024xf32, #tpu.memory_space<vmem>>, vector<8x1024xf32>,
    %swap3A_39 = arith.constant 0 : index
    %swap3A_40 = arith.constant 0 : index
    %swap3A_41 = vector.load %arg4[%swap3A_39, %swap3A_40] : memref<8x1024xf32, #tpu.memory_space<vmem>>, vector<8x1024xf32>
    tpu.vector_store %arg4[%swap3A_39, %swap3A_40], %scan3A_34#4 {strides = array<i32>} : memref<8x1024xf32, #tpu.memory_space<vmem>>, vector<8x1024xf32>,
    %swap3A_42 = arith.constant 0 : index
    %swap3A_43 = arith.constant 0 : index
    %swap3A_44 = vector.load %arg5[%swap3A_42, %swap3A_43] : memref<8x1024xf32, #tpu.memory_space<vmem>>, vector<8x1024xf32>
    tpu.vector_store %arg5[%swap3A_42, %swap3A_43], %scan3A_34#5 {strides = array<i32>} : memref<8x1024xf32, #tpu.memory_space<vmem>>, vector<8x1024xf32>,
    return
  }
}

module attributes {stable_mosaic.version = 14 : i64} {
  func.func @_topk_body(%arg0: i32, %arg1: i32, %arg2: memref<1x8x4096xf32, #tpu.memory_space<vmem>>, %arg3: memref<128x8xf32, #tpu.memory_space<vmem>>, %arg4: memref<8x128xf32, #tpu.memory_space<vmem>>, %arg5: memref<128x32xi32, #tpu.memory_space<vmem>>, %arg6: memref<128x128xf32, #tpu.memory_space<vmem>>) attributes {dimension_semantics = [#tpu.dimension_semantics<arbitrary>, #tpu.dimension_semantics<arbitrary>], iteration_bounds = array<i64: 8, 8>, scalar_prefetch = 0 : i64, scratch_operands = 0 : i64, tpu.core_type = #tpu.core_type<tc>, window_params = [{transform_indices = @transform_0, window_bounds = array<i64: 1, 8, 4096>}, {transform_indices = @transform_1, window_bounds = array<i64: 128, 8>}, {pipeline_mode = #tpu.pipeline_mode<synchronous>, transform_indices = @transform_2, window_bounds = array<i64: 8, 128>}, {transform_indices = @transform_3, window_bounds = array<i64: 128, 32>}, {transform_indices = @transform_4, window_bounds = array<i64: 128, 128>}]} {
    %get3A = arith.constant 0 : index
    %get3A_0 = arith.constant 0 : index
    %get3A_1 = arith.constant 0 : index
    %get3A_2 = vector.load %arg2[%get3A, %get3A_0, %get3A_1] : memref<1x8x4096xf32, #tpu.memory_space<vmem>>, vector<1x8x4096xf32>
    %get3A_3 = vector.shape_cast %get3A_2 : vector<1x8x4096xf32> to vector<8x4096xf32>
    %get3A_4 = arith.constant 0 : index
    %get3A_5 = arith.constant 0 : index
    %get3A_6 = vector.load %arg3[%get3A_4, %get3A_5] : memref<128x8xf32, #tpu.memory_space<vmem>>, vector<128x8xf32>
    %dot_general3A = arith.constant dense<0.000000e+00> : vector<128x4096xf32>
    %dot_general3A_7 = tpu.matmul %get3A_6, %get3A_3, %dot_general3A {dimension_numbers = #tpu.dot_dimension_numbers<[1], [0], [0], [1], [0, 0, 1, 1], [], []>, transpose_lhs_hint = false} : vector<128x8xf32>, vector<8x4096xf32>, vector<128x4096xf32> -> vector<128x4096xf32>
    %slice3A = vector.extract_strided_slice %get3A_3 {offsets = [0, 0], sizes = [1, 4096], strides = [1, 1]} : vector<8x4096xf32> to vector<1x4096xf32>
    %slice3A_8 = vector.extract_strided_slice %get3A_3 {offsets = [1, 0], sizes = [1, 4096], strides = [1, 1]} : vector<8x4096xf32> to vector<1x4096xf32>
    %slice3A_9 = vector.extract_strided_slice %get3A_3 {offsets = [2, 0], sizes = [1, 4096], strides = [1, 1]} : vector<8x4096xf32> to vector<1x4096xf32>
    %mul3A = arith.mulf %slice3A, %slice3A : vector<1x4096xf32>
    %mul3A_10 = arith.mulf %slice3A_9, %slice3A_9 : vector<1x4096xf32>
    %add3A = arith.addf %mul3A, %mul3A_10 : vector<1x4096xf32>
    %mul3A_11 = arith.mulf %slice3A_8, %slice3A_8 : vector<1x4096xf32>
    %add3A_12 = arith.addf %add3A, %mul3A_11 : vector<1x4096xf32>
    %slice3A_13 = vector.extract_strided_slice %get3A_6 {offsets = [0, 0], sizes = [128, 1], strides = [1, 1]} : vector<128x8xf32> to vector<128x1xf32>
    %slice3A_14 = vector.extract_strided_slice %get3A_6 {offsets = [0, 1], sizes = [128, 1], strides = [1, 1]} : vector<128x8xf32> to vector<128x1xf32>
    %slice3A_15 = vector.extract_strided_slice %get3A_6 {offsets = [0, 2], sizes = [128, 1], strides = [1, 1]} : vector<128x8xf32> to vector<128x1xf32>
    %mul3A_16 = arith.mulf %slice3A_13, %slice3A_13 : vector<128x1xf32>
    %mul3A_17 = arith.mulf %slice3A_15, %slice3A_15 : vector<128x1xf32>
    %add3A_18 = arith.addf %mul3A_16, %mul3A_17 : vector<128x1xf32>
    %mul3A_19 = arith.mulf %slice3A_14, %slice3A_14 : vector<128x1xf32>
    %add3A_20 = arith.addf %add3A_18, %mul3A_19 : vector<128x1xf32>
    %mul3A_21 = arith.constant 2.000000e+00 : f32
    %mul3A_22 = vector.broadcast %mul3A_21 : f32 to vector<128x4096xf32>
    %mul3A_23 = arith.mulf %mul3A_22, %dot_general3A_7 : vector<128x4096xf32>
    %sub3A = vector.broadcast %add3A_20 : vector<128x1xf32> to vector<128x4096xf32>
    %sub3A_24 = arith.subf %sub3A, %mul3A_23 : vector<128x4096xf32>
    %add3A_25 = vector.broadcast %add3A_12 : vector<1x4096xf32> to vector<128x4096xf32>
    %add3A_26 = arith.addf %sub3A_24, %add3A_25 : vector<128x4096xf32>
    %max3A = arith.constant 0.000000e+00 : f32
    %max3A_27 = vector.broadcast %max3A : f32 to vector<128x4096xf32>
    %max3A_28 = arith.maximumf %add3A_26, %max3A_27 : vector<128x4096xf32>
    %get3A_29 = arith.constant 0 : index
    %get3A_30 = arith.constant 0 : index
    %get3A_31 = vector.load %arg4[%get3A_29, %get3A_30] : memref<8x128xf32, #tpu.memory_space<vmem>>, vector<8x128xf32>
    %dot_general3A_32 = arith.constant dense<0.000000e+00> : vector<128x128xf32>
    %dot_general3A_33 = tpu.matmul %get3A_6, %get3A_31, %dot_general3A_32 {dimension_numbers = #tpu.dot_dimension_numbers<[1], [0], [0], [1], [0, 0, 1, 1], [], []>, transpose_lhs_hint = false} : vector<128x8xf32>, vector<8x128xf32>, vector<128x128xf32> -> vector<128x128xf32>
    %swap3A = arith.constant 0 : index
    %swap3A_34 = arith.constant 0 : index
    %swap3A_35 = vector.load %arg6[%swap3A, %swap3A_34] : memref<128x128xf32, #tpu.memory_space<vmem>>, vector<128x128xf32>
    tpu.vector_store %arg6[%swap3A, %swap3A_34], %dot_general3A_33 {strides = array<i32>} : memref<128x128xf32, #tpu.memory_space<vmem>>, vector<128x128xf32>,
    %iota3A = tpu.iota {dimensions = array<i32: 1>} : vector<128x4096xi32>
    %mul3A_36 = arith.constant 4096 : i32
    %mul3A_37 = arith.muli %arg0, %mul3A_36 : i32
    %reduce_min3A = arith.constant dense<0x7F800000> : vector<128xf32>
    %reduce_min3A_38 = vector.multi_reduction <minimumf>, %max3A_28, %reduce_min3A [1] : vector<128x4096xf32> to vector<128xf32>
    %broadcast_in_dim3A = vector.shape_cast %reduce_min3A_38 : vector<128xf32> to vector<128x1xf32>
    %eq3A = vector.broadcast %broadcast_in_dim3A : vector<128x1xf32> to vector<128x4096xf32>
    %eq3A_39 = arith.cmpf oeq, %max3A_28, %eq3A : vector<128x4096xf32>
    %jit3A = arith.constant 4096 : i32
    %broadcast_in_dim3A_40 = vector.broadcast %jit3A : i32 to vector<128x4096xi32>
    %select_n3A = arith.select %eq3A_39, %iota3A, %broadcast_in_dim3A_40 : vector<128x4096xi1>, vector<128x4096xi32>
    %reduce_min3A_41 = arith.constant dense<2147483647> : vector<128xi32>
    %reduce_min3A_42 = vector.multi_reduction <minsi>, %select_n3A, %reduce_min3A_41 [1] : vector<128x4096xi32> to vector<128xi32>
    %broadcast_in_dim3A_43 = vector.shape_cast %reduce_min3A_42 : vector<128xi32> to vector<128x1xi32>
    %add3A_44 = vector.broadcast %mul3A_37 : i32 to vector<128x1xi32>
    %add3A_45 = arith.addi %broadcast_in_dim3A_43, %add3A_44 : vector<128x1xi32>
    %swap3A_46 = arith.constant 0 : index
    %swap3A_47 = arith.constant 0 : index
    %swap3A_48 = vector.load %arg5[%swap3A_46, %swap3A_47] : memref<128x32xi32, #tpu.memory_space<vmem>>, vector<128x1xi32>
    tpu.vector_store %arg5[%swap3A_46, %swap3A_47], %add3A_45 {strides = array<i32>} : memref<128x32xi32, #tpu.memory_space<vmem>>, vector<128x1xi32>,
    %eq3A_49 = vector.broadcast %broadcast_in_dim3A_43 : vector<128x1xi32> to vector<128x4096xi32>
    %eq3A_50 = arith.cmpi eq, %iota3A, %eq3A_49 : vector<128x4096xi32>
    %jit3A_51 = arith.constant 0x7F800000 : f32
    %broadcast_in_dim3A_52 = vector.broadcast %jit3A_51 : f32 to vector<128x4096xf32>
    %select_n3A_53 = arith.select %eq3A_50, %broadcast_in_dim3A_52, %max3A_28 : vector<128x4096xi1>, vector<128x4096xf32>
    %reduce_min3A_54 = arith.constant dense<0x7F800000> : vector<128xf32>
    %reduce_min3A_55 = vector.multi_reduction <minimumf>, %select_n3A_53, %reduce_min3A_54 [1] : vector<128x4096xf32> to vector<128xf32>
    %broadcast_in_dim3A_56 = vector.shape_cast %reduce_min3A_55 : vector<128xf32> to vector<128x1xf32>
    %eq3A_57 = vector.broadcast %broadcast_in_dim3A_56 : vector<128x1xf32> to vector<128x4096xf32>
    %eq3A_58 = arith.cmpf oeq, %select_n3A_53, %eq3A_57 : vector<128x4096xf32>
    %jit3A_59 = arith.constant 4096 : i32
    %broadcast_in_dim3A_60 = vector.broadcast %jit3A_59 : i32 to vector<128x4096xi32>
    %select_n3A_61 = arith.select %eq3A_58, %iota3A, %broadcast_in_dim3A_60 : vector<128x4096xi1>, vector<128x4096xi32>
    %reduce_min3A_62 = arith.constant dense<2147483647> : vector<128xi32>
    %reduce_min3A_63 = vector.multi_reduction <minsi>, %select_n3A_61, %reduce_min3A_62 [1] : vector<128x4096xi32> to vector<128xi32>
    %broadcast_in_dim3A_64 = vector.shape_cast %reduce_min3A_63 : vector<128xi32> to vector<128x1xi32>
    %add3A_65 = vector.broadcast %mul3A_37 : i32 to vector<128x1xi32>
    %add3A_66 = arith.addi %broadcast_in_dim3A_64, %add3A_65 : vector<128x1xi32>
    %swap3A_67 = arith.constant 0 : index
    %swap3A_68 = arith.constant 1 : index
    %swap3A_69 = vector.load %arg5[%swap3A_67, %swap3A_68] : memref<128x32xi32, #tpu.memory_space<vmem>>, vector<128x1xi32>
    tpu.vector_store %arg5[%swap3A_67, %swap3A_68], %add3A_66 {strides = array<i32>} : memref<128x32xi32, #tpu.memory_space<vmem>>, vector<128x1xi32>,
    %eq3A_70 = vector.broadcast %broadcast_in_dim3A_64 : vector<128x1xi32> to vector<128x4096xi32>
    %eq3A_71 = arith.cmpi eq, %iota3A, %eq3A_70 : vector<128x4096xi32>
    %jit3A_72 = arith.constant 0x7F800000 : f32
    %broadcast_in_dim3A_73 = vector.broadcast %jit3A_72 : f32 to vector<128x4096xf32>
    %select_n3A_74 = arith.select %eq3A_71, %broadcast_in_dim3A_73, %select_n3A_53 : vector<128x4096xi1>, vector<128x4096xf32>
    %reduce_min3A_75 = arith.constant dense<0x7F800000> : vector<128xf32>
    %reduce_min3A_76 = vector.multi_reduction <minimumf>, %select_n3A_74, %reduce_min3A_75 [1] : vector<128x4096xf32> to vector<128xf32>
    %broadcast_in_dim3A_77 = vector.shape_cast %reduce_min3A_76 : vector<128xf32> to vector<128x1xf32>
    %eq3A_78 = vector.broadcast %broadcast_in_dim3A_77 : vector<128x1xf32> to vector<128x4096xf32>
    %eq3A_79 = arith.cmpf oeq, %select_n3A_74, %eq3A_78 : vector<128x4096xf32>
    %jit3A_80 = arith.constant 4096 : i32
    %broadcast_in_dim3A_81 = vector.broadcast %jit3A_80 : i32 to vector<128x4096xi32>
    %select_n3A_82 = arith.select %eq3A_79, %iota3A, %broadcast_in_dim3A_81 : vector<128x4096xi1>, vector<128x4096xi32>
    %reduce_min3A_83 = arith.constant dense<2147483647> : vector<128xi32>
    %reduce_min3A_84 = vector.multi_reduction <minsi>, %select_n3A_82, %reduce_min3A_83 [1] : vector<128x4096xi32> to vector<128xi32>
    %broadcast_in_dim3A_85 = vector.shape_cast %reduce_min3A_84 : vector<128xi32> to vector<128x1xi32>
    %add3A_86 = vector.broadcast %mul3A_37 : i32 to vector<128x1xi32>
    %add3A_87 = arith.addi %broadcast_in_dim3A_85, %add3A_86 : vector<128x1xi32>
    %swap3A_88 = arith.constant 0 : index
    %swap3A_89 = arith.constant 2 : index
    %swap3A_90 = vector.load %arg5[%swap3A_88, %swap3A_89] : memref<128x32xi32, #tpu.memory_space<vmem>>, vector<128x1xi32>
    tpu.vector_store %arg5[%swap3A_88, %swap3A_89], %add3A_87 {strides = array<i32>} : memref<128x32xi32, #tpu.memory_space<vmem>>, vector<128x1xi32>,
    %eq3A_91 = vector.broadcast %broadcast_in_dim3A_85 : vector<128x1xi32> to vector<128x4096xi32>
    %eq3A_92 = arith.cmpi eq, %iota3A, %eq3A_91 : vector<128x4096xi32>
    %jit3A_93 = arith.constant 0x7F800000 : f32
    %broadcast_in_dim3A_94 = vector.broadcast %jit3A_93 : f32 to vector<128x4096xf32>
    %select_n3A_95 = arith.select %eq3A_92, %broadcast_in_dim3A_94, %select_n3A_74 : vector<128x4096xi1>, vector<128x4096xf32>
    %reduce_min3A_96 = arith.constant dense<0x7F800000> : vector<128xf32>
    %reduce_min3A_97 = vector.multi_reduction <minimumf>, %select_n3A_95, %reduce_min3A_96 [1] : vector<128x4096xf32> to vector<128xf32>
    %broadcast_in_dim3A_98 = vector.shape_cast %reduce_min3A_97 : vector<128xf32> to vector<128x1xf32>
    %eq3A_99 = vector.broadcast %broadcast_in_dim3A_98 : vector<128x1xf32> to vector<128x4096xf32>
    %eq3A_100 = arith.cmpf oeq, %select_n3A_95, %eq3A_99 : vector<128x4096xf32>
    %jit3A_101 = arith.constant 4096 : i32
    %broadcast_in_dim3A_102 = vector.broadcast %jit3A_101 : i32 to vector<128x4096xi32>
    %select_n3A_103 = arith.select %eq3A_100, %iota3A, %broadcast_in_dim3A_102 : vector<128x4096xi1>, vector<128x4096xi32>
    %reduce_min3A_104 = arith.constant dense<2147483647> : vector<128xi32>
    %reduce_min3A_105 = vector.multi_reduction <minsi>, %select_n3A_103, %reduce_min3A_104 [1] : vector<128x4096xi32> to vector<128xi32>
    %broadcast_in_dim3A_106 = vector.shape_cast %reduce_min3A_105 : vector<128xi32> to vector<128x1xi32>
    %add3A_107 = vector.broadcast %mul3A_37 : i32 to vector<128x1xi32>
    %add3A_108 = arith.addi %broadcast_in_dim3A_106, %add3A_107 : vector<128x1xi32>
    %swap3A_109 = arith.constant 0 : index
    %swap3A_110 = arith.constant 3 : index
    %swap3A_111 = vector.load %arg5[%swap3A_109, %swap3A_110] : memref<128x32xi32, #tpu.memory_space<vmem>>, vector<128x1xi32>
    tpu.vector_store %arg5[%swap3A_109, %swap3A_110], %add3A_108 {strides = array<i32>} : memref<128x32xi32, #tpu.memory_space<vmem>>, vector<128x1xi32>,
    %eq3A_112 = vector.broadcast %broadcast_in_dim3A_106 : vector<128x1xi32> to vector<128x4096xi32>
    %eq3A_113 = arith.cmpi eq, %iota3A, %eq3A_112 : vector<128x4096xi32>
    %jit3A_114 = arith.constant 0x7F800000 : f32
    %broadcast_in_dim3A_115 = vector.broadcast %jit3A_114 : f32 to vector<128x4096xf32>
    %select_n3A_116 = arith.select %eq3A_113, %broadcast_in_dim3A_115, %select_n3A_95 : vector<128x4096xi1>, vector<128x4096xf32>
    %reduce_min3A_117 = arith.constant dense<0x7F800000> : vector<128xf32>
    %reduce_min3A_118 = vector.multi_reduction <minimumf>, %select_n3A_116, %reduce_min3A_117 [1] : vector<128x4096xf32> to vector<128xf32>
    %broadcast_in_dim3A_119 = vector.shape_cast %reduce_min3A_118 : vector<128xf32> to vector<128x1xf32>
    %eq3A_120 = vector.broadcast %broadcast_in_dim3A_119 : vector<128x1xf32> to vector<128x4096xf32>
    %eq3A_121 = arith.cmpf oeq, %select_n3A_116, %eq3A_120 : vector<128x4096xf32>
    %jit3A_122 = arith.constant 4096 : i32
    %broadcast_in_dim3A_123 = vector.broadcast %jit3A_122 : i32 to vector<128x4096xi32>
    %select_n3A_124 = arith.select %eq3A_121, %iota3A, %broadcast_in_dim3A_123 : vector<128x4096xi1>, vector<128x4096xi32>
    %reduce_min3A_125 = arith.constant dense<2147483647> : vector<128xi32>
    %reduce_min3A_126 = vector.multi_reduction <minsi>, %select_n3A_124, %reduce_min3A_125 [1] : vector<128x4096xi32> to vector<128xi32>
    %broadcast_in_dim3A_127 = vector.shape_cast %reduce_min3A_126 : vector<128xi32> to vector<128x1xi32>
    %add3A_128 = vector.broadcast %mul3A_37 : i32 to vector<128x1xi32>
    %add3A_129 = arith.addi %broadcast_in_dim3A_127, %add3A_128 : vector<128x1xi32>
    %swap3A_130 = arith.constant 0 : index
    %swap3A_131 = arith.constant 4 : index
    %swap3A_132 = vector.load %arg5[%swap3A_130, %swap3A_131] : memref<128x32xi32, #tpu.memory_space<vmem>>, vector<128x1xi32>
    tpu.vector_store %arg5[%swap3A_130, %swap3A_131], %add3A_129 {strides = array<i32>} : memref<128x32xi32, #tpu.memory_space<vmem>>, vector<128x1xi32>,
    %eq3A_133 = vector.broadcast %broadcast_in_dim3A_127 : vector<128x1xi32> to vector<128x4096xi32>
    %eq3A_134 = arith.cmpi eq, %iota3A, %eq3A_133 : vector<128x4096xi32>
    %jit3A_135 = arith.constant 0x7F800000 : f32
    %broadcast_in_dim3A_136 = vector.broadcast %jit3A_135 : f32 to vector<128x4096xf32>
    %select_n3A_137 = arith.select %eq3A_134, %broadcast_in_dim3A_136, %select_n3A_116 : vector<128x4096xi1>, vector<128x4096xf32>
    %reduce_min3A_138 = arith.constant dense<0x7F800000> : vector<128xf32>
    %reduce_min3A_139 = vector.multi_reduction <minimumf>, %select_n3A_137, %reduce_min3A_138 [1] : vector<128x4096xf32> to vector<128xf32>
    %broadcast_in_dim3A_140 = vector.shape_cast %reduce_min3A_139 : vector<128xf32> to vector<128x1xf32>
    %eq3A_141 = vector.broadcast %broadcast_in_dim3A_140 : vector<128x1xf32> to vector<128x4096xf32>
    %eq3A_142 = arith.cmpf oeq, %select_n3A_137, %eq3A_141 : vector<128x4096xf32>
    %jit3A_143 = arith.constant 4096 : i32
    %broadcast_in_dim3A_144 = vector.broadcast %jit3A_143 : i32 to vector<128x4096xi32>
    %select_n3A_145 = arith.select %eq3A_142, %iota3A, %broadcast_in_dim3A_144 : vector<128x4096xi1>, vector<128x4096xi32>
    %reduce_min3A_146 = arith.constant dense<2147483647> : vector<128xi32>
    %reduce_min3A_147 = vector.multi_reduction <minsi>, %select_n3A_145, %reduce_min3A_146 [1] : vector<128x4096xi32> to vector<128xi32>
    %broadcast_in_dim3A_148 = vector.shape_cast %reduce_min3A_147 : vector<128xi32> to vector<128x1xi32>
    %add3A_149 = vector.broadcast %mul3A_37 : i32 to vector<128x1xi32>
    %add3A_150 = arith.addi %broadcast_in_dim3A_148, %add3A_149 : vector<128x1xi32>
    %swap3A_151 = arith.constant 0 : index
    %swap3A_152 = arith.constant 5 : index
    %swap3A_153 = vector.load %arg5[%swap3A_151, %swap3A_152] : memref<128x32xi32, #tpu.memory_space<vmem>>, vector<128x1xi32>
    tpu.vector_store %arg5[%swap3A_151, %swap3A_152], %add3A_150 {strides = array<i32>} : memref<128x32xi32, #tpu.memory_space<vmem>>, vector<128x1xi32>,
    %eq3A_154 = vector.broadcast %broadcast_in_dim3A_148 : vector<128x1xi32> to vector<128x4096xi32>
    %eq3A_155 = arith.cmpi eq, %iota3A, %eq3A_154 : vector<128x4096xi32>
    %jit3A_156 = arith.constant 0x7F800000 : f32
    %broadcast_in_dim3A_157 = vector.broadcast %jit3A_156 : f32 to vector<128x4096xf32>
    %select_n3A_158 = arith.select %eq3A_155, %broadcast_in_dim3A_157, %select_n3A_137 : vector<128x4096xi1>, vector<128x4096xf32>
    %reduce_min3A_159 = arith.constant dense<0x7F800000> : vector<128xf32>
    %reduce_min3A_160 = vector.multi_reduction <minimumf>, %select_n3A_158, %reduce_min3A_159 [1] : vector<128x4096xf32> to vector<128xf32>
    %broadcast_in_dim3A_161 = vector.shape_cast %reduce_min3A_160 : vector<128xf32> to vector<128x1xf32>
    %eq3A_162 = vector.broadcast %broadcast_in_dim3A_161 : vector<128x1xf32> to vector<128x4096xf32>
    %eq3A_163 = arith.cmpf oeq, %select_n3A_158, %eq3A_162 : vector<128x4096xf32>
    %jit3A_164 = arith.constant 4096 : i32
    %broadcast_in_dim3A_165 = vector.broadcast %jit3A_164 : i32 to vector<128x4096xi32>
    %select_n3A_166 = arith.select %eq3A_163, %iota3A, %broadcast_in_dim3A_165 : vector<128x4096xi1>, vector<128x4096xi32>
    %reduce_min3A_167 = arith.constant dense<2147483647> : vector<128xi32>
    %reduce_min3A_168 = vector.multi_reduction <minsi>, %select_n3A_166, %reduce_min3A_167 [1] : vector<128x4096xi32> to vector<128xi32>
    %broadcast_in_dim3A_169 = vector.shape_cast %reduce_min3A_168 : vector<128xi32> to vector<128x1xi32>
    %add3A_170 = vector.broadcast %mul3A_37 : i32 to vector<128x1xi32>
    %add3A_171 = arith.addi %broadcast_in_dim3A_169, %add3A_170 : vector<128x1xi32>
    %swap3A_172 = arith.constant 0 : index
    %swap3A_173 = arith.constant 6 : index
    %swap3A_174 = vector.load %arg5[%swap3A_172, %swap3A_173] : memref<128x32xi32, #tpu.memory_space<vmem>>, vector<128x1xi32>
    tpu.vector_store %arg5[%swap3A_172, %swap3A_173], %add3A_171 {strides = array<i32>} : memref<128x32xi32, #tpu.memory_space<vmem>>, vector<128x1xi32>,
    %eq3A_175 = vector.broadcast %broadcast_in_dim3A_169 : vector<128x1xi32> to vector<128x4096xi32>
    %eq3A_176 = arith.cmpi eq, %iota3A, %eq3A_175 : vector<128x4096xi32>
    %jit3A_177 = arith.constant 0x7F800000 : f32
    %broadcast_in_dim3A_178 = vector.broadcast %jit3A_177 : f32 to vector<128x4096xf32>
    %select_n3A_179 = arith.select %eq3A_176, %broadcast_in_dim3A_178, %select_n3A_158 : vector<128x4096xi1>, vector<128x4096xf32>
    %reduce_min3A_180 = arith.constant dense<0x7F800000> : vector<128xf32>
    %reduce_min3A_181 = vector.multi_reduction <minimumf>, %select_n3A_179, %reduce_min3A_180 [1] : vector<128x4096xf32> to vector<128xf32>
    %broadcast_in_dim3A_182 = vector.shape_cast %reduce_min3A_181 : vector<128xf32> to vector<128x1xf32>
    %eq3A_183 = vector.broadcast %broadcast_in_dim3A_182 : vector<128x1xf32> to vector<128x4096xf32>
    %eq3A_184 = arith.cmpf oeq, %select_n3A_179, %eq3A_183 : vector<128x4096xf32>
    %jit3A_185 = arith.constant 4096 : i32
    %broadcast_in_dim3A_186 = vector.broadcast %jit3A_185 : i32 to vector<128x4096xi32>
    %select_n3A_187 = arith.select %eq3A_184, %iota3A, %broadcast_in_dim3A_186 : vector<128x4096xi1>, vector<128x4096xi32>
    %reduce_min3A_188 = arith.constant dense<2147483647> : vector<128xi32>
    %reduce_min3A_189 = vector.multi_reduction <minsi>, %select_n3A_187, %reduce_min3A_188 [1] : vector<128x4096xi32> to vector<128xi32>
    %broadcast_in_dim3A_190 = vector.shape_cast %reduce_min3A_189 : vector<128xi32> to vector<128x1xi32>
    %add3A_191 = vector.broadcast %mul3A_37 : i32 to vector<128x1xi32>
    %add3A_192 = arith.addi %broadcast_in_dim3A_190, %add3A_191 : vector<128x1xi32>
    %swap3A_193 = arith.constant 0 : index
    %swap3A_194 = arith.constant 7 : index
    %swap3A_195 = vector.load %arg5[%swap3A_193, %swap3A_194] : memref<128x32xi32, #tpu.memory_space<vmem>>, vector<128x1xi32>
    tpu.vector_store %arg5[%swap3A_193, %swap3A_194], %add3A_192 {strides = array<i32>} : memref<128x32xi32, #tpu.memory_space<vmem>>, vector<128x1xi32>,
    %eq3A_196 = vector.broadcast %broadcast_in_dim3A_190 : vector<128x1xi32> to vector<128x4096xi32>
    %eq3A_197 = arith.cmpi eq, %iota3A, %eq3A_196 : vector<128x4096xi32>
    %jit3A_198 = arith.constant 0x7F800000 : f32
    %broadcast_in_dim3A_199 = vector.broadcast %jit3A_198 : f32 to vector<128x4096xf32>
    %select_n3A_200 = arith.select %eq3A_197, %broadcast_in_dim3A_199, %select_n3A_179 : vector<128x4096xi1>, vector<128x4096xf32>
    %reduce_min3A_201 = arith.constant dense<0x7F800000> : vector<128xf32>
    %reduce_min3A_202 = vector.multi_reduction <minimumf>, %select_n3A_200, %reduce_min3A_201 [1] : vector<128x4096xf32> to vector<128xf32>
    %broadcast_in_dim3A_203 = vector.shape_cast %reduce_min3A_202 : vector<128xf32> to vector<128x1xf32>
    %eq3A_204 = vector.broadcast %broadcast_in_dim3A_203 : vector<128x1xf32> to vector<128x4096xf32>
    %eq3A_205 = arith.cmpf oeq, %select_n3A_200, %eq3A_204 : vector<128x4096xf32>
    %jit3A_206 = arith.constant 4096 : i32
    %broadcast_in_dim3A_207 = vector.broadcast %jit3A_206 : i32 to vector<128x4096xi32>
    %select_n3A_208 = arith.select %eq3A_205, %iota3A, %broadcast_in_dim3A_207 : vector<128x4096xi1>, vector<128x4096xi32>
    %reduce_min3A_209 = arith.constant dense<2147483647> : vector<128xi32>
    %reduce_min3A_210 = vector.multi_reduction <minsi>, %select_n3A_208, %reduce_min3A_209 [1] : vector<128x4096xi32> to vector<128xi32>
    %broadcast_in_dim3A_211 = vector.shape_cast %reduce_min3A_210 : vector<128xi32> to vector<128x1xi32>
    %add3A_212 = vector.broadcast %mul3A_37 : i32 to vector<128x1xi32>
    %add3A_213 = arith.addi %broadcast_in_dim3A_211, %add3A_212 : vector<128x1xi32>
    %swap3A_214 = arith.constant 0 : index
    %swap3A_215 = arith.constant 8 : index
    %swap3A_216 = vector.load %arg5[%swap3A_214, %swap3A_215] : memref<128x32xi32, #tpu.memory_space<vmem>>, vector<128x1xi32>
    tpu.vector_store %arg5[%swap3A_214, %swap3A_215], %add3A_213 {strides = array<i32>} : memref<128x32xi32, #tpu.memory_space<vmem>>, vector<128x1xi32>,
    %eq3A_217 = vector.broadcast %broadcast_in_dim3A_211 : vector<128x1xi32> to vector<128x4096xi32>
    %eq3A_218 = arith.cmpi eq, %iota3A, %eq3A_217 : vector<128x4096xi32>
    %jit3A_219 = arith.constant 0x7F800000 : f32
    %broadcast_in_dim3A_220 = vector.broadcast %jit3A_219 : f32 to vector<128x4096xf32>
    %select_n3A_221 = arith.select %eq3A_218, %broadcast_in_dim3A_220, %select_n3A_200 : vector<128x4096xi1>, vector<128x4096xf32>
    %reduce_min3A_222 = arith.constant dense<0x7F800000> : vector<128xf32>
    %reduce_min3A_223 = vector.multi_reduction <minimumf>, %select_n3A_221, %reduce_min3A_222 [1] : vector<128x4096xf32> to vector<128xf32>
    %broadcast_in_dim3A_224 = vector.shape_cast %reduce_min3A_223 : vector<128xf32> to vector<128x1xf32>
    %eq3A_225 = vector.broadcast %broadcast_in_dim3A_224 : vector<128x1xf32> to vector<128x4096xf32>
    %eq3A_226 = arith.cmpf oeq, %select_n3A_221, %eq3A_225 : vector<128x4096xf32>
    %jit3A_227 = arith.constant 4096 : i32
    %broadcast_in_dim3A_228 = vector.broadcast %jit3A_227 : i32 to vector<128x4096xi32>
    %select_n3A_229 = arith.select %eq3A_226, %iota3A, %broadcast_in_dim3A_228 : vector<128x4096xi1>, vector<128x4096xi32>
    %reduce_min3A_230 = arith.constant dense<2147483647> : vector<128xi32>
    %reduce_min3A_231 = vector.multi_reduction <minsi>, %select_n3A_229, %reduce_min3A_230 [1] : vector<128x4096xi32> to vector<128xi32>
    %broadcast_in_dim3A_232 = vector.shape_cast %reduce_min3A_231 : vector<128xi32> to vector<128x1xi32>
    %add3A_233 = vector.broadcast %mul3A_37 : i32 to vector<128x1xi32>
    %add3A_234 = arith.addi %broadcast_in_dim3A_232, %add3A_233 : vector<128x1xi32>
    %swap3A_235 = arith.constant 0 : index
    %swap3A_236 = arith.constant 9 : index
    %swap3A_237 = vector.load %arg5[%swap3A_235, %swap3A_236] : memref<128x32xi32, #tpu.memory_space<vmem>>, vector<128x1xi32>
    tpu.vector_store %arg5[%swap3A_235, %swap3A_236], %add3A_234 {strides = array<i32>} : memref<128x32xi32, #tpu.memory_space<vmem>>, vector<128x1xi32>,
    %eq3A_238 = vector.broadcast %broadcast_in_dim3A_232 : vector<128x1xi32> to vector<128x4096xi32>
    %eq3A_239 = arith.cmpi eq, %iota3A, %eq3A_238 : vector<128x4096xi32>
    %jit3A_240 = arith.constant 0x7F800000 : f32
    %broadcast_in_dim3A_241 = vector.broadcast %jit3A_240 : f32 to vector<128x4096xf32>
    %select_n3A_242 = arith.select %eq3A_239, %broadcast_in_dim3A_241, %select_n3A_221 : vector<128x4096xi1>, vector<128x4096xf32>
    %reduce_min3A_243 = arith.constant dense<0x7F800000> : vector<128xf32>
    %reduce_min3A_244 = vector.multi_reduction <minimumf>, %select_n3A_242, %reduce_min3A_243 [1] : vector<128x4096xf32> to vector<128xf32>
    %broadcast_in_dim3A_245 = vector.shape_cast %reduce_min3A_244 : vector<128xf32> to vector<128x1xf32>
    %eq3A_246 = vector.broadcast %broadcast_in_dim3A_245 : vector<128x1xf32> to vector<128x4096xf32>
    %eq3A_247 = arith.cmpf oeq, %select_n3A_242, %eq3A_246 : vector<128x4096xf32>
    %jit3A_248 = arith.constant 4096 : i32
    %broadcast_in_dim3A_249 = vector.broadcast %jit3A_248 : i32 to vector<128x4096xi32>
    %select_n3A_250 = arith.select %eq3A_247, %iota3A, %broadcast_in_dim3A_249 : vector<128x4096xi1>, vector<128x4096xi32>
    %reduce_min3A_251 = arith.constant dense<2147483647> : vector<128xi32>
    %reduce_min3A_252 = vector.multi_reduction <minsi>, %select_n3A_250, %reduce_min3A_251 [1] : vector<128x4096xi32> to vector<128xi32>
    %broadcast_in_dim3A_253 = vector.shape_cast %reduce_min3A_252 : vector<128xi32> to vector<128x1xi32>
    %add3A_254 = vector.broadcast %mul3A_37 : i32 to vector<128x1xi32>
    %add3A_255 = arith.addi %broadcast_in_dim3A_253, %add3A_254 : vector<128x1xi32>
    %swap3A_256 = arith.constant 0 : index
    %swap3A_257 = arith.constant 10 : index
    %swap3A_258 = vector.load %arg5[%swap3A_256, %swap3A_257] : memref<128x32xi32, #tpu.memory_space<vmem>>, vector<128x1xi32>
    tpu.vector_store %arg5[%swap3A_256, %swap3A_257], %add3A_255 {strides = array<i32>} : memref<128x32xi32, #tpu.memory_space<vmem>>, vector<128x1xi32>,
    %eq3A_259 = vector.broadcast %broadcast_in_dim3A_253 : vector<128x1xi32> to vector<128x4096xi32>
    %eq3A_260 = arith.cmpi eq, %iota3A, %eq3A_259 : vector<128x4096xi32>
    %jit3A_261 = arith.constant 0x7F800000 : f32
    %broadcast_in_dim3A_262 = vector.broadcast %jit3A_261 : f32 to vector<128x4096xf32>
    %select_n3A_263 = arith.select %eq3A_260, %broadcast_in_dim3A_262, %select_n3A_242 : vector<128x4096xi1>, vector<128x4096xf32>
    %reduce_min3A_264 = arith.constant dense<0x7F800000> : vector<128xf32>
    %reduce_min3A_265 = vector.multi_reduction <minimumf>, %select_n3A_263, %reduce_min3A_264 [1] : vector<128x4096xf32> to vector<128xf32>
    %broadcast_in_dim3A_266 = vector.shape_cast %reduce_min3A_265 : vector<128xf32> to vector<128x1xf32>
    %eq3A_267 = vector.broadcast %broadcast_in_dim3A_266 : vector<128x1xf32> to vector<128x4096xf32>
    %eq3A_268 = arith.cmpf oeq, %select_n3A_263, %eq3A_267 : vector<128x4096xf32>
    %jit3A_269 = arith.constant 4096 : i32
    %broadcast_in_dim3A_270 = vector.broadcast %jit3A_269 : i32 to vector<128x4096xi32>
    %select_n3A_271 = arith.select %eq3A_268, %iota3A, %broadcast_in_dim3A_270 : vector<128x4096xi1>, vector<128x4096xi32>
    %reduce_min3A_272 = arith.constant dense<2147483647> : vector<128xi32>
    %reduce_min3A_273 = vector.multi_reduction <minsi>, %select_n3A_271, %reduce_min3A_272 [1] : vector<128x4096xi32> to vector<128xi32>
    %broadcast_in_dim3A_274 = vector.shape_cast %reduce_min3A_273 : vector<128xi32> to vector<128x1xi32>
    %add3A_275 = vector.broadcast %mul3A_37 : i32 to vector<128x1xi32>
    %add3A_276 = arith.addi %broadcast_in_dim3A_274, %add3A_275 : vector<128x1xi32>
    %swap3A_277 = arith.constant 0 : index
    %swap3A_278 = arith.constant 11 : index
    %swap3A_279 = vector.load %arg5[%swap3A_277, %swap3A_278] : memref<128x32xi32, #tpu.memory_space<vmem>>, vector<128x1xi32>
    tpu.vector_store %arg5[%swap3A_277, %swap3A_278], %add3A_276 {strides = array<i32>} : memref<128x32xi32, #tpu.memory_space<vmem>>, vector<128x1xi32>,
    %eq3A_280 = vector.broadcast %broadcast_in_dim3A_274 : vector<128x1xi32> to vector<128x4096xi32>
    %eq3A_281 = arith.cmpi eq, %iota3A, %eq3A_280 : vector<128x4096xi32>
    %jit3A_282 = arith.constant 0x7F800000 : f32
    %broadcast_in_dim3A_283 = vector.broadcast %jit3A_282 : f32 to vector<128x4096xf32>
    %select_n3A_284 = arith.select %eq3A_281, %broadcast_in_dim3A_283, %select_n3A_263 : vector<128x4096xi1>, vector<128x4096xf32>
    %reduce_min3A_285 = arith.constant dense<0x7F800000> : vector<128xf32>
    %reduce_min3A_286 = vector.multi_reduction <minimumf>, %select_n3A_284, %reduce_min3A_285 [1] : vector<128x4096xf32> to vector<128xf32>
    %broadcast_in_dim3A_287 = vector.shape_cast %reduce_min3A_286 : vector<128xf32> to vector<128x1xf32>
    %eq3A_288 = vector.broadcast %broadcast_in_dim3A_287 : vector<128x1xf32> to vector<128x4096xf32>
    %eq3A_289 = arith.cmpf oeq, %select_n3A_284, %eq3A_288 : vector<128x4096xf32>
    %jit3A_290 = arith.constant 4096 : i32
    %broadcast_in_dim3A_291 = vector.broadcast %jit3A_290 : i32 to vector<128x4096xi32>
    %select_n3A_292 = arith.select %eq3A_289, %iota3A, %broadcast_in_dim3A_291 : vector<128x4096xi1>, vector<128x4096xi32>
    %reduce_min3A_293 = arith.constant dense<2147483647> : vector<128xi32>
    %reduce_min3A_294 = vector.multi_reduction <minsi>, %select_n3A_292, %reduce_min3A_293 [1] : vector<128x4096xi32> to vector<128xi32>
    %broadcast_in_dim3A_295 = vector.shape_cast %reduce_min3A_294 : vector<128xi32> to vector<128x1xi32>
    %add3A_296 = vector.broadcast %mul3A_37 : i32 to vector<128x1xi32>
    %add3A_297 = arith.addi %broadcast_in_dim3A_295, %add3A_296 : vector<128x1xi32>
    %swap3A_298 = arith.constant 0 : index
    %swap3A_299 = arith.constant 12 : index
    %swap3A_300 = vector.load %arg5[%swap3A_298, %swap3A_299] : memref<128x32xi32, #tpu.memory_space<vmem>>, vector<128x1xi32>
    tpu.vector_store %arg5[%swap3A_298, %swap3A_299], %add3A_297 {strides = array<i32>} : memref<128x32xi32, #tpu.memory_space<vmem>>, vector<128x1xi32>,
    %eq3A_301 = vector.broadcast %broadcast_in_dim3A_295 : vector<128x1xi32> to vector<128x4096xi32>
    %eq3A_302 = arith.cmpi eq, %iota3A, %eq3A_301 : vector<128x4096xi32>
    %jit3A_303 = arith.constant 0x7F800000 : f32
    %broadcast_in_dim3A_304 = vector.broadcast %jit3A_303 : f32 to vector<128x4096xf32>
    %select_n3A_305 = arith.select %eq3A_302, %broadcast_in_dim3A_304, %select_n3A_284 : vector<128x4096xi1>, vector<128x4096xf32>
    %reduce_min3A_306 = arith.constant dense<0x7F800000> : vector<128xf32>
    %reduce_min3A_307 = vector.multi_reduction <minimumf>, %select_n3A_305, %reduce_min3A_306 [1] : vector<128x4096xf32> to vector<128xf32>
    %broadcast_in_dim3A_308 = vector.shape_cast %reduce_min3A_307 : vector<128xf32> to vector<128x1xf32>
    %eq3A_309 = vector.broadcast %broadcast_in_dim3A_308 : vector<128x1xf32> to vector<128x4096xf32>
    %eq3A_310 = arith.cmpf oeq, %select_n3A_305, %eq3A_309 : vector<128x4096xf32>
    %jit3A_311 = arith.constant 4096 : i32
    %broadcast_in_dim3A_312 = vector.broadcast %jit3A_311 : i32 to vector<128x4096xi32>
    %select_n3A_313 = arith.select %eq3A_310, %iota3A, %broadcast_in_dim3A_312 : vector<128x4096xi1>, vector<128x4096xi32>
    %reduce_min3A_314 = arith.constant dense<2147483647> : vector<128xi32>
    %reduce_min3A_315 = vector.multi_reduction <minsi>, %select_n3A_313, %reduce_min3A_314 [1] : vector<128x4096xi32> to vector<128xi32>
    %broadcast_in_dim3A_316 = vector.shape_cast %reduce_min3A_315 : vector<128xi32> to vector<128x1xi32>
    %add3A_317 = vector.broadcast %mul3A_37 : i32 to vector<128x1xi32>
    %add3A_318 = arith.addi %broadcast_in_dim3A_316, %add3A_317 : vector<128x1xi32>
    %swap3A_319 = arith.constant 0 : index
    %swap3A_320 = arith.constant 13 : index
    %swap3A_321 = vector.load %arg5[%swap3A_319, %swap3A_320] : memref<128x32xi32, #tpu.memory_space<vmem>>, vector<128x1xi32>
    tpu.vector_store %arg5[%swap3A_319, %swap3A_320], %add3A_318 {strides = array<i32>} : memref<128x32xi32, #tpu.memory_space<vmem>>, vector<128x1xi32>,
    %eq3A_322 = vector.broadcast %broadcast_in_dim3A_316 : vector<128x1xi32> to vector<128x4096xi32>
    %eq3A_323 = arith.cmpi eq, %iota3A, %eq3A_322 : vector<128x4096xi32>
    %jit3A_324 = arith.constant 0x7F800000 : f32
    %broadcast_in_dim3A_325 = vector.broadcast %jit3A_324 : f32 to vector<128x4096xf32>
    %select_n3A_326 = arith.select %eq3A_323, %broadcast_in_dim3A_325, %select_n3A_305 : vector<128x4096xi1>, vector<128x4096xf32>
    %reduce_min3A_327 = arith.constant dense<0x7F800000> : vector<128xf32>
    %reduce_min3A_328 = vector.multi_reduction <minimumf>, %select_n3A_326, %reduce_min3A_327 [1] : vector<128x4096xf32> to vector<128xf32>
    %broadcast_in_dim3A_329 = vector.shape_cast %reduce_min3A_328 : vector<128xf32> to vector<128x1xf32>
    %eq3A_330 = vector.broadcast %broadcast_in_dim3A_329 : vector<128x1xf32> to vector<128x4096xf32>
    %eq3A_331 = arith.cmpf oeq, %select_n3A_326, %eq3A_330 : vector<128x4096xf32>
    %jit3A_332 = arith.constant 4096 : i32
    %broadcast_in_dim3A_333 = vector.broadcast %jit3A_332 : i32 to vector<128x4096xi32>
    %select_n3A_334 = arith.select %eq3A_331, %iota3A, %broadcast_in_dim3A_333 : vector<128x4096xi1>, vector<128x4096xi32>
    %reduce_min3A_335 = arith.constant dense<2147483647> : vector<128xi32>
    %reduce_min3A_336 = vector.multi_reduction <minsi>, %select_n3A_334, %reduce_min3A_335 [1] : vector<128x4096xi32> to vector<128xi32>
    %broadcast_in_dim3A_337 = vector.shape_cast %reduce_min3A_336 : vector<128xi32> to vector<128x1xi32>
    %add3A_338 = vector.broadcast %mul3A_37 : i32 to vector<128x1xi32>
    %add3A_339 = arith.addi %broadcast_in_dim3A_337, %add3A_338 : vector<128x1xi32>
    %swap3A_340 = arith.constant 0 : index
    %swap3A_341 = arith.constant 14 : index
    %swap3A_342 = vector.load %arg5[%swap3A_340, %swap3A_341] : memref<128x32xi32, #tpu.memory_space<vmem>>, vector<128x1xi32>
    tpu.vector_store %arg5[%swap3A_340, %swap3A_341], %add3A_339 {strides = array<i32>} : memref<128x32xi32, #tpu.memory_space<vmem>>, vector<128x1xi32>,
    %eq3A_343 = vector.broadcast %broadcast_in_dim3A_337 : vector<128x1xi32> to vector<128x4096xi32>
    %eq3A_344 = arith.cmpi eq, %iota3A, %eq3A_343 : vector<128x4096xi32>
    %jit3A_345 = arith.constant 0x7F800000 : f32
    %broadcast_in_dim3A_346 = vector.broadcast %jit3A_345 : f32 to vector<128x4096xf32>
    %select_n3A_347 = arith.select %eq3A_344, %broadcast_in_dim3A_346, %select_n3A_326 : vector<128x4096xi1>, vector<128x4096xf32>
    %reduce_min3A_348 = arith.constant dense<0x7F800000> : vector<128xf32>
    %reduce_min3A_349 = vector.multi_reduction <minimumf>, %select_n3A_347, %reduce_min3A_348 [1] : vector<128x4096xf32> to vector<128xf32>
    %broadcast_in_dim3A_350 = vector.shape_cast %reduce_min3A_349 : vector<128xf32> to vector<128x1xf32>
    %eq3A_351 = vector.broadcast %broadcast_in_dim3A_350 : vector<128x1xf32> to vector<128x4096xf32>
    %eq3A_352 = arith.cmpf oeq, %select_n3A_347, %eq3A_351 : vector<128x4096xf32>
    %jit3A_353 = arith.constant 4096 : i32
    %broadcast_in_dim3A_354 = vector.broadcast %jit3A_353 : i32 to vector<128x4096xi32>
    %select_n3A_355 = arith.select %eq3A_352, %iota3A, %broadcast_in_dim3A_354 : vector<128x4096xi1>, vector<128x4096xi32>
    %reduce_min3A_356 = arith.constant dense<2147483647> : vector<128xi32>
    %reduce_min3A_357 = vector.multi_reduction <minsi>, %select_n3A_355, %reduce_min3A_356 [1] : vector<128x4096xi32> to vector<128xi32>
    %broadcast_in_dim3A_358 = vector.shape_cast %reduce_min3A_357 : vector<128xi32> to vector<128x1xi32>
    %add3A_359 = vector.broadcast %mul3A_37 : i32 to vector<128x1xi32>
    %add3A_360 = arith.addi %broadcast_in_dim3A_358, %add3A_359 : vector<128x1xi32>
    %swap3A_361 = arith.constant 0 : index
    %swap3A_362 = arith.constant 15 : index
    %swap3A_363 = vector.load %arg5[%swap3A_361, %swap3A_362] : memref<128x32xi32, #tpu.memory_space<vmem>>, vector<128x1xi32>
    tpu.vector_store %arg5[%swap3A_361, %swap3A_362], %add3A_360 {strides = array<i32>} : memref<128x32xi32, #tpu.memory_space<vmem>>, vector<128x1xi32>,
    %eq3A_364 = vector.broadcast %broadcast_in_dim3A_358 : vector<128x1xi32> to vector<128x4096xi32>
    %eq3A_365 = arith.cmpi eq, %iota3A, %eq3A_364 : vector<128x4096xi32>
    %jit3A_366 = arith.constant 0x7F800000 : f32
    %broadcast_in_dim3A_367 = vector.broadcast %jit3A_366 : f32 to vector<128x4096xf32>
    %select_n3A_368 = arith.select %eq3A_365, %broadcast_in_dim3A_367, %select_n3A_347 : vector<128x4096xi1>, vector<128x4096xf32>
    %reduce_min3A_369 = arith.constant dense<0x7F800000> : vector<128xf32>
    %reduce_min3A_370 = vector.multi_reduction <minimumf>, %select_n3A_368, %reduce_min3A_369 [1] : vector<128x4096xf32> to vector<128xf32>
    %broadcast_in_dim3A_371 = vector.shape_cast %reduce_min3A_370 : vector<128xf32> to vector<128x1xf32>
    %eq3A_372 = vector.broadcast %broadcast_in_dim3A_371 : vector<128x1xf32> to vector<128x4096xf32>
    %eq3A_373 = arith.cmpf oeq, %select_n3A_368, %eq3A_372 : vector<128x4096xf32>
    %jit3A_374 = arith.constant 4096 : i32
    %broadcast_in_dim3A_375 = vector.broadcast %jit3A_374 : i32 to vector<128x4096xi32>
    %select_n3A_376 = arith.select %eq3A_373, %iota3A, %broadcast_in_dim3A_375 : vector<128x4096xi1>, vector<128x4096xi32>
    %reduce_min3A_377 = arith.constant dense<2147483647> : vector<128xi32>
    %reduce_min3A_378 = vector.multi_reduction <minsi>, %select_n3A_376, %reduce_min3A_377 [1] : vector<128x4096xi32> to vector<128xi32>
    %broadcast_in_dim3A_379 = vector.shape_cast %reduce_min3A_378 : vector<128xi32> to vector<128x1xi32>
    %add3A_380 = vector.broadcast %mul3A_37 : i32 to vector<128x1xi32>
    %add3A_381 = arith.addi %broadcast_in_dim3A_379, %add3A_380 : vector<128x1xi32>
    %swap3A_382 = arith.constant 0 : index
    %swap3A_383 = arith.constant 16 : index
    %swap3A_384 = vector.load %arg5[%swap3A_382, %swap3A_383] : memref<128x32xi32, #tpu.memory_space<vmem>>, vector<128x1xi32>
    tpu.vector_store %arg5[%swap3A_382, %swap3A_383], %add3A_381 {strides = array<i32>} : memref<128x32xi32, #tpu.memory_space<vmem>>, vector<128x1xi32>,
    %eq3A_385 = vector.broadcast %broadcast_in_dim3A_379 : vector<128x1xi32> to vector<128x4096xi32>
    %eq3A_386 = arith.cmpi eq, %iota3A, %eq3A_385 : vector<128x4096xi32>
    %jit3A_387 = arith.constant 0x7F800000 : f32
    %broadcast_in_dim3A_388 = vector.broadcast %jit3A_387 : f32 to vector<128x4096xf32>
    %select_n3A_389 = arith.select %eq3A_386, %broadcast_in_dim3A_388, %select_n3A_368 : vector<128x4096xi1>, vector<128x4096xf32>
    %reduce_min3A_390 = arith.constant dense<0x7F800000> : vector<128xf32>
    %reduce_min3A_391 = vector.multi_reduction <minimumf>, %select_n3A_389, %reduce_min3A_390 [1] : vector<128x4096xf32> to vector<128xf32>
    %broadcast_in_dim3A_392 = vector.shape_cast %reduce_min3A_391 : vector<128xf32> to vector<128x1xf32>
    %eq3A_393 = vector.broadcast %broadcast_in_dim3A_392 : vector<128x1xf32> to vector<128x4096xf32>
    %eq3A_394 = arith.cmpf oeq, %select_n3A_389, %eq3A_393 : vector<128x4096xf32>
    %jit3A_395 = arith.constant 4096 : i32
    %broadcast_in_dim3A_396 = vector.broadcast %jit3A_395 : i32 to vector<128x4096xi32>
    %select_n3A_397 = arith.select %eq3A_394, %iota3A, %broadcast_in_dim3A_396 : vector<128x4096xi1>, vector<128x4096xi32>
    %reduce_min3A_398 = arith.constant dense<2147483647> : vector<128xi32>
    %reduce_min3A_399 = vector.multi_reduction <minsi>, %select_n3A_397, %reduce_min3A_398 [1] : vector<128x4096xi32> to vector<128xi32>
    %broadcast_in_dim3A_400 = vector.shape_cast %reduce_min3A_399 : vector<128xi32> to vector<128x1xi32>
    %add3A_401 = vector.broadcast %mul3A_37 : i32 to vector<128x1xi32>
    %add3A_402 = arith.addi %broadcast_in_dim3A_400, %add3A_401 : vector<128x1xi32>
    %swap3A_403 = arith.constant 0 : index
    %swap3A_404 = arith.constant 17 : index
    %swap3A_405 = vector.load %arg5[%swap3A_403, %swap3A_404] : memref<128x32xi32, #tpu.memory_space<vmem>>, vector<128x1xi32>
    tpu.vector_store %arg5[%swap3A_403, %swap3A_404], %add3A_402 {strides = array<i32>} : memref<128x32xi32, #tpu.memory_space<vmem>>, vector<128x1xi32>,
    %eq3A_406 = vector.broadcast %broadcast_in_dim3A_400 : vector<128x1xi32> to vector<128x4096xi32>
    %eq3A_407 = arith.cmpi eq, %iota3A, %eq3A_406 : vector<128x4096xi32>
    %jit3A_408 = arith.constant 0x7F800000 : f32
    %broadcast_in_dim3A_409 = vector.broadcast %jit3A_408 : f32 to vector<128x4096xf32>
    %select_n3A_410 = arith.select %eq3A_407, %broadcast_in_dim3A_409, %select_n3A_389 : vector<128x4096xi1>, vector<128x4096xf32>
    %reduce_min3A_411 = arith.constant dense<0x7F800000> : vector<128xf32>
    %reduce_min3A_412 = vector.multi_reduction <minimumf>, %select_n3A_410, %reduce_min3A_411 [1] : vector<128x4096xf32> to vector<128xf32>
    %broadcast_in_dim3A_413 = vector.shape_cast %reduce_min3A_412 : vector<128xf32> to vector<128x1xf32>
    %eq3A_414 = vector.broadcast %broadcast_in_dim3A_413 : vector<128x1xf32> to vector<128x4096xf32>
    %eq3A_415 = arith.cmpf oeq, %select_n3A_410, %eq3A_414 : vector<128x4096xf32>
    %jit3A_416 = arith.constant 4096 : i32
    %broadcast_in_dim3A_417 = vector.broadcast %jit3A_416 : i32 to vector<128x4096xi32>
    %select_n3A_418 = arith.select %eq3A_415, %iota3A, %broadcast_in_dim3A_417 : vector<128x4096xi1>, vector<128x4096xi32>
    %reduce_min3A_419 = arith.constant dense<2147483647> : vector<128xi32>
    %reduce_min3A_420 = vector.multi_reduction <minsi>, %select_n3A_418, %reduce_min3A_419 [1] : vector<128x4096xi32> to vector<128xi32>
    %broadcast_in_dim3A_421 = vector.shape_cast %reduce_min3A_420 : vector<128xi32> to vector<128x1xi32>
    %add3A_422 = vector.broadcast %mul3A_37 : i32 to vector<128x1xi32>
    %add3A_423 = arith.addi %broadcast_in_dim3A_421, %add3A_422 : vector<128x1xi32>
    %swap3A_424 = arith.constant 0 : index
    %swap3A_425 = arith.constant 18 : index
    %swap3A_426 = vector.load %arg5[%swap3A_424, %swap3A_425] : memref<128x32xi32, #tpu.memory_space<vmem>>, vector<128x1xi32>
    tpu.vector_store %arg5[%swap3A_424, %swap3A_425], %add3A_423 {strides = array<i32>} : memref<128x32xi32, #tpu.memory_space<vmem>>, vector<128x1xi32>,
    %eq3A_427 = vector.broadcast %broadcast_in_dim3A_421 : vector<128x1xi32> to vector<128x4096xi32>
    %eq3A_428 = arith.cmpi eq, %iota3A, %eq3A_427 : vector<128x4096xi32>
    %jit3A_429 = arith.constant 0x7F800000 : f32
    %broadcast_in_dim3A_430 = vector.broadcast %jit3A_429 : f32 to vector<128x4096xf32>
    %select_n3A_431 = arith.select %eq3A_428, %broadcast_in_dim3A_430, %select_n3A_410 : vector<128x4096xi1>, vector<128x4096xf32>
    %reduce_min3A_432 = arith.constant dense<0x7F800000> : vector<128xf32>
    %reduce_min3A_433 = vector.multi_reduction <minimumf>, %select_n3A_431, %reduce_min3A_432 [1] : vector<128x4096xf32> to vector<128xf32>
    %broadcast_in_dim3A_434 = vector.shape_cast %reduce_min3A_433 : vector<128xf32> to vector<128x1xf32>
    %eq3A_435 = vector.broadcast %broadcast_in_dim3A_434 : vector<128x1xf32> to vector<128x4096xf32>
    %eq3A_436 = arith.cmpf oeq, %select_n3A_431, %eq3A_435 : vector<128x4096xf32>
    %jit3A_437 = arith.constant 4096 : i32
    %broadcast_in_dim3A_438 = vector.broadcast %jit3A_437 : i32 to vector<128x4096xi32>
    %select_n3A_439 = arith.select %eq3A_436, %iota3A, %broadcast_in_dim3A_438 : vector<128x4096xi1>, vector<128x4096xi32>
    %reduce_min3A_440 = arith.constant dense<2147483647> : vector<128xi32>
    %reduce_min3A_441 = vector.multi_reduction <minsi>, %select_n3A_439, %reduce_min3A_440 [1] : vector<128x4096xi32> to vector<128xi32>
    %broadcast_in_dim3A_442 = vector.shape_cast %reduce_min3A_441 : vector<128xi32> to vector<128x1xi32>
    %add3A_443 = vector.broadcast %mul3A_37 : i32 to vector<128x1xi32>
    %add3A_444 = arith.addi %broadcast_in_dim3A_442, %add3A_443 : vector<128x1xi32>
    %swap3A_445 = arith.constant 0 : index
    %swap3A_446 = arith.constant 19 : index
    %swap3A_447 = vector.load %arg5[%swap3A_445, %swap3A_446] : memref<128x32xi32, #tpu.memory_space<vmem>>, vector<128x1xi32>
    tpu.vector_store %arg5[%swap3A_445, %swap3A_446], %add3A_444 {strides = array<i32>} : memref<128x32xi32, #tpu.memory_space<vmem>>, vector<128x1xi32>,
    %eq3A_448 = vector.broadcast %broadcast_in_dim3A_442 : vector<128x1xi32> to vector<128x4096xi32>
    %eq3A_449 = arith.cmpi eq, %iota3A, %eq3A_448 : vector<128x4096xi32>
    %jit3A_450 = arith.constant 0x7F800000 : f32
    %broadcast_in_dim3A_451 = vector.broadcast %jit3A_450 : f32 to vector<128x4096xf32>
    %select_n3A_452 = arith.select %eq3A_449, %broadcast_in_dim3A_451, %select_n3A_431 : vector<128x4096xi1>, vector<128x4096xf32>
    %reduce_min3A_453 = arith.constant dense<0x7F800000> : vector<128xf32>
    %reduce_min3A_454 = vector.multi_reduction <minimumf>, %select_n3A_452, %reduce_min3A_453 [1] : vector<128x4096xf32> to vector<128xf32>
    %broadcast_in_dim3A_455 = vector.shape_cast %reduce_min3A_454 : vector<128xf32> to vector<128x1xf32>
    %eq3A_456 = vector.broadcast %broadcast_in_dim3A_455 : vector<128x1xf32> to vector<128x4096xf32>
    %eq3A_457 = arith.cmpf oeq, %select_n3A_452, %eq3A_456 : vector<128x4096xf32>
    %jit3A_458 = arith.constant 4096 : i32
    %broadcast_in_dim3A_459 = vector.broadcast %jit3A_458 : i32 to vector<128x4096xi32>
    %select_n3A_460 = arith.select %eq3A_457, %iota3A, %broadcast_in_dim3A_459 : vector<128x4096xi1>, vector<128x4096xi32>
    %reduce_min3A_461 = arith.constant dense<2147483647> : vector<128xi32>
    %reduce_min3A_462 = vector.multi_reduction <minsi>, %select_n3A_460, %reduce_min3A_461 [1] : vector<128x4096xi32> to vector<128xi32>
    %broadcast_in_dim3A_463 = vector.shape_cast %reduce_min3A_462 : vector<128xi32> to vector<128x1xi32>
    %add3A_464 = vector.broadcast %mul3A_37 : i32 to vector<128x1xi32>
    %add3A_465 = arith.addi %broadcast_in_dim3A_463, %add3A_464 : vector<128x1xi32>
    %swap3A_466 = arith.constant 0 : index
    %swap3A_467 = arith.constant 20 : index
    %swap3A_468 = vector.load %arg5[%swap3A_466, %swap3A_467] : memref<128x32xi32, #tpu.memory_space<vmem>>, vector<128x1xi32>
    tpu.vector_store %arg5[%swap3A_466, %swap3A_467], %add3A_465 {strides = array<i32>} : memref<128x32xi32, #tpu.memory_space<vmem>>, vector<128x1xi32>,
    %eq3A_469 = vector.broadcast %broadcast_in_dim3A_463 : vector<128x1xi32> to vector<128x4096xi32>
    %eq3A_470 = arith.cmpi eq, %iota3A, %eq3A_469 : vector<128x4096xi32>
    %jit3A_471 = arith.constant 0x7F800000 : f32
    %broadcast_in_dim3A_472 = vector.broadcast %jit3A_471 : f32 to vector<128x4096xf32>
    %select_n3A_473 = arith.select %eq3A_470, %broadcast_in_dim3A_472, %select_n3A_452 : vector<128x4096xi1>, vector<128x4096xf32>
    %reduce_min3A_474 = arith.constant dense<0x7F800000> : vector<128xf32>
    %reduce_min3A_475 = vector.multi_reduction <minimumf>, %select_n3A_473, %reduce_min3A_474 [1] : vector<128x4096xf32> to vector<128xf32>
    %broadcast_in_dim3A_476 = vector.shape_cast %reduce_min3A_475 : vector<128xf32> to vector<128x1xf32>
    %eq3A_477 = vector.broadcast %broadcast_in_dim3A_476 : vector<128x1xf32> to vector<128x4096xf32>
    %eq3A_478 = arith.cmpf oeq, %select_n3A_473, %eq3A_477 : vector<128x4096xf32>
    %jit3A_479 = arith.constant 4096 : i32
    %broadcast_in_dim3A_480 = vector.broadcast %jit3A_479 : i32 to vector<128x4096xi32>
    %select_n3A_481 = arith.select %eq3A_478, %iota3A, %broadcast_in_dim3A_480 : vector<128x4096xi1>, vector<128x4096xi32>
    %reduce_min3A_482 = arith.constant dense<2147483647> : vector<128xi32>
    %reduce_min3A_483 = vector.multi_reduction <minsi>, %select_n3A_481, %reduce_min3A_482 [1] : vector<128x4096xi32> to vector<128xi32>
    %broadcast_in_dim3A_484 = vector.shape_cast %reduce_min3A_483 : vector<128xi32> to vector<128x1xi32>
    %add3A_485 = vector.broadcast %mul3A_37 : i32 to vector<128x1xi32>
    %add3A_486 = arith.addi %broadcast_in_dim3A_484, %add3A_485 : vector<128x1xi32>
    %swap3A_487 = arith.constant 0 : index
    %swap3A_488 = arith.constant 21 : index
    %swap3A_489 = vector.load %arg5[%swap3A_487, %swap3A_488] : memref<128x32xi32, #tpu.memory_space<vmem>>, vector<128x1xi32>
    tpu.vector_store %arg5[%swap3A_487, %swap3A_488], %add3A_486 {strides = array<i32>} : memref<128x32xi32, #tpu.memory_space<vmem>>, vector<128x1xi32>,
    %eq3A_490 = vector.broadcast %broadcast_in_dim3A_484 : vector<128x1xi32> to vector<128x4096xi32>
    %eq3A_491 = arith.cmpi eq, %iota3A, %eq3A_490 : vector<128x4096xi32>
    %jit3A_492 = arith.constant 0x7F800000 : f32
    %broadcast_in_dim3A_493 = vector.broadcast %jit3A_492 : f32 to vector<128x4096xf32>
    %select_n3A_494 = arith.select %eq3A_491, %broadcast_in_dim3A_493, %select_n3A_473 : vector<128x4096xi1>, vector<128x4096xf32>
    %reduce_min3A_495 = arith.constant dense<0x7F800000> : vector<128xf32>
    %reduce_min3A_496 = vector.multi_reduction <minimumf>, %select_n3A_494, %reduce_min3A_495 [1] : vector<128x4096xf32> to vector<128xf32>
    %broadcast_in_dim3A_497 = vector.shape_cast %reduce_min3A_496 : vector<128xf32> to vector<128x1xf32>
    %eq3A_498 = vector.broadcast %broadcast_in_dim3A_497 : vector<128x1xf32> to vector<128x4096xf32>
    %eq3A_499 = arith.cmpf oeq, %select_n3A_494, %eq3A_498 : vector<128x4096xf32>
    %jit3A_500 = arith.constant 4096 : i32
    %broadcast_in_dim3A_501 = vector.broadcast %jit3A_500 : i32 to vector<128x4096xi32>
    %select_n3A_502 = arith.select %eq3A_499, %iota3A, %broadcast_in_dim3A_501 : vector<128x4096xi1>, vector<128x4096xi32>
    %reduce_min3A_503 = arith.constant dense<2147483647> : vector<128xi32>
    %reduce_min3A_504 = vector.multi_reduction <minsi>, %select_n3A_502, %reduce_min3A_503 [1] : vector<128x4096xi32> to vector<128xi32>
    %broadcast_in_dim3A_505 = vector.shape_cast %reduce_min3A_504 : vector<128xi32> to vector<128x1xi32>
    %add3A_506 = vector.broadcast %mul3A_37 : i32 to vector<128x1xi32>
    %add3A_507 = arith.addi %broadcast_in_dim3A_505, %add3A_506 : vector<128x1xi32>
    %swap3A_508 = arith.constant 0 : index
    %swap3A_509 = arith.constant 22 : index
    %swap3A_510 = vector.load %arg5[%swap3A_508, %swap3A_509] : memref<128x32xi32, #tpu.memory_space<vmem>>, vector<128x1xi32>
    tpu.vector_store %arg5[%swap3A_508, %swap3A_509], %add3A_507 {strides = array<i32>} : memref<128x32xi32, #tpu.memory_space<vmem>>, vector<128x1xi32>,
    %eq3A_511 = vector.broadcast %broadcast_in_dim3A_505 : vector<128x1xi32> to vector<128x4096xi32>
    %eq3A_512 = arith.cmpi eq, %iota3A, %eq3A_511 : vector<128x4096xi32>
    %jit3A_513 = arith.constant 0x7F800000 : f32
    %broadcast_in_dim3A_514 = vector.broadcast %jit3A_513 : f32 to vector<128x4096xf32>
    %select_n3A_515 = arith.select %eq3A_512, %broadcast_in_dim3A_514, %select_n3A_494 : vector<128x4096xi1>, vector<128x4096xf32>
    %reduce_min3A_516 = arith.constant dense<0x7F800000> : vector<128xf32>
    %reduce_min3A_517 = vector.multi_reduction <minimumf>, %select_n3A_515, %reduce_min3A_516 [1] : vector<128x4096xf32> to vector<128xf32>
    %broadcast_in_dim3A_518 = vector.shape_cast %reduce_min3A_517 : vector<128xf32> to vector<128x1xf32>
    %eq3A_519 = vector.broadcast %broadcast_in_dim3A_518 : vector<128x1xf32> to vector<128x4096xf32>
    %eq3A_520 = arith.cmpf oeq, %select_n3A_515, %eq3A_519 : vector<128x4096xf32>
    %jit3A_521 = arith.constant 4096 : i32
    %broadcast_in_dim3A_522 = vector.broadcast %jit3A_521 : i32 to vector<128x4096xi32>
    %select_n3A_523 = arith.select %eq3A_520, %iota3A, %broadcast_in_dim3A_522 : vector<128x4096xi1>, vector<128x4096xi32>
    %reduce_min3A_524 = arith.constant dense<2147483647> : vector<128xi32>
    %reduce_min3A_525 = vector.multi_reduction <minsi>, %select_n3A_523, %reduce_min3A_524 [1] : vector<128x4096xi32> to vector<128xi32>
    %broadcast_in_dim3A_526 = vector.shape_cast %reduce_min3A_525 : vector<128xi32> to vector<128x1xi32>
    %add3A_527 = vector.broadcast %mul3A_37 : i32 to vector<128x1xi32>
    %add3A_528 = arith.addi %broadcast_in_dim3A_526, %add3A_527 : vector<128x1xi32>
    %swap3A_529 = arith.constant 0 : index
    %swap3A_530 = arith.constant 23 : index
    %swap3A_531 = vector.load %arg5[%swap3A_529, %swap3A_530] : memref<128x32xi32, #tpu.memory_space<vmem>>, vector<128x1xi32>
    tpu.vector_store %arg5[%swap3A_529, %swap3A_530], %add3A_528 {strides = array<i32>} : memref<128x32xi32, #tpu.memory_space<vmem>>, vector<128x1xi32>,
    %eq3A_532 = vector.broadcast %broadcast_in_dim3A_526 : vector<128x1xi32> to vector<128x4096xi32>
    %eq3A_533 = arith.cmpi eq, %iota3A, %eq3A_532 : vector<128x4096xi32>
    %jit3A_534 = arith.constant 0x7F800000 : f32
    %broadcast_in_dim3A_535 = vector.broadcast %jit3A_534 : f32 to vector<128x4096xf32>
    %select_n3A_536 = arith.select %eq3A_533, %broadcast_in_dim3A_535, %select_n3A_515 : vector<128x4096xi1>, vector<128x4096xf32>
    %reduce_min3A_537 = arith.constant dense<0x7F800000> : vector<128xf32>
    %reduce_min3A_538 = vector.multi_reduction <minimumf>, %select_n3A_536, %reduce_min3A_537 [1] : vector<128x4096xf32> to vector<128xf32>
    %broadcast_in_dim3A_539 = vector.shape_cast %reduce_min3A_538 : vector<128xf32> to vector<128x1xf32>
    %eq3A_540 = vector.broadcast %broadcast_in_dim3A_539 : vector<128x1xf32> to vector<128x4096xf32>
    %eq3A_541 = arith.cmpf oeq, %select_n3A_536, %eq3A_540 : vector<128x4096xf32>
    %jit3A_542 = arith.constant 4096 : i32
    %broadcast_in_dim3A_543 = vector.broadcast %jit3A_542 : i32 to vector<128x4096xi32>
    %select_n3A_544 = arith.select %eq3A_541, %iota3A, %broadcast_in_dim3A_543 : vector<128x4096xi1>, vector<128x4096xi32>
    %reduce_min3A_545 = arith.constant dense<2147483647> : vector<128xi32>
    %reduce_min3A_546 = vector.multi_reduction <minsi>, %select_n3A_544, %reduce_min3A_545 [1] : vector<128x4096xi32> to vector<128xi32>
    %broadcast_in_dim3A_547 = vector.shape_cast %reduce_min3A_546 : vector<128xi32> to vector<128x1xi32>
    %add3A_548 = vector.broadcast %mul3A_37 : i32 to vector<128x1xi32>
    %add3A_549 = arith.addi %broadcast_in_dim3A_547, %add3A_548 : vector<128x1xi32>
    %swap3A_550 = arith.constant 0 : index
    %swap3A_551 = arith.constant 24 : index
    %swap3A_552 = vector.load %arg5[%swap3A_550, %swap3A_551] : memref<128x32xi32, #tpu.memory_space<vmem>>, vector<128x1xi32>
    tpu.vector_store %arg5[%swap3A_550, %swap3A_551], %add3A_549 {strides = array<i32>} : memref<128x32xi32, #tpu.memory_space<vmem>>, vector<128x1xi32>,
    %eq3A_553 = vector.broadcast %broadcast_in_dim3A_547 : vector<128x1xi32> to vector<128x4096xi32>
    %eq3A_554 = arith.cmpi eq, %iota3A, %eq3A_553 : vector<128x4096xi32>
    %jit3A_555 = arith.constant 0x7F800000 : f32
    %broadcast_in_dim3A_556 = vector.broadcast %jit3A_555 : f32 to vector<128x4096xf32>
    %select_n3A_557 = arith.select %eq3A_554, %broadcast_in_dim3A_556, %select_n3A_536 : vector<128x4096xi1>, vector<128x4096xf32>
    %reduce_min3A_558 = arith.constant dense<0x7F800000> : vector<128xf32>
    %reduce_min3A_559 = vector.multi_reduction <minimumf>, %select_n3A_557, %reduce_min3A_558 [1] : vector<128x4096xf32> to vector<128xf32>
    %broadcast_in_dim3A_560 = vector.shape_cast %reduce_min3A_559 : vector<128xf32> to vector<128x1xf32>
    %eq3A_561 = vector.broadcast %broadcast_in_dim3A_560 : vector<128x1xf32> to vector<128x4096xf32>
    %eq3A_562 = arith.cmpf oeq, %select_n3A_557, %eq3A_561 : vector<128x4096xf32>
    %jit3A_563 = arith.constant 4096 : i32
    %broadcast_in_dim3A_564 = vector.broadcast %jit3A_563 : i32 to vector<128x4096xi32>
    %select_n3A_565 = arith.select %eq3A_562, %iota3A, %broadcast_in_dim3A_564 : vector<128x4096xi1>, vector<128x4096xi32>
    %reduce_min3A_566 = arith.constant dense<2147483647> : vector<128xi32>
    %reduce_min3A_567 = vector.multi_reduction <minsi>, %select_n3A_565, %reduce_min3A_566 [1] : vector<128x4096xi32> to vector<128xi32>
    %broadcast_in_dim3A_568 = vector.shape_cast %reduce_min3A_567 : vector<128xi32> to vector<128x1xi32>
    %add3A_569 = vector.broadcast %mul3A_37 : i32 to vector<128x1xi32>
    %add3A_570 = arith.addi %broadcast_in_dim3A_568, %add3A_569 : vector<128x1xi32>
    %swap3A_571 = arith.constant 0 : index
    %swap3A_572 = arith.constant 25 : index
    %swap3A_573 = vector.load %arg5[%swap3A_571, %swap3A_572] : memref<128x32xi32, #tpu.memory_space<vmem>>, vector<128x1xi32>
    tpu.vector_store %arg5[%swap3A_571, %swap3A_572], %add3A_570 {strides = array<i32>} : memref<128x32xi32, #tpu.memory_space<vmem>>, vector<128x1xi32>,
    %eq3A_574 = vector.broadcast %broadcast_in_dim3A_568 : vector<128x1xi32> to vector<128x4096xi32>
    %eq3A_575 = arith.cmpi eq, %iota3A, %eq3A_574 : vector<128x4096xi32>
    %jit3A_576 = arith.constant 0x7F800000 : f32
    %broadcast_in_dim3A_577 = vector.broadcast %jit3A_576 : f32 to vector<128x4096xf32>
    %select_n3A_578 = arith.select %eq3A_575, %broadcast_in_dim3A_577, %select_n3A_557 : vector<128x4096xi1>, vector<128x4096xf32>
    %reduce_min3A_579 = arith.constant dense<0x7F800000> : vector<128xf32>
    %reduce_min3A_580 = vector.multi_reduction <minimumf>, %select_n3A_578, %reduce_min3A_579 [1] : vector<128x4096xf32> to vector<128xf32>
    %broadcast_in_dim3A_581 = vector.shape_cast %reduce_min3A_580 : vector<128xf32> to vector<128x1xf32>
    %eq3A_582 = vector.broadcast %broadcast_in_dim3A_581 : vector<128x1xf32> to vector<128x4096xf32>
    %eq3A_583 = arith.cmpf oeq, %select_n3A_578, %eq3A_582 : vector<128x4096xf32>
    %jit3A_584 = arith.constant 4096 : i32
    %broadcast_in_dim3A_585 = vector.broadcast %jit3A_584 : i32 to vector<128x4096xi32>
    %select_n3A_586 = arith.select %eq3A_583, %iota3A, %broadcast_in_dim3A_585 : vector<128x4096xi1>, vector<128x4096xi32>
    %reduce_min3A_587 = arith.constant dense<2147483647> : vector<128xi32>
    %reduce_min3A_588 = vector.multi_reduction <minsi>, %select_n3A_586, %reduce_min3A_587 [1] : vector<128x4096xi32> to vector<128xi32>
    %broadcast_in_dim3A_589 = vector.shape_cast %reduce_min3A_588 : vector<128xi32> to vector<128x1xi32>
    %add3A_590 = vector.broadcast %mul3A_37 : i32 to vector<128x1xi32>
    %add3A_591 = arith.addi %broadcast_in_dim3A_589, %add3A_590 : vector<128x1xi32>
    %swap3A_592 = arith.constant 0 : index
    %swap3A_593 = arith.constant 26 : index
    %swap3A_594 = vector.load %arg5[%swap3A_592, %swap3A_593] : memref<128x32xi32, #tpu.memory_space<vmem>>, vector<128x1xi32>
    tpu.vector_store %arg5[%swap3A_592, %swap3A_593], %add3A_591 {strides = array<i32>} : memref<128x32xi32, #tpu.memory_space<vmem>>, vector<128x1xi32>,
    %eq3A_595 = vector.broadcast %broadcast_in_dim3A_589 : vector<128x1xi32> to vector<128x4096xi32>
    %eq3A_596 = arith.cmpi eq, %iota3A, %eq3A_595 : vector<128x4096xi32>
    %jit3A_597 = arith.constant 0x7F800000 : f32
    %broadcast_in_dim3A_598 = vector.broadcast %jit3A_597 : f32 to vector<128x4096xf32>
    %select_n3A_599 = arith.select %eq3A_596, %broadcast_in_dim3A_598, %select_n3A_578 : vector<128x4096xi1>, vector<128x4096xf32>
    %reduce_min3A_600 = arith.constant dense<0x7F800000> : vector<128xf32>
    %reduce_min3A_601 = vector.multi_reduction <minimumf>, %select_n3A_599, %reduce_min3A_600 [1] : vector<128x4096xf32> to vector<128xf32>
    %broadcast_in_dim3A_602 = vector.shape_cast %reduce_min3A_601 : vector<128xf32> to vector<128x1xf32>
    %eq3A_603 = vector.broadcast %broadcast_in_dim3A_602 : vector<128x1xf32> to vector<128x4096xf32>
    %eq3A_604 = arith.cmpf oeq, %select_n3A_599, %eq3A_603 : vector<128x4096xf32>
    %jit3A_605 = arith.constant 4096 : i32
    %broadcast_in_dim3A_606 = vector.broadcast %jit3A_605 : i32 to vector<128x4096xi32>
    %select_n3A_607 = arith.select %eq3A_604, %iota3A, %broadcast_in_dim3A_606 : vector<128x4096xi1>, vector<128x4096xi32>
    %reduce_min3A_608 = arith.constant dense<2147483647> : vector<128xi32>
    %reduce_min3A_609 = vector.multi_reduction <minsi>, %select_n3A_607, %reduce_min3A_608 [1] : vector<128x4096xi32> to vector<128xi32>
    %broadcast_in_dim3A_610 = vector.shape_cast %reduce_min3A_609 : vector<128xi32> to vector<128x1xi32>
    %add3A_611 = vector.broadcast %mul3A_37 : i32 to vector<128x1xi32>
    %add3A_612 = arith.addi %broadcast_in_dim3A_610, %add3A_611 : vector<128x1xi32>
    %swap3A_613 = arith.constant 0 : index
    %swap3A_614 = arith.constant 27 : index
    %swap3A_615 = vector.load %arg5[%swap3A_613, %swap3A_614] : memref<128x32xi32, #tpu.memory_space<vmem>>, vector<128x1xi32>
    tpu.vector_store %arg5[%swap3A_613, %swap3A_614], %add3A_612 {strides = array<i32>} : memref<128x32xi32, #tpu.memory_space<vmem>>, vector<128x1xi32>,
    %eq3A_616 = vector.broadcast %broadcast_in_dim3A_610 : vector<128x1xi32> to vector<128x4096xi32>
    %eq3A_617 = arith.cmpi eq, %iota3A, %eq3A_616 : vector<128x4096xi32>
    %jit3A_618 = arith.constant 0x7F800000 : f32
    %broadcast_in_dim3A_619 = vector.broadcast %jit3A_618 : f32 to vector<128x4096xf32>
    %select_n3A_620 = arith.select %eq3A_617, %broadcast_in_dim3A_619, %select_n3A_599 : vector<128x4096xi1>, vector<128x4096xf32>
    %reduce_min3A_621 = arith.constant dense<0x7F800000> : vector<128xf32>
    %reduce_min3A_622 = vector.multi_reduction <minimumf>, %select_n3A_620, %reduce_min3A_621 [1] : vector<128x4096xf32> to vector<128xf32>
    %broadcast_in_dim3A_623 = vector.shape_cast %reduce_min3A_622 : vector<128xf32> to vector<128x1xf32>
    %eq3A_624 = vector.broadcast %broadcast_in_dim3A_623 : vector<128x1xf32> to vector<128x4096xf32>
    %eq3A_625 = arith.cmpf oeq, %select_n3A_620, %eq3A_624 : vector<128x4096xf32>
    %jit3A_626 = arith.constant 4096 : i32
    %broadcast_in_dim3A_627 = vector.broadcast %jit3A_626 : i32 to vector<128x4096xi32>
    %select_n3A_628 = arith.select %eq3A_625, %iota3A, %broadcast_in_dim3A_627 : vector<128x4096xi1>, vector<128x4096xi32>
    %reduce_min3A_629 = arith.constant dense<2147483647> : vector<128xi32>
    %reduce_min3A_630 = vector.multi_reduction <minsi>, %select_n3A_628, %reduce_min3A_629 [1] : vector<128x4096xi32> to vector<128xi32>
    %broadcast_in_dim3A_631 = vector.shape_cast %reduce_min3A_630 : vector<128xi32> to vector<128x1xi32>
    %add3A_632 = vector.broadcast %mul3A_37 : i32 to vector<128x1xi32>
    %add3A_633 = arith.addi %broadcast_in_dim3A_631, %add3A_632 : vector<128x1xi32>
    %swap3A_634 = arith.constant 0 : index
    %swap3A_635 = arith.constant 28 : index
    %swap3A_636 = vector.load %arg5[%swap3A_634, %swap3A_635] : memref<128x32xi32, #tpu.memory_space<vmem>>, vector<128x1xi32>
    tpu.vector_store %arg5[%swap3A_634, %swap3A_635], %add3A_633 {strides = array<i32>} : memref<128x32xi32, #tpu.memory_space<vmem>>, vector<128x1xi32>,
    %eq3A_637 = vector.broadcast %broadcast_in_dim3A_631 : vector<128x1xi32> to vector<128x4096xi32>
    %eq3A_638 = arith.cmpi eq, %iota3A, %eq3A_637 : vector<128x4096xi32>
    %jit3A_639 = arith.constant 0x7F800000 : f32
    %broadcast_in_dim3A_640 = vector.broadcast %jit3A_639 : f32 to vector<128x4096xf32>
    %select_n3A_641 = arith.select %eq3A_638, %broadcast_in_dim3A_640, %select_n3A_620 : vector<128x4096xi1>, vector<128x4096xf32>
    %reduce_min3A_642 = arith.constant dense<0x7F800000> : vector<128xf32>
    %reduce_min3A_643 = vector.multi_reduction <minimumf>, %select_n3A_641, %reduce_min3A_642 [1] : vector<128x4096xf32> to vector<128xf32>
    %broadcast_in_dim3A_644 = vector.shape_cast %reduce_min3A_643 : vector<128xf32> to vector<128x1xf32>
    %eq3A_645 = vector.broadcast %broadcast_in_dim3A_644 : vector<128x1xf32> to vector<128x4096xf32>
    %eq3A_646 = arith.cmpf oeq, %select_n3A_641, %eq3A_645 : vector<128x4096xf32>
    %jit3A_647 = arith.constant 4096 : i32
    %broadcast_in_dim3A_648 = vector.broadcast %jit3A_647 : i32 to vector<128x4096xi32>
    %select_n3A_649 = arith.select %eq3A_646, %iota3A, %broadcast_in_dim3A_648 : vector<128x4096xi1>, vector<128x4096xi32>
    %reduce_min3A_650 = arith.constant dense<2147483647> : vector<128xi32>
    %reduce_min3A_651 = vector.multi_reduction <minsi>, %select_n3A_649, %reduce_min3A_650 [1] : vector<128x4096xi32> to vector<128xi32>
    %broadcast_in_dim3A_652 = vector.shape_cast %reduce_min3A_651 : vector<128xi32> to vector<128x1xi32>
    %add3A_653 = vector.broadcast %mul3A_37 : i32 to vector<128x1xi32>
    %add3A_654 = arith.addi %broadcast_in_dim3A_652, %add3A_653 : vector<128x1xi32>
    %swap3A_655 = arith.constant 0 : index
    %swap3A_656 = arith.constant 29 : index
    %swap3A_657 = vector.load %arg5[%swap3A_655, %swap3A_656] : memref<128x32xi32, #tpu.memory_space<vmem>>, vector<128x1xi32>
    tpu.vector_store %arg5[%swap3A_655, %swap3A_656], %add3A_654 {strides = array<i32>} : memref<128x32xi32, #tpu.memory_space<vmem>>, vector<128x1xi32>,
    %eq3A_658 = vector.broadcast %broadcast_in_dim3A_652 : vector<128x1xi32> to vector<128x4096xi32>
    %eq3A_659 = arith.cmpi eq, %iota3A, %eq3A_658 : vector<128x4096xi32>
    %jit3A_660 = arith.constant 0x7F800000 : f32
    %broadcast_in_dim3A_661 = vector.broadcast %jit3A_660 : f32 to vector<128x4096xf32>
    %select_n3A_662 = arith.select %eq3A_659, %broadcast_in_dim3A_661, %select_n3A_641 : vector<128x4096xi1>, vector<128x4096xf32>
    %reduce_min3A_663 = arith.constant dense<0x7F800000> : vector<128xf32>
    %reduce_min3A_664 = vector.multi_reduction <minimumf>, %select_n3A_662, %reduce_min3A_663 [1] : vector<128x4096xf32> to vector<128xf32>
    %broadcast_in_dim3A_665 = vector.shape_cast %reduce_min3A_664 : vector<128xf32> to vector<128x1xf32>
    %eq3A_666 = vector.broadcast %broadcast_in_dim3A_665 : vector<128x1xf32> to vector<128x4096xf32>
    %eq3A_667 = arith.cmpf oeq, %select_n3A_662, %eq3A_666 : vector<128x4096xf32>
    %jit3A_668 = arith.constant 4096 : i32
    %broadcast_in_dim3A_669 = vector.broadcast %jit3A_668 : i32 to vector<128x4096xi32>
    %select_n3A_670 = arith.select %eq3A_667, %iota3A, %broadcast_in_dim3A_669 : vector<128x4096xi1>, vector<128x4096xi32>
    %reduce_min3A_671 = arith.constant dense<2147483647> : vector<128xi32>
    %reduce_min3A_672 = vector.multi_reduction <minsi>, %select_n3A_670, %reduce_min3A_671 [1] : vector<128x4096xi32> to vector<128xi32>
    %broadcast_in_dim3A_673 = vector.shape_cast %reduce_min3A_672 : vector<128xi32> to vector<128x1xi32>
    %add3A_674 = vector.broadcast %mul3A_37 : i32 to vector<128x1xi32>
    %add3A_675 = arith.addi %broadcast_in_dim3A_673, %add3A_674 : vector<128x1xi32>
    %swap3A_676 = arith.constant 0 : index
    %swap3A_677 = arith.constant 30 : index
    %swap3A_678 = vector.load %arg5[%swap3A_676, %swap3A_677] : memref<128x32xi32, #tpu.memory_space<vmem>>, vector<128x1xi32>
    tpu.vector_store %arg5[%swap3A_676, %swap3A_677], %add3A_675 {strides = array<i32>} : memref<128x32xi32, #tpu.memory_space<vmem>>, vector<128x1xi32>,
    %eq3A_679 = vector.broadcast %broadcast_in_dim3A_673 : vector<128x1xi32> to vector<128x4096xi32>
    %eq3A_680 = arith.cmpi eq, %iota3A, %eq3A_679 : vector<128x4096xi32>
    %jit3A_681 = arith.constant 0x7F800000 : f32
    %broadcast_in_dim3A_682 = vector.broadcast %jit3A_681 : f32 to vector<128x4096xf32>
    %select_n3A_683 = arith.select %eq3A_680, %broadcast_in_dim3A_682, %select_n3A_662 : vector<128x4096xi1>, vector<128x4096xf32>
    %reduce_min3A_684 = arith.constant dense<0x7F800000> : vector<128xf32>
    %reduce_min3A_685 = vector.multi_reduction <minimumf>, %select_n3A_683, %reduce_min3A_684 [1] : vector<128x4096xf32> to vector<128xf32>
    %broadcast_in_dim3A_686 = vector.shape_cast %reduce_min3A_685 : vector<128xf32> to vector<128x1xf32>
    %eq3A_687 = vector.broadcast %broadcast_in_dim3A_686 : vector<128x1xf32> to vector<128x4096xf32>
    %eq3A_688 = arith.cmpf oeq, %select_n3A_683, %eq3A_687 : vector<128x4096xf32>
    %jit3A_689 = arith.constant 4096 : i32
    %broadcast_in_dim3A_690 = vector.broadcast %jit3A_689 : i32 to vector<128x4096xi32>
    %select_n3A_691 = arith.select %eq3A_688, %iota3A, %broadcast_in_dim3A_690 : vector<128x4096xi1>, vector<128x4096xi32>
    %reduce_min3A_692 = arith.constant dense<2147483647> : vector<128xi32>
    %reduce_min3A_693 = vector.multi_reduction <minsi>, %select_n3A_691, %reduce_min3A_692 [1] : vector<128x4096xi32> to vector<128xi32>
    %broadcast_in_dim3A_694 = vector.shape_cast %reduce_min3A_693 : vector<128xi32> to vector<128x1xi32>
    %add3A_695 = vector.broadcast %mul3A_37 : i32 to vector<128x1xi32>
    %add3A_696 = arith.addi %broadcast_in_dim3A_694, %add3A_695 : vector<128x1xi32>
    %swap3A_697 = arith.constant 0 : index
    %swap3A_698 = arith.constant 31 : index
    %swap3A_699 = vector.load %arg5[%swap3A_697, %swap3A_698] : memref<128x32xi32, #tpu.memory_space<vmem>>, vector<128x1xi32>
    tpu.vector_store %arg5[%swap3A_697, %swap3A_698], %add3A_696 {strides = array<i32>} : memref<128x32xi32, #tpu.memory_space<vmem>>, vector<128x1xi32>,
    return
  }
  func.func @transform_0(%arg0: i32, %arg1: i32) -> (i32, i32, i32) {
    %c0_i32 = arith.constant 0 : i32
    %c0_i32_0 = arith.constant 0 : i32
    %c0_i32_1 = arith.constant 0 : i32
    return %arg0, %c0_i32, %c0_i32_0 : i32, i32, i32
  }
  func.func @transform_1(%arg0: i32, %arg1: i32) -> (i32, i32) {
    %mul3A = arith.constant 8 : i32
    %mul3A_0 = arith.muli %arg0, %mul3A : i32
    %add3A = arith.addi %mul3A_0, %arg1 : i32
    %c0_i32 = arith.constant 0 : i32
    %c0_i32_1 = arith.constant 0 : i32
    return %add3A, %c0_i32 : i32, i32
  }
  func.func @transform_2(%arg0: i32, %arg1: i32) -> (i32, i32) {
    %c0_i32 = arith.constant 0 : i32
    %c0_i32_0 = arith.constant 0 : i32
    %c0_i32_1 = arith.constant 0 : i32
    return %c0_i32, %c0_i32_0 : i32, i32
  }
  func.func @transform_3(%arg0: i32, %arg1: i32) -> (i32, i32) {
    %mul3A = arith.constant 8 : i32
    %mul3A_0 = arith.muli %arg0, %mul3A : i32
    %add3A = arith.addi %mul3A_0, %arg1 : i32
    %c0_i32 = arith.constant 0 : i32
    %c0_i32_1 = arith.constant 0 : i32
    return %add3A, %c0_i32 : i32, i32
  }
  func.func @transform_4(%arg0: i32, %arg1: i32) -> (i32, i32) {
    %mul3A = arith.constant 8 : i32
    %mul3A_0 = arith.muli %arg0, %mul3A : i32
    %add3A = arith.addi %mul3A_0, %arg1 : i32
    %c0_i32 = arith.constant 0 : i32
    %c0_i32_1 = arith.constant 0 : i32
    return %add3A, %c0_i32 : i32, i32
  }
}

module attributes {stable_mosaic.version = 14 : i64} {
  func.func @_prep_body(%arg0: i32, %arg1: memref<4096x128xf32, #tpu.memory_space<vmem>>, %arg2: memref<128x128xf32, #tpu.memory_space<vmem>>, %arg3: memref<1x128xf32, #tpu.memory_space<vmem>>, %arg4: memref<4096x128xf32, #tpu.memory_space<vmem>>) attributes {dimension_semantics = [#tpu.dimension_semantics<arbitrary>], iteration_bounds = array<i64: 8>, scalar_prefetch = 0 : i64, scratch_operands = 0 : i64, tpu.core_type = #tpu.core_type<tc>, window_params = [{transform_indices = @transform_0, window_bounds = array<i64: 4096, 128>}, {pipeline_mode = #tpu.pipeline_mode<synchronous>, transform_indices = @transform_1, window_bounds = array<i64: 128, 128>}, {pipeline_mode = #tpu.pipeline_mode<synchronous>, transform_indices = @transform_2, window_bounds = array<i64: 1, 128>}, {transform_indices = @transform_3, window_bounds = array<i64: 4096, 128>}]} {
    %get3A = arith.constant 0 : index
    %get3A_0 = arith.constant 0 : index
    %get3A_1 = vector.load %arg1[%get3A, %get3A_0] : memref<4096x128xf32, #tpu.memory_space<vmem>>, vector<4096x128xf32>
    %get3A_2 = arith.constant 0 : index
    %get3A_3 = arith.constant 0 : index
    %get3A_4 = vector.load %arg2[%get3A_2, %get3A_3] : memref<128x128xf32, #tpu.memory_space<vmem>>, vector<128x128xf32>
    %dot_general3A = arith.constant dense<0.000000e+00> : vector<4096x128xf32>
    %dot_general3A_5 = tpu.matmul %get3A_1, %get3A_4, %dot_general3A {dimension_numbers = #tpu.dot_dimension_numbers<[1], [0], [0], [1], [0, 0, 1, 1], [], []>, transpose_lhs_hint = false} : vector<4096x128xf32>, vector<128x128xf32>, vector<4096x128xf32> -> vector<4096x128xf32>
    %get3A_6 = arith.constant 0 : index
    %get3A_7 = arith.constant 0 : index
    %get3A_8 = vector.load %arg3[%get3A_6, %get3A_7] : memref<1x128xf32, #tpu.memory_space<vmem>>, vector<1x128xf32>
    %add3A = vector.broadcast %get3A_8 : vector<1x128xf32> to vector<4096x128xf32>
    %add3A_9 = arith.addf %dot_general3A_5, %add3A : vector<4096x128xf32>
    %swap3A = arith.constant 0 : index
    %swap3A_10 = arith.constant 0 : index
    %swap3A_11 = vector.load %arg4[%swap3A, %swap3A_10] : memref<4096x128xf32, #tpu.memory_space<vmem>>, vector<4096x128xf32>
    tpu.vector_store %arg4[%swap3A, %swap3A_10], %add3A_9 {strides = array<i32>} : memref<4096x128xf32, #tpu.memory_space<vmem>>, vector<4096x128xf32>,
    return
  }
  func.func @transform_0(%arg0: i32) -> (i32, i32) {
    %c0_i32 = arith.constant 0 : i32
    %c0_i32_0 = arith.constant 0 : i32
    return %arg0, %c0_i32 : i32, i32
  }
  func.func @transform_1(%arg0: i32) -> (i32, i32) {
    %c0_i32 = arith.constant 0 : i32
    %c0_i32_0 = arith.constant 0 : i32
    %c0_i32_1 = arith.constant 0 : i32
    return %c0_i32, %c0_i32_0 : i32, i32
  }
  func.func @transform_2(%arg0: i32) -> (i32, i32) {
    %c0_i32 = arith.constant 0 : i32
    %c0_i32_0 = arith.constant 0 : i32
    %c0_i32_1 = arith.constant 0 : i32
    return %c0_i32, %c0_i32_0 : i32, i32
  }
  func.func @transform_3(%arg0: i32) -> (i32, i32) {
    %c0_i32 = arith.constant 0 : i32
    %c0_i32_0 = arith.constant 0 : i32
    return %arg0, %c0_i32 : i32, i32
  }
}

module attributes {stable_mosaic.version = 14 : i64} {
  func.func @_mlp_body(%arg0: i32, %arg1: memref<8192x128xf32, #tpu.memory_space<vmem>>, %arg2: memref<256x128xf32, #tpu.memory_space<vmem>>, %arg3: memref<1x128xf32, #tpu.memory_space<vmem>>, %arg4: memref<1x128xf32, #tpu.memory_space<vmem>>, %arg5: memref<128x128xf32, #tpu.memory_space<vmem>>, %arg6: memref<1x128xf32, #tpu.memory_space<vmem>>, %arg7: memref<1x128xf32, #tpu.memory_space<vmem>>, %arg8: memref<1x128xf32, #tpu.memory_space<vmem>>, %arg9: memref<256x128xf32, #tpu.memory_space<vmem>>) attributes {dimension_semantics = [#tpu.dimension_semantics<arbitrary>], iteration_bounds = array<i64: 16>, scalar_prefetch = 0 : i64, scratch_operands = 0 : i64, tpu.core_type = #tpu.core_type<tc>, window_params = [{transform_indices = @transform_0, window_bounds = array<i64: 8192, 128>}, {transform_indices = @transform_1, window_bounds = array<i64: 256, 128>}, {pipeline_mode = #tpu.pipeline_mode<synchronous>, transform_indices = @transform_2, window_bounds = array<i64: 1, 128>}, {pipeline_mode = #tpu.pipeline_mode<synchronous>, transform_indices = @transform_3, window_bounds = array<i64: 1, 128>}, {pipeline_mode = #tpu.pipeline_mode<synchronous>, transform_indices = @transform_4, window_bounds = array<i64: 128, 128>}, {pipeline_mode = #tpu.pipeline_mode<synchronous>, transform_indices = @transform_5, window_bounds = array<i64: 1, 128>}, {pipeline_mode = #tpu.pipeline_mode<synchronous>, transform_indices = @transform_6, window_bounds = array<i64: 1, 128>}, {pipeline_mode = #tpu.pipeline_mode<synchronous>, transform_indices = @transform_7, window_bounds = array<i64: 1, 128>}, {transform_indices = @transform_8, window_bounds = array<i64: 256, 128>}]} {
    %get3A = arith.constant 0 : index
    %get3A_0 = arith.constant 0 : index
    %get3A_1 = vector.load %arg1[%get3A, %get3A_0] : memref<8192x128xf32, #tpu.memory_space<vmem>>, vector<8192x128xf32>
    %get3A_2 = arith.constant 0 : index
    %get3A_3 = arith.constant 0 : index
    %get3A_4 = vector.load %arg2[%get3A_2, %get3A_3] : memref<256x128xf32, #tpu.memory_space<vmem>>, vector<256x128xf32>
    %broadcast_in_dim3A = vector.shape_cast %get3A_4 : vector<256x128xf32> to vector<256x1x128xf32>
    %broadcast_in_dim3A_5 = vector.shape_cast %broadcast_in_dim3A : vector<256x1x128xf32> to vector<256x1x128xf32>
    %broadcast_in_dim3A_6 = vector.broadcast %broadcast_in_dim3A_5 : vector<256x1x128xf32> to vector<256x32x128xf32>
    %reshape3A = vector.shape_cast %broadcast_in_dim3A_6 : vector<256x32x128xf32> to vector<8192x128xf32>
    %sub3A = arith.subf %get3A_1, %reshape3A : vector<8192x128xf32>
    %max3A = arith.constant 0.000000e+00 : f32
    %max3A_7 = vector.broadcast %max3A : f32 to vector<8192x128xf32>
    %max3A_8 = arith.maximumf %sub3A, %max3A_7 : vector<8192x128xf32>
    %get3A_9 = arith.constant 0 : index
    %get3A_10 = arith.constant 0 : index
    %get3A_11 = vector.load %arg3[%get3A_9, %get3A_10] : memref<1x128xf32, #tpu.memory_space<vmem>>, vector<1x128xf32>
    %mul3A = vector.broadcast %get3A_11 : vector<1x128xf32> to vector<8192x128xf32>
    %mul3A_12 = arith.mulf %max3A_8, %mul3A : vector<8192x128xf32>
    %get3A_13 = arith.constant 0 : index
    %get3A_14 = arith.constant 0 : index
    %get3A_15 = vector.load %arg4[%get3A_13, %get3A_14] : memref<1x128xf32, #tpu.memory_space<vmem>>, vector<1x128xf32>
    %add3A = vector.broadcast %get3A_15 : vector<1x128xf32> to vector<8192x128xf32>
    %add3A_16 = arith.addf %mul3A_12, %add3A : vector<8192x128xf32>
    %get3A_17 = arith.constant 0 : index
    %get3A_18 = arith.constant 0 : index
    %get3A_19 = vector.load %arg5[%get3A_17, %get3A_18] : memref<128x128xf32, #tpu.memory_space<vmem>>, vector<128x128xf32>
    %dot_general3A = arith.constant dense<0.000000e+00> : vector<8192x128xf32>
    %dot_general3A_20 = tpu.matmul %add3A_16, %get3A_19, %dot_general3A {dimension_numbers = #tpu.dot_dimension_numbers<[1], [0], [0], [1], [0, 0, 1, 1], [], []>, transpose_lhs_hint = false} : vector<8192x128xf32>, vector<128x128xf32>, vector<8192x128xf32> -> vector<8192x128xf32>
    %get3A_21 = arith.constant 0 : index
    %get3A_22 = arith.constant 0 : index
    %get3A_23 = vector.load %arg6[%get3A_21, %get3A_22] : memref<1x128xf32, #tpu.memory_space<vmem>>, vector<1x128xf32>
    %add3A_24 = vector.broadcast %get3A_23 : vector<1x128xf32> to vector<8192x128xf32>
    %add3A_25 = arith.addf %dot_general3A_20, %add3A_24 : vector<8192x128xf32>
    %max3A_26 = arith.constant 0.000000e+00 : f32
    %max3A_27 = vector.broadcast %max3A_26 : f32 to vector<8192x128xf32>
    %max3A_28 = arith.maximumf %add3A_25, %max3A_27 : vector<8192x128xf32>
    %get3A_29 = arith.constant 0 : index
    %get3A_30 = arith.constant 0 : index
    %get3A_31 = vector.load %arg7[%get3A_29, %get3A_30] : memref<1x128xf32, #tpu.memory_space<vmem>>, vector<1x128xf32>
    %mul3A_32 = vector.broadcast %get3A_31 : vector<1x128xf32> to vector<8192x128xf32>
    %mul3A_33 = arith.mulf %max3A_28, %mul3A_32 : vector<8192x128xf32>
    %get3A_34 = arith.constant 0 : index
    %get3A_35 = arith.constant 0 : index
    %get3A_36 = vector.load %arg8[%get3A_34, %get3A_35] : memref<1x128xf32, #tpu.memory_space<vmem>>, vector<1x128xf32>
    %add3A_37 = vector.broadcast %get3A_36 : vector<1x128xf32> to vector<8192x128xf32>
    %add3A_38 = arith.addf %mul3A_33, %add3A_37 : vector<8192x128xf32>
    %reshape3A_39 = vector.shape_cast %add3A_38 : vector<8192x128xf32> to vector<256x32x128xf32>
    %reduce_max3A = arith.constant dense<0xFF800000> : vector<256x128xf32>
    %reduce_max3A_40 = vector.multi_reduction <maximumf>, %reshape3A_39, %reduce_max3A [1] : vector<256x32x128xf32> to vector<256x128xf32>
    %swap3A = arith.constant 0 : index
    %swap3A_41 = arith.constant 0 : index
    %swap3A_42 = vector.load %arg9[%swap3A, %swap3A_41] : memref<256x128xf32, #tpu.memory_space<vmem>>, vector<256x128xf32>
    tpu.vector_store %arg9[%swap3A, %swap3A_41], %reduce_max3A_40 {strides = array<i32>} : memref<256x128xf32, #tpu.memory_space<vmem>>, vector<256x128xf32>,
    return
  }
  func.func @transform_0(%arg0: i32) -> (i32, i32) {
    %c0_i32 = arith.constant 0 : i32
    %c0_i32_0 = arith.constant 0 : i32
    return %arg0, %c0_i32 : i32, i32
  }
  func.func @transform_1(%arg0: i32) -> (i32, i32) {
    %c0_i32 = arith.constant 0 : i32
    %c0_i32_0 = arith.constant 0 : i32
    return %arg0, %c0_i32 : i32, i32
  }
  func.func @transform_2(%arg0: i32) -> (i32, i32) {
    %c0_i32 = arith.constant 0 : i32
    %c0_i32_0 = arith.constant 0 : i32
    %c0_i32_1 = arith.constant 0 : i32
    return %c0_i32, %c0_i32_0 : i32, i32
  }
  func.func @transform_3(%arg0: i32) -> (i32, i32) {
    %c0_i32 = arith.constant 0 : i32
    %c0_i32_0 = arith.constant 0 : i32
    %c0_i32_1 = arith.constant 0 : i32
    return %c0_i32, %c0_i32_0 : i32, i32
  }
  func.func @transform_4(%arg0: i32) -> (i32, i32) {
    %c0_i32 = arith.constant 0 : i32
    %c0_i32_0 = arith.constant 0 : i32
    %c0_i32_1 = arith.constant 0 : i32
    return %c0_i32, %c0_i32_0 : i32, i32
  }
  func.func @transform_5(%arg0: i32) -> (i32, i32) {
    %c0_i32 = arith.constant 0 : i32
    %c0_i32_0 = arith.constant 0 : i32
    %c0_i32_1 = arith.constant 0 : i32
    return %c0_i32, %c0_i32_0 : i32, i32
  }
  func.func @transform_6(%arg0: i32) -> (i32, i32) {
    %c0_i32 = arith.constant 0 : i32
    %c0_i32_0 = arith.constant 0 : i32
    %c0_i32_1 = arith.constant 0 : i32
    return %c0_i32, %c0_i32_0 : i32, i32
  }
  func.func @transform_7(%arg0: i32) -> (i32, i32) {
    %c0_i32 = arith.constant 0 : i32
    %c0_i32_0 = arith.constant 0 : i32
    %c0_i32_1 = arith.constant 0 : i32
    return %c0_i32, %c0_i32_0 : i32, i32
  }
  func.func @transform_8(%arg0: i32) -> (i32, i32) {
    %c0_i32 = arith.constant 0 : i32
    %c0_i32_0 = arith.constant 0 : i32
    return %arg0, %c0_i32 : i32, i32
  }
}

</mosaic_0001>

<sc_bundles>
// kernel: kernel.12.cloned.1.call-start
scs
__scs_entry_jumppad:
0x0: {  	(pc) =	sbr.rel $0x88, $3  }
0x1: {  	(tag) =	ssettag $0x0;
	lr =	simm.s32 $0x1  }
0x2: {  	[smem:$0x3F97] =	sst lr;
	_ =	strace $0xD0000000  }
0x3: {  	_ = 	snop  }
0x4: {  	_ = 	snop  }
0x5: {  	_ = 	snop  }
0x6: {  	_ = 	snop  }
0x7: {  	_ = 	snop  }
__scs_overlays_trampoline_lowered:
0x8: {  	[smem:$0x3FA6] =	sst s0  }
0x9: {  	[smem:$0x3FA7] =	sst s1  }
0xa: {  	[smem:$0x3FA8] =	sst s2  }
0xb: {  	[smem:$0x3FA9] =	sst s3  }
0xc: {  	[smem:$0x3FAA] =	sst s4  }
0xd: {  	[smem:$0x3FAB] =	sst s5  }
0xe: {  	[smem:$0x3FAC] =	sst s6  }
0xf: {  	[smem:$0x3FAD] =	sst s7  }
0x10: {  	[smem:$0x3FAE] =	sst s8  }
0x11: {  	[smem:$0x3FAF] =	sst s9;
	s0 =	simm.s32 @!p0 $0x0  }
0x12: {  	s1 =	sld [smem:$0x3F95];
	s0 =	simm.s32 @p0 $0x1  }
0x13: {  	[smem:$0x3FB0] =	sst s0;
	s0 =	simm.s32 @!p1 $0x0  }
0x14: {  	s2 =	sld [smem:$0x3F94];
	s0 =	simm.s32 @p1 $0x1  }
0x15: {  	[smem:$0x3FB1] =	sst s0;
	s0 =	simm.s32 @!p2 $0x0  }
0x16: {  	s3 =	sld [smem:$0x3FDB];
	s0 =	simm.s32 @p2 $0x1  }
0x17: {  	s4 =	simm.s32 $0x1BF5;
	[smem:$0x3FB3] =	sst s0  }
0x18: {  	s0 =	sld [smem:$0x3F96];
	_ =	swait.ge [sflag:s4], $0x0  }
0x19: {  	s7 =	sld [smem:$0x3F97]  }
0x1a: {  	s8 =	sadd.s32 $0xFFFFE003, lr  }
0x1b: {  	s9 =	sadd.s32 $0xFFFFFEF7, lr;
	s5 =	simm.s32 $0xFFFFFFFF;
	p2 =	slt.u32 s8, $0xFFFFF086  }
0x1c: {  	p1 =	slt.u32 s9, $0xF7A;
	s5 =	simm.s32 @!p2 $0x0  }
0x1d: {  	s5 =	simm.s32 @p1 $0x1;
	p0 =	seq.s32 s7, s2  }
0x1e: {  	s7 =	smul.u32 @!p0 $0xF7A, s2;
	p2 =	seq.s32 @!p0 s5, $0x0  }
0x1f: {  	s9 =	smul.u32 $0xF7A, s1;
	s8 =	simm.s32 @!p0 $0x1BF5;
	p2 =	por !p2, p0  }
0x20: {  	[sflag:s8] =	ssyncset.s32 @!p0 $0xFFFFF086;
	s6 =	sadd.s32 @!p0 s3, s7;
	s7 =	simm.s32 @!p0 $0x108  }
0x21: {  	s3 =	sadd.s32 s3, s9;
	s6 =	sadd.s32 @!p0 $0x88, s6;
	s7 =	simm.s32 @p2 $0x1082  }
0x22: {  	[simem:s7], [sflag:s8] =	dma.local @!p0 [hbm:s6], $0xF7A  }
0x23: {  	s9 =	sor.u32 $0xD0000000, s2;
	s6 =	simm.s32 $0x108;
	_ =	swait.ge @!p0 [sflag:s8], $0x0  }
0x24: {  	s3 =	sadd.s32 $0x88, s3;
	s6 =	simm.s32 @!p1 $0x1082;
	[sflag:s4] =	ssyncset.s32 $0xFFFFF086  }
0x25: {  	[simem:s6], [sflag:s4] =	dma.local [hbm:s3], $0xF7A  }
0x26: {  	[smem:$0x3F97] =	sst s1;
	(tag) =	ssettag s2;
	_ =	strace s9  }
0x27: {  	s1 =	sld [smem:$0x3FA7]  }
0x28: {  	s2 =	sld [smem:$0x3FA8]  }
0x29: {  	s4 =	sld [smem:$0x3FAA]  }
0x2a: {  	p0 =	seq.s32 s5, $0x0;
	s5 =	sld [smem:$0x3FAB]  }
0x2b: {  	s6 =	sld [smem:$0x3FAC]  }
0x2c: {  	s7 =	sld [smem:$0x3FAD]  }
0x2d: {  	s3 =	simm.s32 $0x108;
	s8 =	sld [smem:$0x3FAE]  }
0x2e: {  	s3 =	simm.s32 @!p0 $0x1082;
	s9 =	sld [smem:$0x3FAF]  }
0x2f: {  	lr =	sadd.s32 s0, s3;
	s0 =	sld [smem:$0x3FA6]  }
0x30: {  	s3 =	sld [smem:$0x3FA9]  }
0x31: {  	[smem:$0x3FB2] =	sst s10  }
0x32: {  	s10 =	sld [smem:$0x3FB0];
	_ =	sdelay $0x3  }
0x33: {  	p0 =	seq.s32 s10, $0x1;
	s10 =	sld [smem:$0x3FB2];
	_ =	sdelay $0x3  }
0x34: {  	[smem:$0x3FB2] =	sst s10  }
0x35: {  	s10 =	sld [smem:$0x3FB1];
	_ =	sdelay $0x3  }
0x36: {  	p1 =	seq.s32 s10, $0x1;
	s10 =	sld [smem:$0x3FB2];
	_ =	sdelay $0x3  }
0x37: {  	[smem:$0x3FB2] =	sst s10  }
0x38: {  	s10 =	sld [smem:$0x3FB3]  }
0x39: {  	_ = 	snop;
	(pc) =	sbr.ind lr, $3  }
0x3a: {  	_ = 	snop  }
0x3b: {  	_ = 	snop  }
0x3c: {  	p2 =	seq.s32 s10, $0x1;
	s10 =	sld [smem:$0x3FB2]  }
0x3d: {  	_ =	shalt  }
0x3e: {  	_ =	shalt  }
0x3f: {  	_ =	shalt  }
0x40: {  	_ =	shalt  }
0x41: {  	_ =	shalt  }
0x42: {  	_ =	shalt  }
0x43: {  	_ =	shalt  }
0x44: {  	_ =	shalt  }
0x45: {  	_ =	shalt  }
0x46: {  	_ =	shalt  }
0x47: {  	_ =	shalt  }
0x48: {  	_ =	shalt  }
0x49: {  	_ =	shalt  }
0x4a: {  	_ =	shalt  }
0x4b: {  	_ =	shalt  }
0x4c: {  	_ =	shalt  }
0x4d: {  	_ =	shalt  }
0x4e: {  	_ =	shalt  }
0x4f: {  	_ =	shalt  }
0x50: {  	_ =	shalt  }
0x51: {  	_ =	shalt  }
0x52: {  	_ =	shalt  }
0x53: {  	_ =	shalt  }
0x54: {  	_ =	shalt  }
0x55: {  	_ =	shalt  }
0x56: {  	_ =	shalt  }
0x57: {  	_ =	shalt  }
0x58: {  	_ =	shalt  }
0x59: {  	_ =	shalt  }
0x5a: {  	_ =	shalt  }
0x5b: {  	_ =	shalt  }
0x5c: {  	_ =	shalt  }
0x5d: {  	_ =	shalt  }
0x5e: {  	_ =	shalt  }
0x5f: {  	_ =	shalt  }
0x60: {  	_ =	shalt  }
0x61: {  	_ =	shalt  }
0x62: {  	_ =	shalt  }
0x63: {  	_ =	shalt  }
0x64: {  	_ =	shalt  }
0x65: {  	_ =	shalt  }
0x66: {  	_ =	shalt  }
0x67: {  	_ =	shalt  }
0x68: {  	_ =	shalt  }
0x69: {  	_ =	shalt  }
0x6a: {  	_ =	shalt  }
0x6b: {  	_ =	shalt  }
0x6c: {  	_ =	shalt  }
0x6d: {  	_ =	shalt  }
0x6e: {  	_ =	shalt  }
0x6f: {  	_ =	shalt  }
0x70: {  	_ =	shalt  }
0x71: {  	_ =	shalt  }
0x72: {  	_ =	shalt  }
0x73: {  	_ =	shalt  }
0x74: {  	_ =	shalt  }
0x75: {  	_ =	shalt  }
0x76: {  	_ =	shalt  }
0x77: {  	_ =	shalt  }
0x78: {  	_ =	shalt  }
0x79: {  	_ =	shalt  }
0x7a: {  	_ =	shalt  }
0x7b: {  	_ =	shalt  }
0x7c: {  	_ =	shalt  }
0x7d: {  	_ =	shalt  }
0x7e: {  	_ =	shalt  }
0x7f: {  	_ =	shalt  }
0x80: {  	_ =	shalt  }
0x81: {  	_ =	shalt  }
0x82: {  	_ =	shalt  }
0x83: {  	_ =	shalt  }
0x84: {  	_ =	shalt  }
0x85: {  	_ =	shalt  }
0x86: {  	_ =	shalt  }
0x87: {  	_ =	shalt  }
.Lfunc_end0:
.L_simem_size_0:
called_computation.1_lowered:
.L_overlay_start_0:
0x88: {  	s2 =	sld [smem:$0x3FD9]  }
0x89: {  	s3 =	sld [smem:$0x3FFE];
	_ =	sdelay $0x1  }
0x8a: {  	s1 =	srdreg.scid  }
0x8b: {  	s0 =	sand.u32 $0x1, s1  }
0x8c: {  	s16 =	sshll.u32 s0, $0xA;
	s2 =	sadd.s32 s3, s2  }
0x8d: {  	s2 =	sadd.s32 s2, s16  }
0x8e: {  	[smem:$0x3FBE] =	sst s2  }
0x8f: {  	_ = 	snop  }
0x90: {  	(tm) =	ssettm $0x1  }
0x91: {  	s17 =	sld [smem:$0x3FFB];
	_ =	sdelay $0x3  }
0x92: {  	_ =	strace s17  }
0x93: {  	s2 =	sld [smem:$0x3FFC];
	_ =	sdelay $0x3  }
0x94: {  	_ =	strace s2  }
0x95: {  	s2 =	sld [smem:$0x3FFD];
	_ =	sdelay $0x3  }
0x96: {  	_ =	strace s2  }
0x97: {  	_ =	strace $0x8FFFFFFF  }
0x98: {  	s18 =	sld [smem:$0x3FDB];
	_ =	sdelay $0x1  }
0x99: {  	s19 =	simm.s32 $_scs_section_size  }
0x9a: {  	s4 =	simm.s32 $_size__tile_overlayer_lowered;
	s5 =	simm.s32 $_tile_overlayer_lowered  }
0x9b: {  	s22 =	simm.s32 $0x1BFF;
	s21 =	sshll.u32 s5, $0x1;
	s2 =	sadd.s32 s19, s18  }
0x9c: {  	s6 =	simm.s32 $0x0;
	s20 =	sshll.u32 s4, $0x1;
	s4 =	sadd.s32 s21, s2  }
0x9d: {  	[timem:s6], [sflag:s22] =	dma.local [hbm:s4], s20  }
0x9e: {  	_ =	swait.ge [sflag:s22], s20  }
0x9f: {  	s3 =	ssub.s32 $0x0, s20;
	[sflag:s22] =	ssyncset.done $0x0  }
0xa0: {  	[sflag:s22] =	ssyncadd.s32 s3;
	_ =	sdelay $0x1  }
0xa1: {  	s23 =	simm.s32 $0x1B8B  }
0xa2: {  	_ =	swait.ge [sflag:s23], $0x1  }
0xa3: {  	[sflag:s23] =	ssyncset.done $0x0  }
0xa4: {  	s25 =	simm.s32 $0x1B8E;
	s24 =	sld [smem:$0x3FFE];
	[sflag:s23] =	ssyncadd.s32 $0xFFFFFFFF  }
0xa5: {  	s26 =	simm.s32 $execute0_lowered;
	[smem:$0x3FD2] =	sst s25  }
0xa6: {  	s4 =	sshll.u32 s26, $0x1;
	_ =	strace $0x80000046;
	[dreg:$0x1] =	wrdreg $0xFFFFFFFF  }
0xa7: {  	s28 =	simm.s32 $_size_execute0_lowered;
	s2 =	sadd.s32 s2, s4;
	[dreg:$0x0] =	wrdreg $0x0  }
0xa8: {  	s4 =	sshll.u32 s28, $0x1;
	[dreg:$0x2] =	wrdreg s2  }
0xa9: {  	[dreg:$0x3] =	wrdreg s4  }
0xaa: {  	[dreg:$0x4] =	wrdreg $0xC0  }
0xab: {  	_ =	task [dreg:s6], $0x5FFFF  }
0xac: {  	[dreg:$0x1] =	wrdreg $0xFFFFFFFF  }
0xad: {  	[dreg:$0x0] =	wrdreg $0x60  }
0xae: {  	[dreg:$0x2] =	wrdreg s24  }
0xaf: {  	[dreg:$0x3] =	wrdreg $0xA  }
0xb0: {  	_ =	task.clear_ibuf [dreg:s6], $0x4FFFF;
	_ =	strace $0x90000046  }
0xb1: {  	s29 =	simm.s32 $0xA;
	_ =	strace $0x80000048  }
0xb2: {  	_ =	swait.ge [sflag:s29], $0x1  }
0xb3: {  	[sflag:s29] =	ssyncadd.s32 $0xFFFFFFFF  }
0xb4: {  	_ =	strace $0x90000048  }
0xb5: {  	_ =	sfence  }
0xb6: {  	s30 =	sld [smem:$0x0];
	_ =	sdelay $0x2  }
0xb7: {  	s31 =	sshll.u32 s1, $0xD;
	s1 =	sshrl.u32 s1, $0x2  }
0xb8: {  	s3 =	sand.u32 $0x4000, s31;
	s1 =	sadd.s32 s1, s30  }
0xb9: {  	s0 =	sor.u32 s3, s0;
	s1 =	sshll.u32 s1, $0x11  }
0xba: {  	s0 =	sor.u32 s1, s0  }
0xbb: {  	s0 =	sadd.s32 $0x8F2B, s0  }
0xbc: {  	[sflag:s0] =	ssyncadd.remote.s32 $0x1  }
0xbd: {  	_ =	sfence.sel $0xFFFF  }
0xbe: {  	[dreg:$0x0] =	wrdreg $0xFFFFFFFF;
	(pc) =	sbr.abs _section_cstart, $3  }
0xbf: {  	[dreg:$0x1] =	wrdreg $0xFFFFFFFF  }
0xc0: {  	_ =	task.clear_ibuf [dreg:s6], $0x2FFFF;
	_ =	strace $0x9FFFFFFF  }
0xc1: {  	(tm) =	ssettm $0x7FFFFFFF  }
tec
execute0_lowered:
.L_overlay_start_1:
0x0: {  	(tag) =	ssettag $0x1  }
0x1: {  	s4 =	rddreg [dreg:$0x0];
	s0 =	srdreg.scid  }
0x2: {  	s1 =	stileid.u32;
	s2 =	simm.s32 $0x0;
	s31 =	sand.u32 $0x1, s0  }
0x3: {  	s1 =	sshll.u32 s1, $0xD;
	[smem:$0x7FF] =	sst s2;
	s3 =	sshll.u32 s31, $0xC  }
0x4: {  	s30 =	sadd.s32 $0x3A00, s4;
	s0 =	sadd.s32 $0x87A00, s4;
	s1 =	sor.u32 s3, s1  }
0x5: {  	_ =	strace $0x80000047;
	s3 =	sshrl.u32 s1, $0x3;
	s5 =	sshll.u32 s1, $0x4  }
0x6: {  	s15 =	sor.u32 $0x80, s1;
	s6 =	sor.u32 $0x100, s1;
	s22 =	sor.u32 $0x180, s1  }
0x7: {  	s24 =	sor.u32 $0x200, s1;
	s8 =	sor.u32 $0x280, s1;
	s10 =	sor.u32 $0x300, s1  }
0x8: {  	s3 =	sadd.s32 s30, s3;
	s14 =	sadd.s32 s0, s5;
	s16 =	sshrl.u32 s15, $0x3  }
0x9: {  	s5 =	sshll.u32 s15, $0x4;
	s18 =	sshrl.u32 s6, $0x3;
	s20 =	sshll.u32 s6, $0x4  }
0xa: {  	s23 =	sshrl.u32 s22, $0x3;
	s26 =	sshrl.u32 s24, $0x3;
	s6 =	sshll.u32 s24, $0x4  }
0xb: {  	s9 =	sshrl.u32 s8, $0x3;
	s12 =	sshrl.u32 s10, $0x3;
	[dreg:$0x2] =	wrdreg s3  }
0xc: {  	s24 =	sor.u32 $0x480, s1;
	[dreg:$0x3] =	wrdreg s14;
	s3 =	sadd.s32 s30, s16  }
0xd: {  	s17 =	sadd.s32 s0, s5;
	s19 =	sadd.s32 s30, s18;
	s21 =	sadd.s32 s0, s20  }
0xe: {  	s5 =	sshll.u32 s22, $0x4;
	s7 =	sadd.s32 s0, s6;
	[dreg:$0x4] =	wrdreg s3  }
0xf: {  	s13 =	sadd.s32 s30, s12;
	s14 =	sshll.u32 s10, $0x4;
	[dreg:$0x5] =	wrdreg s17  }
0x10: {  	s16 =	sor.u32 $0x380, s1;
	s18 =	sor.u32 $0x400, s1;
	[dreg:$0x6] =	wrdreg s19  }
0x11: {  	s12 =	sor.u32 $0x580, s1;
	s6 =	sor.u32 $0x780, s1;
	[dreg:$0x7] =	wrdreg s21  }
0x12: {  	s3 =	sadd.s32 s30, s23;
	s25 =	sadd.s32 s0, s5;
	[dreg:$0xb] =	wrdreg s7  }
0x13: {  	s5 =	sadd.s32 s30, s26;
	[dreg:$0xe] =	wrdreg s13;
	s15 =	sadd.s32 s0, s14  }
0x14: {  	s17 =	sshrl.u32 s16, $0x3;
	s20 =	sshrl.u32 s18, $0x3;
	[dreg:$0x8] =	wrdreg s3  }
0x15: {  	s22 =	sshll.u32 s18, $0x4;
	s26 =	sor.u32 $0x500, s1;
	[dreg:$0x9] =	wrdreg s25  }
0x16: {  	s13 =	sshrl.u32 s12, $0x3;
	s14 =	sor.u32 $0x600, s1;
	[dreg:$0xa] =	wrdreg s5  }
0x17: {  	s3 =	sadd.s32 s30, s9;
	s5 =	sshll.u32 s8, $0x4;
	[dreg:$0xf] =	wrdreg s15  }
0x18: {  	s21 =	sadd.s32 s30, s20;
	s23 =	sadd.s32 s0, s22;
	[dreg:$0xc] =	wrdreg s3  }
0x19: {  	s25 =	sshrl.u32 s24, $0x3;
	s8 =	sshrl.u32 s26, $0x3;
	[dreg:$0x12] =	wrdreg s21  }
0x1a: {  	s10 =	sshll.u32 s26, $0x4;
	s11 =	sadd.s32 s0, s5;
	[dreg:$0x13] =	wrdreg s23  }
0x1b: {  	s18 =	sshll.u32 s14, $0x4;
	s3 =	sadd.s32 s30, s17;
	[dreg:$0xd] =	wrdreg s11  }
0x1c: {  	s5 =	sshll.u32 s16, $0x4;
	s9 =	sadd.s32 s30, s8;
	[dreg:$0x10] =	wrdreg s3  }
0x1d: {  	s20 =	sor.u32 $0x680, s1;
	s19 =	sadd.s32 s0, s5;
	[dreg:$0x16] =	wrdreg s9  }
0x1e: {  	s22 =	sor.u32 $0x700, s1;
	s3 =	sadd.s32 s30, s25;
	[dreg:$0x11] =	wrdreg s19  }
0x1f: {  	s16 =	sshrl.u32 s14, $0x3;
	s11 =	sadd.s32 s0, s10;
	[dreg:$0x14] =	wrdreg s3  }
0x20: {  	s21 =	sshrl.u32 s20, $0x3;
	s17 =	sadd.s32 s30, s16;
	[dreg:$0x17] =	wrdreg s11  }
0x21: {  	s5 =	sshll.u32 s24, $0x4;
	s24 =	sshrl.u32 s22, $0x3;
	[dreg:$0x1a] =	wrdreg s17  }
0x22: {  	s7 =	sadd.s32 s0, s5;
	s25 =	sadd.s32 s30, s24;
	s24 =	rddreg [dreg:$0x2]  }
0x23: {  	s26 =	sshll.u32 s22, $0x4;
	s3 =	sadd.s32 s30, s13;
	[dreg:$0x15] =	wrdreg s7  }
0x24: {  	s8 =	sor.u32 $0x800, s1;
	s19 =	sadd.s32 s0, s18;
	[dreg:$0x18] =	wrdreg s3  }
0x25: {  	s14 =	sor.u32 $0x880, s1;
	s10 =	sshrl.u32 s8, $0x3;
	[dreg:$0x1b] =	wrdreg s19  }
0x26: {  	s5 =	sshll.u32 s12, $0x4;
	s11 =	sadd.s32 s30, s10;
	[dreg:$0x1e] =	wrdreg s25  }
0x27: {  	s16 =	sor.u32 $0x900, s1;
	s15 =	sadd.s32 s0, s5;
	[smem:$0x7F5] =	sst s11  }
0x28: {  	[tilespmem:s2], [sflag:$0x2] =	stream.linear.gather [hbm4b:s24+s2], $0x80, $0x38;
	[tilespmem:$0x4080] =	vst v63  }
0x29: {  	s12 =	sshll.u32 s8, $0x4;
	s3 =	sadd.s32 s30, s21;
	[dreg:$0x19] =	wrdreg s15  }
0x2a: {  	s18 =	sshrl.u32 s16, $0x3;
	s13 =	sadd.s32 s0, s12;
	[dreg:$0x1c] =	wrdreg s3  }
0x2b: {  	s5 =	sshll.u32 s20, $0x4;
	s19 =	sadd.s32 s30, s18;
	[smem:$0x7F6] =	sst s13  }
0x2c: {  	s22 =	sor.u32 $0x980, s1;
	s23 =	sadd.s32 s0, s5;
	[smem:$0x7F9] =	sst s19  }
0x2d: {  	s7 =	sshrl.u32 s6, $0x3;
	s5 =	sadd.s32 s0, s26;
	[dreg:$0x1d] =	wrdreg s23  }
0x2e: {  	s20 =	sshll.u32 s16, $0x4;
	s3 =	sadd.s32 s30, s7;
	[dreg:$0x1f] =	wrdreg s5  }
0x2f: {  	s15 =	sshrl.u32 s14, $0x3;
	s21 =	sadd.s32 s0, s20;
	[smem:$0x7F3] =	sst s3  }
0x30: {  	s5 =	sshll.u32 s6, $0x4;
	s3 =	sadd.s32 s30, s15;
	[smem:$0x7FA] =	sst s21  }
0x31: {  	s23 =	sshrl.u32 s22, $0x3;
	s9 =	sadd.s32 s0, s5;
	[smem:$0x7F7] =	sst s3  }
0x32: {  	s5 =	sshll.u32 s14, $0x4;
	s3 =	sadd.s32 s30, s23;
	[smem:$0x7F4] =	sst s9  }
0x33: {  	s17 =	sadd.s32 s0, s5;
	s5 =	sshll.u32 s22, $0x4;
	[smem:$0x7FB] =	sst s3  }
0x34: {  	[smem:$0x7F8] =	sst s17;
	s25 =	sadd.s32 s0, s5  }
0x35: {  	s3 =	simm.s32 $0x2;
	[smem:$0x7FC] =	sst s25  }
0x36: {  	_ =	swait.ge [sflag:s3], $0x80  }
0x37: {  	s4 =	sadd.s32 $0x7A00, s4;
	[sflag:s3] =	ssyncset.done $0x0  }
0x38: {  	s6 =	simm.s32 $0x1;
	s5 =	simm.s32 $0x80;
	[sflag:s3] =	ssyncadd.s32 $0xFFFFFF80  }
0x39: {  	[tilespmem:s5], [sflag:$0x1] =	stream.indirect.gather [hbm4b:s4+s5], $0x80, s2, s5, $0xb8;
	[tilespmem:$0x4080] =	vst v63  }
0x3a: {  	_ =	swait.ge [sflag:s6], $0x4000  }
0x3b: {  	[sflag:s6] =	ssyncset.done $0x0  }
0x3c: {  	s7 =	rddreg [dreg:$0x3];
	[sflag:s6] =	ssyncadd.s32 $0xFFFFC000  }
0x3d: {  	[hbm4b:s7+s2] =	stream.linear.scatter [tilespmem:s5], [sflag:$0x2], $0x4000, $0x38;
	[tilespmem:$0x4080] =	vst v63  }
0x3e: {  	_ =	swait.ge [sflag:s3], $0x4000  }
0x3f: {  	[sflag:s3] =	ssyncset.done $0x0  }
0x40: {  	s26 =	rddreg [dreg:$0x4];
	[sflag:s3] =	ssyncadd.s32 $0xFFFFC000  }
0x41: {  	[tilespmem:s2], [sflag:$0x2] =	stream.linear.gather [hbm4b:s26+s2], $0x80, $0x38;
	[tilespmem:$0x4080] =	vst v63  }
0x42: {  	_ =	swait.ge [sflag:s3], $0x80  }
0x43: {  	[sflag:s3] =	ssyncset.done $0x0  }
0x44: {  	[sflag:s3] =	ssyncadd.s32 $0xFFFFFF80  }
0x45: {  	[tilespmem:s5], [sflag:$0x1] =	stream.indirect.gather [hbm4b:s4+s5], $0x80, s2, s5, $0xb8;
	[tilespmem:$0x4080] =	vst v63  }
0x46: {  	_ =	swait.ge [sflag:s6], $0x4000  }
0x47: {  	[sflag:s6] =	ssyncset.done $0x0  }
0x48: {  	s8 =	rddreg [dreg:$0x5];
	[sflag:s6] =	ssyncadd.s32 $0xFFFFC000  }
0x49: {  	[hbm4b:s8+s2] =	stream.linear.scatter [tilespmem:s5], [sflag:$0x2], $0x4000, $0x38;
	[tilespmem:$0x4080] =	vst v63  }
0x4a: {  	_ =	swait.ge [sflag:s3], $0x4000  }
0x4b: {  	[sflag:s3] =	ssyncset.done $0x0  }
0x4c: {  	s9 =	rddreg [dreg:$0x6];
	[sflag:s3] =	ssyncadd.s32 $0xFFFFC000  }
0x4d: {  	[tilespmem:s2], [sflag:$0x2] =	stream.linear.gather [hbm4b:s9+s2], $0x80, $0x38;
	[tilespmem:$0x4080] =	vst v63  }
0x4e: {  	_ =	swait.ge [sflag:s3], $0x80  }
0x4f: {  	[sflag:s3] =	ssyncset.done $0x0  }
0x50: {  	[sflag:s3] =	ssyncadd.s32 $0xFFFFFF80  }
0x51: {  	[tilespmem:s5], [sflag:$0x1] =	stream.indirect.gather [hbm4b:s4+s5], $0x80, s2, s5, $0xb8;
	[tilespmem:$0x4080] =	vst v63  }
0x52: {  	_ =	swait.ge [sflag:s6], $0x4000  }
0x53: {  	[sflag:s6] =	ssyncset.done $0x0  }
0x54: {  	s10 =	rddreg [dreg:$0x7];
	[sflag:s6] =	ssyncadd.s32 $0xFFFFC000  }
0x55: {  	[hbm4b:s10+s2] =	stream.linear.scatter [tilespmem:s5], [sflag:$0x2], $0x4000, $0x38;
	[tilespmem:$0x4080] =	vst v63  }
0x56: {  	_ =	swait.ge [sflag:s3], $0x4000  }
0x57: {  	[sflag:s3] =	ssyncset.done $0x0  }
0x58: {  	s11 =	rddreg [dreg:$0x8];
	[sflag:s3] =	ssyncadd.s32 $0xFFFFC000  }
0x59: {  	[tilespmem:s2], [sflag:$0x2] =	stream.linear.gather [hbm4b:s11+s2], $0x80, $0x38;
	[tilespmem:$0x4080] =	vst v63  }
0x5a: {  	_ =	swait.ge [sflag:s3], $0x80  }
0x5b: {  	[sflag:s3] =	ssyncset.done $0x0  }
0x5c: {  	[sflag:s3] =	ssyncadd.s32 $0xFFFFFF80  }
0x5d: {  	[tilespmem:s5], [sflag:$0x1] =	stream.indirect.gather [hbm4b:s4+s5], $0x80, s2, s5, $0xb8;
	[tilespmem:$0x4080] =	vst v63  }
0x5e: {  	_ =	swait.ge [sflag:s6], $0x4000  }
0x5f: {  	[sflag:s6] =	ssyncset.done $0x0  }
0x60: {  	s12 =	rddreg [dreg:$0x9];
	[sflag:s6] =	ssyncadd.s32 $0xFFFFC000  }
0x61: {  	[hbm4b:s12+s2] =	stream.linear.scatter [tilespmem:s5], [sflag:$0x2], $0x4000, $0x38;
	[tilespmem:$0x4080] =	vst v63  }
0x62: {  	_ =	swait.ge [sflag:s3], $0x4000  }
0x63: {  	[sflag:s3] =	ssyncset.done $0x0  }
0x64: {  	s13 =	rddreg [dreg:$0xa];
	[sflag:s3] =	ssyncadd.s32 $0xFFFFC000  }
0x65: {  	[tilespmem:s2], [sflag:$0x2] =	stream.linear.gather [hbm4b:s13+s2], $0x80, $0x38;
	[tilespmem:$0x4080] =	vst v63  }
0x66: {  	_ =	swait.ge [sflag:s3], $0x80  }
0x67: {  	[sflag:s3] =	ssyncset.done $0x0  }
0x68: {  	[sflag:s3] =	ssyncadd.s32 $0xFFFFFF80  }
0x69: {  	[tilespmem:s5], [sflag:$0x1] =	stream.indirect.gather [hbm4b:s4+s5], $0x80, s2, s5, $0xb8;
	[tilespmem:$0x4080] =	vst v63  }
0x6a: {  	_ =	swait.ge [sflag:s6], $0x4000  }
0x6b: {  	[sflag:s6] =	ssyncset.done $0x0  }
0x6c: {  	s14 =	rddreg [dreg:$0xb];
	[sflag:s6] =	ssyncadd.s32 $0xFFFFC000  }
0x6d: {  	[hbm4b:s14+s2] =	stream.linear.scatter [tilespmem:s5], [sflag:$0x2], $0x4000, $0x38;
	[tilespmem:$0x4080] =	vst v63  }
0x6e: {  	_ =	swait.ge [sflag:s3], $0x4000  }
0x6f: {  	[sflag:s3] =	ssyncset.done $0x0  }
0x70: {  	s15 =	rddreg [dreg:$0xc];
	[sflag:s3] =	ssyncadd.s32 $0xFFFFC000  }
0x71: {  	[tilespmem:s2], [sflag:$0x2] =	stream.linear.gather [hbm4b:s15+s2], $0x80, $0x38;
	[tilespmem:$0x4080] =	vst v63  }
0x72: {  	_ =	swait.ge [sflag:s3], $0x80  }
0x73: {  	[sflag:s3] =	ssyncset.done $0x0  }
0x74: {  	[sflag:s3] =	ssyncadd.s32 $0xFFFFFF80  }
0x75: {  	[tilespmem:s5], [sflag:$0x1] =	stream.indirect.gather [hbm4b:s4+s5], $0x80, s2, s5, $0xb8;
	[tilespmem:$0x4080] =	vst v63  }
0x76: {  	_ =	swait.ge [sflag:s6], $0x4000  }
0x77: {  	[sflag:s6] =	ssyncset.done $0x0  }
0x78: {  	s16 =	rddreg [dreg:$0xd];
	[sflag:s6] =	ssyncadd.s32 $0xFFFFC000  }
0x79: {  	[hbm4b:s16+s2] =	stream.linear.scatter [tilespmem:s5], [sflag:$0x2], $0x4000, $0x38;
	[tilespmem:$0x4080] =	vst v63  }
0x7a: {  	_ =	swait.ge [sflag:s3], $0x4000  }
0x7b: {  	[sflag:s3] =	ssyncset.done $0x0  }
0x7c: {  	s17 =	rddreg [dreg:$0xe];
	[sflag:s3] =	ssyncadd.s32 $0xFFFFC000  }
0x7d: {  	[tilespmem:s2], [sflag:$0x2] =	stream.linear.gather [hbm4b:s17+s2], $0x80, $0x38;
	[tilespmem:$0x4080] =	vst v63  }
0x7e: {  	_ =	swait.ge [sflag:s3], $0x80  }
0x7f: {  	[sflag:s3] =	ssyncset.done $0x0  }
0x80: {  	[sflag:s3] =	ssyncadd.s32 $0xFFFFFF80  }
0x81: {  	[tilespmem:s5], [sflag:$0x1] =	stream.indirect.gather [hbm4b:s4+s5], $0x80, s2, s5, $0xb8;
	[tilespmem:$0x4080] =	vst v63  }
0x82: {  	_ =	swait.ge [sflag:s6], $0x4000  }
0x83: {  	[sflag:s6] =	ssyncset.done $0x0  }
0x84: {  	s18 =	rddreg [dreg:$0xf];
	[sflag:s6] =	ssyncadd.s32 $0xFFFFC000  }
0x85: {  	[hbm4b:s18+s2] =	stream.linear.scatter [tilespmem:s5], [sflag:$0x2], $0x4000, $0x38;
	[tilespmem:$0x4080] =	vst v63  }
0x86: {  	_ =	swait.ge [sflag:s3], $0x4000  }
0x87: {  	[sflag:s3] =	ssyncset.done $0x0  }
0x88: {  	s19 =	rddreg [dreg:$0x10];
	[sflag:s3] =	ssyncadd.s32 $0xFFFFC000  }
0x89: {  	[tilespmem:s2], [sflag:$0x2] =	stream.linear.gather [hbm4b:s19+s2], $0x80, $0x38;
	[tilespmem:$0x4080] =	vst v63  }
0x8a: {  	_ =	swait.ge [sflag:s3], $0x80  }
0x8b: {  	[sflag:s3] =	ssyncset.done $0x0  }
0x8c: {  	[sflag:s3] =	ssyncadd.s32 $0xFFFFFF80  }
0x8d: {  	[tilespmem:s5], [sflag:$0x1] =	stream.indirect.gather [hbm4b:s4+s5], $0x80, s2, s5, $0xb8;
	[tilespmem:$0x4080] =	vst v63  }
0x8e: {  	_ =	swait.ge [sflag:s6], $0x4000  }
0x8f: {  	[sflag:s6] =	ssyncset.done $0x0  }
0x90: {  	s20 =	rddreg [dreg:$0x11];
	[sflag:s6] =	ssyncadd.s32 $0xFFFFC000  }
0x91: {  	[hbm4b:s20+s2] =	stream.linear.scatter [tilespmem:s5], [sflag:$0x2], $0x4000, $0x38;
	[tilespmem:$0x4080] =	vst v63  }
0x92: {  	_ =	swait.ge [sflag:s3], $0x4000  }
0x93: {  	[sflag:s3] =	ssyncset.done $0x0  }
0x94: {  	s21 =	rddreg [dreg:$0x12];
	[sflag:s3] =	ssyncadd.s32 $0xFFFFC000  }
0x95: {  	[tilespmem:s2], [sflag:$0x2] =	stream.linear.gather [hbm4b:s21+s2], $0x80, $0x38;
	[tilespmem:$0x4080] =	vst v63  }
0x96: {  	_ =	swait.ge [sflag:s3], $0x80  }
0x97: {  	[sflag:s3] =	ssyncset.done $0x0  }
0x98: {  	[sflag:s3] =	ssyncadd.s32 $0xFFFFFF80  }
0x99: {  	[tilespmem:s5], [sflag:$0x1] =	stream.indirect.gather [hbm4b:s4+s5], $0x80, s2, s5, $0xb8;
	[tilespmem:$0x4080] =	vst v63  }
0x9a: {  	_ =	swait.ge [sflag:s6], $0x4000  }
0x9b: {  	[sflag:s6] =	ssyncset.done $0x0  }
0x9c: {  	s22 =	rddreg [dreg:$0x13];
	[sflag:s6] =	ssyncadd.s32 $0xFFFFC000  }
0x9d: {  	[hbm4b:s22+s2] =	stream.linear.scatter [tilespmem:s5], [sflag:$0x2], $0x4000, $0x38;
	[tilespmem:$0x4080] =	vst v63  }
0x9e: {  	_ =	swait.ge [sflag:s3], $0x4000  }
0x9f: {  	[sflag:s3] =	ssyncset.done $0x0  }
0xa0: {  	s23 =	rddreg [dreg:$0x14];
	[sflag:s3] =	ssyncadd.s32 $0xFFFFC000  }
0xa1: {  	[tilespmem:s2], [sflag:$0x2] =	stream.linear.gather [hbm4b:s23+s2], $0x80, $0x38;
	[tilespmem:$0x4080] =	vst v63  }
0xa2: {  	_ =	swait.ge [sflag:s3], $0x80  }
0xa3: {  	[sflag:s3] =	ssyncset.done $0x0  }
0xa4: {  	[sflag:s3] =	ssyncadd.s32 $0xFFFFFF80  }
0xa5: {  	[tilespmem:s5], [sflag:$0x1] =	stream.indirect.gather [hbm4b:s4+s5], $0x80, s2, s5, $0xb8;
	[tilespmem:$0x4080] =	vst v63  }
0xa6: {  	_ =	swait.ge [sflag:s6], $0x4000  }
0xa7: {  	[sflag:s6] =	ssyncset.done $0x0  }
0xa8: {  	s24 =	rddreg [dreg:$0x15];
	[sflag:s6] =	ssyncadd.s32 $0xFFFFC000  }
0xa9: {  	[hbm4b:s24+s2] =	stream.linear.scatter [tilespmem:s5], [sflag:$0x2], $0x4000, $0x38;
	[tilespmem:$0x4080] =	vst v63  }
0xaa: {  	_ =	swait.ge [sflag:s3], $0x4000  }
0xab: {  	[sflag:s3] =	ssyncset.done $0x0  }
0xac: {  	s25 =	rddreg [dreg:$0x16];
	[sflag:s3] =	ssyncadd.s32 $0xFFFFC000  }
0xad: {  	[tilespmem:s2], [sflag:$0x2] =	stream.linear.gather [hbm4b:s25+s2], $0x80, $0x38;
	[tilespmem:$0x4080] =	vst v63  }
0xae: {  	_ =	swait.ge [sflag:s3], $0x80  }
0xaf: {  	[sflag:s3] =	ssyncset.done $0x0  }
0xb0: {  	[sflag:s3] =	ssyncadd.s32 $0xFFFFFF80  }
0xb1: {  	[tilespmem:s5], [sflag:$0x1] =	stream.indirect.gather [hbm4b:s4+s5], $0x80, s2, s5, $0xb8;
	[tilespmem:$0x4080] =	vst v63  }
0xb2: {  	_ =	swait.ge [sflag:s6], $0x4000  }
0xb3: {  	[sflag:s6] =	ssyncset.done $0x0  }
0xb4: {  	s26 =	rddreg [dreg:$0x17];
	[sflag:s6] =	ssyncadd.s32 $0xFFFFC000  }
0xb5: {  	[hbm4b:s26+s2] =	stream.linear.scatter [tilespmem:s5], [sflag:$0x2], $0x4000, $0x38;
	[tilespmem:$0x4080] =	vst v63  }
0xb6: {  	_ =	swait.ge [sflag:s3], $0x4000  }
0xb7: {  	[sflag:s3] =	ssyncset.done $0x0  }
0xb8: {  	s8 =	rddreg [dreg:$0x18];
	[sflag:s3] =	ssyncadd.s32 $0xFFFFC000  }
0xb9: {  	[tilespmem:s2], [sflag:$0x2] =	stream.linear.gather [hbm4b:s8+s2], $0x80, $0x38;
	[tilespmem:$0x4080] =	vst v63  }
0xba: {  	_ =	swait.ge [sflag:s3], $0x80  }
0xbb: {  	[sflag:s3] =	ssyncset.done $0x0  }
0xbc: {  	[sflag:s3] =	ssyncadd.s32 $0xFFFFFF80  }
0xbd: {  	[tilespmem:s5], [sflag:$0x1] =	stream.indirect.gather [hbm4b:s4+s5], $0x80, s2, s5, $0xb8;
	[tilespmem:$0x4080] =	vst v63  }
0xbe: {  	_ =	swait.ge [sflag:s6], $0x4000  }
0xbf: {  	[sflag:s6] =	ssyncset.done $0x0  }
0xc0: {  	s9 =	rddreg [dreg:$0x19];
	[sflag:s6] =	ssyncadd.s32 $0xFFFFC000  }
0xc1: {  	[hbm4b:s9+s2] =	stream.linear.scatter [tilespmem:s5], [sflag:$0x2], $0x4000, $0x38;
	[tilespmem:$0x4080] =	vst v63  }
0xc2: {  	_ =	swait.ge [sflag:s3], $0x4000  }
0xc3: {  	[sflag:s3] =	ssyncset.done $0x0  }
0xc4: {  	s10 =	rddreg [dreg:$0x1a];
	[sflag:s3] =	ssyncadd.s32 $0xFFFFC000  }
0xc5: {  	[tilespmem:s2], [sflag:$0x2] =	stream.linear.gather [hbm4b:s10+s2], $0x80, $0x38;
	[tilespmem:$0x4080] =	vst v63  }
0xc6: {  	_ =	swait.ge [sflag:s3], $0x80  }
0xc7: {  	[sflag:s3] =	ssyncset.done $0x0  }
0xc8: {  	[sflag:s3] =	ssyncadd.s32 $0xFFFFFF80  }
0xc9: {  	[tilespmem:s5], [sflag:$0x1] =	stream.indirect.gather [hbm4b:s4+s5], $0x80, s2, s5, $0xb8;
	[tilespmem:$0x4080] =	vst v63  }
0xca: {  	_ =	swait.ge [sflag:s6], $0x4000  }
0xcb: {  	[sflag:s6] =	ssyncset.done $0x0  }
0xcc: {  	s11 =	rddreg [dreg:$0x1b];
	[sflag:s6] =	ssyncadd.s32 $0xFFFFC000  }
0xcd: {  	[hbm4b:s11+s2] =	stream.linear.scatter [tilespmem:s5], [sflag:$0x2], $0x4000, $0x38;
	[tilespmem:$0x4080] =	vst v63  }
0xce: {  	_ =	swait.ge [sflag:s3], $0x4000  }
0xcf: {  	[sflag:s3] =	ssyncset.done $0x0  }
0xd0: {  	s12 =	rddreg [dreg:$0x1c];
	[sflag:s3] =	ssyncadd.s32 $0xFFFFC000  }
0xd1: {  	[tilespmem:s2], [sflag:$0x2] =	stream.linear.gather [hbm4b:s12+s2], $0x80, $0x38;
	[tilespmem:$0x4080] =	vst v63  }
0xd2: {  	_ =	swait.ge [sflag:s3], $0x80  }
0xd3: {  	[sflag:s3] =	ssyncset.done $0x0  }
0xd4: {  	[sflag:s3] =	ssyncadd.s32 $0xFFFFFF80  }
0xd5: {  	[tilespmem:s5], [sflag:$0x1] =	stream.indirect.gather [hbm4b:s4+s5], $0x80, s2, s5, $0xb8;
	[tilespmem:$0x4080] =	vst v63  }
0xd6: {  	_ =	swait.ge [sflag:s6], $0x4000  }
0xd7: {  	[sflag:s6] =	ssyncset.done $0x0  }
0xd8: {  	s13 =	rddreg [dreg:$0x1d];
	[sflag:s6] =	ssyncadd.s32 $0xFFFFC000  }
0xd9: {  	[hbm4b:s13+s2] =	stream.linear.scatter [tilespmem:s5], [sflag:$0x2], $0x4000, $0x38;
	[tilespmem:$0x4080] =	vst v63  }
0xda: {  	_ =	swait.ge [sflag:s3], $0x4000  }
0xdb: {  	[sflag:s3] =	ssyncset.done $0x0  }
0xdc: {  	s14 =	rddreg [dreg:$0x1e];
	[sflag:s3] =	ssyncadd.s32 $0xFFFFC000  }
0xdd: {  	[tilespmem:s2], [sflag:$0x2] =	stream.linear.gather [hbm4b:s14+s2], $0x80, $0x38;
	[tilespmem:$0x4080] =	vst v63  }
0xde: {  	_ =	swait.ge [sflag:s3], $0x80  }
0xdf: {  	[sflag:s3] =	ssyncset.done $0x0  }
0xe0: {  	[sflag:s3] =	ssyncadd.s32 $0xFFFFFF80  }
0xe1: {  	[tilespmem:s5], [sflag:$0x1] =	stream.indirect.gather [hbm4b:s4+s5], $0x80, s2, s5, $0xb8;
	[tilespmem:$0x4080] =	vst v63  }
0xe2: {  	_ =	swait.ge [sflag:s6], $0x4000  }
0xe3: {  	[sflag:s6] =	ssyncset.done $0x0  }
0xe4: {  	s15 =	rddreg [dreg:$0x1f];
	[sflag:s6] =	ssyncadd.s32 $0xFFFFC000  }
0xe5: {  	[hbm4b:s15+s2] =	stream.linear.scatter [tilespmem:s5], [sflag:$0x2], $0x4000, $0x38;
	[tilespmem:$0x4080] =	vst v63  }
0xe6: {  	_ =	swait.ge [sflag:s3], $0x4000  }
0xe7: {  	s16 =	sld [smem:$0x7F3]  }
0xe8: {  	[sflag:s3] =	ssyncset.done $0x0  }
0xe9: {  	[sflag:s3] =	ssyncadd.s32 $0xFFFFC000  }
0xea: {  	[tilespmem:s2], [sflag:$0x2] =	stream.linear.gather [hbm4b:s16+s2], $0x80, $0x38;
	[tilespmem:$0x4080] =	vst v63  }
0xeb: {  	_ =	swait.ge [sflag:s3], $0x80  }
0xec: {  	[sflag:s3] =	ssyncset.done $0x0  }
0xed: {  	[sflag:s3] =	ssyncadd.s32 $0xFFFFFF80  }
0xee: {  	[tilespmem:s5], [sflag:$0x1] =	stream.indirect.gather [hbm4b:s4+s5], $0x80, s2, s5, $0xb8;
	[tilespmem:$0x4080] =	vst v63  }
0xef: {  	_ =	swait.ge [sflag:s6], $0x4000  }
0xf0: {  	s17 =	sld [smem:$0x7F4]  }
0xf1: {  	[sflag:s6] =	ssyncset.done $0x0  }
0xf2: {  	[sflag:s6] =	ssyncadd.s32 $0xFFFFC000  }
0xf3: {  	[hbm4b:s17+s2] =	stream.linear.scatter [tilespmem:s5], [sflag:$0x2], $0x4000, $0x38;
	[tilespmem:$0x4080] =	vst v63  }
0xf4: {  	_ =	swait.ge [sflag:s3], $0x4000  }
0xf5: {  	s18 =	sld [smem:$0x7F5]  }
0xf6: {  	[sflag:s3] =	ssyncset.done $0x0  }
0xf7: {  	[sflag:s3] =	ssyncadd.s32 $0xFFFFC000  }
0xf8: {  	[tilespmem:s2], [sflag:$0x2] =	stream.linear.gather [hbm4b:s18+s2], $0x80, $0x38;
	[tilespmem:$0x4080] =	vst v63  }
0xf9: {  	_ =	swait.ge [sflag:s3], $0x80  }
0xfa: {  	[sflag:s3] =	ssyncset.done $0x0  }
0xfb: {  	[sflag:s3] =	ssyncadd.s32 $0xFFFFFF80  }
0xfc: {  	[tilespmem:s5], [sflag:$0x1] =	stream.indirect.gather [hbm4b:s4+s5], $0x80, s2, s5, $0xb8;
	[tilespmem:$0x4080] =	vst v63  }
0xfd: {  	_ =	swait.ge [sflag:s6], $0x4000  }
0xfe: {  	s19 =	sld [smem:$0x7F6]  }
0xff: {  	[sflag:s6] =	ssyncset.done $0x0  }
0x100: {  	[sflag:s6] =	ssyncadd.s32 $0xFFFFC000  }
0x101: {  	[hbm4b:s19+s2] =	stream.linear.scatter [tilespmem:s5], [sflag:$0x2], $0x4000, $0x38;
	[tilespmem:$0x4080] =	vst v63  }
0x102: {  	_ =	swait.ge [sflag:s3], $0x4000  }
0x103: {  	s20 =	sld [smem:$0x7F7]  }
0x104: {  	[sflag:s3] =	ssyncset.done $0x0  }
0x105: {  	[sflag:s3] =	ssyncadd.s32 $0xFFFFC000  }
0x106: {  	[tilespmem:s2], [sflag:$0x2] =	stream.linear.gather [hbm4b:s20+s2], $0x80, $0x38;
	[tilespmem:$0x4080] =	vst v63  }
0x107: {  	_ =	swait.ge [sflag:s3], $0x80  }
0x108: {  	[sflag:s3] =	ssyncset.done $0x0  }
0x109: {  	[sflag:s3] =	ssyncadd.s32 $0xFFFFFF80  }
0x10a: {  	[tilespmem:s5], [sflag:$0x1] =	stream.indirect.gather [hbm4b:s4+s5], $0x80, s2, s5, $0xb8;
	[tilespmem:$0x4080] =	vst v63  }
0x10b: {  	_ =	swait.ge [sflag:s6], $0x4000  }
0x10c: {  	s21 =	sld [smem:$0x7F8]  }
0x10d: {  	[sflag:s6] =	ssyncset.done $0x0  }
0x10e: {  	[sflag:s6] =	ssyncadd.s32 $0xFFFFC000  }
0x10f: {  	[hbm4b:s21+s2] =	stream.linear.scatter [tilespmem:s5], [sflag:$0x2], $0x4000, $0x38;
	[tilespmem:$0x4080] =	vst v63  }
0x110: {  	_ =	swait.ge [sflag:s3], $0x4000  }
0x111: {  	s22 =	sld [smem:$0x7F9]  }
0x112: {  	[sflag:s3] =	ssyncset.done $0x0  }
0x113: {  	[sflag:s3] =	ssyncadd.s32 $0xFFFFC000  }
0x114: {  	[tilespmem:s2], [sflag:$0x2] =	stream.linear.gather [hbm4b:s22+s2], $0x80, $0x38;
	[tilespmem:$0x4080] =	vst v63  }
0x115: {  	_ =	swait.ge [sflag:s3], $0x80  }
0x116: {  	[sflag:s3] =	ssyncset.done $0x0  }
0x117: {  	[sflag:s3] =	ssyncadd.s32 $0xFFFFFF80  }
0x118: {  	[tilespmem:s5], [sflag:$0x1] =	stream.indirect.gather [hbm4b:s4+s5], $0x80, s2, s5, $0xb8;
	[tilespmem:$0x4080] =	vst v63  }
0x119: {  	_ =	swait.ge [sflag:s6], $0x4000  }
0x11a: {  	s23 =	sld [smem:$0x7FA]  }
0x11b: {  	[sflag:s6] =	ssyncset.done $0x0  }
0x11c: {  	[sflag:s6] =	ssyncadd.s32 $0xFFFFC000  }
0x11d: {  	[hbm4b:s23+s2] =	stream.linear.scatter [tilespmem:s5], [sflag:$0x2], $0x4000, $0x38;
	[tilespmem:$0x4080] =	vst v63  }
0x11e: {  	_ =	swait.ge [sflag:s3], $0x4000  }
0x11f: {  	s24 =	sld [smem:$0x7FB]  }
0x120: {  	[sflag:s3] =	ssyncset.done $0x0  }
0x121: {  	[sflag:s3] =	ssyncadd.s32 $0xFFFFC000  }
0x122: {  	[tilespmem:s2], [sflag:$0x2] =	stream.linear.gather [hbm4b:s24+s2], $0x80, $0x38;
	[tilespmem:$0x4080] =	vst v63  }
0x123: {  	_ =	swait.ge [sflag:s3], $0x80  }
0x124: {  	[sflag:s3] =	ssyncset.done $0x0  }
0x125: {  	[sflag:s3] =	ssyncadd.s32 $0xFFFFFF80  }
0x126: {  	[tilespmem:s5], [sflag:$0x1] =	stream.indirect.gather [hbm4b:s4+s5], $0x80, s2, s5, $0xb8;
	[tilespmem:$0x4080] =	vst v63  }
0x127: {  	_ =	swait.ge [sflag:s6], $0x4000  }
0x128: {  	s25 =	sld [smem:$0x7FC]  }
0x129: {  	[sflag:s6] =	ssyncset.done $0x0  }
0x12a: {  	[sflag:s6] =	ssyncadd.s32 $0xFFFFC000  }
0x12b: {  	[hbm4b:s25+s2] =	stream.linear.scatter [tilespmem:s5], [sflag:$0x2], $0x4000, $0x38;
	[tilespmem:$0x4080] =	vst v63  }
0x12c: {  	s8 =	sor.u32 $0xA00, s1;
	_ =	swait.ge [sflag:s3], $0x4000  }
0x12d: {  	s26 =	sshrl.u32 s8, $0x3;
	[sflag:s3] =	ssyncset.done $0x0  }
0x12e: {  	s7 =	sadd.s32 s30, s26;
	[sflag:s3] =	ssyncadd.s32 $0xFFFFC000  }
0x12f: {  	[tilespmem:s2], [sflag:$0x2] =	stream.linear.gather [hbm4b:s7+s2], $0x80, $0x38;
	[tilespmem:$0x4080] =	vst v63  }
0x130: {  	_ =	swait.ge [sflag:s3], $0x80  }
0x131: {  	[sflag:s3] =	ssyncset.done $0x0  }
0x132: {  	[sflag:s3] =	ssyncadd.s32 $0xFFFFFF80  }
0x133: {  	[tilespmem:s5], [sflag:$0x1] =	stream.indirect.gather [hbm4b:s4+s5], $0x80, s2, s5, $0xb8;
	[tilespmem:$0x4080] =	vst v63  }
0x134: {  	_ =	swait.ge [sflag:s6], $0x4000  }
0x135: {  	s8 =	sshll.u32 s8, $0x4;
	[sflag:s6] =	ssyncset.done $0x0  }
0x136: {  	s8 =	sadd.s32 s0, s8;
	[sflag:s6] =	ssyncadd.s32 $0xFFFFC000  }
0x137: {  	[hbm4b:s8+s2] =	stream.linear.scatter [tilespmem:s5], [sflag:$0x2], $0x4000, $0x38;
	[tilespmem:$0x4080] =	vst v63  }
0x138: {  	s10 =	sor.u32 $0xA80, s1;
	_ =	swait.ge [sflag:s3], $0x4000  }
0x139: {  	s9 =	sshrl.u32 s10, $0x3;
	[sflag:s3] =	ssyncset.done $0x0  }
0x13a: {  	s9 =	sadd.s32 s30, s9;
	[sflag:s3] =	ssyncadd.s32 $0xFFFFC000  }
0x13b: {  	[tilespmem:s2], [sflag:$0x2] =	stream.linear.gather [hbm4b:s9+s2], $0x80, $0x38;
	[tilespmem:$0x4080] =	vst v63  }
0x13c: {  	_ =	swait.ge [sflag:s3], $0x80  }
0x13d: {  	[sflag:s3] =	ssyncset.done $0x0  }
0x13e: {  	[sflag:s3] =	ssyncadd.s32 $0xFFFFFF80  }
0x13f: {  	[tilespmem:s5], [sflag:$0x1] =	stream.indirect.gather [hbm4b:s4+s5], $0x80, s2, s5, $0xb8;
	[tilespmem:$0x4080] =	vst v63  }
0x140: {  	_ =	swait.ge [sflag:s6], $0x4000  }
0x141: {  	s10 =	sshll.u32 s10, $0x4;
	[sflag:s6] =	ssyncset.done $0x0  }
0x142: {  	s10 =	sadd.s32 s0, s10;
	[sflag:s6] =	ssyncadd.s32 $0xFFFFC000  }
0x143: {  	[hbm4b:s10+s2] =	stream.linear.scatter [tilespmem:s5], [sflag:$0x2], $0x4000, $0x38;
	[tilespmem:$0x4080] =	vst v63  }
0x144: {  	s12 =	sor.u32 $0xB00, s1;
	_ =	swait.ge [sflag:s3], $0x4000  }
0x145: {  	s11 =	sshrl.u32 s12, $0x3;
	[sflag:s3] =	ssyncset.done $0x0  }
0x146: {  	s11 =	sadd.s32 s30, s11;
	[sflag:s3] =	ssyncadd.s32 $0xFFFFC000  }
0x147: {  	[tilespmem:s2], [sflag:$0x2] =	stream.linear.gather [hbm4b:s11+s2], $0x80, $0x38;
	[tilespmem:$0x4080] =	vst v63  }
0x148: {  	_ =	swait.ge [sflag:s3], $0x80  }
0x149: {  	[sflag:s3] =	ssyncset.done $0x0  }
0x14a: {  	[sflag:s3] =	ssyncadd.s32 $0xFFFFFF80  }
0x14b: {  	[tilespmem:s5], [sflag:$0x1] =	stream.indirect.gather [hbm4b:s4+s5], $0x80, s2, s5, $0xb8;
	[tilespmem:$0x4080] =	vst v63  }
0x14c: {  	_ =	swait.ge [sflag:s6], $0x4000  }
0x14d: {  	s12 =	sshll.u32 s12, $0x4;
	[sflag:s6] =	ssyncset.done $0x0  }
0x14e: {  	s12 =	sadd.s32 s0, s12;
	[sflag:s6] =	ssyncadd.s32 $0xFFFFC000  }
0x14f: {  	[hbm4b:s12+s2] =	stream.linear.scatter [tilespmem:s5], [sflag:$0x2], $0x4000, $0x38;
	[tilespmem:$0x4080] =	vst v63  }
0x150: {  	s14 =	sor.u32 $0xB80, s1;
	_ =	swait.ge [sflag:s3], $0x4000  }
0x151: {  	s13 =	sshrl.u32 s14, $0x3;
	[sflag:s3] =	ssyncset.done $0x0  }
0x152: {  	s13 =	sadd.s32 s30, s13;
	[sflag:s3] =	ssyncadd.s32 $0xFFFFC000  }
0x153: {  	[tilespmem:s2], [sflag:$0x2] =	stream.linear.gather [hbm4b:s13+s2], $0x80, $0x38;
	[tilespmem:$0x4080] =	vst v63  }
0x154: {  	_ =	swait.ge [sflag:s3], $0x80  }
0x155: {  	[sflag:s3] =	ssyncset.done $0x0  }
0x156: {  	[sflag:s3] =	ssyncadd.s32 $0xFFFFFF80  }
0x157: {  	[tilespmem:s5], [sflag:$0x1] =	stream.indirect.gather [hbm4b:s4+s5], $0x80, s2, s5, $0xb8;
	[tilespmem:$0x4080] =	vst v63  }
0x158: {  	_ =	swait.ge [sflag:s6], $0x4000  }
0x159: {  	s14 =	sshll.u32 s14, $0x4;
	[sflag:s6] =	ssyncset.done $0x0  }
0x15a: {  	s14 =	sadd.s32 s0, s14;
	[sflag:s6] =	ssyncadd.s32 $0xFFFFC000  }
0x15b: {  	[hbm4b:s14+s2] =	stream.linear.scatter [tilespmem:s5], [sflag:$0x2], $0x4000, $0x38;
	[tilespmem:$0x4080] =	vst v63  }
0x15c: {  	s16 =	sor.u32 $0xC00, s1;
	_ =	swait.ge [sflag:s3], $0x4000  }
0x15d: {  	s15 =	sshrl.u32 s16, $0x3;
	[sflag:s3] =	ssyncset.done $0x0  }
0x15e: {  	s15 =	sadd.s32 s30, s15;
	[sflag:s3] =	ssyncadd.s32 $0xFFFFC000  }
0x15f: {  	[tilespmem:s2], [sflag:$0x2] =	stream.linear.gather [hbm4b:s15+s2], $0x80, $0x38;
	[tilespmem:$0x4080] =	vst v63  }
0x160: {  	_ =	swait.ge [sflag:s3], $0x80  }
0x161: {  	[sflag:s3] =	ssyncset.done $0x0  }
0x162: {  	[sflag:s3] =	ssyncadd.s32 $0xFFFFFF80  }
0x163: {  	[tilespmem:s5], [sflag:$0x1] =	stream.indirect.gather [hbm4b:s4+s5], $0x80, s2, s5, $0xb8;
	[tilespmem:$0x4080] =	vst v63  }
0x164: {  	_ =	swait.ge [sflag:s6], $0x4000  }
0x165: {  	s16 =	sshll.u32 s16, $0x4;
	[sflag:s6] =	ssyncset.done $0x0  }
0x166: {  	s16 =	sadd.s32 s0, s16;
	[sflag:s6] =	ssyncadd.s32 $0xFFFFC000  }
0x167: {  	[hbm4b:s16+s2] =	stream.linear.scatter [tilespmem:s5], [sflag:$0x2], $0x4000, $0x38;
	[tilespmem:$0x4080] =	vst v63  }
0x168: {  	s18 =	sor.u32 $0xC80, s1;
	_ =	swait.ge [sflag:s3], $0x4000  }
0x169: {  	s17 =	sshrl.u32 s18, $0x3;
	[sflag:s3] =	ssyncset.done $0x0  }
0x16a: {  	s17 =	sadd.s32 s30, s17;
	[sflag:s3] =	ssyncadd.s32 $0xFFFFC000  }
0x16b: {  	[tilespmem:s2], [sflag:$0x2] =	stream.linear.gather [hbm4b:s17+s2], $0x80, $0x38;
	[tilespmem:$0x4080] =	vst v63  }
0x16c: {  	_ =	swait.ge [sflag:s3], $0x80  }
0x16d: {  	[sflag:s3] =	ssyncset.done $0x0  }
0x16e: {  	[sflag:s3] =	ssyncadd.s32 $0xFFFFFF80  }
0x16f: {  	[tilespmem:s5], [sflag:$0x1] =	stream.indirect.gather [hbm4b:s4+s5], $0x80, s2, s5, $0xb8;
	[tilespmem:$0x4080] =	vst v63  }
0x170: {  	_ =	swait.ge [sflag:s6], $0x4000  }
0x171: {  	s18 =	sshll.u32 s18, $0x4;
	[sflag:s6] =	ssyncset.done $0x0  }
0x172: {  	s18 =	sadd.s32 s0, s18;
	[sflag:s6] =	ssyncadd.s32 $0xFFFFC000  }
0x173: {  	[hbm4b:s18+s2] =	stream.linear.scatter [tilespmem:s5], [sflag:$0x2], $0x4000, $0x38;
	[tilespmem:$0x4080] =	vst v63  }
0x174: {  	s20 =	sor.u32 $0xD00, s1;
	_ =	swait.ge [sflag:s3], $0x4000  }
0x175: {  	s19 =	sshrl.u32 s20, $0x3;
	[sflag:s3] =	ssyncset.done $0x0  }
0x176: {  	s19 =	sadd.s32 s30, s19;
	[sflag:s3] =	ssyncadd.s32 $0xFFFFC000  }
0x177: {  	[tilespmem:s2], [sflag:$0x2] =	stream.linear.gather [hbm4b:s19+s2], $0x80, $0x38;
	[tilespmem:$0x4080] =	vst v63  }
0x178: {  	_ =	swait.ge [sflag:s3], $0x80  }
0x179: {  	[sflag:s3] =	ssyncset.done $0x0  }
0x17a: {  	[sflag:s3] =	ssyncadd.s32 $0xFFFFFF80  }
0x17b: {  	[tilespmem:s5], [sflag:$0x1] =	stream.indirect.gather [hbm4b:s4+s5], $0x80, s2, s5, $0xb8;
	[tilespmem:$0x4080] =	vst v63  }
0x17c: {  	_ =	swait.ge [sflag:s6], $0x4000  }
0x17d: {  	s20 =	sshll.u32 s20, $0x4;
	[sflag:s6] =	ssyncset.done $0x0  }
0x17e: {  	s20 =	sadd.s32 s0, s20;
	[sflag:s6] =	ssyncadd.s32 $0xFFFFC000  }
0x17f: {  	[hbm4b:s20+s2] =	stream.linear.scatter [tilespmem:s5], [sflag:$0x2], $0x4000, $0x38;
	[tilespmem:$0x4080] =	vst v63  }
0x180: {  	s22 =	sor.u32 $0xD80, s1;
	_ =	swait.ge [sflag:s3], $0x4000  }
0x181: {  	s21 =	sshrl.u32 s22, $0x3;
	[sflag:s3] =	ssyncset.done $0x0  }
0x182: {  	s21 =	sadd.s32 s30, s21;
	[sflag:s3] =	ssyncadd.s32 $0xFFFFC000  }
0x183: {  	[tilespmem:s2], [sflag:$0x2] =	stream.linear.gather [hbm4b:s21+s2], $0x80, $0x38;
	[tilespmem:$0x4080] =	vst v63  }
0x184: {  	_ =	swait.ge [sflag:s3], $0x80  }
0x185: {  	[sflag:s3] =	ssyncset.done $0x0  }
0x186: {  	[sflag:s3] =	ssyncadd.s32 $0xFFFFFF80  }
0x187: {  	[tilespmem:s5], [sflag:$0x1] =	stream.indirect.gather [hbm4b:s4+s5], $0x80, s2, s5, $0xb8;
	[tilespmem:$0x4080] =	vst v63  }
0x188: {  	_ =	swait.ge [sflag:s6], $0x4000  }
0x189: {  	s22 =	sshll.u32 s22, $0x4;
	[sflag:s6] =	ssyncset.done $0x0  }
0x18a: {  	s22 =	sadd.s32 s0, s22;
	[sflag:s6] =	ssyncadd.s32 $0xFFFFC000  }
0x18b: {  	[hbm4b:s22+s2] =	stream.linear.scatter [tilespmem:s5], [sflag:$0x2], $0x4000, $0x38;
	[tilespmem:$0x4080] =	vst v63  }
0x18c: {  	s24 =	sor.u32 $0xE00, s1;
	_ =	swait.ge [sflag:s3], $0x4000  }
0x18d: {  	s23 =	sshrl.u32 s24, $0x3;
	[sflag:s3] =	ssyncset.done $0x0  }
0x18e: {  	s23 =	sadd.s32 s30, s23;
	[sflag:s3] =	ssyncadd.s32 $0xFFFFC000  }
0x18f: {  	[tilespmem:s2], [sflag:$0x2] =	stream.linear.gather [hbm4b:s23+s2], $0x80, $0x38;
	[tilespmem:$0x4080] =	vst v63  }
0x190: {  	_ =	swait.ge [sflag:s3], $0x80  }
0x191: {  	[sflag:s3] =	ssyncset.done $0x0  }
0x192: {  	[sflag:s3] =	ssyncadd.s32 $0xFFFFFF80  }
0x193: {  	[tilespmem:s5], [sflag:$0x1] =	stream.indirect.gather [hbm4b:s4+s5], $0x80, s2, s5, $0xb8;
	[tilespmem:$0x4080] =	vst v63  }
0x194: {  	_ =	swait.ge [sflag:s6], $0x4000  }
0x195: {  	s24 =	sshll.u32 s24, $0x4;
	[sflag:s6] =	ssyncset.done $0x0  }
0x196: {  	s24 =	sadd.s32 s0, s24;
	[sflag:s6] =	ssyncadd.s32 $0xFFFFC000  }
0x197: {  	[hbm4b:s24+s2] =	stream.linear.scatter [tilespmem:s5], [sflag:$0x2], $0x4000, $0x38;
	[tilespmem:$0x4080] =	vst v63  }
0x198: {  	s26 =	sor.u32 $0xE80, s1;
	_ =	swait.ge [sflag:s3], $0x4000  }
0x199: {  	s25 =	sshrl.u32 s26, $0x3;
	[sflag:s3] =	ssyncset.done $0x0  }
0x19a: {  	s25 =	sadd.s32 s30, s25;
	[sflag:s3] =	ssyncadd.s32 $0xFFFFC000  }
0x19b: {  	[tilespmem:s2], [sflag:$0x2] =	stream.linear.gather [hbm4b:s25+s2], $0x80, $0x38;
	[tilespmem:$0x4080] =	vst v63  }
0x19c: {  	_ =	swait.ge [sflag:s3], $0x80  }
0x19d: {  	[sflag:s3] =	ssyncset.done $0x0  }
0x19e: {  	[sflag:s3] =	ssyncadd.s32 $0xFFFFFF80  }
0x19f: {  	[tilespmem:s5], [sflag:$0x1] =	stream.indirect.gather [hbm4b:s4+s5], $0x80, s2, s5, $0xb8;
	[tilespmem:$0x4080] =	vst v63  }
0x1a0: {  	_ =	swait.ge [sflag:s6], $0x4000  }
0x1a1: {  	s26 =	sshll.u32 s26, $0x4;
	[sflag:s6] =	ssyncset.done $0x0  }
0x1a2: {  	s26 =	sadd.s32 s0, s26;
	[smem:$0x7FD] =	sst s0;
	[sflag:s6] =	ssyncadd.s32 $0xFFFFC000  }
0x1a3: {  	[hbm4b:s26+s2] =	stream.linear.scatter [tilespmem:s5], [sflag:$0x2], $0x4000, $0x38;
	[tilespmem:$0x4080] =	vst v63  }
0x1a4: {  	s29 =	sor.u32 $0xF00, s1;
	_ =	swait.ge [sflag:s3], $0x4000  }
0x1a5: {  	s28 =	sshrl.u32 s29, $0x3;
	[sflag:s3] =	ssyncset.done $0x0  }
0x1a6: {  	s28 =	sadd.s32 s30, s28;
	[sflag:s3] =	ssyncadd.s32 $0xFFFFC000  }
0x1a7: {  	[tilespmem:s2], [sflag:$0x2] =	stream.linear.gather [hbm4b:s28+s2], $0x80, $0x38;
	[tilespmem:$0x4080] =	vst v63  }
0x1a8: {  	_ =	swait.ge [sflag:s3], $0x80  }
0x1a9: {  	[sflag:s3] =	ssyncset.done $0x0  }
0x1aa: {  	[sflag:s3] =	ssyncadd.s32 $0xFFFFFF80  }
0x1ab: {  	[tilespmem:s5], [sflag:$0x1] =	stream.indirect.gather [hbm4b:s4+s5], $0x80, s2, s5, $0xb8;
	[tilespmem:$0x4080] =	vst v63  }
0x1ac: {  	_ =	swait.ge [sflag:s6], $0x4000  }
0x1ad: {  	s29 =	sshll.u32 s29, $0x4;
	[sflag:s6] =	ssyncset.done $0x0  }
0x1ae: {  	s29 =	sadd.s32 s0, s29;
	[sflag:s6] =	ssyncadd.s32 $0xFFFFC000  }
0x1af: {  	[hbm4b:s29+s2] =	stream.linear.scatter [tilespmem:s5], [sflag:$0x2], $0x4000, $0x38;
	[tilespmem:$0x4080] =	vst v63  }
0x1b0: {  	s1 =	sor.u32 $0xF80, s1;
	_ =	swait.ge [sflag:s3], $0x4000  }
0x1b1: {  	s0 =	sshrl.u32 s1, $0x3;
	[sflag:s3] =	ssyncset.done $0x0  }
0x1b2: {  	s30 =	sadd.s32 s30, s0;
	[sflag:s3] =	ssyncadd.s32 $0xFFFFC000  }
0x1b3: {  	[tilespmem:s2], [sflag:$0x2] =	stream.linear.gather [hbm4b:s30+s2], $0x80, $0x38;
	[tilespmem:$0x4080] =	vst v63  }
0x1b4: {  	s0 =	ssub.s32 $0x2, s31;
	_ =	swait.ge [sflag:s3], $0x80  }
0x1b5: {  	s31 =	sshrl.u32 s0, $0x1;
	[sflag:s3] =	ssyncset.done $0x0  }
0x1b6: {  	s0 =	ssub.s32 s0, s31;
	[sflag:s3] =	ssyncadd.s32 $0xFFFFFF80  }
0x1b7: {  	[tilespmem:s5], [sflag:$0x1] =	stream.indirect.gather [hbm4b:s4+s5], $0x80, s2, s5, $0xb8;
	[tilespmem:$0x4080] =	vst v63  }
0x1b8: {  	s0 =	smax.u32 s0, $0x1;
	_ =	swait.ge [sflag:s6], $0x4000  }
0x1b9: {  	p0 =	sne.s32 s0, $0x1;
	s31 =	sld [smem:$0x7FD]  }
.Ltmp0:
0x1ba: {  	_ = 	snop;
	(pc) =	sbr.rel @!p0 .LBB2_2-.Ltmp0, $4  }
0x1bb: {  	s1 =	sshll.u32 s1, $0x4;
	[sflag:s6] =	ssyncset.done $0x0  }
0x1bc: {  	[sflag:s6] =	ssyncadd.s32 $0xFFFFC000;
	s31 =	sadd.s32 s31, s1  }
0x1bd: {  	[hbm4b:s31+s2] =	stream.linear.scatter [tilespmem:s5], [sflag:$0x2], $0x4000, $0x38;
	[tilespmem:$0x4080] =	vst v63  }
0x1be: {  	s0 =	sadd.s32 $0xFFFFFFFF, s0;
	_ =	swait.ge [sflag:s3], $0x4000  }
.LBB2_1:
0x1bf: {  	[sflag:s3] =	ssyncset.done $0x0  }
0x1c0: {  	s1 =	rddreg [dreg:$0x2];
	[sflag:s3] =	ssyncadd.s32 $0xFFFFC000  }
0x1c1: {  	[tilespmem:s2], [sflag:$0x2] =	stream.linear.gather [hbm4b:s1+s2], $0x80, $0x38;
	[tilespmem:$0x4080] =	vst v63  }
0x1c2: {  	_ =	swait.ge [sflag:s3], $0x80  }
0x1c3: {  	[sflag:s3] =	ssyncset.done $0x0  }
0x1c4: {  	[sflag:s3] =	ssyncadd.s32 $0xFFFFFF80  }
0x1c5: {  	[tilespmem:s5], [sflag:$0x1] =	stream.indirect.gather [hbm4b:s4+s5], $0x80, s2, s5, $0xb8;
	[tilespmem:$0x4080] =	vst v63  }
0x1c6: {  	_ =	swait.ge [sflag:s6], $0x4000  }
0x1c7: {  	[sflag:s6] =	ssyncset.done $0x0  }
0x1c8: {  	s1 =	rddreg [dreg:$0x3];
	[sflag:s6] =	ssyncadd.s32 $0xFFFFC000  }
0x1c9: {  	[hbm4b:s1+s2] =	stream.linear.scatter [tilespmem:s5], [sflag:$0x2], $0x4000, $0x38;
	[tilespmem:$0x4080] =	vst v63  }
0x1ca: {  	_ =	swait.ge [sflag:s3], $0x4000  }
0x1cb: {  	[sflag:s3] =	ssyncset.done $0x0  }
0x1cc: {  	s1 =	rddreg [dreg:$0x4];
	[sflag:s3] =	ssyncadd.s32 $0xFFFFC000  }
0x1cd: {  	[tilespmem:s2], [sflag:$0x2] =	stream.linear.gather [hbm4b:s1+s2], $0x80, $0x38;
	[tilespmem:$0x4080] =	vst v63  }
0x1ce: {  	_ =	swait.ge [sflag:s3], $0x80  }
0x1cf: {  	[sflag:s3] =	ssyncset.done $0x0  }
0x1d0: {  	[sflag:s3] =	ssyncadd.s32 $0xFFFFFF80  }
0x1d1: {  	[tilespmem:s5], [sflag:$0x1] =	stream.indirect.gather [hbm4b:s4+s5], $0x80, s2, s5, $0xb8;
	[tilespmem:$0x4080] =	vst v63  }
0x1d2: {  	_ =	swait.ge [sflag:s6], $0x4000  }
0x1d3: {  	[sflag:s6] =	ssyncset.done $0x0  }
0x1d4: {  	s1 =	rddreg [dreg:$0x5];
	[sflag:s6] =	ssyncadd.s32 $0xFFFFC000  }
0x1d5: {  	[hbm4b:s1+s2] =	stream.linear.scatter [tilespmem:s5], [sflag:$0x2], $0x4000, $0x38;
	[tilespmem:$0x4080] =	vst v63  }
0x1d6: {  	_ =	swait.ge [sflag:s3], $0x4000  }
0x1d7: {  	[sflag:s3] =	ssyncset.done $0x0  }
0x1d8: {  	s1 =	rddreg [dreg:$0x6];
	[sflag:s3] =	ssyncadd.s32 $0xFFFFC000  }
0x1d9: {  	[tilespmem:s2], [sflag:$0x2] =	stream.linear.gather [hbm4b:s1+s2], $0x80, $0x38;
	[tilespmem:$0x4080] =	vst v63  }
0x1da: {  	_ =	swait.ge [sflag:s3], $0x80  }
0x1db: {  	[sflag:s3] =	ssyncset.done $0x0  }
0x1dc: {  	[sflag:s3] =	ssyncadd.s32 $0xFFFFFF80  }
0x1dd: {  	[tilespmem:s5], [sflag:$0x1] =	stream.indirect.gather [hbm4b:s4+s5], $0x80, s2, s5, $0xb8;
	[tilespmem:$0x4080] =	vst v63  }
0x1de: {  	_ =	swait.ge [sflag:s6], $0x4000  }
0x1df: {  	[sflag:s6] =	ssyncset.done $0x0  }
0x1e0: {  	s1 =	rddreg [dreg:$0x7];
	[sflag:s6] =	ssyncadd.s32 $0xFFFFC000  }
0x1e1: {  	[hbm4b:s1+s2] =	stream.linear.scatter [tilespmem:s5], [sflag:$0x2], $0x4000, $0x38;
	[tilespmem:$0x4080] =	vst v63  }
0x1e2: {  	_ =	swait.ge [sflag:s3], $0x4000  }
0x1e3: {  	[sflag:s3] =	ssyncset.done $0x0  }
0x1e4: {  	s1 =	rddreg [dreg:$0x8];
	[sflag:s3] =	ssyncadd.s32 $0xFFFFC000  }
0x1e5: {  	[tilespmem:s2], [sflag:$0x2] =	stream.linear.gather [hbm4b:s1+s2], $0x80, $0x38;
	[tilespmem:$0x4080] =	vst v63  }
0x1e6: {  	_ =	swait.ge [sflag:s3], $0x80  }
0x1e7: {  	[sflag:s3] =	ssyncset.done $0x0  }
0x1e8: {  	[sflag:s3] =	ssyncadd.s32 $0xFFFFFF80  }
0x1e9: {  	[tilespmem:s5], [sflag:$0x1] =	stream.indirect.gather [hbm4b:s4+s5], $0x80, s2, s5, $0xb8;
	[tilespmem:$0x4080] =	vst v63  }
0x1ea: {  	_ =	swait.ge [sflag:s6], $0x4000  }
0x1eb: {  	[sflag:s6] =	ssyncset.done $0x0  }
0x1ec: {  	s1 =	rddreg [dreg:$0x9];
	[sflag:s6] =	ssyncadd.s32 $0xFFFFC000  }
0x1ed: {  	[hbm4b:s1+s2] =	stream.linear.scatter [tilespmem:s5], [sflag:$0x2], $0x4000, $0x38;
	[tilespmem:$0x4080] =	vst v63  }
0x1ee: {  	_ =	swait.ge [sflag:s3], $0x4000  }
0x1ef: {  	[sflag:s3] =	ssyncset.done $0x0  }
0x1f0: {  	s1 =	rddreg [dreg:$0xa];
	[sflag:s3] =	ssyncadd.s32 $0xFFFFC000  }
0x1f1: {  	[tilespmem:s2], [sflag:$0x2] =	stream.linear.gather [hbm4b:s1+s2], $0x80, $0x38;
	[tilespmem:$0x4080] =	vst v63  }
0x1f2: {  	_ =	swait.ge [sflag:s3], $0x80  }
0x1f3: {  	[sflag:s3] =	ssyncset.done $0x0  }
0x1f4: {  	[sflag:s3] =	ssyncadd.s32 $0xFFFFFF80  }
0x1f5: {  	[tilespmem:s5], [sflag:$0x1] =	stream.indirect.gather [hbm4b:s4+s5], $0x80, s2, s5, $0xb8;
	[tilespmem:$0x4080] =	vst v63  }
0x1f6: {  	_ =	swait.ge [sflag:s6], $0x4000  }
0x1f7: {  	[sflag:s6] =	ssyncset.done $0x0  }
0x1f8: {  	s1 =	rddreg [dreg:$0xb];
	[sflag:s6] =	ssyncadd.s32 $0xFFFFC000  }
0x1f9: {  	[hbm4b:s1+s2] =	stream.linear.scatter [tilespmem:s5], [sflag:$0x2], $0x4000, $0x38;
	[tilespmem:$0x4080] =	vst v63  }
0x1fa: {  	_ =	swait.ge [sflag:s3], $0x4000  }
0x1fb: {  	[sflag:s3] =	ssyncset.done $0x0  }
0x1fc: {  	s1 =	rddreg [dreg:$0xc];
	[sflag:s3] =	ssyncadd.s32 $0xFFFFC000  }
0x1fd: {  	[tilespmem:s2], [sflag:$0x2] =	stream.linear.gather [hbm4b:s1+s2], $0x80, $0x38;
	[tilespmem:$0x4080] =	vst v63  }
0x1fe: {  	_ =	swait.ge [sflag:s3], $0x80  }
0x1ff: {  	[sflag:s3] =	ssyncset.done $0x0  }
0x200: {  	[sflag:s3] =	ssyncadd.s32 $0xFFFFFF80  }
0x201: {  	[tilespmem:s5], [sflag:$0x1] =	stream.indirect.gather [hbm4b:s4+s5], $0x80, s2, s5, $0xb8;
	[tilespmem:$0x4080] =	vst v63  }
0x202: {  	_ =	swait.ge [sflag:s6], $0x4000  }
0x203: {  	[sflag:s6] =	ssyncset.done $0x0  }
0x204: {  	s1 =	rddreg [dreg:$0xd];
	[sflag:s6] =	ssyncadd.s32 $0xFFFFC000  }
0x205: {  	[hbm4b:s1+s2] =	stream.linear.scatter [tilespmem:s5], [sflag:$0x2], $0x4000, $0x38;
	[tilespmem:$0x4080] =	vst v63  }
0x206: {  	_ =	swait.ge [sflag:s3], $0x4000  }
0x207: {  	[sflag:s3] =	ssyncset.done $0x0  }
0x208: {  	s1 =	rddreg [dreg:$0xe];
	[sflag:s3] =	ssyncadd.s32 $0xFFFFC000  }
0x209: {  	[tilespmem:s2], [sflag:$0x2] =	stream.linear.gather [hbm4b:s1+s2], $0x80, $0x38;
	[tilespmem:$0x4080] =	vst v63  }
0x20a: {  	_ =	swait.ge [sflag:s3], $0x80  }
0x20b: {  	[sflag:s3] =	ssyncset.done $0x0  }
0x20c: {  	[sflag:s3] =	ssyncadd.s32 $0xFFFFFF80  }
0x20d: {  	[tilespmem:s5], [sflag:$0x1] =	stream.indirect.gather [hbm4b:s4+s5], $0x80, s2, s5, $0xb8;
	[tilespmem:$0x4080] =	vst v63  }
0x20e: {  	_ =	swait.ge [sflag:s6], $0x4000  }
0x20f: {  	[sflag:s6] =	ssyncset.done $0x0  }
0x210: {  	s1 =	rddreg [dreg:$0xf];
	[sflag:s6] =	ssyncadd.s32 $0xFFFFC000  }
0x211: {  	[hbm4b:s1+s2] =	stream.linear.scatter [tilespmem:s5], [sflag:$0x2], $0x4000, $0x38;
	[tilespmem:$0x4080] =	vst v63  }
0x212: {  	_ =	swait.ge [sflag:s3], $0x4000  }
0x213: {  	[sflag:s3] =	ssyncset.done $0x0  }
0x214: {  	s1 =	rddreg [dreg:$0x10];
	[sflag:s3] =	ssyncadd.s32 $0xFFFFC000  }
0x215: {  	[tilespmem:s2], [sflag:$0x2] =	stream.linear.gather [hbm4b:s1+s2], $0x80, $0x38;
	[tilespmem:$0x4080] =	vst v63  }
0x216: {  	_ =	swait.ge [sflag:s3], $0x80  }
0x217: {  	[sflag:s3] =	ssyncset.done $0x0  }
0x218: {  	[sflag:s3] =	ssyncadd.s32 $0xFFFFFF80  }
0x219: {  	[tilespmem:s5], [sflag:$0x1] =	stream.indirect.gather [hbm4b:s4+s5], $0x80, s2, s5, $0xb8;
	[tilespmem:$0x4080] =	vst v63  }
0x21a: {  	_ =	swait.ge [sflag:s6], $0x4000  }
0x21b: {  	[sflag:s6] =	ssyncset.done $0x0  }
0x21c: {  	s1 =	rddreg [dreg:$0x11];
	[sflag:s6] =	ssyncadd.s32 $0xFFFFC000  }
0x21d: {  	[hbm4b:s1+s2] =	stream.linear.scatter [tilespmem:s5], [sflag:$0x2], $0x4000, $0x38;
	[tilespmem:$0x4080] =	vst v63  }
0x21e: {  	_ =	swait.ge [sflag:s3], $0x4000  }
0x21f: {  	[sflag:s3] =	ssyncset.done $0x0  }
0x220: {  	s1 =	rddreg [dreg:$0x12];
	[sflag:s3] =	ssyncadd.s32 $0xFFFFC000  }
0x221: {  	[tilespmem:s2], [sflag:$0x2] =	stream.linear.gather [hbm4b:s1+s2], $0x80, $0x38;
	[tilespmem:$0x4080] =	vst v63  }
0x222: {  	_ =	swait.ge [sflag:s3], $0x80  }
0x223: {  	[sflag:s3] =	ssyncset.done $0x0  }
0x224: {  	[sflag:s3] =	ssyncadd.s32 $0xFFFFFF80  }
0x225: {  	[tilespmem:s5], [sflag:$0x1] =	stream.indirect.gather [hbm4b:s4+s5], $0x80, s2, s5, $0xb8;
	[tilespmem:$0x4080] =	vst v63  }
0x226: {  	_ =	swait.ge [sflag:s6], $0x4000  }
0x227: {  	[sflag:s6] =	ssyncset.done $0x0  }
0x228: {  	s1 =	rddreg [dreg:$0x13];
	[sflag:s6] =	ssyncadd.s32 $0xFFFFC000  }
0x229: {  	[hbm4b:s1+s2] =	stream.linear.scatter [tilespmem:s5], [sflag:$0x2], $0x4000, $0x38;
	[tilespmem:$0x4080] =	vst v63  }
0x22a: {  	_ =	swait.ge [sflag:s3], $0x4000  }
0x22b: {  	[sflag:s3] =	ssyncset.done $0x0  }
0x22c: {  	s1 =	rddreg [dreg:$0x14];
	[sflag:s3] =	ssyncadd.s32 $0xFFFFC000  }
0x22d: {  	[tilespmem:s2], [sflag:$0x2] =	stream.linear.gather [hbm4b:s1+s2], $0x80, $0x38;
	[tilespmem:$0x4080] =	vst v63  }
0x22e: {  	_ =	swait.ge [sflag:s3], $0x80  }
0x22f: {  	[sflag:s3] =	ssyncset.done $0x0  }
0x230: {  	[sflag:s3] =	ssyncadd.s32 $0xFFFFFF80  }
0x231: {  	[tilespmem:s5], [sflag:$0x1] =	stream.indirect.gather [hbm4b:s4+s5], $0x80, s2, s5, $0xb8;
	[tilespmem:$0x4080] =	vst v63  }
0x232: {  	_ =	swait.ge [sflag:s6], $0x4000  }
0x233: {  	[sflag:s6] =	ssyncset.done $0x0  }
0x234: {  	s1 =	rddreg [dreg:$0x15];
	[sflag:s6] =	ssyncadd.s32 $0xFFFFC000  }
0x235: {  	[hbm4b:s1+s2] =	stream.linear.scatter [tilespmem:s5], [sflag:$0x2], $0x4000, $0x38;
	[tilespmem:$0x4080] =	vst v63  }
0x236: {  	_ =	swait.ge [sflag:s3], $0x4000  }
0x237: {  	[sflag:s3] =	ssyncset.done $0x0  }
0x238: {  	s1 =	rddreg [dreg:$0x16];
	[sflag:s3] =	ssyncadd.s32 $0xFFFFC000  }
0x239: {  	[tilespmem:s2], [sflag:$0x2] =	stream.linear.gather [hbm4b:s1+s2], $0x80, $0x38;
	[tilespmem:$0x4080] =	vst v63  }
0x23a: {  	_ =	swait.ge [sflag:s3], $0x80  }
0x23b: {  	[sflag:s3] =	ssyncset.done $0x0  }
0x23c: {  	[sflag:s3] =	ssyncadd.s32 $0xFFFFFF80  }
0x23d: {  	[tilespmem:s5], [sflag:$0x1] =	stream.indirect.gather [hbm4b:s4+s5], $0x80, s2, s5, $0xb8;
	[tilespmem:$0x4080] =	vst v63  }
0x23e: {  	_ =	swait.ge [sflag:s6], $0x4000  }
0x23f: {  	[sflag:s6] =	ssyncset.done $0x0  }
0x240: {  	s1 =	rddreg [dreg:$0x17];
	[sflag:s6] =	ssyncadd.s32 $0xFFFFC000  }
0x241: {  	[hbm4b:s1+s2] =	stream.linear.scatter [tilespmem:s5], [sflag:$0x2], $0x4000, $0x38;
	[tilespmem:$0x4080] =	vst v63  }
0x242: {  	_ =	swait.ge [sflag:s3], $0x4000  }
0x243: {  	[sflag:s3] =	ssyncset.done $0x0  }
0x244: {  	s1 =	rddreg [dreg:$0x18];
	[sflag:s3] =	ssyncadd.s32 $0xFFFFC000  }
0x245: {  	[tilespmem:s2], [sflag:$0x2] =	stream.linear.gather [hbm4b:s1+s2], $0x80, $0x38;
	[tilespmem:$0x4080] =	vst v63  }
0x246: {  	_ =	swait.ge [sflag:s3], $0x80  }
0x247: {  	[sflag:s3] =	ssyncset.done $0x0  }
0x248: {  	[sflag:s3] =	ssyncadd.s32 $0xFFFFFF80  }
0x249: {  	[tilespmem:s5], [sflag:$0x1] =	stream.indirect.gather [hbm4b:s4+s5], $0x80, s2, s5, $0xb8;
	[tilespmem:$0x4080] =	vst v63  }
0x24a: {  	_ =	swait.ge [sflag:s6], $0x4000  }
0x24b: {  	[sflag:s6] =	ssyncset.done $0x0  }
0x24c: {  	s1 =	rddreg [dreg:$0x19];
	[sflag:s6] =	ssyncadd.s32 $0xFFFFC000  }
0x24d: {  	[hbm4b:s1+s2] =	stream.linear.scatter [tilespmem:s5], [sflag:$0x2], $0x4000, $0x38;
	[tilespmem:$0x4080] =	vst v63  }
0x24e: {  	_ =	swait.ge [sflag:s3], $0x4000  }
0x24f: {  	[sflag:s3] =	ssyncset.done $0x0  }
0x250: {  	s1 =	rddreg [dreg:$0x1a];
	[sflag:s3] =	ssyncadd.s32 $0xFFFFC000  }
0x251: {  	[tilespmem:s2], [sflag:$0x2] =	stream.linear.gather [hbm4b:s1+s2], $0x80, $0x38;
	[tilespmem:$0x4080] =	vst v63  }
0x252: {  	_ =	swait.ge [sflag:s3], $0x80  }
0x253: {  	[sflag:s3] =	ssyncset.done $0x0  }
0x254: {  	[sflag:s3] =	ssyncadd.s32 $0xFFFFFF80  }
0x255: {  	[tilespmem:s5], [sflag:$0x1] =	stream.indirect.gather [hbm4b:s4+s5], $0x80, s2, s5, $0xb8;
	[tilespmem:$0x4080] =	vst v63  }
0x256: {  	_ =	swait.ge [sflag:s6], $0x4000  }
0x257: {  	[sflag:s6] =	ssyncset.done $0x0  }
0x258: {  	s1 =	rddreg [dreg:$0x1b];
	[sflag:s6] =	ssyncadd.s32 $0xFFFFC000  }
0x259: {  	[hbm4b:s1+s2] =	stream.linear.scatter [tilespmem:s5], [sflag:$0x2], $0x4000, $0x38;
	[tilespmem:$0x4080] =	vst v63  }
0x25a: {  	_ =	swait.ge [sflag:s3], $0x4000  }
0x25b: {  	[sflag:s3] =	ssyncset.done $0x0  }
0x25c: {  	s1 =	rddreg [dreg:$0x1c];
	[sflag:s3] =	ssyncadd.s32 $0xFFFFC000  }
0x25d: {  	[tilespmem:s2], [sflag:$0x2] =	stream.linear.gather [hbm4b:s1+s2], $0x80, $0x38;
	[tilespmem:$0x4080] =	vst v63  }
0x25e: {  	_ =	swait.ge [sflag:s3], $0x80  }
0x25f: {  	[sflag:s3] =	ssyncset.done $0x0  }
0x260: {  	[sflag:s3] =	ssyncadd.s32 $0xFFFFFF80  }
0x261: {  	[tilespmem:s5], [sflag:$0x1] =	stream.indirect.gather [hbm4b:s4+s5], $0x80, s2, s5, $0xb8;
	[tilespmem:$0x4080] =	vst v63  }
0x262: {  	_ =	swait.ge [sflag:s6], $0x4000  }
0x263: {  	[sflag:s6] =	ssyncset.done $0x0  }
0x264: {  	s1 =	rddreg [dreg:$0x1d];
	[sflag:s6] =	ssyncadd.s32 $0xFFFFC000  }
0x265: {  	[hbm4b:s1+s2] =	stream.linear.scatter [tilespmem:s5], [sflag:$0x2], $0x4000, $0x38;
	[tilespmem:$0x4080] =	vst v63  }
0x266: {  	_ =	swait.ge [sflag:s3], $0x4000  }
0x267: {  	[sflag:s3] =	ssyncset.done $0x0  }
0x268: {  	s1 =	rddreg [dreg:$0x1e];
	[sflag:s3] =	ssyncadd.s32 $0xFFFFC000  }
0x269: {  	[tilespmem:s2], [sflag:$0x2] =	stream.linear.gather [hbm4b:s1+s2], $0x80, $0x38;
	[tilespmem:$0x4080] =	vst v63  }
0x26a: {  	_ =	swait.ge [sflag:s3], $0x80  }
0x26b: {  	[sflag:s3] =	ssyncset.done $0x0  }
0x26c: {  	[sflag:s3] =	ssyncadd.s32 $0xFFFFFF80  }
0x26d: {  	[tilespmem:s5], [sflag:$0x1] =	stream.indirect.gather [hbm4b:s4+s5], $0x80, s2, s5, $0xb8;
	[tilespmem:$0x4080] =	vst v63  }
0x26e: {  	_ =	swait.ge [sflag:s6], $0x4000  }
0x26f: {  	[sflag:s6] =	ssyncset.done $0x0  }
0x270: {  	s1 =	rddreg [dreg:$0x1f];
	[sflag:s6] =	ssyncadd.s32 $0xFFFFC000  }
0x271: {  	[hbm4b:s1+s2] =	stream.linear.scatter [tilespmem:s5], [sflag:$0x2], $0x4000, $0x38;
	[tilespmem:$0x4080] =	vst v63  }
0x272: {  	_ =	swait.ge [sflag:s3], $0x4000  }
0x273: {  	s1 =	sld [smem:$0x7F3]  }
0x274: {  	[sflag:s3] =	ssyncset.done $0x0  }
0x275: {  	[sflag:s3] =	ssyncadd.s32 $0xFFFFC000  }
0x276: {  	[tilespmem:s2], [sflag:$0x2] =	stream.linear.gather [hbm4b:s1+s2], $0x80, $0x38;
	[tilespmem:$0x4080] =	vst v63  }
0x277: {  	_ =	swait.ge [sflag:s3], $0x80  }
0x278: {  	[sflag:s3] =	ssyncset.done $0x0  }
0x279: {  	[sflag:s3] =	ssyncadd.s32 $0xFFFFFF80  }
0x27a: {  	[tilespmem:s5], [sflag:$0x1] =	stream.indirect.gather [hbm4b:s4+s5], $0x80, s2, s5, $0xb8;
	[tilespmem:$0x4080] =	vst v63  }
0x27b: {  	_ =	swait.ge [sflag:s6], $0x4000  }
0x27c: {  	s1 =	sld [smem:$0x7F4]  }
0x27d: {  	[sflag:s6] =	ssyncset.done $0x0  }
0x27e: {  	[sflag:s6] =	ssyncadd.s32 $0xFFFFC000  }
0x27f: {  	[hbm4b:s1+s2] =	stream.linear.scatter [tilespmem:s5], [sflag:$0x2], $0x4000, $0x38;
	[tilespmem:$0x4080] =	vst v63  }
0x280: {  	_ =	swait.ge [sflag:s3], $0x4000  }
0x281: {  	s1 =	sld [smem:$0x7F5]  }
0x282: {  	[sflag:s3] =	ssyncset.done $0x0  }
0x283: {  	[sflag:s3] =	ssyncadd.s32 $0xFFFFC000  }
0x284: {  	[tilespmem:s2], [sflag:$0x2] =	stream.linear.gather [hbm4b:s1+s2], $0x80, $0x38;
	[tilespmem:$0x4080] =	vst v63  }
0x285: {  	_ =	swait.ge [sflag:s3], $0x80  }
0x286: {  	[sflag:s3] =	ssyncset.done $0x0  }
0x287: {  	[sflag:s3] =	ssyncadd.s32 $0xFFFFFF80  }
0x288: {  	[tilespmem:s5], [sflag:$0x1] =	stream.indirect.gather [hbm4b:s4+s5], $0x80, s2, s5, $0xb8;
	[tilespmem:$0x4080] =	vst v63  }
0x289: {  	_ =	swait.ge [sflag:s6], $0x4000  }
0x28a: {  	s1 =	sld [smem:$0x7F6]  }
0x28b: {  	[sflag:s6] =	ssyncset.done $0x0  }
0x28c: {  	[sflag:s6] =	ssyncadd.s32 $0xFFFFC000  }
0x28d: {  	[hbm4b:s1+s2] =	stream.linear.scatter [tilespmem:s5], [sflag:$0x2], $0x4000, $0x38;
	[tilespmem:$0x4080] =	vst v63  }
0x28e: {  	_ =	swait.ge [sflag:s3], $0x4000  }
0x28f: {  	s1 =	sld [smem:$0x7F7]  }
0x290: {  	[sflag:s3] =	ssyncset.done $0x0  }
0x291: {  	[sflag:s3] =	ssyncadd.s32 $0xFFFFC000  }
0x292: {  	[tilespmem:s2], [sflag:$0x2] =	stream.linear.gather [hbm4b:s1+s2], $0x80, $0x38;
	[tilespmem:$0x4080] =	vst v63  }
0x293: {  	_ =	swait.ge [sflag:s3], $0x80  }
0x294: {  	[sflag:s3] =	ssyncset.done $0x0  }
0x295: {  	[sflag:s3] =	ssyncadd.s32 $0xFFFFFF80  }
0x296: {  	[tilespmem:s5], [sflag:$0x1] =	stream.indirect.gather [hbm4b:s4+s5], $0x80, s2, s5, $0xb8;
	[tilespmem:$0x4080] =	vst v63  }
0x297: {  	_ =	swait.ge [sflag:s6], $0x4000  }
0x298: {  	s1 =	sld [smem:$0x7F8]  }
0x299: {  	[sflag:s6] =	ssyncset.done $0x0  }
0x29a: {  	[sflag:s6] =	ssyncadd.s32 $0xFFFFC000  }
0x29b: {  	[hbm4b:s1+s2] =	stream.linear.scatter [tilespmem:s5], [sflag:$0x2], $0x4000, $0x38;
	[tilespmem:$0x4080] =	vst v63  }
0x29c: {  	_ =	swait.ge [sflag:s3], $0x4000  }
0x29d: {  	s1 =	sld [smem:$0x7F9]  }
0x29e: {  	[sflag:s3] =	ssyncset.done $0x0  }
0x29f: {  	[sflag:s3] =	ssyncadd.s32 $0xFFFFC000  }
0x2a0: {  	[tilespmem:s2], [sflag:$0x2] =	stream.linear.gather [hbm4b:s1+s2], $0x80, $0x38;
	[tilespmem:$0x4080] =	vst v63  }
0x2a1: {  	_ =	swait.ge [sflag:s3], $0x80  }
0x2a2: {  	[sflag:s3] =	ssyncset.done $0x0  }
0x2a3: {  	[sflag:s3] =	ssyncadd.s32 $0xFFFFFF80  }
0x2a4: {  	[tilespmem:s5], [sflag:$0x1] =	stream.indirect.gather [hbm4b:s4+s5], $0x80, s2, s5, $0xb8;
	[tilespmem:$0x4080] =	vst v63  }
0x2a5: {  	_ =	swait.ge [sflag:s6], $0x4000  }
0x2a6: {  	s1 =	sld [smem:$0x7FA]  }
0x2a7: {  	[sflag:s6] =	ssyncset.done $0x0  }
0x2a8: {  	[sflag:s6] =	ssyncadd.s32 $0xFFFFC000  }
0x2a9: {  	[hbm4b:s1+s2] =	stream.linear.scatter [tilespmem:s5], [sflag:$0x2], $0x4000, $0x38;
	[tilespmem:$0x4080] =	vst v63  }
0x2aa: {  	_ =	swait.ge [sflag:s3], $0x4000  }
0x2ab: {  	s1 =	sld [smem:$0x7FB]  }
0x2ac: {  	[sflag:s3] =	ssyncset.done $0x0  }
0x2ad: {  	[sflag:s3] =	ssyncadd.s32 $0xFFFFC000  }
0x2ae: {  	[tilespmem:s2], [sflag:$0x2] =	stream.linear.gather [hbm4b:s1+s2], $0x80, $0x38;
	[tilespmem:$0x4080] =	vst v63  }
0x2af: {  	_ =	swait.ge [sflag:s3], $0x80  }
0x2b0: {  	[sflag:s3] =	ssyncset.done $0x0  }
0x2b1: {  	[sflag:s3] =	ssyncadd.s32 $0xFFFFFF80  }
0x2b2: {  	[tilespmem:s5], [sflag:$0x1] =	stream.indirect.gather [hbm4b:s4+s5], $0x80, s2, s5, $0xb8;
	[tilespmem:$0x4080] =	vst v63  }
0x2b3: {  	_ =	swait.ge [sflag:s6], $0x4000  }
0x2b4: {  	s1 =	sld [smem:$0x7FC]  }
0x2b5: {  	[sflag:s6] =	ssyncset.done $0x0  }
0x2b6: {  	[sflag:s6] =	ssyncadd.s32 $0xFFFFC000  }
0x2b7: {  	[hbm4b:s1+s2] =	stream.linear.scatter [tilespmem:s5], [sflag:$0x2], $0x4000, $0x38;
	[tilespmem:$0x4080] =	vst v63  }
0x2b8: {  	_ =	swait.ge [sflag:s3], $0x4000  }
0x2b9: {  	[sflag:s3] =	ssyncset.done $0x0  }
0x2ba: {  	[sflag:s3] =	ssyncadd.s32 $0xFFFFC000  }
0x2bb: {  	[tilespmem:s2], [sflag:$0x2] =	stream.linear.gather [hbm4b:s7+s2], $0x80, $0x38;
	[tilespmem:$0x4080] =	vst v63  }
0x2bc: {  	_ =	swait.ge [sflag:s3], $0x80  }
0x2bd: {  	[sflag:s3] =	ssyncset.done $0x0  }
0x2be: {  	[sflag:s3] =	ssyncadd.s32 $0xFFFFFF80  }
0x2bf: {  	[tilespmem:s5], [sflag:$0x1] =	stream.indirect.gather [hbm4b:s4+s5], $0x80, s2, s5, $0xb8;
	[tilespmem:$0x4080] =	vst v63  }
0x2c0: {  	_ =	swait.ge [sflag:s6], $0x4000  }
0x2c1: {  	[sflag:s6] =	ssyncset.done $0x0  }
0x2c2: {  	[sflag:s6] =	ssyncadd.s32 $0xFFFFC000  }
0x2c3: {  	[hbm4b:s8+s2] =	stream.linear.scatter [tilespmem:s5], [sflag:$0x2], $0x4000, $0x38;
	[tilespmem:$0x4080] =	vst v63  }
0x2c4: {  	_ =	swait.ge [sflag:s3], $0x4000  }
0x2c5: {  	[sflag:s3] =	ssyncset.done $0x0  }
0x2c6: {  	[sflag:s3] =	ssyncadd.s32 $0xFFFFC000  }
0x2c7: {  	[tilespmem:s2], [sflag:$0x2] =	stream.linear.gather [hbm4b:s9+s2], $0x80, $0x38;
	[tilespmem:$0x4080] =	vst v63  }
0x2c8: {  	_ =	swait.ge [sflag:s3], $0x80  }
0x2c9: {  	[sflag:s3] =	ssyncset.done $0x0  }
0x2ca: {  	[sflag:s3] =	ssyncadd.s32 $0xFFFFFF80  }
0x2cb: {  	[tilespmem:s5], [sflag:$0x1] =	stream.indirect.gather [hbm4b:s4+s5], $0x80, s2, s5, $0xb8;
	[tilespmem:$0x4080] =	vst v63  }
0x2cc: {  	_ =	swait.ge [sflag:s6], $0x4000  }
0x2cd: {  	[sflag:s6] =	ssyncset.done $0x0  }
0x2ce: {  	[sflag:s6] =	ssyncadd.s32 $0xFFFFC000  }
0x2cf: {  	[hbm4b:s10+s2] =	stream.linear.scatter [tilespmem:s5], [sflag:$0x2], $0x4000, $0x38;
	[tilespmem:$0x4080] =	vst v63  }
0x2d0: {  	_ =	swait.ge [sflag:s3], $0x4000  }
0x2d1: {  	[sflag:s3] =	ssyncset.done $0x0  }
0x2d2: {  	[sflag:s3] =	ssyncadd.s32 $0xFFFFC000  }
0x2d3: {  	[tilespmem:s2], [sflag:$0x2] =	stream.linear.gather [hbm4b:s11+s2], $0x80, $0x38;
	[tilespmem:$0x4080] =	vst v63  }
0x2d4: {  	_ =	swait.ge [sflag:s3], $0x80  }
0x2d5: {  	[sflag:s3] =	ssyncset.done $0x0  }
0x2d6: {  	[sflag:s3] =	ssyncadd.s32 $0xFFFFFF80  }
0x2d7: {  	[tilespmem:s5], [sflag:$0x1] =	stream.indirect.gather [hbm4b:s4+s5], $0x80, s2, s5, $0xb8;
	[tilespmem:$0x4080] =	vst v63  }
0x2d8: {  	_ =	swait.ge [sflag:s6], $0x4000  }
0x2d9: {  	[sflag:s6] =	ssyncset.done $0x0  }
0x2da: {  	[sflag:s6] =	ssyncadd.s32 $0xFFFFC000  }
0x2db: {  	[hbm4b:s12+s2] =	stream.linear.scatter [tilespmem:s5], [sflag:$0x2], $0x4000, $0x38;
	[tilespmem:$0x4080] =	vst v63  }
0x2dc: {  	_ =	swait.ge [sflag:s3], $0x4000  }
0x2dd: {  	[sflag:s3] =	ssyncset.done $0x0  }
0x2de: {  	[sflag:s3] =	ssyncadd.s32 $0xFFFFC000  }
0x2df: {  	[tilespmem:s2], [sflag:$0x2] =	stream.linear.gather [hbm4b:s13+s2], $0x80, $0x38;
	[tilespmem:$0x4080] =	vst v63  }
0x2e0: {  	_ =	swait.ge [sflag:s3], $0x80  }
0x2e1: {  	[sflag:s3] =	ssyncset.done $0x0  }
0x2e2: {  	[sflag:s3] =	ssyncadd.s32 $0xFFFFFF80  }
0x2e3: {  	[tilespmem:s5], [sflag:$0x1] =	stream.indirect.gather [hbm4b:s4+s5], $0x80, s2, s5, $0xb8;
	[tilespmem:$0x4080] =	vst v63  }
0x2e4: {  	_ =	swait.ge [sflag:s6], $0x4000  }
0x2e5: {  	[sflag:s6] =	ssyncset.done $0x0  }
0x2e6: {  	[sflag:s6] =	ssyncadd.s32 $0xFFFFC000  }
0x2e7: {  	[hbm4b:s14+s2] =	stream.linear.scatter [tilespmem:s5], [sflag:$0x2], $0x4000, $0x38;
	[tilespmem:$0x4080] =	vst v63  }
0x2e8: {  	_ =	swait.ge [sflag:s3], $0x4000  }
0x2e9: {  	[sflag:s3] =	ssyncset.done $0x0  }
0x2ea: {  	[sflag:s3] =	ssyncadd.s32 $0xFFFFC000  }
0x2eb: {  	[tilespmem:s2], [sflag:$0x2] =	stream.linear.gather [hbm4b:s15+s2], $0x80, $0x38;
	[tilespmem:$0x4080] =	vst v63  }
0x2ec: {  	_ =	swait.ge [sflag:s3], $0x80  }
0x2ed: {  	[sflag:s3] =	ssyncset.done $0x0  }
0x2ee: {  	[sflag:s3] =	ssyncadd.s32 $0xFFFFFF80  }
0x2ef: {  	[tilespmem:s5], [sflag:$0x1] =	stream.indirect.gather [hbm4b:s4+s5], $0x80, s2, s5, $0xb8;
	[tilespmem:$0x4080] =	vst v63  }
0x2f0: {  	_ =	swait.ge [sflag:s6], $0x4000  }
0x2f1: {  	[sflag:s6] =	ssyncset.done $0x0  }
0x2f2: {  	[sflag:s6] =	ssyncadd.s32 $0xFFFFC000  }
0x2f3: {  	[hbm4b:s16+s2] =	stream.linear.scatter [tilespmem:s5], [sflag:$0x2], $0x4000, $0x38;
	[tilespmem:$0x4080] =	vst v63  }
0x2f4: {  	_ =	swait.ge [sflag:s3], $0x4000  }
0x2f5: {  	[sflag:s3] =	ssyncset.done $0x0  }
0x2f6: {  	[sflag:s3] =	ssyncadd.s32 $0xFFFFC000  }
0x2f7: {  	[tilespmem:s2], [sflag:$0x2] =	stream.linear.gather [hbm4b:s17+s2], $0x80, $0x38;
	[tilespmem:$0x4080] =	vst v63  }
0x2f8: {  	_ =	swait.ge [sflag:s3], $0x80  }
0x2f9: {  	[sflag:s3] =	ssyncset.done $0x0  }
0x2fa: {  	[sflag:s3] =	ssyncadd.s32 $0xFFFFFF80  }
0x2fb: {  	[tilespmem:s5], [sflag:$0x1] =	stream.indirect.gather [hbm4b:s4+s5], $0x80, s2, s5, $0xb8;
	[tilespmem:$0x4080] =	vst v63  }
0x2fc: {  	_ =	swait.ge [sflag:s6], $0x4000  }
0x2fd: {  	[sflag:s6] =	ssyncset.done $0x0  }
0x2fe: {  	[sflag:s6] =	ssyncadd.s32 $0xFFFFC000  }
0x2ff: {  	[hbm4b:s18+s2] =	stream.linear.scatter [tilespmem:s5], [sflag:$0x2], $0x4000, $0x38;
	[tilespmem:$0x4080] =	vst v63  }
0x300: {  	_ =	swait.ge [sflag:s3], $0x4000  }
0x301: {  	[sflag:s3] =	ssyncset.done $0x0  }
0x302: {  	[sflag:s3] =	ssyncadd.s32 $0xFFFFC000  }
0x303: {  	[tilespmem:s2], [sflag:$0x2] =	stream.linear.gather [hbm4b:s19+s2], $0x80, $0x38;
	[tilespmem:$0x4080] =	vst v63  }
0x304: {  	_ =	swait.ge [sflag:s3], $0x80  }
0x305: {  	[sflag:s3] =	ssyncset.done $0x0  }
0x306: {  	[sflag:s3] =	ssyncadd.s32 $0xFFFFFF80  }
0x307: {  	[tilespmem:s5], [sflag:$0x1] =	stream.indirect.gather [hbm4b:s4+s5], $0x80, s2, s5, $0xb8;
	[tilespmem:$0x4080] =	vst v63  }
0x308: {  	_ =	swait.ge [sflag:s6], $0x4000  }
0x309: {  	[sflag:s6] =	ssyncset.done $0x0  }
0x30a: {  	[sflag:s6] =	ssyncadd.s32 $0xFFFFC000  }
0x30b: {  	[hbm4b:s20+s2] =	stream.linear.scatter [tilespmem:s5], [sflag:$0x2], $0x4000, $0x38;
	[tilespmem:$0x4080] =	vst v63  }
0x30c: {  	_ =	swait.ge [sflag:s3], $0x4000  }
0x30d: {  	[sflag:s3] =	ssyncset.done $0x0  }
0x30e: {  	[sflag:s3] =	ssyncadd.s32 $0xFFFFC000  }
0x30f: {  	[tilespmem:s2], [sflag:$0x2] =	stream.linear.gather [hbm4b:s21+s2], $0x80, $0x38;
	[tilespmem:$0x4080] =	vst v63  }
0x310: {  	_ =	swait.ge [sflag:s3], $0x80  }
0x311: {  	[sflag:s3] =	ssyncset.done $0x0  }
0x312: {  	[sflag:s3] =	ssyncadd.s32 $0xFFFFFF80  }
0x313: {  	[tilespmem:s5], [sflag:$0x1] =	stream.indirect.gather [hbm4b:s4+s5], $0x80, s2, s5, $0xb8;
	[tilespmem:$0x4080] =	vst v63  }
0x314: {  	_ =	swait.ge [sflag:s6], $0x4000  }
0x315: {  	[sflag:s6] =	ssyncset.done $0x0  }
0x316: {  	[sflag:s6] =	ssyncadd.s32 $0xFFFFC000  }
0x317: {  	[hbm4b:s22+s2] =	stream.linear.scatter [tilespmem:s5], [sflag:$0x2], $0x4000, $0x38;
	[tilespmem:$0x4080] =	vst v63  }
0x318: {  	_ =	swait.ge [sflag:s3], $0x4000  }
0x319: {  	[sflag:s3] =	ssyncset.done $0x0  }
0x31a: {  	[sflag:s3] =	ssyncadd.s32 $0xFFFFC000  }
0x31b: {  	[tilespmem:s2], [sflag:$0x2] =	stream.linear.gather [hbm4b:s23+s2], $0x80, $0x38;
	[tilespmem:$0x4080] =	vst v63  }
0x31c: {  	_ =	swait.ge [sflag:s3], $0x80  }
0x31d: {  	[sflag:s3] =	ssyncset.done $0x0  }
0x31e: {  	[sflag:s3] =	ssyncadd.s32 $0xFFFFFF80  }
0x31f: {  	[tilespmem:s5], [sflag:$0x1] =	stream.indirect.gather [hbm4b:s4+s5], $0x80, s2, s5, $0xb8;
	[tilespmem:$0x4080] =	vst v63  }
0x320: {  	_ =	swait.ge [sflag:s6], $0x4000  }
0x321: {  	[sflag:s6] =	ssyncset.done $0x0  }
0x322: {  	[sflag:s6] =	ssyncadd.s32 $0xFFFFC000  }
0x323: {  	[hbm4b:s24+s2] =	stream.linear.scatter [tilespmem:s5], [sflag:$0x2], $0x4000, $0x38;
	[tilespmem:$0x4080] =	vst v63  }
0x324: {  	_ =	swait.ge [sflag:s3], $0x4000  }
0x325: {  	[sflag:s3] =	ssyncset.done $0x0  }
0x326: {  	[sflag:s3] =	ssyncadd.s32 $0xFFFFC000  }
0x327: {  	[tilespmem:s2], [sflag:$0x2] =	stream.linear.gather [hbm4b:s25+s2], $0x80, $0x38;
	[tilespmem:$0x4080] =	vst v63  }
0x328: {  	_ =	swait.ge [sflag:s3], $0x80  }
0x329: {  	[sflag:s3] =	ssyncset.done $0x0  }
0x32a: {  	[sflag:s3] =	ssyncadd.s32 $0xFFFFFF80  }
0x32b: {  	[tilespmem:s5], [sflag:$0x1] =	stream.indirect.gather [hbm4b:s4+s5], $0x80, s2, s5, $0xb8;
	[tilespmem:$0x4080] =	vst v63  }
0x32c: {  	_ =	swait.ge [sflag:s6], $0x4000  }
0x32d: {  	[sflag:s6] =	ssyncset.done $0x0  }
0x32e: {  	[sflag:s6] =	ssyncadd.s32 $0xFFFFC000  }
0x32f: {  	[hbm4b:s26+s2] =	stream.linear.scatter [tilespmem:s5], [sflag:$0x2], $0x4000, $0x38;
	[tilespmem:$0x4080] =	vst v63  }
0x330: {  	_ =	swait.ge [sflag:s3], $0x4000  }
0x331: {  	[sflag:s3] =	ssyncset.done $0x0  }
0x332: {  	[sflag:s3] =	ssyncadd.s32 $0xFFFFC000  }
0x333: {  	[tilespmem:s2], [sflag:$0x2] =	stream.linear.gather [hbm4b:s28+s2], $0x80, $0x38;
	[tilespmem:$0x4080] =	vst v63  }
0x334: {  	_ =	swait.ge [sflag:s3], $0x80  }
0x335: {  	[sflag:s3] =	ssyncset.done $0x0  }
0x336: {  	[sflag:s3] =	ssyncadd.s32 $0xFFFFFF80  }
0x337: {  	[tilespmem:s5], [sflag:$0x1] =	stream.indirect.gather [hbm4b:s4+s5], $0x80, s2, s5, $0xb8;
	[tilespmem:$0x4080] =	vst v63  }
0x338: {  	_ =	swait.ge [sflag:s6], $0x4000  }
0x339: {  	[sflag:s6] =	ssyncset.done $0x0  }
0x33a: {  	[sflag:s6] =	ssyncadd.s32 $0xFFFFC000  }
0x33b: {  	[hbm4b:s29+s2] =	stream.linear.scatter [tilespmem:s5], [sflag:$0x2], $0x4000, $0x38;
	[tilespmem:$0x4080] =	vst v63  }
0x33c: {  	_ =	swait.ge [sflag:s3], $0x4000  }
0x33d: {  	[sflag:s3] =	ssyncset.done $0x0  }
0x33e: {  	[sflag:s3] =	ssyncadd.s32 $0xFFFFC000  }
0x33f: {  	[tilespmem:s2], [sflag:$0x2] =	stream.linear.gather [hbm4b:s30+s2], $0x80, $0x38;
	[tilespmem:$0x4080] =	vst v63  }
0x340: {  	_ =	swait.ge [sflag:s3], $0x80  }
0x341: {  	[sflag:s3] =	ssyncset.done $0x0  }
0x342: {  	p0 =	sne.s32 s0, $0x1;
	[sflag:s3] =	ssyncadd.s32 $0xFFFFFF80  }
0x343: {  	[tilespmem:s5], [sflag:$0x1] =	stream.indirect.gather [hbm4b:s4+s5], $0x80, s2, s5, $0xb8;
	[tilespmem:$0x4080] =	vst v63  }
.Ltmp1:
0x344: {  	_ =	swait.ge [sflag:s6], $0x4000;
	(pc) =	sbr.rel @p0 .LBB2_1-.Ltmp1, $4  }
0x345: {  	[sflag:s6] =	ssyncset.done $0x0  }
0x346: {  	[sflag:s6] =	ssyncadd.s32 $0xFFFFC000  }
0x347: {  	[hbm4b:s31+s2] =	stream.linear.scatter [tilespmem:s5], [sflag:$0x2], $0x4000, $0x38;
	[tilespmem:$0x4080] =	vst v63  }
0x348: {  	s0 =	sadd.s32 $0xFFFFFFFF, s0;
	_ =	swait.ge [sflag:s3], $0x4000  }
.LBB2_2:
0x349: {  	[sflag:s3] =	ssyncset.done $0x0  }
0x34a: {  	[sflag:s3] =	ssyncadd.s32 $0xFFFFC000  }
0x34b: {  	_ =	sfence.sel $0x180000  }
0x34c: {  	[bflag:$0x0] =	sbarrier.arrive $0xFFFF  }
0x34d: {  	_ =	strace $0x90000047  }
0x34e: {  	s0 =	stileid.u32;
	[bflag:$0x2] =	sbarrier.arrive $0xFFFF  }
0x34f: {  	p0 =	sne.s32 s0, $0x0;
	s0 =	rddreg [dreg:$0x1]  }
0x350: {  	s0 =	sadd.s32 @!p0 $0x100000, s0  }
0x351: {  	[sflag:s0] =	ssyncadd.tile.s32 @!p0 $0x1;
	_ =	shalt  }
.Lfunc_end2:
_tile_overlayer_lowered:
.L_overlay_start_2:
0x352: {  	(tag) =	ssettag $0x2  }
0x353: {  	s0 =	rddreg [dreg:$0x0];
	s2 =	stileid.u32  }
0x354: {  	s1 =	rddreg [dreg:$0x1];
	p0 =	sne.s32 s2, $0x0  }
0x355: {  	s3 =	rddreg [dreg:$0x2];
	[bflag:$0x3] =	sbarrier.arrive $0xFFFF;
	s2 =	simm.s32 @!p0 $0x1C02  }
0x356: {  	[timem:s3], [sflag:s2] =	dma.local @!p0 [hbm:s0], s1  }
0x357: {  	s0 =	simm.s32 @!p0 $0x2  }
0x358: {  	_ =	swait.ge @!p0 [sflag:s0], s1  }
0x359: {  	s1 =	ssub.s32 @!p0 $0x0, s1;
	[sflag:s0] =	ssyncset.done @!p0 $0x0  }
0x35a: {  	[sflag:s0] =	ssyncadd.s32 @!p0 s1  }
0x35b: {  	[bflag:$0x3] =	sbarrier.arrive $0xFFFF  }
0x35c: {  	_ =	shalt  }

// kernel: kernel.9.cloned.1.call-start
scs
__scs_entry_jumppad:
0x0: {  	(pc) =	sbr.rel $0x88, $3  }
0x1: {  	(tag) =	ssettag $0x0;
	lr =	simm.s32 $0x1  }
0x2: {  	[smem:$0x3F97] =	sst lr;
	_ =	strace $0xD0000000  }
0x3: {  	_ = 	snop  }
0x4: {  	_ = 	snop  }
0x5: {  	_ = 	snop  }
0x6: {  	_ = 	snop  }
0x7: {  	_ = 	snop  }
__scs_overlays_trampoline_lowered:
0x8: {  	[smem:$0x3FA6] =	sst s0  }
0x9: {  	[smem:$0x3FA7] =	sst s1  }
0xa: {  	[smem:$0x3FA8] =	sst s2  }
0xb: {  	[smem:$0x3FA9] =	sst s3  }
0xc: {  	[smem:$0x3FAA] =	sst s4  }
0xd: {  	[smem:$0x3FAB] =	sst s5  }
0xe: {  	[smem:$0x3FAC] =	sst s6  }
0xf: {  	[smem:$0x3FAD] =	sst s7  }
0x10: {  	[smem:$0x3FAE] =	sst s8  }
0x11: {  	[smem:$0x3FAF] =	sst s9;
	s0 =	simm.s32 @!p0 $0x0  }
0x12: {  	s1 =	sld [smem:$0x3F95];
	s0 =	simm.s32 @p0 $0x1  }
0x13: {  	[smem:$0x3FB0] =	sst s0;
	s0 =	simm.s32 @!p1 $0x0  }
0x14: {  	s2 =	sld [smem:$0x3F94];
	s0 =	simm.s32 @p1 $0x1  }
0x15: {  	[smem:$0x3FB1] =	sst s0;
	s0 =	simm.s32 @!p2 $0x0  }
0x16: {  	s3 =	sld [smem:$0x3FDB];
	s0 =	simm.s32 @p2 $0x1  }
0x17: {  	s4 =	simm.s32 $0x1BF5;
	[smem:$0x3FB3] =	sst s0  }
0x18: {  	s0 =	sld [smem:$0x3F96];
	_ =	swait.ge [sflag:s4], $0x0  }
0x19: {  	s7 =	sld [smem:$0x3F97]  }
0x1a: {  	s8 =	sadd.s32 $0xFFFFE003, lr  }
0x1b: {  	s9 =	sadd.s32 $0xFFFFFEF7, lr;
	s5 =	simm.s32 $0xFFFFFFFF;
	p2 =	slt.u32 s8, $0xFFFFF086  }
0x1c: {  	p1 =	slt.u32 s9, $0xF7A;
	s5 =	simm.s32 @!p2 $0x0  }
0x1d: {  	s5 =	simm.s32 @p1 $0x1;
	p0 =	seq.s32 s7, s2  }
0x1e: {  	s7 =	smul.u32 @!p0 $0xF7A, s2;
	p2 =	seq.s32 @!p0 s5, $0x0  }
0x1f: {  	s9 =	smul.u32 $0xF7A, s1;
	s8 =	simm.s32 @!p0 $0x1BF5;
	p2 =	por !p2, p0  }
0x20: {  	[sflag:s8] =	ssyncset.s32 @!p0 $0xFFFFF086;
	s6 =	sadd.s32 @!p0 s3, s7;
	s7 =	simm.s32 @!p0 $0x108  }
0x21: {  	s3 =	sadd.s32 s3, s9;
	s6 =	sadd.s32 @!p0 $0x88, s6;
	s7 =	simm.s32 @p2 $0x1082  }
0x22: {  	[simem:s7], [sflag:s8] =	dma.local @!p0 [hbm:s6], $0xF7A  }
0x23: {  	s9 =	sor.u32 $0xD0000000, s2;
	s6 =	simm.s32 $0x108;
	_ =	swait.ge @!p0 [sflag:s8], $0x0  }
0x24: {  	s3 =	sadd.s32 $0x88, s3;
	s6 =	simm.s32 @!p1 $0x1082;
	[sflag:s4] =	ssyncset.s32 $0xFFFFF086  }
0x25: {  	[simem:s6], [sflag:s4] =	dma.local [hbm:s3], $0xF7A  }
0x26: {  	[smem:$0x3F97] =	sst s1;
	(tag) =	ssettag s2;
	_ =	strace s9  }
0x27: {  	s1 =	sld [smem:$0x3FA7]  }
0x28: {  	s2 =	sld [smem:$0x3FA8]  }
0x29: {  	s4 =	sld [smem:$0x3FAA]  }
0x2a: {  	p0 =	seq.s32 s5, $0x0;
	s5 =	sld [smem:$0x3FAB]  }
0x2b: {  	s6 =	sld [smem:$0x3FAC]  }
0x2c: {  	s7 =	sld [smem:$0x3FAD]  }
0x2d: {  	s3 =	simm.s32 $0x108;
	s8 =	sld [smem:$0x3FAE]  }
0x2e: {  	s3 =	simm.s32 @!p0 $0x1082;
	s9 =	sld [smem:$0x3FAF]  }
0x2f: {  	lr =	sadd.s32 s0, s3;
	s0 =	sld [smem:$0x3FA6]  }
0x30: {  	s3 =	sld [smem:$0x3FA9]  }
0x31: {  	[smem:$0x3FB2] =	sst s10  }
0x32: {  	s10 =	sld [smem:$0x3FB0];
	_ =	sdelay $0x3  }
0x33: {  	p0 =	seq.s32 s10, $0x1;
	s10 =	sld [smem:$0x3FB2];
	_ =	sdelay $0x3  }
0x34: {  	[smem:$0x3FB2] =	sst s10  }
0x35: {  	s10 =	sld [smem:$0x3FB1];
	_ =	sdelay $0x3  }
0x36: {  	p1 =	seq.s32 s10, $0x1;
	s10 =	sld [smem:$0x3FB2];
	_ =	sdelay $0x3  }
0x37: {  	[smem:$0x3FB2] =	sst s10  }
0x38: {  	s10 =	sld [smem:$0x3FB3]  }
0x39: {  	_ = 	snop;
	(pc) =	sbr.ind lr, $3  }
0x3a: {  	_ = 	snop  }
0x3b: {  	_ = 	snop  }
0x3c: {  	p2 =	seq.s32 s10, $0x1;
	s10 =	sld [smem:$0x3FB2]  }
0x3d: {  	_ =	shalt  }
0x3e: {  	_ =	shalt  }
0x3f: {  	_ =	shalt  }
0x40: {  	_ =	shalt  }
0x41: {  	_ =	shalt  }
0x42: {  	_ =	shalt  }
0x43: {  	_ =	shalt  }
0x44: {  	_ =	shalt  }
0x45: {  	_ =	shalt  }
0x46: {  	_ =	shalt  }
0x47: {  	_ =	shalt  }
0x48: {  	_ =	shalt  }
0x49: {  	_ =	shalt  }
0x4a: {  	_ =	shalt  }
0x4b: {  	_ =	shalt  }
0x4c: {  	_ =	shalt  }
0x4d: {  	_ =	shalt  }
0x4e: {  	_ =	shalt  }
0x4f: {  	_ =	shalt  }
0x50: {  	_ =	shalt  }
0x51: {  	_ =	shalt  }
0x52: {  	_ =	shalt  }
0x53: {  	_ =	shalt  }
0x54: {  	_ =	shalt  }
0x55: {  	_ =	shalt  }
0x56: {  	_ =	shalt  }
0x57: {  	_ =	shalt  }
0x58: {  	_ =	shalt  }
0x59: {  	_ =	shalt  }
0x5a: {  	_ =	shalt  }
0x5b: {  	_ =	shalt  }
0x5c: {  	_ =	shalt  }
0x5d: {  	_ =	shalt  }
0x5e: {  	_ =	shalt  }
0x5f: {  	_ =	shalt  }
0x60: {  	_ =	shalt  }
0x61: {  	_ =	shalt  }
0x62: {  	_ =	shalt  }
0x63: {  	_ =	shalt  }
0x64: {  	_ =	shalt  }
0x65: {  	_ =	shalt  }
0x66: {  	_ =	shalt  }
0x67: {  	_ =	shalt  }
0x68: {  	_ =	shalt  }
0x69: {  	_ =	shalt  }
0x6a: {  	_ =	shalt  }
0x6b: {  	_ =	shalt  }
0x6c: {  	_ =	shalt  }
0x6d: {  	_ =	shalt  }
0x6e: {  	_ =	shalt  }
0x6f: {  	_ =	shalt  }
0x70: {  	_ =	shalt  }
0x71: {  	_ =	shalt  }
0x72: {  	_ =	shalt  }
0x73: {  	_ =	shalt  }
0x74: {  	_ =	shalt  }
0x75: {  	_ =	shalt  }
0x76: {  	_ =	shalt  }
0x77: {  	_ =	shalt  }
0x78: {  	_ =	shalt  }
0x79: {  	_ =	shalt  }
0x7a: {  	_ =	shalt  }
0x7b: {  	_ =	shalt  }
0x7c: {  	_ =	shalt  }
0x7d: {  	_ =	shalt  }
0x7e: {  	_ =	shalt  }
0x7f: {  	_ =	shalt  }
0x80: {  	_ =	shalt  }
0x81: {  	_ =	shalt  }
0x82: {  	_ =	shalt  }
0x83: {  	_ =	shalt  }
0x84: {  	_ =	shalt  }
0x85: {  	_ =	shalt  }
0x86: {  	_ =	shalt  }
0x87: {  	_ =	shalt  }
.Lfunc_end0:
.L_simem_size_0:
called_computation_lowered:
.L_overlay_start_0:
0x88: {  	s2 =	sld [smem:$0x3FD9]  }
0x89: {  	s3 =	sld [smem:$0x3FFE];
	_ =	sdelay $0x1  }
0x8a: {  	s1 =	srdreg.scid  }
0x8b: {  	s0 =	sand.u32 $0x1, s1  }
0x8c: {  	s17 =	sshll.u32 s0, $0xA;
	s2 =	sadd.s32 s3, s2  }
0x8d: {  	s2 =	sadd.s32 s2, s17  }
0x8e: {  	[smem:$0x3FBE] =	sst s2  }
0x8f: {  	_ = 	snop  }
0x90: {  	(tm) =	ssettm $0x1  }
0x91: {  	s18 =	sld [smem:$0x3FFB];
	_ =	sdelay $0x3  }
0x92: {  	_ =	strace s18  }
0x93: {  	s2 =	sld [smem:$0x3FFC];
	_ =	sdelay $0x3  }
0x94: {  	_ =	strace s2  }
0x95: {  	s2 =	sld [smem:$0x3FFD];
	_ =	sdelay $0x3  }
0x96: {  	_ =	strace s2  }
0x97: {  	_ =	strace $0x8FFFFFFF  }
0x98: {  	s19 =	sld [smem:$0x3FDB];
	_ =	sdelay $0x1  }
0x99: {  	s20 =	simm.s32 $_scs_section_size  }
0x9a: {  	s4 =	simm.s32 $_size__tile_overlayer_lowered;
	s5 =	simm.s32 $_tile_overlayer_lowered  }
0x9b: {  	s6 =	simm.s32 $0x1BFF;
	s21 =	sshll.u32 s5, $0x1;
	s3 =	sadd.s32 s20, s19  }
0x9c: {  	s22 =	simm.s32 $0x0;
	s4 =	sshll.u32 s4, $0x1;
	s5 =	sadd.s32 s21, s3  }
0x9d: {  	[timem:s22], [sflag:s6] =	dma.local [hbm:s5], s4  }
0x9e: {  	_ =	swait.ge [sflag:s6], s4  }
0x9f: {  	s4 =	ssub.s32 $0x0, s4;
	[sflag:s6] =	ssyncset.done $0x0  }
0xa0: {  	[sflag:s6] =	ssyncadd.s32 s4;
	_ =	sdelay $0x1  }
0xa1: {  	s23 =	simm.s32 $0x1B8B  }
0xa2: {  	_ =	swait.ge [sflag:s23], $0x1  }
0xa3: {  	[sflag:s23] =	ssyncset.done $0x0  }
0xa4: {  	[sflag:s23] =	ssyncadd.s32 $0xFFFFFFFF  }
0xa5: {  	s4 =	sld [smem:$0x0]  }
0xa6: {  	s5 =	sand.u32 $0xFFFFFFFE, s1  }
0xa7: {  	p0 =	sne.s32 s1, s5  }
0xa8: {  	s5 =	sshll.u32 @p0 s5, $0xE  }
0xa9: {  	s5 =	sadd.s32 @p0 $0x11B8D, s5;
	s6 =	sshll.u32 @p0 s4, $0x11  }
0xaa: {  	s5 =	sor.u32 @p0 s6, s5  }
0xab: {  	[sflag:s5] =	ssyncadd.remote.s32 @p0 $0x1;
	_ =	sdelay $0x1  }
0xac: {  	s5 =	simm.s32 @p0 $0x1B8D  }
0xad: {  	_ =	swait.eq @p0 [sflag:s5], $0x1  }
0xae: {  	[sflag:s5] =	ssyncadd.s32 @p0 $0xFFFFFFFF  }
0xaf: {  	s6 =	sshll.u32 @!p0 s1, $0xE  }
0xb0: {  	s6 =	sor.u32 @!p0 $0x4000, s6;
	s5 =	simm.s32 @!p0 $0x1B8D  }
0xb1: {  	s4 =	sshll.u32 @!p0 s4, $0x11;
	s6 =	sadd.s32 @!p0 $0x11B8D, s6;
	_ =	swait.eq @!p0 [sflag:s5], $0x1  }
0xb2: {  	s4 =	sor.u32 @!p0 s4, s6;
	[sflag:s5] =	ssyncadd.s32 @!p0 $0xFFFFFFFF  }
0xb3: {  	s25 =	simm.s32 $0x1B8E;
	s24 =	sld [smem:$0x3FFE];
	[sflag:s4] =	ssyncadd.remote.s32 @!p0 $0x1  }
0xb4: {  	s26 =	simm.s32 $execute0_lowered;
	[smem:$0x3FD2] =	sst s25  }
0xb5: {  	s5 =	sshll.u32 s26, $0x1;
	_ =	strace $0x80000049;
	[dreg:$0x1] =	wrdreg $0xFFFFFFFF  }
0xb6: {  	s28 =	simm.s32 $_size_execute0_lowered;
	s3 =	sadd.s32 s3, s5;
	[dreg:$0x0] =	wrdreg $0x0  }
0xb7: {  	s5 =	sshll.u32 s28, $0x1;
	[dreg:$0x2] =	wrdreg s3  }
0xb8: {  	[dreg:$0x3] =	wrdreg s5  }
0xb9: {  	[dreg:$0x4] =	wrdreg $0xC0  }
0xba: {  	_ =	task [dreg:s22], $0x5FFFF  }
0xbb: {  	[dreg:$0x1] =	wrdreg $0xFFFFFFFF  }
0xbc: {  	[dreg:$0x0] =	wrdreg $0x60  }
0xbd: {  	[dreg:$0x2] =	wrdreg s24  }
0xbe: {  	[dreg:$0x3] =	wrdreg $0x9  }
0xbf: {  	_ =	task.clear_ibuf [dreg:s22], $0x4FFFF;
	_ =	strace $0x90000049  }
0xc0: {  	s29 =	simm.s32 $0x9;
	_ =	strace $0x8000004B  }
0xc1: {  	_ =	swait.ge [sflag:s29], $0x1  }
0xc2: {  	[sflag:s29] =	ssyncadd.s32 $0xFFFFFFFF  }
0xc3: {  	_ =	strace $0x9000004B  }
0xc4: {  	_ =	sfence  }
0xc5: {  	s30 =	sld [smem:$0x0];
	_ =	sdelay $0x2  }
0xc6: {  	s31 =	sshll.u32 s1, $0xD;
	s1 =	sshrl.u32 s1, $0x2  }
0xc7: {  	s4 =	sand.u32 $0x4000, s31;
	s1 =	sadd.s32 s1, s30  }
0xc8: {  	s0 =	sor.u32 s4, s0;
	s1 =	sshll.u32 s1, $0x11  }
0xc9: {  	s0 =	sor.u32 s1, s0  }
0xca: {  	s0 =	sadd.s32 $0x8F2B, s0  }
0xcb: {  	[sflag:s0] =	ssyncadd.remote.s32 $0x1  }
0xcc: {  	_ =	sfence.sel $0xFFFF  }
0xcd: {  	[dreg:$0x0] =	wrdreg $0xFFFFFFFF;
	(pc) =	sbr.abs _section_cstart, $3  }
0xce: {  	[dreg:$0x1] =	wrdreg $0xFFFFFFFF  }
0xcf: {  	_ =	task.clear_ibuf [dreg:s22], $0x2FFFF;
	_ =	strace $0x9FFFFFFF  }
0xd0: {  	(tm) =	ssettm $0x7FFFFFFF  }
0xd1: {  	_ =	shalt  }
tec
execute0_lowered:
.L_overlay_start_1:
0x0: {  	(tag) =	ssettag $0x1  }
0x1: {  	s4 =	rddreg [dreg:$0x0];
	s0 =	srdreg.scid  }
0x2: {  	s1 =	stileid.u32;
	s2 =	simm.s32 $0x0;
	s31 =	sand.u32 $0x1, s0  }
0x3: {  	s1 =	sshll.u32 s1, $0xD;
	[smem:$0x7FF] =	sst s2;
	s3 =	sshll.u32 s31, $0xC  }
0x4: {  	s30 =	sadd.s32 $0x287A00, s4;
	s0 =	sadd.s32 $0x28BA00, s4;
	s1 =	sor.u32 s3, s1  }
0x5: {  	_ =	strace $0x8000004A;
	s3 =	sshrl.u32 s1, $0x3;
	s5 =	sshll.u32 s1, $0x4  }
0x6: {  	s15 =	sor.u32 $0x80, s1;
	s6 =	sor.u32 $0x100, s1;
	s22 =	sor.u32 $0x180, s1  }
0x7: {  	s24 =	sor.u32 $0x200, s1;
	s8 =	sor.u32 $0x280, s1;
	s10 =	sor.u32 $0x300, s1  }
0x8: {  	s3 =	sadd.s32 s30, s3;
	s14 =	sadd.s32 s0, s5;
	s16 =	sshrl.u32 s15, $0x3  }
0x9: {  	s5 =	sshll.u32 s15, $0x4;
	s18 =	sshrl.u32 s6, $0x3;
	s20 =	sshll.u32 s6, $0x4  }
0xa: {  	s23 =	sshrl.u32 s22, $0x3;
	s26 =	sshrl.u32 s24, $0x3;
	s6 =	sshll.u32 s24, $0x4  }
0xb: {  	s9 =	sshrl.u32 s8, $0x3;
	s12 =	sshrl.u32 s10, $0x3;
	[dreg:$0x2] =	wrdreg s3  }
0xc: {  	s24 =	sor.u32 $0x480, s1;
	[dreg:$0x3] =	wrdreg s14;
	s3 =	sadd.s32 s30, s16  }
0xd: {  	s17 =	sadd.s32 s0, s5;
	s19 =	sadd.s32 s30, s18;
	s21 =	sadd.s32 s0, s20  }
0xe: {  	s5 =	sshll.u32 s22, $0x4;
	s7 =	sadd.s32 s0, s6;
	[dreg:$0x4] =	wrdreg s3  }
0xf: {  	s13 =	sadd.s32 s30, s12;
	s14 =	sshll.u32 s10, $0x4;
	[dreg:$0x5] =	wrdreg s17  }
0x10: {  	s16 =	sor.u32 $0x380, s1;
	s18 =	sor.u32 $0x400, s1;
	[dreg:$0x6] =	wrdreg s19  }
0x11: {  	s12 =	sor.u32 $0x580, s1;
	s6 =	sor.u32 $0x780, s1;
	[dreg:$0x7] =	wrdreg s21  }
0x12: {  	s3 =	sadd.s32 s30, s23;
	s25 =	sadd.s32 s0, s5;
	[dreg:$0xb] =	wrdreg s7  }
0x13: {  	s5 =	sadd.s32 s30, s26;
	[dreg:$0xe] =	wrdreg s13;
	s15 =	sadd.s32 s0, s14  }
0x14: {  	s17 =	sshrl.u32 s16, $0x3;
	s20 =	sshrl.u32 s18, $0x3;
	[dreg:$0x8] =	wrdreg s3  }
0x15: {  	s22 =	sshll.u32 s18, $0x4;
	s26 =	sor.u32 $0x500, s1;
	[dreg:$0x9] =	wrdreg s25  }
0x16: {  	s13 =	sshrl.u32 s12, $0x3;
	s14 =	sor.u32 $0x600, s1;
	[dreg:$0xa] =	wrdreg s5  }
0x17: {  	s3 =	sadd.s32 s30, s9;
	s5 =	sshll.u32 s8, $0x4;
	[dreg:$0xf] =	wrdreg s15  }
0x18: {  	s21 =	sadd.s32 s30, s20;
	s23 =	sadd.s32 s0, s22;
	[dreg:$0xc] =	wrdreg s3  }
0x19: {  	s25 =	sshrl.u32 s24, $0x3;
	s8 =	sshrl.u32 s26, $0x3;
	[dreg:$0x12] =	wrdreg s21  }
0x1a: {  	s10 =	sshll.u32 s26, $0x4;
	s11 =	sadd.s32 s0, s5;
	[dreg:$0x13] =	wrdreg s23  }
0x1b: {  	s18 =	sshll.u32 s14, $0x4;
	s3 =	sadd.s32 s30, s17;
	[dreg:$0xd] =	wrdreg s11  }
0x1c: {  	s5 =	sshll.u32 s16, $0x4;
	s9 =	sadd.s32 s30, s8;
	[dreg:$0x10] =	wrdreg s3  }
0x1d: {  	s20 =	sor.u32 $0x680, s1;
	s19 =	sadd.s32 s0, s5;
	[dreg:$0x16] =	wrdreg s9  }
0x1e: {  	s22 =	sor.u32 $0x700, s1;
	s3 =	sadd.s32 s30, s25;
	[dreg:$0x11] =	wrdreg s19  }
0x1f: {  	s16 =	sshrl.u32 s14, $0x3;
	s11 =	sadd.s32 s0, s10;
	[dreg:$0x14] =	wrdreg s3  }
0x20: {  	s21 =	sshrl.u32 s20, $0x3;
	s17 =	sadd.s32 s30, s16;
	[dreg:$0x17] =	wrdreg s11  }
0x21: {  	s5 =	sshll.u32 s24, $0x4;
	s24 =	sshrl.u32 s22, $0x3;
	[dreg:$0x1a] =	wrdreg s17  }
0x22: {  	s7 =	sadd.s32 s0, s5;
	s25 =	sadd.s32 s30, s24;
	s24 =	rddreg [dreg:$0x2]  }
0x23: {  	s26 =	sshll.u32 s22, $0x4;
	s3 =	sadd.s32 s30, s13;
	[dreg:$0x15] =	wrdreg s7  }
0x24: {  	s8 =	sor.u32 $0x800, s1;
	s19 =	sadd.s32 s0, s18;
	[dreg:$0x18] =	wrdreg s3  }
0x25: {  	s14 =	sor.u32 $0x880, s1;
	s10 =	sshrl.u32 s8, $0x3;
	[dreg:$0x1b] =	wrdreg s19  }
0x26: {  	s5 =	sshll.u32 s12, $0x4;
	s11 =	sadd.s32 s30, s10;
	[dreg:$0x1e] =	wrdreg s25  }
0x27: {  	s16 =	sor.u32 $0x900, s1;
	s15 =	sadd.s32 s0, s5;
	[smem:$0x7F5] =	sst s11  }
0x28: {  	[tilespmem:s2], [sflag:$0x2] =	stream.linear.gather [hbm4b:s24+s2], $0x80, $0x38;
	[tilespmem:$0x4080] =	vst v63  }
0x29: {  	s12 =	sshll.u32 s8, $0x4;
	s3 =	sadd.s32 s30, s21;
	[dreg:$0x19] =	wrdreg s15  }
0x2a: {  	s18 =	sshrl.u32 s16, $0x3;
	s13 =	sadd.s32 s0, s12;
	[dreg:$0x1c] =	wrdreg s3  }
0x2b: {  	s5 =	sshll.u32 s20, $0x4;
	s19 =	sadd.s32 s30, s18;
	[smem:$0x7F6] =	sst s13  }
0x2c: {  	s22 =	sor.u32 $0x980, s1;
	s23 =	sadd.s32 s0, s5;
	[smem:$0x7F9] =	sst s19  }
0x2d: {  	s7 =	sshrl.u32 s6, $0x3;
	s5 =	sadd.s32 s0, s26;
	[dreg:$0x1d] =	wrdreg s23  }
0x2e: {  	s20 =	sshll.u32 s16, $0x4;
	s3 =	sadd.s32 s30, s7;
	[dreg:$0x1f] =	wrdreg s5  }
0x2f: {  	s15 =	sshrl.u32 s14, $0x3;
	s21 =	sadd.s32 s0, s20;
	[smem:$0x7F3] =	sst s3  }
0x30: {  	s5 =	sshll.u32 s6, $0x4;
	s3 =	sadd.s32 s30, s15;
	[smem:$0x7FA] =	sst s21  }
0x31: {  	s23 =	sshrl.u32 s22, $0x3;
	s9 =	sadd.s32 s0, s5;
	[smem:$0x7F7] =	sst s3  }
0x32: {  	s5 =	sshll.u32 s14, $0x4;
	s3 =	sadd.s32 s30, s23;
	[smem:$0x7F4] =	sst s9  }
0x33: {  	s17 =	sadd.s32 s0, s5;
	s5 =	sshll.u32 s22, $0x4;
	[smem:$0x7FB] =	sst s3  }
0x34: {  	[smem:$0x7F8] =	sst s17;
	s25 =	sadd.s32 s0, s5  }
0x35: {  	s3 =	simm.s32 $0x2;
	[smem:$0x7FC] =	sst s25  }
0x36: {  	_ =	swait.ge [sflag:s3], $0x80  }
0x37: {  	s4 =	sadd.s32 $0x7A00, s4;
	[sflag:s3] =	ssyncset.done $0x0  }
0x38: {  	s6 =	simm.s32 $0x1;
	s5 =	simm.s32 $0x80;
	[sflag:s3] =	ssyncadd.s32 $0xFFFFFF80  }
0x39: {  	[tilespmem:s5], [sflag:$0x1] =	stream.indirect.gather [hbm4b:s4+s5], $0x80, s2, s5, $0xb8;
	[tilespmem:$0x4080] =	vst v63  }
0x3a: {  	_ =	swait.ge [sflag:s6], $0x4000  }
0x3b: {  	[sflag:s6] =	ssyncset.done $0x0  }
0x3c: {  	s7 =	rddreg [dreg:$0x3];
	[sflag:s6] =	ssyncadd.s32 $0xFFFFC000  }
0x3d: {  	[hbm4b:s7+s2] =	stream.linear.scatter [tilespmem:s5], [sflag:$0x2], $0x4000, $0x38;
	[tilespmem:$0x4080] =	vst v63  }
0x3e: {  	_ =	swait.ge [sflag:s3], $0x4000  }
0x3f: {  	[sflag:s3] =	ssyncset.done $0x0  }
0x40: {  	s26 =	rddreg [dreg:$0x4];
	[sflag:s3] =	ssyncadd.s32 $0xFFFFC000  }
0x41: {  	[tilespmem:s2], [sflag:$0x2] =	stream.linear.gather [hbm4b:s26+s2], $0x80, $0x38;
	[tilespmem:$0x4080] =	vst v63  }
0x42: {  	_ =	swait.ge [sflag:s3], $0x80  }
0x43: {  	[sflag:s3] =	ssyncset.done $0x0  }
0x44: {  	[sflag:s3] =	ssyncadd.s32 $0xFFFFFF80  }
0x45: {  	[tilespmem:s5], [sflag:$0x1] =	stream.indirect.gather [hbm4b:s4+s5], $0x80, s2, s5, $0xb8;
	[tilespmem:$0x4080] =	vst v63  }
0x46: {  	_ =	swait.ge [sflag:s6], $0x4000  }
0x47: {  	[sflag:s6] =	ssyncset.done $0x0  }
0x48: {  	s8 =	rddreg [dreg:$0x5];
	[sflag:s6] =	ssyncadd.s32 $0xFFFFC000  }
0x49: {  	[hbm4b:s8+s2] =	stream.linear.scatter [tilespmem:s5], [sflag:$0x2], $0x4000, $0x38;
	[tilespmem:$0x4080] =	vst v63  }
0x4a: {  	_ =	swait.ge [sflag:s3], $0x4000  }
0x4b: {  	[sflag:s3] =	ssyncset.done $0x0  }
0x4c: {  	s9 =	rddreg [dreg:$0x6];
	[sflag:s3] =	ssyncadd.s32 $0xFFFFC000  }
0x4d: {  	[tilespmem:s2], [sflag:$0x2] =	stream.linear.gather [hbm4b:s9+s2], $0x80, $0x38;
	[tilespmem:$0x4080] =	vst v63  }
0x4e: {  	_ =	swait.ge [sflag:s3], $0x80  }
0x4f: {  	[sflag:s3] =	ssyncset.done $0x0  }
0x50: {  	[sflag:s3] =	ssyncadd.s32 $0xFFFFFF80  }
0x51: {  	[tilespmem:s5], [sflag:$0x1] =	stream.indirect.gather [hbm4b:s4+s5], $0x80, s2, s5, $0xb8;
	[tilespmem:$0x4080] =	vst v63  }
0x52: {  	_ =	swait.ge [sflag:s6], $0x4000  }
0x53: {  	[sflag:s6] =	ssyncset.done $0x0  }
0x54: {  	s10 =	rddreg [dreg:$0x7];
	[sflag:s6] =	ssyncadd.s32 $0xFFFFC000  }
0x55: {  	[hbm4b:s10+s2] =	stream.linear.scatter [tilespmem:s5], [sflag:$0x2], $0x4000, $0x38;
	[tilespmem:$0x4080] =	vst v63  }
0x56: {  	_ =	swait.ge [sflag:s3], $0x4000  }
0x57: {  	[sflag:s3] =	ssyncset.done $0x0  }
0x58: {  	s11 =	rddreg [dreg:$0x8];
	[sflag:s3] =	ssyncadd.s32 $0xFFFFC000  }
0x59: {  	[tilespmem:s2], [sflag:$0x2] =	stream.linear.gather [hbm4b:s11+s2], $0x80, $0x38;
	[tilespmem:$0x4080] =	vst v63  }
0x5a: {  	_ =	swait.ge [sflag:s3], $0x80  }
0x5b: {  	[sflag:s3] =	ssyncset.done $0x0  }
0x5c: {  	[sflag:s3] =	ssyncadd.s32 $0xFFFFFF80  }
0x5d: {  	[tilespmem:s5], [sflag:$0x1] =	stream.indirect.gather [hbm4b:s4+s5], $0x80, s2, s5, $0xb8;
	[tilespmem:$0x4080] =	vst v63  }
0x5e: {  	_ =	swait.ge [sflag:s6], $0x4000  }
0x5f: {  	[sflag:s6] =	ssyncset.done $0x0  }
0x60: {  	s12 =	rddreg [dreg:$0x9];
	[sflag:s6] =	ssyncadd.s32 $0xFFFFC000  }
0x61: {  	[hbm4b:s12+s2] =	stream.linear.scatter [tilespmem:s5], [sflag:$0x2], $0x4000, $0x38;
	[tilespmem:$0x4080] =	vst v63  }
0x62: {  	_ =	swait.ge [sflag:s3], $0x4000  }
0x63: {  	[sflag:s3] =	ssyncset.done $0x0  }
0x64: {  	s13 =	rddreg [dreg:$0xa];
	[sflag:s3] =	ssyncadd.s32 $0xFFFFC000  }
0x65: {  	[tilespmem:s2], [sflag:$0x2] =	stream.linear.gather [hbm4b:s13+s2], $0x80, $0x38;
	[tilespmem:$0x4080] =	vst v63  }
0x66: {  	_ =	swait.ge [sflag:s3], $0x80  }
0x67: {  	[sflag:s3] =	ssyncset.done $0x0  }
0x68: {  	[sflag:s3] =	ssyncadd.s32 $0xFFFFFF80  }
0x69: {  	[tilespmem:s5], [sflag:$0x1] =	stream.indirect.gather [hbm4b:s4+s5], $0x80, s2, s5, $0xb8;
	[tilespmem:$0x4080] =	vst v63  }
0x6a: {  	_ =	swait.ge [sflag:s6], $0x4000  }
0x6b: {  	[sflag:s6] =	ssyncset.done $0x0  }
0x6c: {  	s14 =	rddreg [dreg:$0xb];
	[sflag:s6] =	ssyncadd.s32 $0xFFFFC000  }
0x6d: {  	[hbm4b:s14+s2] =	stream.linear.scatter [tilespmem:s5], [sflag:$0x2], $0x4000, $0x38;
	[tilespmem:$0x4080] =	vst v63  }
0x6e: {  	_ =	swait.ge [sflag:s3], $0x4000  }
0x6f: {  	[sflag:s3] =	ssyncset.done $0x0  }
0x70: {  	s15 =	rddreg [dreg:$0xc];
	[sflag:s3] =	ssyncadd.s32 $0xFFFFC000  }
0x71: {  	[tilespmem:s2], [sflag:$0x2] =	stream.linear.gather [hbm4b:s15+s2], $0x80, $0x38;
	[tilespmem:$0x4080] =	vst v63  }
0x72: {  	_ =	swait.ge [sflag:s3], $0x80  }
0x73: {  	[sflag:s3] =	ssyncset.done $0x0  }
0x74: {  	[sflag:s3] =	ssyncadd.s32 $0xFFFFFF80  }
0x75: {  	[tilespmem:s5], [sflag:$0x1] =	stream.indirect.gather [hbm4b:s4+s5], $0x80, s2, s5, $0xb8;
	[tilespmem:$0x4080] =	vst v63  }
0x76: {  	_ =	swait.ge [sflag:s6], $0x4000  }
0x77: {  	[sflag:s6] =	ssyncset.done $0x0  }
0x78: {  	s16 =	rddreg [dreg:$0xd];
	[sflag:s6] =	ssyncadd.s32 $0xFFFFC000  }
0x79: {  	[hbm4b:s16+s2] =	stream.linear.scatter [tilespmem:s5], [sflag:$0x2], $0x4000, $0x38;
	[tilespmem:$0x4080] =	vst v63  }
0x7a: {  	_ =	swait.ge [sflag:s3], $0x4000  }
0x7b: {  	[sflag:s3] =	ssyncset.done $0x0  }
0x7c: {  	s17 =	rddreg [dreg:$0xe];
	[sflag:s3] =	ssyncadd.s32 $0xFFFFC000  }
0x7d: {  	[tilespmem:s2], [sflag:$0x2] =	stream.linear.gather [hbm4b:s17+s2], $0x80, $0x38;
	[tilespmem:$0x4080] =	vst v63  }
0x7e: {  	_ =	swait.ge [sflag:s3], $0x80  }
0x7f: {  	[sflag:s3] =	ssyncset.done $0x0  }
0x80: {  	[sflag:s3] =	ssyncadd.s32 $0xFFFFFF80  }
0x81: {  	[tilespmem:s5], [sflag:$0x1] =	stream.indirect.gather [hbm4b:s4+s5], $0x80, s2, s5, $0xb8;
	[tilespmem:$0x4080] =	vst v63  }
0x82: {  	_ =	swait.ge [sflag:s6], $0x4000  }
0x83: {  	[sflag:s6] =	ssyncset.done $0x0  }
0x84: {  	s18 =	rddreg [dreg:$0xf];
	[sflag:s6] =	ssyncadd.s32 $0xFFFFC000  }
0x85: {  	[hbm4b:s18+s2] =	stream.linear.scatter [tilespmem:s5], [sflag:$0x2], $0x4000, $0x38;
	[tilespmem:$0x4080] =	vst v63  }
0x86: {  	_ =	swait.ge [sflag:s3], $0x4000  }
0x87: {  	[sflag:s3] =	ssyncset.done $0x0  }
0x88: {  	s19 =	rddreg [dreg:$0x10];
	[sflag:s3] =	ssyncadd.s32 $0xFFFFC000  }
0x89: {  	[tilespmem:s2], [sflag:$0x2] =	stream.linear.gather [hbm4b:s19+s2], $0x80, $0x38;
	[tilespmem:$0x4080] =	vst v63  }
0x8a: {  	_ =	swait.ge [sflag:s3], $0x80  }
0x8b: {  	[sflag:s3] =	ssyncset.done $0x0  }
0x8c: {  	[sflag:s3] =	ssyncadd.s32 $0xFFFFFF80  }
0x8d: {  	[tilespmem:s5], [sflag:$0x1] =	stream.indirect.gather [hbm4b:s4+s5], $0x80, s2, s5, $0xb8;
	[tilespmem:$0x4080] =	vst v63  }
0x8e: {  	_ =	swait.ge [sflag:s6], $0x4000  }
0x8f: {  	[sflag:s6] =	ssyncset.done $0x0  }
0x90: {  	s20 =	rddreg [dreg:$0x11];
	[sflag:s6] =	ssyncadd.s32 $0xFFFFC000  }
0x91: {  	[hbm4b:s20+s2] =	stream.linear.scatter [tilespmem:s5], [sflag:$0x2], $0x4000, $0x38;
	[tilespmem:$0x4080] =	vst v63  }
0x92: {  	_ =	swait.ge [sflag:s3], $0x4000  }
0x93: {  	[sflag:s3] =	ssyncset.done $0x0  }
0x94: {  	s21 =	rddreg [dreg:$0x12];
	[sflag:s3] =	ssyncadd.s32 $0xFFFFC000  }
0x95: {  	[tilespmem:s2], [sflag:$0x2] =	stream.linear.gather [hbm4b:s21+s2], $0x80, $0x38;
	[tilespmem:$0x4080] =	vst v63  }
0x96: {  	_ =	swait.ge [sflag:s3], $0x80  }
0x97: {  	[sflag:s3] =	ssyncset.done $0x0  }
0x98: {  	[sflag:s3] =	ssyncadd.s32 $0xFFFFFF80  }
0x99: {  	[tilespmem:s5], [sflag:$0x1] =	stream.indirect.gather [hbm4b:s4+s5], $0x80, s2, s5, $0xb8;
	[tilespmem:$0x4080] =	vst v63  }
0x9a: {  	_ =	swait.ge [sflag:s6], $0x4000  }
0x9b: {  	[sflag:s6] =	ssyncset.done $0x0  }
0x9c: {  	s22 =	rddreg [dreg:$0x13];
	[sflag:s6] =	ssyncadd.s32 $0xFFFFC000  }
0x9d: {  	[hbm4b:s22+s2] =	stream.linear.scatter [tilespmem:s5], [sflag:$0x2], $0x4000, $0x38;
	[tilespmem:$0x4080] =	vst v63  }
0x9e: {  	_ =	swait.ge [sflag:s3], $0x4000  }
0x9f: {  	[sflag:s3] =	ssyncset.done $0x0  }
0xa0: {  	s23 =	rddreg [dreg:$0x14];
	[sflag:s3] =	ssyncadd.s32 $0xFFFFC000  }
0xa1: {  	[tilespmem:s2], [sflag:$0x2] =	stream.linear.gather [hbm4b:s23+s2], $0x80, $0x38;
	[tilespmem:$0x4080] =	vst v63  }
0xa2: {  	_ =	swait.ge [sflag:s3], $0x80  }
0xa3: {  	[sflag:s3] =	ssyncset.done $0x0  }
0xa4: {  	[sflag:s3] =	ssyncadd.s32 $0xFFFFFF80  }
0xa5: {  	[tilespmem:s5], [sflag:$0x1] =	stream.indirect.gather [hbm4b:s4+s5], $0x80, s2, s5, $0xb8;
	[tilespmem:$0x4080] =	vst v63  }
0xa6: {  	_ =	swait.ge [sflag:s6], $0x4000  }
0xa7: {  	[sflag:s6] =	ssyncset.done $0x0  }
0xa8: {  	s24 =	rddreg [dreg:$0x15];
	[sflag:s6] =	ssyncadd.s32 $0xFFFFC000  }
0xa9: {  	[hbm4b:s24+s2] =	stream.linear.scatter [tilespmem:s5], [sflag:$0x2], $0x4000, $0x38;
	[tilespmem:$0x4080] =	vst v63  }
0xaa: {  	_ =	swait.ge [sflag:s3], $0x4000  }
0xab: {  	[sflag:s3] =	ssyncset.done $0x0  }
0xac: {  	s25 =	rddreg [dreg:$0x16];
	[sflag:s3] =	ssyncadd.s32 $0xFFFFC000  }
0xad: {  	[tilespmem:s2], [sflag:$0x2] =	stream.linear.gather [hbm4b:s25+s2], $0x80, $0x38;
	[tilespmem:$0x4080] =	vst v63  }
0xae: {  	_ =	swait.ge [sflag:s3], $0x80  }
0xaf: {  	[sflag:s3] =	ssyncset.done $0x0  }
0xb0: {  	[sflag:s3] =	ssyncadd.s32 $0xFFFFFF80  }
0xb1: {  	[tilespmem:s5], [sflag:$0x1] =	stream.indirect.gather [hbm4b:s4+s5], $0x80, s2, s5, $0xb8;
	[tilespmem:$0x4080] =	vst v63  }
0xb2: {  	_ =	swait.ge [sflag:s6], $0x4000  }
0xb3: {  	[sflag:s6] =	ssyncset.done $0x0  }
0xb4: {  	s26 =	rddreg [dreg:$0x17];
	[sflag:s6] =	ssyncadd.s32 $0xFFFFC000  }
0xb5: {  	[hbm4b:s26+s2] =	stream.linear.scatter [tilespmem:s5], [sflag:$0x2], $0x4000, $0x38;
	[tilespmem:$0x4080] =	vst v63  }
0xb6: {  	_ =	swait.ge [sflag:s3], $0x4000  }
0xb7: {  	[sflag:s3] =	ssyncset.done $0x0  }
0xb8: {  	s8 =	rddreg [dreg:$0x18];
	[sflag:s3] =	ssyncadd.s32 $0xFFFFC000  }
0xb9: {  	[tilespmem:s2], [sflag:$0x2] =	stream.linear.gather [hbm4b:s8+s2], $0x80, $0x38;
	[tilespmem:$0x4080] =	vst v63  }
0xba: {  	_ =	swait.ge [sflag:s3], $0x80  }
0xbb: {  	[sflag:s3] =	ssyncset.done $0x0  }
0xbc: {  	[sflag:s3] =	ssyncadd.s32 $0xFFFFFF80  }
0xbd: {  	[tilespmem:s5], [sflag:$0x1] =	stream.indirect.gather [hbm4b:s4+s5], $0x80, s2, s5, $0xb8;
	[tilespmem:$0x4080] =	vst v63  }
0xbe: {  	_ =	swait.ge [sflag:s6], $0x4000  }
0xbf: {  	[sflag:s6] =	ssyncset.done $0x0  }
0xc0: {  	s9 =	rddreg [dreg:$0x19];
	[sflag:s6] =	ssyncadd.s32 $0xFFFFC000  }
0xc1: {  	[hbm4b:s9+s2] =	stream.linear.scatter [tilespmem:s5], [sflag:$0x2], $0x4000, $0x38;
	[tilespmem:$0x4080] =	vst v63  }
0xc2: {  	_ =	swait.ge [sflag:s3], $0x4000  }
0xc3: {  	[sflag:s3] =	ssyncset.done $0x0  }
0xc4: {  	s10 =	rddreg [dreg:$0x1a];
	[sflag:s3] =	ssyncadd.s32 $0xFFFFC000  }
0xc5: {  	[tilespmem:s2], [sflag:$0x2] =	stream.linear.gather [hbm4b:s10+s2], $0x80, $0x38;
	[tilespmem:$0x4080] =	vst v63  }
0xc6: {  	_ =	swait.ge [sflag:s3], $0x80  }
0xc7: {  	[sflag:s3] =	ssyncset.done $0x0  }
0xc8: {  	[sflag:s3] =	ssyncadd.s32 $0xFFFFFF80  }
0xc9: {  	[tilespmem:s5], [sflag:$0x1] =	stream.indirect.gather [hbm4b:s4+s5], $0x80, s2, s5, $0xb8;
	[tilespmem:$0x4080] =	vst v63  }
0xca: {  	_ =	swait.ge [sflag:s6], $0x4000  }
0xcb: {  	[sflag:s6] =	ssyncset.done $0x0  }
0xcc: {  	s11 =	rddreg [dreg:$0x1b];
	[sflag:s6] =	ssyncadd.s32 $0xFFFFC000  }
0xcd: {  	[hbm4b:s11+s2] =	stream.linear.scatter [tilespmem:s5], [sflag:$0x2], $0x4000, $0x38;
	[tilespmem:$0x4080] =	vst v63  }
0xce: {  	_ =	swait.ge [sflag:s3], $0x4000  }
0xcf: {  	[sflag:s3] =	ssyncset.done $0x0  }
0xd0: {  	s12 =	rddreg [dreg:$0x1c];
	[sflag:s3] =	ssyncadd.s32 $0xFFFFC000  }
0xd1: {  	[tilespmem:s2], [sflag:$0x2] =	stream.linear.gather [hbm4b:s12+s2], $0x80, $0x38;
	[tilespmem:$0x4080] =	vst v63  }
0xd2: {  	_ =	swait.ge [sflag:s3], $0x80  }
0xd3: {  	[sflag:s3] =	ssyncset.done $0x0  }
0xd4: {  	[sflag:s3] =	ssyncadd.s32 $0xFFFFFF80  }
0xd5: {  	[tilespmem:s5], [sflag:$0x1] =	stream.indirect.gather [hbm4b:s4+s5], $0x80, s2, s5, $0xb8;
	[tilespmem:$0x4080] =	vst v63  }
0xd6: {  	_ =	swait.ge [sflag:s6], $0x4000  }
0xd7: {  	[sflag:s6] =	ssyncset.done $0x0  }
0xd8: {  	s13 =	rddreg [dreg:$0x1d];
	[sflag:s6] =	ssyncadd.s32 $0xFFFFC000  }
0xd9: {  	[hbm4b:s13+s2] =	stream.linear.scatter [tilespmem:s5], [sflag:$0x2], $0x4000, $0x38;
	[tilespmem:$0x4080] =	vst v63  }
0xda: {  	_ =	swait.ge [sflag:s3], $0x4000  }
0xdb: {  	[sflag:s3] =	ssyncset.done $0x0  }
0xdc: {  	s14 =	rddreg [dreg:$0x1e];
	[sflag:s3] =	ssyncadd.s32 $0xFFFFC000  }
0xdd: {  	[tilespmem:s2], [sflag:$0x2] =	stream.linear.gather [hbm4b:s14+s2], $0x80, $0x38;
	[tilespmem:$0x4080] =	vst v63  }
0xde: {  	_ =	swait.ge [sflag:s3], $0x80  }
0xdf: {  	[sflag:s3] =	ssyncset.done $0x0  }
0xe0: {  	[sflag:s3] =	ssyncadd.s32 $0xFFFFFF80  }
0xe1: {  	[tilespmem:s5], [sflag:$0x1] =	stream.indirect.gather [hbm4b:s4+s5], $0x80, s2, s5, $0xb8;
	[tilespmem:$0x4080] =	vst v63  }
0xe2: {  	_ =	swait.ge [sflag:s6], $0x4000  }
0xe3: {  	[sflag:s6] =	ssyncset.done $0x0  }
0xe4: {  	s15 =	rddreg [dreg:$0x1f];
	[sflag:s6] =	ssyncadd.s32 $0xFFFFC000  }
0xe5: {  	[hbm4b:s15+s2] =	stream.linear.scatter [tilespmem:s5], [sflag:$0x2], $0x4000, $0x38;
	[tilespmem:$0x4080] =	vst v63  }
0xe6: {  	_ =	swait.ge [sflag:s3], $0x4000  }
0xe7: {  	s16 =	sld [smem:$0x7F3]  }
0xe8: {  	[sflag:s3] =	ssyncset.done $0x0  }
0xe9: {  	[sflag:s3] =	ssyncadd.s32 $0xFFFFC000  }
0xea: {  	[tilespmem:s2], [sflag:$0x2] =	stream.linear.gather [hbm4b:s16+s2], $0x80, $0x38;
	[tilespmem:$0x4080] =	vst v63  }
0xeb: {  	_ =	swait.ge [sflag:s3], $0x80  }
0xec: {  	[sflag:s3] =	ssyncset.done $0x0  }
0xed: {  	[sflag:s3] =	ssyncadd.s32 $0xFFFFFF80  }
0xee: {  	[tilespmem:s5], [sflag:$0x1] =	stream.indirect.gather [hbm4b:s4+s5], $0x80, s2, s5, $0xb8;
	[tilespmem:$0x4080] =	vst v63  }
0xef: {  	_ =	swait.ge [sflag:s6], $0x4000  }
0xf0: {  	s17 =	sld [smem:$0x7F4]  }
0xf1: {  	[sflag:s6] =	ssyncset.done $0x0  }
0xf2: {  	[sflag:s6] =	ssyncadd.s32 $0xFFFFC000  }
0xf3: {  	[hbm4b:s17+s2] =	stream.linear.scatter [tilespmem:s5], [sflag:$0x2], $0x4000, $0x38;
	[tilespmem:$0x4080] =	vst v63  }
0xf4: {  	_ =	swait.ge [sflag:s3], $0x4000  }
0xf5: {  	s18 =	sld [smem:$0x7F5]  }
0xf6: {  	[sflag:s3] =	ssyncset.done $0x0  }
0xf7: {  	[sflag:s3] =	ssyncadd.s32 $0xFFFFC000  }
0xf8: {  	[tilespmem:s2], [sflag:$0x2] =	stream.linear.gather [hbm4b:s18+s2], $0x80, $0x38;
	[tilespmem:$0x4080] =	vst v63  }
0xf9: {  	_ =	swait.ge [sflag:s3], $0x80  }
0xfa: {  	[sflag:s3] =	ssyncset.done $0x0  }
0xfb: {  	[sflag:s3] =	ssyncadd.s32 $0xFFFFFF80  }
0xfc: {  	[tilespmem:s5], [sflag:$0x1] =	stream.indirect.gather [hbm4b:s4+s5], $0x80, s2, s5, $0xb8;
	[tilespmem:$0x4080] =	vst v63  }
0xfd: {  	_ =	swait.ge [sflag:s6], $0x4000  }
0xfe: {  	s19 =	sld [smem:$0x7F6]  }
0xff: {  	[sflag:s6] =	ssyncset.done $0x0  }
0x100: {  	[sflag:s6] =	ssyncadd.s32 $0xFFFFC000  }
0x101: {  	[hbm4b:s19+s2] =	stream.linear.scatter [tilespmem:s5], [sflag:$0x2], $0x4000, $0x38;
	[tilespmem:$0x4080] =	vst v63  }
0x102: {  	_ =	swait.ge [sflag:s3], $0x4000  }
0x103: {  	s20 =	sld [smem:$0x7F7]  }
0x104: {  	[sflag:s3] =	ssyncset.done $0x0  }
0x105: {  	[sflag:s3] =	ssyncadd.s32 $0xFFFFC000  }
0x106: {  	[tilespmem:s2], [sflag:$0x2] =	stream.linear.gather [hbm4b:s20+s2], $0x80, $0x38;
	[tilespmem:$0x4080] =	vst v63  }
0x107: {  	_ =	swait.ge [sflag:s3], $0x80  }
0x108: {  	[sflag:s3] =	ssyncset.done $0x0  }
0x109: {  	[sflag:s3] =	ssyncadd.s32 $0xFFFFFF80  }
0x10a: {  	[tilespmem:s5], [sflag:$0x1] =	stream.indirect.gather [hbm4b:s4+s5], $0x80, s2, s5, $0xb8;
	[tilespmem:$0x4080] =	vst v63  }
0x10b: {  	_ =	swait.ge [sflag:s6], $0x4000  }
0x10c: {  	s21 =	sld [smem:$0x7F8]  }
0x10d: {  	[sflag:s6] =	ssyncset.done $0x0  }
0x10e: {  	[sflag:s6] =	ssyncadd.s32 $0xFFFFC000  }
0x10f: {  	[hbm4b:s21+s2] =	stream.linear.scatter [tilespmem:s5], [sflag:$0x2], $0x4000, $0x38;
	[tilespmem:$0x4080] =	vst v63  }
0x110: {  	_ =	swait.ge [sflag:s3], $0x4000  }
0x111: {  	s22 =	sld [smem:$0x7F9]  }
0x112: {  	[sflag:s3] =	ssyncset.done $0x0  }
0x113: {  	[sflag:s3] =	ssyncadd.s32 $0xFFFFC000  }
0x114: {  	[tilespmem:s2], [sflag:$0x2] =	stream.linear.gather [hbm4b:s22+s2], $0x80, $0x38;
	[tilespmem:$0x4080] =	vst v63  }
0x115: {  	_ =	swait.ge [sflag:s3], $0x80  }
0x116: {  	[sflag:s3] =	ssyncset.done $0x0  }
0x117: {  	[sflag:s3] =	ssyncadd.s32 $0xFFFFFF80  }
0x118: {  	[tilespmem:s5], [sflag:$0x1] =	stream.indirect.gather [hbm4b:s4+s5], $0x80, s2, s5, $0xb8;
	[tilespmem:$0x4080] =	vst v63  }
0x119: {  	_ =	swait.ge [sflag:s6], $0x4000  }
0x11a: {  	s23 =	sld [smem:$0x7FA]  }
0x11b: {  	[sflag:s6] =	ssyncset.done $0x0  }
0x11c: {  	[sflag:s6] =	ssyncadd.s32 $0xFFFFC000  }
0x11d: {  	[hbm4b:s23+s2] =	stream.linear.scatter [tilespmem:s5], [sflag:$0x2], $0x4000, $0x38;
	[tilespmem:$0x4080] =	vst v63  }
0x11e: {  	_ =	swait.ge [sflag:s3], $0x4000  }
0x11f: {  	s24 =	sld [smem:$0x7FB]  }
0x120: {  	[sflag:s3] =	ssyncset.done $0x0  }
0x121: {  	[sflag:s3] =	ssyncadd.s32 $0xFFFFC000  }
0x122: {  	[tilespmem:s2], [sflag:$0x2] =	stream.linear.gather [hbm4b:s24+s2], $0x80, $0x38;
	[tilespmem:$0x4080] =	vst v63  }
0x123: {  	_ =	swait.ge [sflag:s3], $0x80  }
0x124: {  	[sflag:s3] =	ssyncset.done $0x0  }
0x125: {  	[sflag:s3] =	ssyncadd.s32 $0xFFFFFF80  }
0x126: {  	[tilespmem:s5], [sflag:$0x1] =	stream.indirect.gather [hbm4b:s4+s5], $0x80, s2, s5, $0xb8;
	[tilespmem:$0x4080] =	vst v63  }
0x127: {  	_ =	swait.ge [sflag:s6], $0x4000  }
0x128: {  	s25 =	sld [smem:$0x7FC]  }
0x129: {  	[sflag:s6] =	ssyncset.done $0x0  }
0x12a: {  	[sflag:s6] =	ssyncadd.s32 $0xFFFFC000  }
0x12b: {  	[hbm4b:s25+s2] =	stream.linear.scatter [tilespmem:s5], [sflag:$0x2], $0x4000, $0x38;
	[tilespmem:$0x4080] =	vst v63  }
0x12c: {  	s8 =	sor.u32 $0xA00, s1;
	_ =	swait.ge [sflag:s3], $0x4000  }
0x12d: {  	s26 =	sshrl.u32 s8, $0x3;
	[sflag:s3] =	ssyncset.done $0x0  }
0x12e: {  	s7 =	sadd.s32 s30, s26;
	[sflag:s3] =	ssyncadd.s32 $0xFFFFC000  }
0x12f: {  	[tilespmem:s2], [sflag:$0x2] =	stream.linear.gather [hbm4b:s7+s2], $0x80, $0x38;
	[tilespmem:$0x4080] =	vst v63  }
0x130: {  	_ =	swait.ge [sflag:s3], $0x80  }
0x131: {  	[sflag:s3] =	ssyncset.done $0x0  }
0x132: {  	[sflag:s3] =	ssyncadd.s32 $0xFFFFFF80  }
0x133: {  	[tilespmem:s5], [sflag:$0x1] =	stream.indirect.gather [hbm4b:s4+s5], $0x80, s2, s5, $0xb8;
	[tilespmem:$0x4080] =	vst v63  }
0x134: {  	_ =	swait.ge [sflag:s6], $0x4000  }
0x135: {  	s8 =	sshll.u32 s8, $0x4;
	[sflag:s6] =	ssyncset.done $0x0  }
0x136: {  	s8 =	sadd.s32 s0, s8;
	[sflag:s6] =	ssyncadd.s32 $0xFFFFC000  }
0x137: {  	[hbm4b:s8+s2] =	stream.linear.scatter [tilespmem:s5], [sflag:$0x2], $0x4000, $0x38;
	[tilespmem:$0x4080] =	vst v63  }
0x138: {  	s10 =	sor.u32 $0xA80, s1;
	_ =	swait.ge [sflag:s3], $0x4000  }
0x139: {  	s9 =	sshrl.u32 s10, $0x3;
	[sflag:s3] =	ssyncset.done $0x0  }
0x13a: {  	s9 =	sadd.s32 s30, s9;
	[sflag:s3] =	ssyncadd.s32 $0xFFFFC000  }
0x13b: {  	[tilespmem:s2], [sflag:$0x2] =	stream.linear.gather [hbm4b:s9+s2], $0x80, $0x38;
	[tilespmem:$0x4080] =	vst v63  }
0x13c: {  	_ =	swait.ge [sflag:s3], $0x80  }
0x13d: {  	[sflag:s3] =	ssyncset.done $0x0  }
0x13e: {  	[sflag:s3] =	ssyncadd.s32 $0xFFFFFF80  }
0x13f: {  	[tilespmem:s5], [sflag:$0x1] =	stream.indirect.gather [hbm4b:s4+s5], $0x80, s2, s5, $0xb8;
	[tilespmem:$0x4080] =	vst v63  }
0x140: {  	_ =	swait.ge [sflag:s6], $0x4000  }
0x141: {  	s10 =	sshll.u32 s10, $0x4;
	[sflag:s6] =	ssyncset.done $0x0  }
0x142: {  	s10 =	sadd.s32 s0, s10;
	[sflag:s6] =	ssyncadd.s32 $0xFFFFC000  }
0x143: {  	[hbm4b:s10+s2] =	stream.linear.scatter [tilespmem:s5], [sflag:$0x2], $0x4000, $0x38;
	[tilespmem:$0x4080] =	vst v63  }
0x144: {  	s12 =	sor.u32 $0xB00, s1;
	_ =	swait.ge [sflag:s3], $0x4000  }
0x145: {  	s11 =	sshrl.u32 s12, $0x3;
	[sflag:s3] =	ssyncset.done $0x0  }
0x146: {  	s11 =	sadd.s32 s30, s11;
	[sflag:s3] =	ssyncadd.s32 $0xFFFFC000  }
0x147: {  	[tilespmem:s2], [sflag:$0x2] =	stream.linear.gather [hbm4b:s11+s2], $0x80, $0x38;
	[tilespmem:$0x4080] =	vst v63  }
0x148: {  	_ =	swait.ge [sflag:s3], $0x80  }
0x149: {  	[sflag:s3] =	ssyncset.done $0x0  }
0x14a: {  	[sflag:s3] =	ssyncadd.s32 $0xFFFFFF80  }
0x14b: {  	[tilespmem:s5], [sflag:$0x1] =	stream.indirect.gather [hbm4b:s4+s5], $0x80, s2, s5, $0xb8;
	[tilespmem:$0x4080] =	vst v63  }
0x14c: {  	_ =	swait.ge [sflag:s6], $0x4000  }
0x14d: {  	s12 =	sshll.u32 s12, $0x4;
	[sflag:s6] =	ssyncset.done $0x0  }
0x14e: {  	s12 =	sadd.s32 s0, s12;
	[sflag:s6] =	ssyncadd.s32 $0xFFFFC000  }
0x14f: {  	[hbm4b:s12+s2] =	stream.linear.scatter [tilespmem:s5], [sflag:$0x2], $0x4000, $0x38;
	[tilespmem:$0x4080] =	vst v63  }
0x150: {  	s14 =	sor.u32 $0xB80, s1;
	_ =	swait.ge [sflag:s3], $0x4000  }
0x151: {  	s13 =	sshrl.u32 s14, $0x3;
	[sflag:s3] =	ssyncset.done $0x0  }
0x152: {  	s13 =	sadd.s32 s30, s13;
	[sflag:s3] =	ssyncadd.s32 $0xFFFFC000  }
0x153: {  	[tilespmem:s2], [sflag:$0x2] =	stream.linear.gather [hbm4b:s13+s2], $0x80, $0x38;
	[tilespmem:$0x4080] =	vst v63  }
0x154: {  	_ =	swait.ge [sflag:s3], $0x80  }
0x155: {  	[sflag:s3] =	ssyncset.done $0x0  }
0x156: {  	[sflag:s3] =	ssyncadd.s32 $0xFFFFFF80  }
0x157: {  	[tilespmem:s5], [sflag:$0x1] =	stream.indirect.gather [hbm4b:s4+s5], $0x80, s2, s5, $0xb8;
	[tilespmem:$0x4080] =	vst v63  }
0x158: {  	_ =	swait.ge [sflag:s6], $0x4000  }
0x159: {  	s14 =	sshll.u32 s14, $0x4;
	[sflag:s6] =	ssyncset.done $0x0  }
0x15a: {  	s14 =	sadd.s32 s0, s14;
	[sflag:s6] =	ssyncadd.s32 $0xFFFFC000  }
0x15b: {  	[hbm4b:s14+s2] =	stream.linear.scatter [tilespmem:s5], [sflag:$0x2], $0x4000, $0x38;
	[tilespmem:$0x4080] =	vst v63  }
0x15c: {  	s16 =	sor.u32 $0xC00, s1;
	_ =	swait.ge [sflag:s3], $0x4000  }
0x15d: {  	s15 =	sshrl.u32 s16, $0x3;
	[sflag:s3] =	ssyncset.done $0x0  }
0x15e: {  	s15 =	sadd.s32 s30, s15;
	[sflag:s3] =	ssyncadd.s32 $0xFFFFC000  }
0x15f: {  	[tilespmem:s2], [sflag:$0x2] =	stream.linear.gather [hbm4b:s15+s2], $0x80, $0x38;
	[tilespmem:$0x4080] =	vst v63  }
0x160: {  	_ =	swait.ge [sflag:s3], $0x80  }
0x161: {  	[sflag:s3] =	ssyncset.done $0x0  }
0x162: {  	[sflag:s3] =	ssyncadd.s32 $0xFFFFFF80  }
0x163: {  	[tilespmem:s5], [sflag:$0x1] =	stream.indirect.gather [hbm4b:s4+s5], $0x80, s2, s5, $0xb8;
	[tilespmem:$0x4080] =	vst v63  }
0x164: {  	_ =	swait.ge [sflag:s6], $0x4000  }
0x165: {  	s16 =	sshll.u32 s16, $0x4;
	[sflag:s6] =	ssyncset.done $0x0  }
0x166: {  	s16 =	sadd.s32 s0, s16;
	[sflag:s6] =	ssyncadd.s32 $0xFFFFC000  }
0x167: {  	[hbm4b:s16+s2] =	stream.linear.scatter [tilespmem:s5], [sflag:$0x2], $0x4000, $0x38;
	[tilespmem:$0x4080] =	vst v63  }
0x168: {  	s18 =	sor.u32 $0xC80, s1;
	_ =	swait.ge [sflag:s3], $0x4000  }
0x169: {  	s17 =	sshrl.u32 s18, $0x3;
	[sflag:s3] =	ssyncset.done $0x0  }
0x16a: {  	s17 =	sadd.s32 s30, s17;
	[sflag:s3] =	ssyncadd.s32 $0xFFFFC000  }
0x16b: {  	[tilespmem:s2], [sflag:$0x2] =	stream.linear.gather [hbm4b:s17+s2], $0x80, $0x38;
	[tilespmem:$0x4080] =	vst v63  }
0x16c: {  	_ =	swait.ge [sflag:s3], $0x80  }
0x16d: {  	[sflag:s3] =	ssyncset.done $0x0  }
0x16e: {  	[sflag:s3] =	ssyncadd.s32 $0xFFFFFF80  }
0x16f: {  	[tilespmem:s5], [sflag:$0x1] =	stream.indirect.gather [hbm4b:s4+s5], $0x80, s2, s5, $0xb8;
	[tilespmem:$0x4080] =	vst v63  }
0x170: {  	_ =	swait.ge [sflag:s6], $0x4000  }
0x171: {  	s18 =	sshll.u32 s18, $0x4;
	[sflag:s6] =	ssyncset.done $0x0  }
0x172: {  	s18 =	sadd.s32 s0, s18;
	[sflag:s6] =	ssyncadd.s32 $0xFFFFC000  }
0x173: {  	[hbm4b:s18+s2] =	stream.linear.scatter [tilespmem:s5], [sflag:$0x2], $0x4000, $0x38;
	[tilespmem:$0x4080] =	vst v63  }
0x174: {  	s20 =	sor.u32 $0xD00, s1;
	_ =	swait.ge [sflag:s3], $0x4000  }
0x175: {  	s19 =	sshrl.u32 s20, $0x3;
	[sflag:s3] =	ssyncset.done $0x0  }
0x176: {  	s19 =	sadd.s32 s30, s19;
	[sflag:s3] =	ssyncadd.s32 $0xFFFFC000  }
0x177: {  	[tilespmem:s2], [sflag:$0x2] =	stream.linear.gather [hbm4b:s19+s2], $0x80, $0x38;
	[tilespmem:$0x4080] =	vst v63  }
0x178: {  	_ =	swait.ge [sflag:s3], $0x80  }
0x179: {  	[sflag:s3] =	ssyncset.done $0x0  }
0x17a: {  	[sflag:s3] =	ssyncadd.s32 $0xFFFFFF80  }
0x17b: {  	[tilespmem:s5], [sflag:$0x1] =	stream.indirect.gather [hbm4b:s4+s5], $0x80, s2, s5, $0xb8;
	[tilespmem:$0x4080] =	vst v63  }
0x17c: {  	_ =	swait.ge [sflag:s6], $0x4000  }
0x17d: {  	s20 =	sshll.u32 s20, $0x4;
	[sflag:s6] =	ssyncset.done $0x0  }
0x17e: {  	s20 =	sadd.s32 s0, s20;
	[sflag:s6] =	ssyncadd.s32 $0xFFFFC000  }
0x17f: {  	[hbm4b:s20+s2] =	stream.linear.scatter [tilespmem:s5], [sflag:$0x2], $0x4000, $0x38;
	[tilespmem:$0x4080] =	vst v63  }
0x180: {  	s22 =	sor.u32 $0xD80, s1;
	_ =	swait.ge [sflag:s3], $0x4000  }
0x181: {  	s21 =	sshrl.u32 s22, $0x3;
	[sflag:s3] =	ssyncset.done $0x0  }
0x182: {  	s21 =	sadd.s32 s30, s21;
	[sflag:s3] =	ssyncadd.s32 $0xFFFFC000  }
0x183: {  	[tilespmem:s2], [sflag:$0x2] =	stream.linear.gather [hbm4b:s21+s2], $0x80, $0x38;
	[tilespmem:$0x4080] =	vst v63  }
0x184: {  	_ =	swait.ge [sflag:s3], $0x80  }
0x185: {  	[sflag:s3] =	ssyncset.done $0x0  }
0x186: {  	[sflag:s3] =	ssyncadd.s32 $0xFFFFFF80  }
0x187: {  	[tilespmem:s5], [sflag:$0x1] =	stream.indirect.gather [hbm4b:s4+s5], $0x80, s2, s5, $0xb8;
	[tilespmem:$0x4080] =	vst v63  }
0x188: {  	_ =	swait.ge [sflag:s6], $0x4000  }
0x189: {  	s22 =	sshll.u32 s22, $0x4;
	[sflag:s6] =	ssyncset.done $0x0  }
0x18a: {  	s22 =	sadd.s32 s0, s22;
	[sflag:s6] =	ssyncadd.s32 $0xFFFFC000  }
0x18b: {  	[hbm4b:s22+s2] =	stream.linear.scatter [tilespmem:s5], [sflag:$0x2], $0x4000, $0x38;
	[tilespmem:$0x4080] =	vst v63  }
0x18c: {  	s24 =	sor.u32 $0xE00, s1;
	_ =	swait.ge [sflag:s3], $0x4000  }
0x18d: {  	s23 =	sshrl.u32 s24, $0x3;
	[sflag:s3] =	ssyncset.done $0x0  }
0x18e: {  	s23 =	sadd.s32 s30, s23;
	[sflag:s3] =	ssyncadd.s32 $0xFFFFC000  }
0x18f: {  	[tilespmem:s2], [sflag:$0x2] =	stream.linear.gather [hbm4b:s23+s2], $0x80, $0x38;
	[tilespmem:$0x4080] =	vst v63  }
0x190: {  	_ =	swait.ge [sflag:s3], $0x80  }
0x191: {  	[sflag:s3] =	ssyncset.done $0x0  }
0x192: {  	[sflag:s3] =	ssyncadd.s32 $0xFFFFFF80  }
0x193: {  	[tilespmem:s5], [sflag:$0x1] =	stream.indirect.gather [hbm4b:s4+s5], $0x80, s2, s5, $0xb8;
	[tilespmem:$0x4080] =	vst v63  }
0x194: {  	_ =	swait.ge [sflag:s6], $0x4000  }
0x195: {  	s24 =	sshll.u32 s24, $0x4;
	[sflag:s6] =	ssyncset.done $0x0  }
0x196: {  	s24 =	sadd.s32 s0, s24;
	[sflag:s6] =	ssyncadd.s32 $0xFFFFC000  }
0x197: {  	[hbm4b:s24+s2] =	stream.linear.scatter [tilespmem:s5], [sflag:$0x2], $0x4000, $0x38;
	[tilespmem:$0x4080] =	vst v63  }
0x198: {  	s26 =	sor.u32 $0xE80, s1;
	_ =	swait.ge [sflag:s3], $0x4000  }
0x199: {  	s25 =	sshrl.u32 s26, $0x3;
	[sflag:s3] =	ssyncset.done $0x0  }
0x19a: {  	s25 =	sadd.s32 s30, s25;
	[sflag:s3] =	ssyncadd.s32 $0xFFFFC000  }
0x19b: {  	[tilespmem:s2], [sflag:$0x2] =	stream.linear.gather [hbm4b:s25+s2], $0x80, $0x38;
	[tilespmem:$0x4080] =	vst v63  }
0x19c: {  	_ =	swait.ge [sflag:s3], $0x80  }
0x19d: {  	[sflag:s3] =	ssyncset.done $0x0  }
0x19e: {  	[sflag:s3] =	ssyncadd.s32 $0xFFFFFF80  }
0x19f: {  	[tilespmem:s5], [sflag:$0x1] =	stream.indirect.gather [hbm4b:s4+s5], $0x80, s2, s5, $0xb8;
	[tilespmem:$0x4080] =	vst v63  }
0x1a0: {  	_ =	swait.ge [sflag:s6], $0x4000  }
0x1a1: {  	s26 =	sshll.u32 s26, $0x4;
	[sflag:s6] =	ssyncset.done $0x0  }
0x1a2: {  	s26 =	sadd.s32 s0, s26;
	[smem:$0x7FD] =	sst s0;
	[sflag:s6] =	ssyncadd.s32 $0xFFFFC000  }
0x1a3: {  	[hbm4b:s26+s2] =	stream.linear.scatter [tilespmem:s5], [sflag:$0x2], $0x4000, $0x38;
	[tilespmem:$0x4080] =	vst v63  }
0x1a4: {  	s29 =	sor.u32 $0xF00, s1;
	_ =	swait.ge [sflag:s3], $0x4000  }
0x1a5: {  	s28 =	sshrl.u32 s29, $0x3;
	[sflag:s3] =	ssyncset.done $0x0  }
0x1a6: {  	s28 =	sadd.s32 s30, s28;
	[sflag:s3] =	ssyncadd.s32 $0xFFFFC000  }
0x1a7: {  	[tilespmem:s2], [sflag:$0x2] =	stream.linear.gather [hbm4b:s28+s2], $0x80, $0x38;
	[tilespmem:$0x4080] =	vst v63  }
0x1a8: {  	_ =	swait.ge [sflag:s3], $0x80  }
0x1a9: {  	[sflag:s3] =	ssyncset.done $0x0  }
0x1aa: {  	[sflag:s3] =	ssyncadd.s32 $0xFFFFFF80  }
0x1ab: {  	[tilespmem:s5], [sflag:$0x1] =	stream.indirect.gather [hbm4b:s4+s5], $0x80, s2, s5, $0xb8;
	[tilespmem:$0x4080] =	vst v63  }
0x1ac: {  	_ =	swait.ge [sflag:s6], $0x4000  }
0x1ad: {  	s29 =	sshll.u32 s29, $0x4;
	[sflag:s6] =	ssyncset.done $0x0  }
0x1ae: {  	s29 =	sadd.s32 s0, s29;
	[sflag:s6] =	ssyncadd.s32 $0xFFFFC000  }
0x1af: {  	[hbm4b:s29+s2] =	stream.linear.scatter [tilespmem:s5], [sflag:$0x2], $0x4000, $0x38;
	[tilespmem:$0x4080] =	vst v63  }
0x1b0: {  	s1 =	sor.u32 $0xF80, s1;
	_ =	swait.ge [sflag:s3], $0x4000  }
0x1b1: {  	s0 =	sshrl.u32 s1, $0x3;
	[sflag:s3] =	ssyncset.done $0x0  }
0x1b2: {  	s30 =	sadd.s32 s30, s0;
	[sflag:s3] =	ssyncadd.s32 $0xFFFFC000  }
0x1b3: {  	[tilespmem:s2], [sflag:$0x2] =	stream.linear.gather [hbm4b:s30+s2], $0x80, $0x38;
	[tilespmem:$0x4080] =	vst v63  }
0x1b4: {  	s0 =	ssub.s32 $0x2, s31;
	_ =	swait.ge [sflag:s3], $0x80  }
0x1b5: {  	s31 =	sshrl.u32 s0, $0x1;
	[sflag:s3] =	ssyncset.done $0x0  }
0x1b6: {  	s0 =	ssub.s32 s0, s31;
	[sflag:s3] =	ssyncadd.s32 $0xFFFFFF80  }
0x1b7: {  	[tilespmem:s5], [sflag:$0x1] =	stream.indirect.gather [hbm4b:s4+s5], $0x80, s2, s5, $0xb8;
	[tilespmem:$0x4080] =	vst v63  }
0x1b8: {  	s0 =	smax.u32 s0, $0x1;
	_ =	swait.ge [sflag:s6], $0x4000  }
0x1b9: {  	p0 =	sne.s32 s0, $0x1;
	s31 =	sld [smem:$0x7FD]  }
.Ltmp0:
0x1ba: {  	_ = 	snop;
	(pc) =	sbr.rel @!p0 .LBB2_2-.Ltmp0, $4  }
0x1bb: {  	s1 =	sshll.u32 s1, $0x4;
	[sflag:s6] =	ssyncset.done $0x0  }
0x1bc: {  	[sflag:s6] =	ssyncadd.s32 $0xFFFFC000;
	s31 =	sadd.s32 s31, s1  }
0x1bd: {  	[hbm4b:s31+s2] =	stream.linear.scatter [tilespmem:s5], [sflag:$0x2], $0x4000, $0x38;
	[tilespmem:$0x4080] =	vst v63  }
0x1be: {  	s0 =	sadd.s32 $0xFFFFFFFF, s0;
	_ =	swait.ge [sflag:s3], $0x4000  }
.LBB2_1:
0x1bf: {  	[sflag:s3] =	ssyncset.done $0x0  }
0x1c0: {  	s1 =	rddreg [dreg:$0x2];
	[sflag:s3] =	ssyncadd.s32 $0xFFFFC000  }
0x1c1: {  	[tilespmem:s2], [sflag:$0x2] =	stream.linear.gather [hbm4b:s1+s2], $0x80, $0x38;
	[tilespmem:$0x4080] =	vst v63  }
0x1c2: {  	_ =	swait.ge [sflag:s3], $0x80  }
0x1c3: {  	[sflag:s3] =	ssyncset.done $0x0  }
0x1c4: {  	[sflag:s3] =	ssyncadd.s32 $0xFFFFFF80  }
0x1c5: {  	[tilespmem:s5], [sflag:$0x1] =	stream.indirect.gather [hbm4b:s4+s5], $0x80, s2, s5, $0xb8;
	[tilespmem:$0x4080] =	vst v63  }
0x1c6: {  	_ =	swait.ge [sflag:s6], $0x4000  }
0x1c7: {  	[sflag:s6] =	ssyncset.done $0x0  }
0x1c8: {  	s1 =	rddreg [dreg:$0x3];
	[sflag:s6] =	ssyncadd.s32 $0xFFFFC000  }
0x1c9: {  	[hbm4b:s1+s2] =	stream.linear.scatter [tilespmem:s5], [sflag:$0x2], $0x4000, $0x38;
	[tilespmem:$0x4080] =	vst v63  }
0x1ca: {  	_ =	swait.ge [sflag:s3], $0x4000  }
0x1cb: {  	[sflag:s3] =	ssyncset.done $0x0  }
0x1cc: {  	s1 =	rddreg [dreg:$0x4];
	[sflag:s3] =	ssyncadd.s32 $0xFFFFC000  }
0x1cd: {  	[tilespmem:s2], [sflag:$0x2] =	stream.linear.gather [hbm4b:s1+s2], $0x80, $0x38;
	[tilespmem:$0x4080] =	vst v63  }
0x1ce: {  	_ =	swait.ge [sflag:s3], $0x80  }
0x1cf: {  	[sflag:s3] =	ssyncset.done $0x0  }
0x1d0: {  	[sflag:s3] =	ssyncadd.s32 $0xFFFFFF80  }
0x1d1: {  	[tilespmem:s5], [sflag:$0x1] =	stream.indirect.gather [hbm4b:s4+s5], $0x80, s2, s5, $0xb8;
	[tilespmem:$0x4080] =	vst v63  }
0x1d2: {  	_ =	swait.ge [sflag:s6], $0x4000  }
0x1d3: {  	[sflag:s6] =	ssyncset.done $0x0  }
0x1d4: {  	s1 =	rddreg [dreg:$0x5];
	[sflag:s6] =	ssyncadd.s32 $0xFFFFC000  }
0x1d5: {  	[hbm4b:s1+s2] =	stream.linear.scatter [tilespmem:s5], [sflag:$0x2], $0x4000, $0x38;
	[tilespmem:$0x4080] =	vst v63  }
0x1d6: {  	_ =	swait.ge [sflag:s3], $0x4000  }
0x1d7: {  	[sflag:s3] =	ssyncset.done $0x0  }
0x1d8: {  	s1 =	rddreg [dreg:$0x6];
	[sflag:s3] =	ssyncadd.s32 $0xFFFFC000  }
0x1d9: {  	[tilespmem:s2], [sflag:$0x2] =	stream.linear.gather [hbm4b:s1+s2], $0x80, $0x38;
	[tilespmem:$0x4080] =	vst v63  }
0x1da: {  	_ =	swait.ge [sflag:s3], $0x80  }
0x1db: {  	[sflag:s3] =	ssyncset.done $0x0  }
0x1dc: {  	[sflag:s3] =	ssyncadd.s32 $0xFFFFFF80  }
0x1dd: {  	[tilespmem:s5], [sflag:$0x1] =	stream.indirect.gather [hbm4b:s4+s5], $0x80, s2, s5, $0xb8;
	[tilespmem:$0x4080] =	vst v63  }
0x1de: {  	_ =	swait.ge [sflag:s6], $0x4000  }
0x1df: {  	[sflag:s6] =	ssyncset.done $0x0  }
0x1e0: {  	s1 =	rddreg [dreg:$0x7];
	[sflag:s6] =	ssyncadd.s32 $0xFFFFC000  }
0x1e1: {  	[hbm4b:s1+s2] =	stream.linear.scatter [tilespmem:s5], [sflag:$0x2], $0x4000, $0x38;
	[tilespmem:$0x4080] =	vst v63  }
0x1e2: {  	_ =	swait.ge [sflag:s3], $0x4000  }
0x1e3: {  	[sflag:s3] =	ssyncset.done $0x0  }
0x1e4: {  	s1 =	rddreg [dreg:$0x8];
	[sflag:s3] =	ssyncadd.s32 $0xFFFFC000  }
0x1e5: {  	[tilespmem:s2], [sflag:$0x2] =	stream.linear.gather [hbm4b:s1+s2], $0x80, $0x38;
	[tilespmem:$0x4080] =	vst v63  }
0x1e6: {  	_ =	swait.ge [sflag:s3], $0x80  }
0x1e7: {  	[sflag:s3] =	ssyncset.done $0x0  }
0x1e8: {  	[sflag:s3] =	ssyncadd.s32 $0xFFFFFF80  }
0x1e9: {  	[tilespmem:s5], [sflag:$0x1] =	stream.indirect.gather [hbm4b:s4+s5], $0x80, s2, s5, $0xb8;
	[tilespmem:$0x4080] =	vst v63  }
0x1ea: {  	_ =	swait.ge [sflag:s6], $0x4000  }
0x1eb: {  	[sflag:s6] =	ssyncset.done $0x0  }
0x1ec: {  	s1 =	rddreg [dreg:$0x9];
	[sflag:s6] =	ssyncadd.s32 $0xFFFFC000  }
0x1ed: {  	[hbm4b:s1+s2] =	stream.linear.scatter [tilespmem:s5], [sflag:$0x2], $0x4000, $0x38;
	[tilespmem:$0x4080] =	vst v63  }
0x1ee: {  	_ =	swait.ge [sflag:s3], $0x4000  }
0x1ef: {  	[sflag:s3] =	ssyncset.done $0x0  }
0x1f0: {  	s1 =	rddreg [dreg:$0xa];
	[sflag:s3] =	ssyncadd.s32 $0xFFFFC000  }
0x1f1: {  	[tilespmem:s2], [sflag:$0x2] =	stream.linear.gather [hbm4b:s1+s2], $0x80, $0x38;
	[tilespmem:$0x4080] =	vst v63  }
0x1f2: {  	_ =	swait.ge [sflag:s3], $0x80  }
0x1f3: {  	[sflag:s3] =	ssyncset.done $0x0  }
0x1f4: {  	[sflag:s3] =	ssyncadd.s32 $0xFFFFFF80  }
0x1f5: {  	[tilespmem:s5], [sflag:$0x1] =	stream.indirect.gather [hbm4b:s4+s5], $0x80, s2, s5, $0xb8;
	[tilespmem:$0x4080] =	vst v63  }
0x1f6: {  	_ =	swait.ge [sflag:s6], $0x4000  }
0x1f7: {  	[sflag:s6] =	ssyncset.done $0x0  }
0x1f8: {  	s1 =	rddreg [dreg:$0xb];
	[sflag:s6] =	ssyncadd.s32 $0xFFFFC000  }
0x1f9: {  	[hbm4b:s1+s2] =	stream.linear.scatter [tilespmem:s5], [sflag:$0x2], $0x4000, $0x38;
	[tilespmem:$0x4080] =	vst v63  }
0x1fa: {  	_ =	swait.ge [sflag:s3], $0x4000  }
0x1fb: {  	[sflag:s3] =	ssyncset.done $0x0  }
0x1fc: {  	s1 =	rddreg [dreg:$0xc];
	[sflag:s3] =	ssyncadd.s32 $0xFFFFC000  }
0x1fd: {  	[tilespmem:s2], [sflag:$0x2] =	stream.linear.gather [hbm4b:s1+s2], $0x80, $0x38;
	[tilespmem:$0x4080] =	vst v63  }
0x1fe: {  	_ =	swait.ge [sflag:s3], $0x80  }
0x1ff: {  	[sflag:s3] =	ssyncset.done $0x0  }
0x200: {  	[sflag:s3] =	ssyncadd.s32 $0xFFFFFF80  }
0x201: {  	[tilespmem:s5], [sflag:$0x1] =	stream.indirect.gather [hbm4b:s4+s5], $0x80, s2, s5, $0xb8;
	[tilespmem:$0x4080] =	vst v63  }
0x202: {  	_ =	swait.ge [sflag:s6], $0x4000  }
0x203: {  	[sflag:s6] =	ssyncset.done $0x0  }
0x204: {  	s1 =	rddreg [dreg:$0xd];
	[sflag:s6] =	ssyncadd.s32 $0xFFFFC000  }
0x205: {  	[hbm4b:s1+s2] =	stream.linear.scatter [tilespmem:s5], [sflag:$0x2], $0x4000, $0x38;
	[tilespmem:$0x4080] =	vst v63  }
0x206: {  	_ =	swait.ge [sflag:s3], $0x4000  }
0x207: {  	[sflag:s3] =	ssyncset.done $0x0  }
0x208: {  	s1 =	rddreg [dreg:$0xe];
	[sflag:s3] =	ssyncadd.s32 $0xFFFFC000  }
0x209: {  	[tilespmem:s2], [sflag:$0x2] =	stream.linear.gather [hbm4b:s1+s2], $0x80, $0x38;
	[tilespmem:$0x4080] =	vst v63  }
0x20a: {  	_ =	swait.ge [sflag:s3], $0x80  }
0x20b: {  	[sflag:s3] =	ssyncset.done $0x0  }
0x20c: {  	[sflag:s3] =	ssyncadd.s32 $0xFFFFFF80  }
0x20d: {  	[tilespmem:s5], [sflag:$0x1] =	stream.indirect.gather [hbm4b:s4+s5], $0x80, s2, s5, $0xb8;
	[tilespmem:$0x4080] =	vst v63  }
0x20e: {  	_ =	swait.ge [sflag:s6], $0x4000  }
0x20f: {  	[sflag:s6] =	ssyncset.done $0x0  }
0x210: {  	s1 =	rddreg [dreg:$0xf];
	[sflag:s6] =	ssyncadd.s32 $0xFFFFC000  }
0x211: {  	[hbm4b:s1+s2] =	stream.linear.scatter [tilespmem:s5], [sflag:$0x2], $0x4000, $0x38;
	[tilespmem:$0x4080] =	vst v63  }
0x212: {  	_ =	swait.ge [sflag:s3], $0x4000  }
0x213: {  	[sflag:s3] =	ssyncset.done $0x0  }
0x214: {  	s1 =	rddreg [dreg:$0x10];
	[sflag:s3] =	ssyncadd.s32 $0xFFFFC000  }
0x215: {  	[tilespmem:s2], [sflag:$0x2] =	stream.linear.gather [hbm4b:s1+s2], $0x80, $0x38;
	[tilespmem:$0x4080] =	vst v63  }
0x216: {  	_ =	swait.ge [sflag:s3], $0x80  }
0x217: {  	[sflag:s3] =	ssyncset.done $0x0  }
0x218: {  	[sflag:s3] =	ssyncadd.s32 $0xFFFFFF80  }
0x219: {  	[tilespmem:s5], [sflag:$0x1] =	stream.indirect.gather [hbm4b:s4+s5], $0x80, s2, s5, $0xb8;
	[tilespmem:$0x4080] =	vst v63  }
0x21a: {  	_ =	swait.ge [sflag:s6], $0x4000  }
0x21b: {  	[sflag:s6] =	ssyncset.done $0x0  }
0x21c: {  	s1 =	rddreg [dreg:$0x11];
	[sflag:s6] =	ssyncadd.s32 $0xFFFFC000  }
0x21d: {  	[hbm4b:s1+s2] =	stream.linear.scatter [tilespmem:s5], [sflag:$0x2], $0x4000, $0x38;
	[tilespmem:$0x4080] =	vst v63  }
0x21e: {  	_ =	swait.ge [sflag:s3], $0x4000  }
0x21f: {  	[sflag:s3] =	ssyncset.done $0x0  }
0x220: {  	s1 =	rddreg [dreg:$0x12];
	[sflag:s3] =	ssyncadd.s32 $0xFFFFC000  }
0x221: {  	[tilespmem:s2], [sflag:$0x2] =	stream.linear.gather [hbm4b:s1+s2], $0x80, $0x38;
	[tilespmem:$0x4080] =	vst v63  }
0x222: {  	_ =	swait.ge [sflag:s3], $0x80  }
0x223: {  	[sflag:s3] =	ssyncset.done $0x0  }
0x224: {  	[sflag:s3] =	ssyncadd.s32 $0xFFFFFF80  }
0x225: {  	[tilespmem:s5], [sflag:$0x1] =	stream.indirect.gather [hbm4b:s4+s5], $0x80, s2, s5, $0xb8;
	[tilespmem:$0x4080] =	vst v63  }
0x226: {  	_ =	swait.ge [sflag:s6], $0x4000  }
0x227: {  	[sflag:s6] =	ssyncset.done $0x0  }
0x228: {  	s1 =	rddreg [dreg:$0x13];
	[sflag:s6] =	ssyncadd.s32 $0xFFFFC000  }
0x229: {  	[hbm4b:s1+s2] =	stream.linear.scatter [tilespmem:s5], [sflag:$0x2], $0x4000, $0x38;
	[tilespmem:$0x4080] =	vst v63  }
0x22a: {  	_ =	swait.ge [sflag:s3], $0x4000  }
0x22b: {  	[sflag:s3] =	ssyncset.done $0x0  }
0x22c: {  	s1 =	rddreg [dreg:$0x14];
	[sflag:s3] =	ssyncadd.s32 $0xFFFFC000  }
0x22d: {  	[tilespmem:s2], [sflag:$0x2] =	stream.linear.gather [hbm4b:s1+s2], $0x80, $0x38;
	[tilespmem:$0x4080] =	vst v63  }
0x22e: {  	_ =	swait.ge [sflag:s3], $0x80  }
0x22f: {  	[sflag:s3] =	ssyncset.done $0x0  }
0x230: {  	[sflag:s3] =	ssyncadd.s32 $0xFFFFFF80  }
0x231: {  	[tilespmem:s5], [sflag:$0x1] =	stream.indirect.gather [hbm4b:s4+s5], $0x80, s2, s5, $0xb8;
	[tilespmem:$0x4080] =	vst v63  }
0x232: {  	_ =	swait.ge [sflag:s6], $0x4000  }
0x233: {  	[sflag:s6] =	ssyncset.done $0x0  }
0x234: {  	s1 =	rddreg [dreg:$0x15];
	[sflag:s6] =	ssyncadd.s32 $0xFFFFC000  }
0x235: {  	[hbm4b:s1+s2] =	stream.linear.scatter [tilespmem:s5], [sflag:$0x2], $0x4000, $0x38;
	[tilespmem:$0x4080] =	vst v63  }
0x236: {  	_ =	swait.ge [sflag:s3], $0x4000  }
0x237: {  	[sflag:s3] =	ssyncset.done $0x0  }
0x238: {  	s1 =	rddreg [dreg:$0x16];
	[sflag:s3] =	ssyncadd.s32 $0xFFFFC000  }
0x239: {  	[tilespmem:s2], [sflag:$0x2] =	stream.linear.gather [hbm4b:s1+s2], $0x80, $0x38;
	[tilespmem:$0x4080] =	vst v63  }
0x23a: {  	_ =	swait.ge [sflag:s3], $0x80  }
0x23b: {  	[sflag:s3] =	ssyncset.done $0x0  }
0x23c: {  	[sflag:s3] =	ssyncadd.s32 $0xFFFFFF80  }
0x23d: {  	[tilespmem:s5], [sflag:$0x1] =	stream.indirect.gather [hbm4b:s4+s5], $0x80, s2, s5, $0xb8;
	[tilespmem:$0x4080] =	vst v63  }
0x23e: {  	_ =	swait.ge [sflag:s6], $0x4000  }
0x23f: {  	[sflag:s6] =	ssyncset.done $0x0  }
0x240: {  	s1 =	rddreg [dreg:$0x17];
	[sflag:s6] =	ssyncadd.s32 $0xFFFFC000  }
0x241: {  	[hbm4b:s1+s2] =	stream.linear.scatter [tilespmem:s5], [sflag:$0x2], $0x4000, $0x38;
	[tilespmem:$0x4080] =	vst v63  }
0x242: {  	_ =	swait.ge [sflag:s3], $0x4000  }
0x243: {  	[sflag:s3] =	ssyncset.done $0x0  }
0x244: {  	s1 =	rddreg [dreg:$0x18];
	[sflag:s3] =	ssyncadd.s32 $0xFFFFC000  }
0x245: {  	[tilespmem:s2], [sflag:$0x2] =	stream.linear.gather [hbm4b:s1+s2], $0x80, $0x38;
	[tilespmem:$0x4080] =	vst v63  }
0x246: {  	_ =	swait.ge [sflag:s3], $0x80  }
0x247: {  	[sflag:s3] =	ssyncset.done $0x0  }
0x248: {  	[sflag:s3] =	ssyncadd.s32 $0xFFFFFF80  }
0x249: {  	[tilespmem:s5], [sflag:$0x1] =	stream.indirect.gather [hbm4b:s4+s5], $0x80, s2, s5, $0xb8;
	[tilespmem:$0x4080] =	vst v63  }
0x24a: {  	_ =	swait.ge [sflag:s6], $0x4000  }
0x24b: {  	[sflag:s6] =	ssyncset.done $0x0  }
0x24c: {  	s1 =	rddreg [dreg:$0x19];
	[sflag:s6] =	ssyncadd.s32 $0xFFFFC000  }
0x24d: {  	[hbm4b:s1+s2] =	stream.linear.scatter [tilespmem:s5], [sflag:$0x2], $0x4000, $0x38;
	[tilespmem:$0x4080] =	vst v63  }
0x24e: {  	_ =	swait.ge [sflag:s3], $0x4000  }
0x24f: {  	[sflag:s3] =	ssyncset.done $0x0  }
0x250: {  	s1 =	rddreg [dreg:$0x1a];
	[sflag:s3] =	ssyncadd.s32 $0xFFFFC000  }
0x251: {  	[tilespmem:s2], [sflag:$0x2] =	stream.linear.gather [hbm4b:s1+s2], $0x80, $0x38;
	[tilespmem:$0x4080] =	vst v63  }
0x252: {  	_ =	swait.ge [sflag:s3], $0x80  }
0x253: {  	[sflag:s3] =	ssyncset.done $0x0  }
0x254: {  	[sflag:s3] =	ssyncadd.s32 $0xFFFFFF80  }
0x255: {  	[tilespmem:s5], [sflag:$0x1] =	stream.indirect.gather [hbm4b:s4+s5], $0x80, s2, s5, $0xb8;
	[tilespmem:$0x4080] =	vst v63  }
0x256: {  	_ =	swait.ge [sflag:s6], $0x4000  }
0x257: {  	[sflag:s6] =	ssyncset.done $0x0  }
0x258: {  	s1 =	rddreg [dreg:$0x1b];
	[sflag:s6] =	ssyncadd.s32 $0xFFFFC000  }
0x259: {  	[hbm4b:s1+s2] =	stream.linear.scatter [tilespmem:s5], [sflag:$0x2], $0x4000, $0x38;
	[tilespmem:$0x4080] =	vst v63  }
0x25a: {  	_ =	swait.ge [sflag:s3], $0x4000  }
0x25b: {  	[sflag:s3] =	ssyncset.done $0x0  }
0x25c: {  	s1 =	rddreg [dreg:$0x1c];
	[sflag:s3] =	ssyncadd.s32 $0xFFFFC000  }
0x25d: {  	[tilespmem:s2], [sflag:$0x2] =	stream.linear.gather [hbm4b:s1+s2], $0x80, $0x38;
	[tilespmem:$0x4080] =	vst v63  }
0x25e: {  	_ =	swait.ge [sflag:s3], $0x80  }
0x25f: {  	[sflag:s3] =	ssyncset.done $0x0  }
0x260: {  	[sflag:s3] =	ssyncadd.s32 $0xFFFFFF80  }
0x261: {  	[tilespmem:s5], [sflag:$0x1] =	stream.indirect.gather [hbm4b:s4+s5], $0x80, s2, s5, $0xb8;
	[tilespmem:$0x4080] =	vst v63  }
0x262: {  	_ =	swait.ge [sflag:s6], $0x4000  }
0x263: {  	[sflag:s6] =	ssyncset.done $0x0  }
0x264: {  	s1 =	rddreg [dreg:$0x1d];
	[sflag:s6] =	ssyncadd.s32 $0xFFFFC000  }
0x265: {  	[hbm4b:s1+s2] =	stream.linear.scatter [tilespmem:s5], [sflag:$0x2], $0x4000, $0x38;
	[tilespmem:$0x4080] =	vst v63  }
0x266: {  	_ =	swait.ge [sflag:s3], $0x4000  }
0x267: {  	[sflag:s3] =	ssyncset.done $0x0  }
0x268: {  	s1 =	rddreg [dreg:$0x1e];
	[sflag:s3] =	ssyncadd.s32 $0xFFFFC000  }
0x269: {  	[tilespmem:s2], [sflag:$0x2] =	stream.linear.gather [hbm4b:s1+s2], $0x80, $0x38;
	[tilespmem:$0x4080] =	vst v63  }
0x26a: {  	_ =	swait.ge [sflag:s3], $0x80  }
0x26b: {  	[sflag:s3] =	ssyncset.done $0x0  }
0x26c: {  	[sflag:s3] =	ssyncadd.s32 $0xFFFFFF80  }
0x26d: {  	[tilespmem:s5], [sflag:$0x1] =	stream.indirect.gather [hbm4b:s4+s5], $0x80, s2, s5, $0xb8;
	[tilespmem:$0x4080] =	vst v63  }
0x26e: {  	_ =	swait.ge [sflag:s6], $0x4000  }
0x26f: {  	[sflag:s6] =	ssyncset.done $0x0  }
0x270: {  	s1 =	rddreg [dreg:$0x1f];
	[sflag:s6] =	ssyncadd.s32 $0xFFFFC000  }
0x271: {  	[hbm4b:s1+s2] =	stream.linear.scatter [tilespmem:s5], [sflag:$0x2], $0x4000, $0x38;
	[tilespmem:$0x4080] =	vst v63  }
0x272: {  	_ =	swait.ge [sflag:s3], $0x4000  }
0x273: {  	s1 =	sld [smem:$0x7F3]  }
0x274: {  	[sflag:s3] =	ssyncset.done $0x0  }
0x275: {  	[sflag:s3] =	ssyncadd.s32 $0xFFFFC000  }
0x276: {  	[tilespmem:s2], [sflag:$0x2] =	stream.linear.gather [hbm4b:s1+s2], $0x80, $0x38;
	[tilespmem:$0x4080] =	vst v63  }
0x277: {  	_ =	swait.ge [sflag:s3], $0x80  }
0x278: {  	[sflag:s3] =	ssyncset.done $0x0  }
0x279: {  	[sflag:s3] =	ssyncadd.s32 $0xFFFFFF80  }
0x27a: {  	[tilespmem:s5], [sflag:$0x1] =	stream.indirect.gather [hbm4b:s4+s5], $0x80, s2, s5, $0xb8;
	[tilespmem:$0x4080] =	vst v63  }
0x27b: {  	_ =	swait.ge [sflag:s6], $0x4000  }
0x27c: {  	s1 =	sld [smem:$0x7F4]  }
0x27d: {  	[sflag:s6] =	ssyncset.done $0x0  }
0x27e: {  	[sflag:s6] =	ssyncadd.s32 $0xFFFFC000  }
0x27f: {  	[hbm4b:s1+s2] =	stream.linear.scatter [tilespmem:s5], [sflag:$0x2], $0x4000, $0x38;
	[tilespmem:$0x4080] =	vst v63  }
0x280: {  	_ =	swait.ge [sflag:s3], $0x4000  }
0x281: {  	s1 =	sld [smem:$0x7F5]  }
0x282: {  	[sflag:s3] =	ssyncset.done $0x0  }
0x283: {  	[sflag:s3] =	ssyncadd.s32 $0xFFFFC000  }
0x284: {  	[tilespmem:s2], [sflag:$0x2] =	stream.linear.gather [hbm4b:s1+s2], $0x80, $0x38;
	[tilespmem:$0x4080] =	vst v63  }
0x285: {  	_ =	swait.ge [sflag:s3], $0x80  }
0x286: {  	[sflag:s3] =	ssyncset.done $0x0  }
0x287: {  	[sflag:s3] =	ssyncadd.s32 $0xFFFFFF80  }
0x288: {  	[tilespmem:s5], [sflag:$0x1] =	stream.indirect.gather [hbm4b:s4+s5], $0x80, s2, s5, $0xb8;
	[tilespmem:$0x4080] =	vst v63  }
0x289: {  	_ =	swait.ge [sflag:s6], $0x4000  }
0x28a: {  	s1 =	sld [smem:$0x7F6]  }
0x28b: {  	[sflag:s6] =	ssyncset.done $0x0  }
0x28c: {  	[sflag:s6] =	ssyncadd.s32 $0xFFFFC000  }
0x28d: {  	[hbm4b:s1+s2] =	stream.linear.scatter [tilespmem:s5], [sflag:$0x2], $0x4000, $0x38;
	[tilespmem:$0x4080] =	vst v63  }
0x28e: {  	_ =	swait.ge [sflag:s3], $0x4000  }
0x28f: {  	s1 =	sld [smem:$0x7F7]  }
0x290: {  	[sflag:s3] =	ssyncset.done $0x0  }
0x291: {  	[sflag:s3] =	ssyncadd.s32 $0xFFFFC000  }
0x292: {  	[tilespmem:s2], [sflag:$0x2] =	stream.linear.gather [hbm4b:s1+s2], $0x80, $0x38;
	[tilespmem:$0x4080] =	vst v63  }
0x293: {  	_ =	swait.ge [sflag:s3], $0x80  }
0x294: {  	[sflag:s3] =	ssyncset.done $0x0  }
0x295: {  	[sflag:s3] =	ssyncadd.s32 $0xFFFFFF80  }
0x296: {  	[tilespmem:s5], [sflag:$0x1] =	stream.indirect.gather [hbm4b:s4+s5], $0x80, s2, s5, $0xb8;
	[tilespmem:$0x4080] =	vst v63  }
0x297: {  	_ =	swait.ge [sflag:s6], $0x4000  }
0x298: {  	s1 =	sld [smem:$0x7F8]  }
0x299: {  	[sflag:s6] =	ssyncset.done $0x0  }
0x29a: {  	[sflag:s6] =	ssyncadd.s32 $0xFFFFC000  }
0x29b: {  	[hbm4b:s1+s2] =	stream.linear.scatter [tilespmem:s5], [sflag:$0x2], $0x4000, $0x38;
	[tilespmem:$0x4080] =	vst v63  }
0x29c: {  	_ =	swait.ge [sflag:s3], $0x4000  }
0x29d: {  	s1 =	sld [smem:$0x7F9]  }
0x29e: {  	[sflag:s3] =	ssyncset.done $0x0  }
0x29f: {  	[sflag:s3] =	ssyncadd.s32 $0xFFFFC000  }
0x2a0: {  	[tilespmem:s2], [sflag:$0x2] =	stream.linear.gather [hbm4b:s1+s2], $0x80, $0x38;
	[tilespmem:$0x4080] =	vst v63  }
0x2a1: {  	_ =	swait.ge [sflag:s3], $0x80  }
0x2a2: {  	[sflag:s3] =	ssyncset.done $0x0  }
0x2a3: {  	[sflag:s3] =	ssyncadd.s32 $0xFFFFFF80  }
0x2a4: {  	[tilespmem:s5], [sflag:$0x1] =	stream.indirect.gather [hbm4b:s4+s5], $0x80, s2, s5, $0xb8;
	[tilespmem:$0x4080] =	vst v63  }
0x2a5: {  	_ =	swait.ge [sflag:s6], $0x4000  }
0x2a6: {  	s1 =	sld [smem:$0x7FA]  }
0x2a7: {  	[sflag:s6] =	ssyncset.done $0x0  }
0x2a8: {  	[sflag:s6] =	ssyncadd.s32 $0xFFFFC000  }
0x2a9: {  	[hbm4b:s1+s2] =	stream.linear.scatter [tilespmem:s5], [sflag:$0x2], $0x4000, $0x38;
	[tilespmem:$0x4080] =	vst v63  }
0x2aa: {  	_ =	swait.ge [sflag:s3], $0x4000  }
0x2ab: {  	s1 =	sld [smem:$0x7FB]  }
0x2ac: {  	[sflag:s3] =	ssyncset.done $0x0  }
0x2ad: {  	[sflag:s3] =	ssyncadd.s32 $0xFFFFC000  }
0x2ae: {  	[tilespmem:s2], [sflag:$0x2] =	stream.linear.gather [hbm4b:s1+s2], $0x80, $0x38;
	[tilespmem:$0x4080] =	vst v63  }
0x2af: {  	_ =	swait.ge [sflag:s3], $0x80  }
0x2b0: {  	[sflag:s3] =	ssyncset.done $0x0  }
0x2b1: {  	[sflag:s3] =	ssyncadd.s32 $0xFFFFFF80  }
0x2b2: {  	[tilespmem:s5], [sflag:$0x1] =	stream.indirect.gather [hbm4b:s4+s5], $0x80, s2, s5, $0xb8;
	[tilespmem:$0x4080] =	vst v63  }
0x2b3: {  	_ =	swait.ge [sflag:s6], $0x4000  }
0x2b4: {  	s1 =	sld [smem:$0x7FC]  }
0x2b5: {  	[sflag:s6] =	ssyncset.done $0x0  }
0x2b6: {  	[sflag:s6] =	ssyncadd.s32 $0xFFFFC000  }
0x2b7: {  	[hbm4b:s1+s2] =	stream.linear.scatter [tilespmem:s5], [sflag:$0x2], $0x4000, $0x38;
	[tilespmem:$0x4080] =	vst v63  }
0x2b8: {  	_ =	swait.ge [sflag:s3], $0x4000  }
0x2b9: {  	[sflag:s3] =	ssyncset.done $0x0  }
0x2ba: {  	[sflag:s3] =	ssyncadd.s32 $0xFFFFC000  }
0x2bb: {  	[tilespmem:s2], [sflag:$0x2] =	stream.linear.gather [hbm4b:s7+s2], $0x80, $0x38;
	[tilespmem:$0x4080] =	vst v63  }
0x2bc: {  	_ =	swait.ge [sflag:s3], $0x80  }
0x2bd: {  	[sflag:s3] =	ssyncset.done $0x0  }
0x2be: {  	[sflag:s3] =	ssyncadd.s32 $0xFFFFFF80  }
0x2bf: {  	[tilespmem:s5], [sflag:$0x1] =	stream.indirect.gather [hbm4b:s4+s5], $0x80, s2, s5, $0xb8;
	[tilespmem:$0x4080] =	vst v63  }
0x2c0: {  	_ =	swait.ge [sflag:s6], $0x4000  }
0x2c1: {  	[sflag:s6] =	ssyncset.done $0x0  }
0x2c2: {  	[sflag:s6] =	ssyncadd.s32 $0xFFFFC000  }
0x2c3: {  	[hbm4b:s8+s2] =	stream.linear.scatter [tilespmem:s5], [sflag:$0x2], $0x4000, $0x38;
	[tilespmem:$0x4080] =	vst v63  }
0x2c4: {  	_ =	swait.ge [sflag:s3], $0x4000  }
0x2c5: {  	[sflag:s3] =	ssyncset.done $0x0  }
0x2c6: {  	[sflag:s3] =	ssyncadd.s32 $0xFFFFC000  }
0x2c7: {  	[tilespmem:s2], [sflag:$0x2] =	stream.linear.gather [hbm4b:s9+s2], $0x80, $0x38;
	[tilespmem:$0x4080] =	vst v63  }
0x2c8: {  	_ =	swait.ge [sflag:s3], $0x80  }
0x2c9: {  	[sflag:s3] =	ssyncset.done $0x0  }
0x2ca: {  	[sflag:s3] =	ssyncadd.s32 $0xFFFFFF80  }
0x2cb: {  	[tilespmem:s5], [sflag:$0x1] =	stream.indirect.gather [hbm4b:s4+s5], $0x80, s2, s5, $0xb8;
	[tilespmem:$0x4080] =	vst v63  }
0x2cc: {  	_ =	swait.ge [sflag:s6], $0x4000  }
0x2cd: {  	[sflag:s6] =	ssyncset.done $0x0  }
0x2ce: {  	[sflag:s6] =	ssyncadd.s32 $0xFFFFC000  }
0x2cf: {  	[hbm4b:s10+s2] =	stream.linear.scatter [tilespmem:s5], [sflag:$0x2], $0x4000, $0x38;
	[tilespmem:$0x4080] =	vst v63  }
0x2d0: {  	_ =	swait.ge [sflag:s3], $0x4000  }
0x2d1: {  	[sflag:s3] =	ssyncset.done $0x0  }
0x2d2: {  	[sflag:s3] =	ssyncadd.s32 $0xFFFFC000  }
0x2d3: {  	[tilespmem:s2], [sflag:$0x2] =	stream.linear.gather [hbm4b:s11+s2], $0x80, $0x38;
	[tilespmem:$0x4080] =	vst v63  }
0x2d4: {  	_ =	swait.ge [sflag:s3], $0x80  }
0x2d5: {  	[sflag:s3] =	ssyncset.done $0x0  }
0x2d6: {  	[sflag:s3] =	ssyncadd.s32 $0xFFFFFF80  }
0x2d7: {  	[tilespmem:s5], [sflag:$0x1] =	stream.indirect.gather [hbm4b:s4+s5], $0x80, s2, s5, $0xb8;
	[tilespmem:$0x4080] =	vst v63  }
0x2d8: {  	_ =	swait.ge [sflag:s6], $0x4000  }
0x2d9: {  	[sflag:s6] =	ssyncset.done $0x0  }
0x2da: {  	[sflag:s6] =	ssyncadd.s32 $0xFFFFC000  }
0x2db: {  	[hbm4b:s12+s2] =	stream.linear.scatter [tilespmem:s5], [sflag:$0x2], $0x4000, $0x38;
	[tilespmem:$0x4080] =	vst v63  }
0x2dc: {  	_ =	swait.ge [sflag:s3], $0x4000  }
0x2dd: {  	[sflag:s3] =	ssyncset.done $0x0  }
0x2de: {  	[sflag:s3] =	ssyncadd.s32 $0xFFFFC000  }
0x2df: {  	[tilespmem:s2], [sflag:$0x2] =	stream.linear.gather [hbm4b:s13+s2], $0x80, $0x38;
	[tilespmem:$0x4080] =	vst v63  }
0x2e0: {  	_ =	swait.ge [sflag:s3], $0x80  }
0x2e1: {  	[sflag:s3] =	ssyncset.done $0x0  }
0x2e2: {  	[sflag:s3] =	ssyncadd.s32 $0xFFFFFF80  }
0x2e3: {  	[tilespmem:s5], [sflag:$0x1] =	stream.indirect.gather [hbm4b:s4+s5], $0x80, s2, s5, $0xb8;
	[tilespmem:$0x4080] =	vst v63  }
0x2e4: {  	_ =	swait.ge [sflag:s6], $0x4000  }
0x2e5: {  	[sflag:s6] =	ssyncset.done $0x0  }
0x2e6: {  	[sflag:s6] =	ssyncadd.s32 $0xFFFFC000  }
0x2e7: {  	[hbm4b:s14+s2] =	stream.linear.scatter [tilespmem:s5], [sflag:$0x2], $0x4000, $0x38;
	[tilespmem:$0x4080] =	vst v63  }
0x2e8: {  	_ =	swait.ge [sflag:s3], $0x4000  }
0x2e9: {  	[sflag:s3] =	ssyncset.done $0x0  }
0x2ea: {  	[sflag:s3] =	ssyncadd.s32 $0xFFFFC000  }
0x2eb: {  	[tilespmem:s2], [sflag:$0x2] =	stream.linear.gather [hbm4b:s15+s2], $0x80, $0x38;
	[tilespmem:$0x4080] =	vst v63  }
0x2ec: {  	_ =	swait.ge [sflag:s3], $0x80  }
0x2ed: {  	[sflag:s3] =	ssyncset.done $0x0  }
0x2ee: {  	[sflag:s3] =	ssyncadd.s32 $0xFFFFFF80  }
0x2ef: {  	[tilespmem:s5], [sflag:$0x1] =	stream.indirect.gather [hbm4b:s4+s5], $0x80, s2, s5, $0xb8;
	[tilespmem:$0x4080] =	vst v63  }
0x2f0: {  	_ =	swait.ge [sflag:s6], $0x4000  }
0x2f1: {  	[sflag:s6] =	ssyncset.done $0x0  }
0x2f2: {  	[sflag:s6] =	ssyncadd.s32 $0xFFFFC000  }
0x2f3: {  	[hbm4b:s16+s2] =	stream.linear.scatter [tilespmem:s5], [sflag:$0x2], $0x4000, $0x38;
	[tilespmem:$0x4080] =	vst v63  }
0x2f4: {  	_ =	swait.ge [sflag:s3], $0x4000  }
0x2f5: {  	[sflag:s3] =	ssyncset.done $0x0  }
0x2f6: {  	[sflag:s3] =	ssyncadd.s32 $0xFFFFC000  }
0x2f7: {  	[tilespmem:s2], [sflag:$0x2] =	stream.linear.gather [hbm4b:s17+s2], $0x80, $0x38;
	[tilespmem:$0x4080] =	vst v63  }
0x2f8: {  	_ =	swait.ge [sflag:s3], $0x80  }
0x2f9: {  	[sflag:s3] =	ssyncset.done $0x0  }
0x2fa: {  	[sflag:s3] =	ssyncadd.s32 $0xFFFFFF80  }
0x2fb: {  	[tilespmem:s5], [sflag:$0x1] =	stream.indirect.gather [hbm4b:s4+s5], $0x80, s2, s5, $0xb8;
	[tilespmem:$0x4080] =	vst v63  }
0x2fc: {  	_ =	swait.ge [sflag:s6], $0x4000  }
0x2fd: {  	[sflag:s6] =	ssyncset.done $0x0  }
0x2fe: {  	[sflag:s6] =	ssyncadd.s32 $0xFFFFC000  }
0x2ff: {  	[hbm4b:s18+s2] =	stream.linear.scatter [tilespmem:s5], [sflag:$0x2], $0x4000, $0x38;
	[tilespmem:$0x4080] =	vst v63  }
0x300: {  	_ =	swait.ge [sflag:s3], $0x4000  }
0x301: {  	[sflag:s3] =	ssyncset.done $0x0  }
0x302: {  	[sflag:s3] =	ssyncadd.s32 $0xFFFFC000  }
0x303: {  	[tilespmem:s2], [sflag:$0x2] =	stream.linear.gather [hbm4b:s19+s2], $0x80, $0x38;
	[tilespmem:$0x4080] =	vst v63  }
0x304: {  	_ =	swait.ge [sflag:s3], $0x80  }
0x305: {  	[sflag:s3] =	ssyncset.done $0x0  }
0x306: {  	[sflag:s3] =	ssyncadd.s32 $0xFFFFFF80  }
0x307: {  	[tilespmem:s5], [sflag:$0x1] =	stream.indirect.gather [hbm4b:s4+s5], $0x80, s2, s5, $0xb8;
	[tilespmem:$0x4080] =	vst v63  }
0x308: {  	_ =	swait.ge [sflag:s6], $0x4000  }
0x309: {  	[sflag:s6] =	ssyncset.done $0x0  }
0x30a: {  	[sflag:s6] =	ssyncadd.s32 $0xFFFFC000  }
0x30b: {  	[hbm4b:s20+s2] =	stream.linear.scatter [tilespmem:s5], [sflag:$0x2], $0x4000, $0x38;
	[tilespmem:$0x4080] =	vst v63  }
0x30c: {  	_ =	swait.ge [sflag:s3], $0x4000  }
0x30d: {  	[sflag:s3] =	ssyncset.done $0x0  }
0x30e: {  	[sflag:s3] =	ssyncadd.s32 $0xFFFFC000  }
0x30f: {  	[tilespmem:s2], [sflag:$0x2] =	stream.linear.gather [hbm4b:s21+s2], $0x80, $0x38;
	[tilespmem:$0x4080] =	vst v63  }
0x310: {  	_ =	swait.ge [sflag:s3], $0x80  }
0x311: {  	[sflag:s3] =	ssyncset.done $0x0  }
0x312: {  	[sflag:s3] =	ssyncadd.s32 $0xFFFFFF80  }
0x313: {  	[tilespmem:s5], [sflag:$0x1] =	stream.indirect.gather [hbm4b:s4+s5], $0x80, s2, s5, $0xb8;
	[tilespmem:$0x4080] =	vst v63  }
0x314: {  	_ =	swait.ge [sflag:s6], $0x4000  }
0x315: {  	[sflag:s6] =	ssyncset.done $0x0  }
0x316: {  	[sflag:s6] =	ssyncadd.s32 $0xFFFFC000  }
0x317: {  	[hbm4b:s22+s2] =	stream.linear.scatter [tilespmem:s5], [sflag:$0x2], $0x4000, $0x38;
	[tilespmem:$0x4080] =	vst v63  }
0x318: {  	_ =	swait.ge [sflag:s3], $0x4000  }
0x319: {  	[sflag:s3] =	ssyncset.done $0x0  }
0x31a: {  	[sflag:s3] =	ssyncadd.s32 $0xFFFFC000  }
0x31b: {  	[tilespmem:s2], [sflag:$0x2] =	stream.linear.gather [hbm4b:s23+s2], $0x80, $0x38;
	[tilespmem:$0x4080] =	vst v63  }
0x31c: {  	_ =	swait.ge [sflag:s3], $0x80  }
0x31d: {  	[sflag:s3] =	ssyncset.done $0x0  }
0x31e: {  	[sflag:s3] =	ssyncadd.s32 $0xFFFFFF80  }
0x31f: {  	[tilespmem:s5], [sflag:$0x1] =	stream.indirect.gather [hbm4b:s4+s5], $0x80, s2, s5, $0xb8;
	[tilespmem:$0x4080] =	vst v63  }
0x320: {  	_ =	swait.ge [sflag:s6], $0x4000  }
0x321: {  	[sflag:s6] =	ssyncset.done $0x0  }
0x322: {  	[sflag:s6] =	ssyncadd.s32 $0xFFFFC000  }
0x323: {  	[hbm4b:s24+s2] =	stream.linear.scatter [tilespmem:s5], [sflag:$0x2], $0x4000, $0x38;
	[tilespmem:$0x4080] =	vst v63  }
0x324: {  	_ =	swait.ge [sflag:s3], $0x4000  }
0x325: {  	[sflag:s3] =	ssyncset.done $0x0  }
0x326: {  	[sflag:s3] =	ssyncadd.s32 $0xFFFFC000  }
0x327: {  	[tilespmem:s2], [sflag:$0x2] =	stream.linear.gather [hbm4b:s25+s2], $0x80, $0x38;
	[tilespmem:$0x4080] =	vst v63  }
0x328: {  	_ =	swait.ge [sflag:s3], $0x80  }
0x329: {  	[sflag:s3] =	ssyncset.done $0x0  }
0x32a: {  	[sflag:s3] =	ssyncadd.s32 $0xFFFFFF80  }
0x32b: {  	[tilespmem:s5], [sflag:$0x1] =	stream.indirect.gather [hbm4b:s4+s5], $0x80, s2, s5, $0xb8;
	[tilespmem:$0x4080] =	vst v63  }
0x32c: {  	_ =	swait.ge [sflag:s6], $0x4000  }
0x32d: {  	[sflag:s6] =	ssyncset.done $0x0  }
0x32e: {  	[sflag:s6] =	ssyncadd.s32 $0xFFFFC000  }
0x32f: {  	[hbm4b:s26+s2] =	stream.linear.scatter [tilespmem:s5], [sflag:$0x2], $0x4000, $0x38;
	[tilespmem:$0x4080] =	vst v63  }
0x330: {  	_ =	swait.ge [sflag:s3], $0x4000  }
0x331: {  	[sflag:s3] =	ssyncset.done $0x0  }
0x332: {  	[sflag:s3] =	ssyncadd.s32 $0xFFFFC000  }
0x333: {  	[tilespmem:s2], [sflag:$0x2] =	stream.linear.gather [hbm4b:s28+s2], $0x80, $0x38;
	[tilespmem:$0x4080] =	vst v63  }
0x334: {  	_ =	swait.ge [sflag:s3], $0x80  }
0x335: {  	[sflag:s3] =	ssyncset.done $0x0  }
0x336: {  	[sflag:s3] =	ssyncadd.s32 $0xFFFFFF80  }
0x337: {  	[tilespmem:s5], [sflag:$0x1] =	stream.indirect.gather [hbm4b:s4+s5], $0x80, s2, s5, $0xb8;
	[tilespmem:$0x4080] =	vst v63  }
0x338: {  	_ =	swait.ge [sflag:s6], $0x4000  }
0x339: {  	[sflag:s6] =	ssyncset.done $0x0  }
0x33a: {  	[sflag:s6] =	ssyncadd.s32 $0xFFFFC000  }
0x33b: {  	[hbm4b:s29+s2] =	stream.linear.scatter [tilespmem:s5], [sflag:$0x2], $0x4000, $0x38;
	[tilespmem:$0x4080] =	vst v63  }
0x33c: {  	_ =	swait.ge [sflag:s3], $0x4000  }
0x33d: {  	[sflag:s3] =	ssyncset.done $0x0  }
0x33e: {  	[sflag:s3] =	ssyncadd.s32 $0xFFFFC000  }
0x33f: {  	[tilespmem:s2], [sflag:$0x2] =	stream.linear.gather [hbm4b:s30+s2], $0x80, $0x38;
	[tilespmem:$0x4080] =	vst v63  }
0x340: {  	_ =	swait.ge [sflag:s3], $0x80  }
0x341: {  	[sflag:s3] =	ssyncset.done $0x0  }
0x342: {  	p0 =	sne.s32 s0, $0x1;
	[sflag:s3] =	ssyncadd.s32 $0xFFFFFF80  }
0x343: {  	[tilespmem:s5], [sflag:$0x1] =	stream.indirect.gather [hbm4b:s4+s5], $0x80, s2, s5, $0xb8;
	[tilespmem:$0x4080] =	vst v63  }
.Ltmp1:
0x344: {  	_ =	swait.ge [sflag:s6], $0x4000;
	(pc) =	sbr.rel @p0 .LBB2_1-.Ltmp1, $4  }
0x345: {  	[sflag:s6] =	ssyncset.done $0x0  }
0x346: {  	[sflag:s6] =	ssyncadd.s32 $0xFFFFC000  }
0x347: {  	[hbm4b:s31+s2] =	stream.linear.scatter [tilespmem:s5], [sflag:$0x2], $0x4000, $0x38;
	[tilespmem:$0x4080] =	vst v63  }
0x348: {  	s0 =	sadd.s32 $0xFFFFFFFF, s0;
	_ =	swait.ge [sflag:s3], $0x4000  }
.LBB2_2:
0x349: {  	[sflag:s3] =	ssyncset.done $0x0  }
0x34a: {  	[sflag:s3] =	ssyncadd.s32 $0xFFFFC000  }
0x34b: {  	_ =	sfence.sel $0x180000  }
0x34c: {  	[bflag:$0x0] =	sbarrier.arrive $0xFFFF  }
0x34d: {  	_ =	strace $0x9000004A  }
0x34e: {  	s0 =	stileid.u32;
	[bflag:$0x2] =	sbarrier.arrive $0xFFFF  }
0x34f: {  	p0 =	sne.s32 s0, $0x0;
	s0 =	rddreg [dreg:$0x1]  }
0x350: {  	s0 =	sadd.s32 @!p0 $0x100000, s0  }
0x351: {  	[sflag:s0] =	ssyncadd.tile.s32 @!p0 $0x1;
	_ =	shalt  }
.Lfunc_end2:
_tile_overlayer_lowered:
.L_overlay_start_2:
0x352: {  	(tag) =	ssettag $0x2  }
0x353: {  	s0 =	rddreg [dreg:$0x0];
	s2 =	stileid.u32  }
0x354: {  	s1 =	rddreg [dreg:$0x1];
	p0 =	sne.s32 s2, $0x0  }
0x355: {  	s3 =	rddreg [dreg:$0x2];
	[bflag:$0x3] =	sbarrier.arrive $0xFFFF;
	s2 =	simm.s32 @!p0 $0x1C02  }
0x356: {  	[timem:s3], [sflag:s2] =	dma.local @!p0 [hbm:s0], s1  }
0x357: {  	s0 =	simm.s32 @!p0 $0x2  }
0x358: {  	_ =	swait.ge @!p0 [sflag:s0], s1  }
0x359: {  	s1 =	ssub.s32 @!p0 $0x0, s1;
	[sflag:s0] =	ssyncset.done @!p0 $0x0  }
0x35a: {  	[sflag:s0] =	ssyncadd.s32 @!p0 s1  }
0x35b: {  	[bflag:$0x3] =	sbarrier.arrive $0xFFFF  }
0x35c: {  	_ =	shalt  }

</sc_bundles>
